<compile_context>
chip_gen: v7x
topology: tpu7x:2x2x1
jax: 0.10.2.dev20260603
libtpu: 0.0.44.dev20260713+nightly
codegen_flags: <defaults>
</compile_context>

<pallas_src>
import jax
import jax.numpy as jnp
from jax import lax
from jax.experimental import pallas as pl
from jax.experimental.pallas import tpu as pltpu

_CUTOFF = 6.0
_K = 32
_RBF = 32
_EDIM = 64
_GAMMA = 1.0 / max(_CUTOFF / max(_RBF, 1), 1e-06) ** 2
_GL = 32
_NG = 128
_FDIM = 3 + 1 + _EDIM + _RBF + 1


def _fb_kernel(q_ref, c_ref, a_ref, e_ref, cen_ref,
               feat_ref, mask_ref, idx_ref, dist_ref):
  qt = q_ref.shape[1]
  n = c_ref.shape[2]
  q = q_ref[0]
  qx, qy, qz = q[:, 0:1], q[:, 1:2], q[:, 2:3]
  cx = c_ref[0, 0:1, :]
  cy = c_ref[0, 1:2, :]
  cz = c_ref[0, 2:3, :]
  dx = qx - cx
  dy = qy - cy
  dz = qz - cz
  d = jnp.sqrt(dx * dx + dy * dy + dz * dz + 1e-12)

  col = lax.broadcasted_iota(jnp.int32, (qt, _K), 1)
  ng = a_ref.shape[1]
  gi = lax.broadcasted_iota(jnp.int32, (qt, ng), 1)
  li = lax.broadcasted_iota(jnp.int32, (qt, _GL), 1)
  ei = lax.broadcasted_iota(jnp.int32, (qt, 128), 1)
  attr = a_ref[0]
  etab = e_ref[...]
  cen = cen_ref[0:1, :]
  inf = jnp.float32(jnp.inf)

  lane = lax.broadcasted_iota(jnp.int32, (qt, n), 1)
  work = d
  top_d = jnp.zeros((qt, _K), jnp.float32)
  top_i = jnp.zeros((qt, _K), jnp.int32)
  for j in range(_K):
    m = jnp.min(work, axis=1, keepdims=True)
    ij = jnp.min(jnp.where(work == m, lane, n), axis=1, keepdims=True)
    work = jnp.where(lane == ij, inf, work)
    g = ij // _GL
    l = ij - g * _GL
    oh_g = (g == gi).astype(jnp.float32)
    st1 = jnp.dot(oh_g, attr,
                  preferred_element_type=jnp.float32)
    oh_l = l == li

    def sel(s):
      seg = st1[:, s * _GL:(s + 1) * _GL]
      return jnp.sum(jnp.where(oh_l, seg, 0.0), axis=1, keepdims=True)

    cxj, cyj, czj, radj, typj = sel(0), sel(1), sel(2), sel(3), sel(4)
    oh_e = (typj.astype(jnp.int32) == ei).astype(jnp.float32)
    embj = jnp.dot(oh_e, etab,
                   preferred_element_type=jnp.float32)
    rbfj = jnp.exp(-_GAMMA * (m - cen) ** 2)
    featj = jnp.concatenate(
        [qx - cxj, qy - cyj, qz - czj, radj, embj, rbfj, m], axis=1)
    feat_ref[0, j] = jnp.where(m <= _CUTOFF, featj, 0.0)
    cj = col == j
    top_d = jnp.where(cj, m, top_d)
    top_i = jnp.where(cj, ij, top_i)

  maskqk = top_d <= _CUTOFF
  mask_ref[0] = maskqk.astype(jnp.int32)
  idx_ref[0] = top_i
  dist_ref[0] = jnp.where(maskqk, top_d, 0.0)


def kernel(coords, atom_types, radii, query_points, atom_embed):
  b, n, _ = coords.shape
  _, q, _ = query_points.shape
  qt = min(128, q)
  grid = (b, q // qt)
  ng = n // _GL
  coords_t = coords.transpose(0, 2, 1)
  cxg = coords[..., 0].reshape(b, ng, _GL)
  cyg = coords[..., 1].reshape(b, ng, _GL)
  czg = coords[..., 2].reshape(b, ng, _GL)
  rg = radii.reshape(b, ng, _GL)
  tg = atom_types.astype(jnp.float32).reshape(b, ng, _GL)
  attr = jnp.concatenate([cxg, cyg, czg, rg, tg], axis=-1)
  epad = jnp.zeros((128, _EDIM), jnp.float32)
  epad = epad.at[: atom_embed.shape[0]].set(atom_embed.astype(jnp.float32))
  centers = jnp.broadcast_to(
      jnp.linspace(0.0, _CUTOFF, _RBF).astype(jnp.float32)[None, :],
      (8, _RBF))
  feat_t, mask_i, idx, dist = pl.pallas_call(
      _fb_kernel,
      grid=grid,
      compiler_params=pltpu.CompilerParams(
          dimension_semantics=("parallel", "parallel")),
      in_specs=[
          pl.BlockSpec((1, qt, 3), lambda bb, ii: (bb, ii, 0)),
          pl.BlockSpec((1, 3, n), lambda bb, ii: (bb, 0, 0)),
          pl.BlockSpec((1, ng, 5 * _GL), lambda bb, ii: (bb, 0, 0)),
          pl.BlockSpec((128, _EDIM), lambda bb, ii: (0, 0)),
          pl.BlockSpec((8, _RBF), lambda bb, ii: (0, 0)),
      ],
      out_specs=[
          pl.BlockSpec((1, _K, qt, _FDIM), lambda bb, ii: (bb, 0, ii, 0)),
          pl.BlockSpec((1, qt, _K), lambda bb, ii: (bb, ii, 0)),
          pl.BlockSpec((1, qt, _K), lambda bb, ii: (bb, ii, 0)),
          pl.BlockSpec((1, qt, _K), lambda bb, ii: (bb, ii, 0)),
      ],
      out_shape=[
          jax.ShapeDtypeStruct((b, _K, q, _FDIM), jnp.float32),
          jax.ShapeDtypeStruct((b, q, _K), jnp.int32),
          jax.ShapeDtypeStruct((b, q, _K), jnp.int32),
          jax.ShapeDtypeStruct((b, q, _K), jnp.float32),
      ],
  )(query_points, coords_t, attr, epad, centers)
  feat = feat_t.transpose(0, 2, 1, 3)
  return feat, mask_i.astype(bool), idx, dist

# --- scband reference (transcript-rebuilt; emitter-appended) ---
"""Pipeline reference for scband-local-feature-builder-90117003804920 (READ-ONLY COPY).

The authoritative reference and input builder live on the scoring server;
editing this copy changes nothing except your own understanding.
"""

import jax, jax.numpy as jnp
import numpy as np

CUTOFF = 6.0
MAX_NEIGHBORS = 32
RBF_DIM = 32
ATOM_EMBED_DIM = 64
NUM_ATOM_TYPES = 100
RBF_GAMMA = 1.0 / max(CUTOFF / max(RBF_DIM, 1), 1e-06) ** 2


def setup_inputs(seed: int = 0):
    key = jax.random.key(seed)
    k1, k2, k3, k4, k5 = jax.random.split(key, 5)
    B, N, Q = 4, 4096, 1024
    coords = jax.random.normal(k1, (B, N, 3), dtype=jnp.float32)
    atom_types = jax.random.randint(k2, (B, N), 0, NUM_ATOM_TYPES, dtype=jnp.int64)
    radii = jax.random.uniform(k3, (B, N), dtype=jnp.float32)
    query_points = jax.random.normal(k4, (B, Q, 3), dtype=jnp.float32)
    atom_embed = jax.random.normal(k5, (NUM_ATOM_TYPES, ATOM_EMBED_DIM), dtype=jnp.float32) * 0.02
    return {"coords": coords, "atom_types": atom_types, "radii": radii, "query_points": query_points, "atom_embed": atom_embed}


def reference(coords, atom_types, radii, query_points, atom_embed):
    B, N, _ = coords.shape
    _, Q, _ = query_points.shape
    atom_mask = jnp.ones((B, N), dtype=bool)
    query_mask = jnp.ones((B, Q), dtype=bool)
    k = min(MAX_NEIGHBORS, N)
    rbf_centers = jnp.linspace(0.0, CUTOFF, RBF_DIM).astype(jnp.float32)
    diff = query_points[:, :, None, :] - coords[:, None, :, :]
    dists = jnp.sqrt(jnp.sum(diff * diff, axis=-1) + 1e-12)
    masked_dists = jnp.where(atom_mask[:, None, :], dists, jnp.inf)
    neg_top, sorted_indices = jax.lax.top_k(-masked_dists, k)
    sorted_dists = -neg_top
    nbr_atom_mask = jnp.take_along_axis(jnp.broadcast_to(atom_mask[:, None, :], (B, Q, N)), sorted_indices, axis=2)
    neighbor_mask = nbr_atom_mask & (sorted_dists <= CUTOFF) & query_mask[:, :, None]
    gather_coords = jnp.broadcast_to(coords[:, None, :, :], (B, Q, N, 3))
    neighbor_coords = jnp.take_along_axis(gather_coords, sorted_indices[..., None], axis=2)
    neighbor_radii = jnp.take_along_axis(jnp.broadcast_to(radii[:, None, :], (B, Q, N)), sorted_indices, axis=2)[..., None]
    neighbor_atom_types = jnp.take_along_axis(jnp.broadcast_to(atom_types[:, None, :], (B, Q, N)), sorted_indices, axis=2)
    neighbor_atom_emb = jnp.take(atom_embed, neighbor_atom_types, axis=0)
    rel_pos = query_points[:, :, None, :] - neighbor_coords
    rel_dist = sorted_dists[..., None]
    centers = rbf_centers.reshape(1, 1, 1, -1)
    rbf = jnp.exp(-RBF_GAMMA * (rel_dist - centers) ** 2)
    features = jnp.concatenate([rel_pos, neighbor_radii, neighbor_atom_emb, rbf, rel_dist], axis=-1)
    features = jnp.where(neighbor_mask[..., None], features, 0.0)
    safe_indices = jnp.where(nbr_atom_mask, sorted_indices, -1)
    safe_dists = jnp.where(neighbor_mask, sorted_dists, 0.0)
    return (features, neighbor_mask, safe_indices, safe_dists)

if __name__ == "__main__":
    import jax
    _d = setup_inputs()
    print(jax.jit(kernel)(*tuple(_d.values())))

</pallas_src>

<mosaic_0001>
module attributes {stable_mosaic.version = 14 : i64} {
  func.func @_fb_kernel(%arg0: i32, %arg1: i32, %arg2: memref<1x128x3xf32, #tpu.memory_space<vmem>>, %arg3: memref<1x3x4096xf32, #tpu.memory_space<vmem>>, %arg4: memref<1x128x160xf32, #tpu.memory_space<vmem>>, %arg5: memref<128x64xf32, #tpu.memory_space<vmem>>, %arg6: memref<8x32xf32, #tpu.memory_space<vmem>>, %arg7: memref<1x32x128x101xf32, #tpu.memory_space<vmem>>, %arg8: memref<1x128x32xi32, #tpu.memory_space<vmem>>, %arg9: memref<1x128x32xi32, #tpu.memory_space<vmem>>, %arg10: memref<1x128x32xf32, #tpu.memory_space<vmem>>) attributes {dimension_semantics = [#tpu.dimension_semantics<parallel>, #tpu.dimension_semantics<parallel>], iteration_bounds = array<i64: 4, 8>, scalar_prefetch = 0 : i64, scratch_operands = 0 : i64, tpu.core_type = #tpu.core_type<tc>, window_params = [{transform_indices = @transform_0, window_bounds = array<i64: 1, 128, 3>}, {transform_indices = @transform_1, window_bounds = array<i64: 1, 3, 4096>}, {transform_indices = @transform_2, window_bounds = array<i64: 1, 128, 160>}, {pipeline_mode = #tpu.pipeline_mode<synchronous>, transform_indices = @transform_3, window_bounds = array<i64: 128, 64>}, {pipeline_mode = #tpu.pipeline_mode<synchronous>, transform_indices = @transform_4, window_bounds = array<i64: 8, 32>}, {transform_indices = @transform_5, window_bounds = array<i64: 1, 32, 128, 101>}, {transform_indices = @transform_6, window_bounds = array<i64: 1, 128, 32>}, {transform_indices = @transform_7, window_bounds = array<i64: 1, 128, 32>}, {transform_indices = @transform_8, window_bounds = array<i64: 1, 128, 32>}]} {
    %get3A = arith.constant 0 : index
    %get3A_0 = arith.constant 0 : index
    %get3A_1 = arith.constant 0 : index
    %get3A_2 = vector.load %arg2[%get3A, %get3A_0, %get3A_1] : memref<1x128x3xf32, #tpu.memory_space<vmem>>, vector<1x128x3xf32>
    %get3A_3 = vector.shape_cast %get3A_2 : vector<1x128x3xf32> to vector<128x3xf32>
    %slice3A = vector.extract_strided_slice %get3A_3 {offsets = [0, 0], sizes = [128, 1], strides = [1, 1]} : vector<128x3xf32> to vector<128x1xf32>
    %slice3A_4 = vector.extract_strided_slice %get3A_3 {offsets = [0, 1], sizes = [128, 1], strides = [1, 1]} : vector<128x3xf32> to vector<128x1xf32>
    %slice3A_5 = vector.extract_strided_slice %get3A_3 {offsets = [0, 2], sizes = [128, 1], strides = [1, 1]} : vector<128x3xf32> to vector<128x1xf32>
    %get3A_6 = arith.constant 0 : index
    %get3A_7 = arith.constant 0 : index
    %get3A_8 = arith.constant 0 : index
    %get3A_9 = vector.load %arg3[%get3A_6, %get3A_7, %get3A_8] : memref<1x3x4096xf32, #tpu.memory_space<vmem>>, vector<1x1x4096xf32>
    %get3A_10 = vector.shape_cast %get3A_9 : vector<1x1x4096xf32> to vector<1x4096xf32>
    %get3A_11 = arith.constant 0 : index
    %get3A_12 = arith.constant 1 : index
    %get3A_13 = arith.constant 0 : index
    %get3A_14 = vector.load %arg3[%get3A_11, %get3A_12, %get3A_13] : memref<1x3x4096xf32, #tpu.memory_space<vmem>>, vector<1x1x4096xf32>
    %get3A_15 = vector.shape_cast %get3A_14 : vector<1x1x4096xf32> to vector<1x4096xf32>
    %get3A_16 = arith.constant 0 : index
    %get3A_17 = arith.constant 2 : index
    %get3A_18 = arith.constant 0 : index
    %get3A_19 = vector.load %arg3[%get3A_16, %get3A_17, %get3A_18] : memref<1x3x4096xf32, #tpu.memory_space<vmem>>, vector<1x1x4096xf32>
    %get3A_20 = vector.shape_cast %get3A_19 : vector<1x1x4096xf32> to vector<1x4096xf32>
    %sub3A = vector.broadcast %slice3A : vector<128x1xf32> to vector<128x4096xf32>
    %sub3A_21 = vector.broadcast %get3A_10 : vector<1x4096xf32> to vector<128x4096xf32>
    %sub3A_22 = arith.subf %sub3A, %sub3A_21 : vector<128x4096xf32>
    %sub3A_23 = vector.broadcast %slice3A_4 : vector<128x1xf32> to vector<128x4096xf32>
    %sub3A_24 = vector.broadcast %get3A_15 : vector<1x4096xf32> to vector<128x4096xf32>
    %sub3A_25 = arith.subf %sub3A_23, %sub3A_24 : vector<128x4096xf32>
    %sub3A_26 = vector.broadcast %slice3A_5 : vector<128x1xf32> to vector<128x4096xf32>
    %sub3A_27 = vector.broadcast %get3A_20 : vector<1x4096xf32> to vector<128x4096xf32>
    %sub3A_28 = arith.subf %sub3A_26, %sub3A_27 : vector<128x4096xf32>
    %mul3A = arith.mulf %sub3A_22, %sub3A_22 : vector<128x4096xf32>
    %mul3A_29 = arith.mulf %sub3A_25, %sub3A_25 : vector<128x4096xf32>
    %add3A = arith.addf %mul3A, %mul3A_29 : vector<128x4096xf32>
    %mul3A_30 = arith.mulf %sub3A_28, %sub3A_28 : vector<128x4096xf32>
    %add3A_31 = arith.addf %add3A, %mul3A_30 : vector<128x4096xf32>
    %add3A_32 = arith.constant 9.99999996E-13 : f32
    %add3A_33 = vector.broadcast %add3A_32 : f32 to vector<128x4096xf32>
    %add3A_34 = arith.addf %add3A_31, %add3A_33 : vector<128x4096xf32>
    %sqrt3A = math.sqrt %add3A_34 : vector<128x4096xf32>
    %iota3A = tpu.iota {dimensions = array<i32: 1>} : vector<128x32xi32>
    %iota3A_35 = tpu.iota {dimensions = array<i32: 1>} : vector<128x128xi32>
    %iota3A_36 = tpu.iota {dimensions = array<i32: 1>} : vector<128x32xi32>
    %iota3A_37 = tpu.iota {dimensions = array<i32: 1>} : vector<128x128xi32>
    %get3A_38 = arith.constant 0 : index
    %get3A_39 = arith.constant 0 : index
    %get3A_40 = arith.constant 0 : index
    %get3A_41 = vector.load %arg4[%get3A_38, %get3A_39, %get3A_40] : memref<1x128x160xf32, #tpu.memory_space<vmem>>, vector<1x128x160xf32>
    %get3A_42 = vector.shape_cast %get3A_41 : vector<1x128x160xf32> to vector<128x160xf32>
    %get3A_43 = arith.constant 0 : index
    %get3A_44 = arith.constant 0 : index
    %get3A_45 = vector.load %arg5[%get3A_43, %get3A_44] : memref<128x64xf32, #tpu.memory_space<vmem>>, vector<128x64xf32>
    %get3A_46 = arith.constant 0 : index
    %get3A_47 = arith.constant 0 : index
    %get3A_48 = vector.load %arg6[%get3A_46, %get3A_47] : memref<8x32xf32, #tpu.memory_space<vmem>>, vector<1x32xf32>
    %iota3A_49 = tpu.iota {dimensions = array<i32: 1>} : vector<128x4096xi32>
    %broadcast_in_dim3A = arith.constant 0.000000e+00 : f32
    %broadcast_in_dim3A_50 = vector.broadcast %broadcast_in_dim3A : f32 to vector<128x32xf32>
    %broadcast_in_dim3A_51 = arith.constant 0 : i32
    %broadcast_in_dim3A_52 = vector.broadcast %broadcast_in_dim3A_51 : i32 to vector<128x32xi32>
    %reduce_min3A = arith.constant dense<0x7F800000> : vector<128xf32>
    %reduce_min3A_53 = vector.multi_reduction <minimumf>, %sqrt3A, %reduce_min3A [1] : vector<128x4096xf32> to vector<128xf32>
    %broadcast_in_dim3A_54 = vector.shape_cast %reduce_min3A_53 : vector<128xf32> to vector<128x1xf32>
    %eq3A = vector.broadcast %broadcast_in_dim3A_54 : vector<128x1xf32> to vector<128x4096xf32>
    %eq3A_55 = arith.cmpf oeq, %sqrt3A, %eq3A : vector<128x4096xf32>
    %jit3A = arith.constant 4096 : i32
    %broadcast_in_dim3A_56 = vector.broadcast %jit3A : i32 to vector<128x4096xi32>
    %select_n3A = arith.select %eq3A_55, %iota3A_49, %broadcast_in_dim3A_56 : vector<128x4096xi1>, vector<128x4096xi32>
    %reduce_min3A_57 = arith.constant dense<2147483647> : vector<128xi32>
    %reduce_min3A_58 = vector.multi_reduction <minsi>, %select_n3A, %reduce_min3A_57 [1] : vector<128x4096xi32> to vector<128xi32>
    %broadcast_in_dim3A_59 = vector.shape_cast %reduce_min3A_58 : vector<128xi32> to vector<128x1xi32>
    %eq3A_60 = vector.broadcast %broadcast_in_dim3A_59 : vector<128x1xi32> to vector<128x4096xi32>
    %eq3A_61 = arith.cmpi eq, %iota3A_49, %eq3A_60 : vector<128x4096xi32>
    %jit3A_62 = arith.constant 0x7F800000 : f32
    %broadcast_in_dim3A_63 = vector.broadcast %jit3A_62 : f32 to vector<128x4096xf32>
    %select_n3A_64 = arith.select %eq3A_61, %broadcast_in_dim3A_63, %sqrt3A : vector<128x4096xi1>, vector<128x4096xf32>
    %jit3A_65 = arith.constant 32 : i32
    %div3A = vector.broadcast %jit3A_65 : i32 to vector<128x1xi32>
    %div3A_66 = arith.divsi %broadcast_in_dim3A_59, %div3A : vector<128x1xi32>
    %sign3A = arith.constant 0 : i32
    %sign3A_67 = vector.broadcast %sign3A : i32 to vector<128x1xi32>
    %sign3A_68 = arith.cmpi sgt, %broadcast_in_dim3A_59, %sign3A_67 : vector<128x1xi32>
    %sign3A_69 = arith.extui %sign3A_68 : vector<128x1xi1> to vector<128x1xi32>
    %sign3A_70 = arith.constant 0 : i32
    %sign3A_71 = vector.broadcast %sign3A_70 : i32 to vector<128x1xi32>
    %sign3A_72 = arith.cmpi slt, %broadcast_in_dim3A_59, %sign3A_71 : vector<128x1xi32>
    %sign3A_73 = arith.extui %sign3A_72 : vector<128x1xi1> to vector<128x1xi32>
    %sign3A_74 = arith.subi %sign3A_69, %sign3A_73 : vector<128x1xi32>
    %sign3A_75 = arith.constant 0 : i32
    %sign3A_76 = arith.cmpi sgt, %jit3A_65, %sign3A_75 : i32
    %sign3A_77 = arith.extui %sign3A_76 : i1 to i32
    %sign3A_78 = arith.constant 0 : i32
    %sign3A_79 = arith.cmpi slt, %jit3A_65, %sign3A_78 : i32
    %sign3A_80 = arith.extui %sign3A_79 : i1 to i32
    %sign3A_81 = arith.subi %sign3A_77, %sign3A_80 : i32
    %ne3A = vector.broadcast %sign3A_81 : i32 to vector<128x1xi32>
    %ne3A_82 = arith.cmpi ne, %sign3A_74, %ne3A : vector<128x1xi32>
    %rem3A = vector.broadcast %jit3A_65 : i32 to vector<128x1xi32>
    %rem3A_83 = arith.remsi %broadcast_in_dim3A_59, %rem3A : vector<128x1xi32>
    %ne3A_84 = arith.constant 0 : i32
    %ne3A_85 = vector.broadcast %ne3A_84 : i32 to vector<128x1xi32>
    %ne3A_86 = arith.cmpi ne, %rem3A_83, %ne3A_85 : vector<128x1xi32>
    %and3A = arith.andi %ne3A_82, %ne3A_86 : vector<128x1xi1>
    %sub3A_87 = arith.constant 1 : i32
    %sub3A_88 = vector.broadcast %sub3A_87 : i32 to vector<128x1xi32>
    %sub3A_89 = arith.subi %div3A_66, %sub3A_88 : vector<128x1xi32>
    %select_n3A_90 = arith.select %and3A, %sub3A_89, %div3A_66 : vector<128x1xi1>, vector<128x1xi32>
    %mul3A_91 = arith.constant 32 : i32
    %mul3A_92 = vector.broadcast %mul3A_91 : i32 to vector<128x1xi32>
    %mul3A_93 = arith.muli %select_n3A_90, %mul3A_92 : vector<128x1xi32>
    %sub3A_94 = arith.subi %broadcast_in_dim3A_59, %mul3A_93 : vector<128x1xi32>
    %eq3A_95 = vector.broadcast %select_n3A_90 : vector<128x1xi32> to vector<128x128xi32>
    %eq3A_96 = arith.cmpi eq, %eq3A_95, %iota3A_35 : vector<128x128xi32>
    %convert_element_type3A = arith.extui %eq3A_96 : vector<128x128xi1> to vector<128x128xi32>
    %convert_element_type3A_97 = arith.sitofp %convert_element_type3A : vector<128x128xi32> to vector<128x128xf32>
    %dot_general3A = arith.constant dense<0.000000e+00> : vector<128x160xf32>
    %dot_general3A_98 = tpu.matmul %convert_element_type3A_97, %get3A_42, %dot_general3A {dimension_numbers = #tpu.dot_dimension_numbers<[1], [0], [0], [1], [0, 0, 1, 1], [], []>, transpose_lhs_hint = false} : vector<128x128xf32>, vector<128x160xf32>, vector<128x160xf32> -> vector<128x160xf32>
    %eq3A_99 = vector.broadcast %sub3A_94 : vector<128x1xi32> to vector<128x32xi32>
    %eq3A_100 = arith.cmpi eq, %eq3A_99, %iota3A_36 : vector<128x32xi32>
    %slice3A_101 = vector.extract_strided_slice %dot_general3A_98 {offsets = [0, 0], sizes = [128, 32], strides = [1, 1]} : vector<128x160xf32> to vector<128x32xf32>
    %jit3A_102 = arith.constant 0.000000e+00 : f32
    %broadcast_in_dim3A_103 = vector.broadcast %jit3A_102 : f32 to vector<128x32xf32>
    %select_n3A_104 = arith.select %eq3A_100, %slice3A_101, %broadcast_in_dim3A_103 : vector<128x32xi1>, vector<128x32xf32>
    %reduce_sum3A = arith.constant dense<0.000000e+00> : vector<128xf32>
    %reduce_sum3A_105 = vector.multi_reduction <add>, %select_n3A_104, %reduce_sum3A [1] : vector<128x32xf32> to vector<128xf32>
    %broadcast_in_dim3A_106 = vector.shape_cast %reduce_sum3A_105 : vector<128xf32> to vector<128x1xf32>
    %slice3A_107 = vector.extract_strided_slice %dot_general3A_98 {offsets = [0, 32], sizes = [128, 32], strides = [1, 1]} : vector<128x160xf32> to vector<128x32xf32>
    %jit3A_108 = arith.constant 0.000000e+00 : f32
    %broadcast_in_dim3A_109 = vector.broadcast %jit3A_108 : f32 to vector<128x32xf32>
    %select_n3A_110 = arith.select %eq3A_100, %slice3A_107, %broadcast_in_dim3A_109 : vector<128x32xi1>, vector<128x32xf32>
    %reduce_sum3A_111 = arith.constant dense<0.000000e+00> : vector<128xf32>
    %reduce_sum3A_112 = vector.multi_reduction <add>, %select_n3A_110, %reduce_sum3A_111 [1] : vector<128x32xf32> to vector<128xf32>
    %broadcast_in_dim3A_113 = vector.shape_cast %reduce_sum3A_112 : vector<128xf32> to vector<128x1xf32>
    %slice3A_114 = vector.extract_strided_slice %dot_general3A_98 {offsets = [0, 64], sizes = [128, 32], strides = [1, 1]} : vector<128x160xf32> to vector<128x32xf32>
    %jit3A_115 = arith.constant 0.000000e+00 : f32
    %broadcast_in_dim3A_116 = vector.broadcast %jit3A_115 : f32 to vector<128x32xf32>
    %select_n3A_117 = arith.select %eq3A_100, %slice3A_114, %broadcast_in_dim3A_116 : vector<128x32xi1>, vector<128x32xf32>
    %reduce_sum3A_118 = arith.constant dense<0.000000e+00> : vector<128xf32>
    %reduce_sum3A_119 = vector.multi_reduction <add>, %select_n3A_117, %reduce_sum3A_118 [1] : vector<128x32xf32> to vector<128xf32>
    %broadcast_in_dim3A_120 = vector.shape_cast %reduce_sum3A_119 : vector<128xf32> to vector<128x1xf32>
    %slice3A_121 = vector.extract_strided_slice %dot_general3A_98 {offsets = [0, 96], sizes = [128, 32], strides = [1, 1]} : vector<128x160xf32> to vector<128x32xf32>
    %jit3A_122 = arith.constant 0.000000e+00 : f32
    %broadcast_in_dim3A_123 = vector.broadcast %jit3A_122 : f32 to vector<128x32xf32>
    %select_n3A_124 = arith.select %eq3A_100, %slice3A_121, %broadcast_in_dim3A_123 : vector<128x32xi1>, vector<128x32xf32>
    %reduce_sum3A_125 = arith.constant dense<0.000000e+00> : vector<128xf32>
    %reduce_sum3A_126 = vector.multi_reduction <add>, %select_n3A_124, %reduce_sum3A_125 [1] : vector<128x32xf32> to vector<128xf32>
    %broadcast_in_dim3A_127 = vector.shape_cast %reduce_sum3A_126 : vector<128xf32> to vector<128x1xf32>
    %slice3A_128 = vector.extract_strided_slice %dot_general3A_98 {offsets = [0, 128], sizes = [128, 32], strides = [1, 1]} : vector<128x160xf32> to vector<128x32xf32>
    %jit3A_129 = arith.constant 0.000000e+00 : f32
    %broadcast_in_dim3A_130 = vector.broadcast %jit3A_129 : f32 to vector<128x32xf32>
    %select_n3A_131 = arith.select %eq3A_100, %slice3A_128, %broadcast_in_dim3A_130 : vector<128x32xi1>, vector<128x32xf32>
    %reduce_sum3A_132 = arith.constant dense<0.000000e+00> : vector<128xf32>
    %reduce_sum3A_133 = vector.multi_reduction <add>, %select_n3A_131, %reduce_sum3A_132 [1] : vector<128x32xf32> to vector<128xf32>
    %broadcast_in_dim3A_134 = vector.shape_cast %reduce_sum3A_133 : vector<128xf32> to vector<128x1xf32>
    %convert_element_type3A_135 = arith.fptosi %broadcast_in_dim3A_134 : vector<128x1xf32> to vector<128x1xi32>
    %eq3A_136 = vector.broadcast %convert_element_type3A_135 : vector<128x1xi32> to vector<128x128xi32>
    %eq3A_137 = arith.cmpi eq, %eq3A_136, %iota3A_37 : vector<128x128xi32>
    %convert_element_type3A_138 = arith.extui %eq3A_137 : vector<128x128xi1> to vector<128x128xi32>
    %convert_element_type3A_139 = arith.sitofp %convert_element_type3A_138 : vector<128x128xi32> to vector<128x128xf32>
    %dot_general3A_140 = arith.constant dense<0.000000e+00> : vector<128x64xf32>
    %dot_general3A_141 = tpu.matmul %convert_element_type3A_139, %get3A_45, %dot_general3A_140 {dimension_numbers = #tpu.dot_dimension_numbers<[1], [0], [0], [1], [0, 0, 1, 1], [], []>, transpose_lhs_hint = false} : vector<128x128xf32>, vector<128x64xf32>, vector<128x64xf32> -> vector<128x64xf32>
    %sub3A_142 = vector.broadcast %broadcast_in_dim3A_54 : vector<128x1xf32> to vector<128x32xf32>
    %sub3A_143 = vector.broadcast %get3A_48 : vector<1x32xf32> to vector<128x32xf32>
    %sub3A_144 = arith.subf %sub3A_142, %sub3A_143 : vector<128x32xf32>
    %integer_pow3A = arith.mulf %sub3A_144, %sub3A_144 : vector<128x32xf32>
    %mul3A_145 = arith.constant -28.4444447 : f32
    %mul3A_146 = vector.broadcast %mul3A_145 : f32 to vector<128x32xf32>
    %mul3A_147 = arith.mulf %mul3A_146, %integer_pow3A : vector<128x32xf32>
    %exp3A = math.exp %mul3A_147 : vector<128x32xf32>
    %sub3A_148 = arith.subf %slice3A, %broadcast_in_dim3A_106 : vector<128x1xf32>
    %sub3A_149 = arith.subf %slice3A_4, %broadcast_in_dim3A_113 : vector<128x1xf32>
    %sub3A_150 = arith.subf %slice3A_5, %broadcast_in_dim3A_120 : vector<128x1xf32>
    %concatenate3A = tpu.concatenate %sub3A_148, %sub3A_149, %sub3A_150, %broadcast_in_dim3A_127, %dot_general3A_141, %exp3A, %broadcast_in_dim3A_54 in 1 : vector<128x1xf32>, vector<128x1xf32>, vector<128x1xf32>, vector<128x1xf32>, vector<128x64xf32>, vector<128x32xf32>, vector<128x1xf32> -> vector<128x101xf32>
    %le3A = arith.constant 6.000000e+00 : f32
    %le3A_151 = vector.broadcast %le3A : f32 to vector<128x1xf32>
    %le3A_152 = arith.cmpf ole, %broadcast_in_dim3A_54, %le3A_151 : vector<128x1xf32>
    %jit3A_153 = arith.constant 0.000000e+00 : f32
    %broadcast_in_dim3A_154 = vector.shape_cast %le3A_152 : vector<128x1xi1> to vector<128x1xi1>
    %broadcast_in_dim3A_155 = vector.broadcast %broadcast_in_dim3A_154 : vector<128x1xi1> to vector<128x101xi1>
    %broadcast_in_dim3A_156 = vector.broadcast %jit3A_153 : f32 to vector<128x101xf32>
    %select_n3A_157 = arith.select %broadcast_in_dim3A_155, %concatenate3A, %broadcast_in_dim3A_156 : vector<128x101xi1>, vector<128x101xf32>
    %swap3A = arith.constant 0 : index
    %swap3A_158 = arith.constant 0 : index
    %swap3A_159 = arith.constant 0 : index
    %swap3A_160 = arith.constant 0 : index
    %swap3A_161 = vector.load %arg7[%swap3A, %swap3A_158, %swap3A_159, %swap3A_160] : memref<1x32x128x101xf32, #tpu.memory_space<vmem>>, vector<1x1x128x101xf32>
    %swap3A_162 = vector.shape_cast %swap3A_161 : vector<1x1x128x101xf32> to vector<128x101xf32>
    %swap3A_163 = vector.shape_cast %select_n3A_157 : vector<128x101xf32> to vector<1x1x128x101xf32>
    tpu.vector_store %arg7[%swap3A, %swap3A_158, %swap3A_159, %swap3A_160], %swap3A_163 {strides = array<i32>} : memref<1x32x128x101xf32, #tpu.memory_space<vmem>>, vector<1x1x128x101xf32>,
    %eq3A_164 = arith.constant 0 : i32
    %eq3A_165 = vector.broadcast %eq3A_164 : i32 to vector<128x32xi32>
    %eq3A_166 = arith.cmpi eq, %iota3A, %eq3A_165 : vector<128x32xi32>
    %broadcast_in_dim3A_167 = vector.shape_cast %broadcast_in_dim3A_54 : vector<128x1xf32> to vector<128x1xf32>
    %broadcast_in_dim3A_168 = vector.broadcast %broadcast_in_dim3A_167 : vector<128x1xf32> to vector<128x32xf32>
    %select_n3A_169 = arith.select %eq3A_166, %broadcast_in_dim3A_168, %broadcast_in_dim3A_50 : vector<128x32xi1>, vector<128x32xf32>
    %broadcast_in_dim3A_170 = vector.shape_cast %broadcast_in_dim3A_59 : vector<128x1xi32> to vector<128x1xi32>
    %broadcast_in_dim3A_171 = vector.broadcast %broadcast_in_dim3A_170 : vector<128x1xi32> to vector<128x32xi32>
    %select_n3A_172 = arith.select %eq3A_166, %broadcast_in_dim3A_171, %broadcast_in_dim3A_52 : vector<128x32xi1>, vector<128x32xi32>
    %reduce_min3A_173 = arith.constant dense<0x7F800000> : vector<128xf32>
    %reduce_min3A_174 = vector.multi_reduction <minimumf>, %select_n3A_64, %reduce_min3A_173 [1] : vector<128x4096xf32> to vector<128xf32>
    %broadcast_in_dim3A_175 = vector.shape_cast %reduce_min3A_174 : vector<128xf32> to vector<128x1xf32>
    %eq3A_176 = vector.broadcast %broadcast_in_dim3A_175 : vector<128x1xf32> to vector<128x4096xf32>
    %eq3A_177 = arith.cmpf oeq, %select_n3A_64, %eq3A_176 : vector<128x4096xf32>
    %jit3A_178 = arith.constant 4096 : i32
    %broadcast_in_dim3A_179 = vector.broadcast %jit3A_178 : i32 to vector<128x4096xi32>
    %select_n3A_180 = arith.select %eq3A_177, %iota3A_49, %broadcast_in_dim3A_179 : vector<128x4096xi1>, vector<128x4096xi32>
    %reduce_min3A_181 = arith.constant dense<2147483647> : vector<128xi32>
    %reduce_min3A_182 = vector.multi_reduction <minsi>, %select_n3A_180, %reduce_min3A_181 [1] : vector<128x4096xi32> to vector<128xi32>
    %broadcast_in_dim3A_183 = vector.shape_cast %reduce_min3A_182 : vector<128xi32> to vector<128x1xi32>
    %eq3A_184 = vector.broadcast %broadcast_in_dim3A_183 : vector<128x1xi32> to vector<128x4096xi32>
    %eq3A_185 = arith.cmpi eq, %iota3A_49, %eq3A_184 : vector<128x4096xi32>
    %jit3A_186 = arith.constant 0x7F800000 : f32
    %broadcast_in_dim3A_187 = vector.broadcast %jit3A_186 : f32 to vector<128x4096xf32>
    %select_n3A_188 = arith.select %eq3A_185, %broadcast_in_dim3A_187, %select_n3A_64 : vector<128x4096xi1>, vector<128x4096xf32>
    %jit3A_189 = arith.constant 32 : i32
    %div3A_190 = vector.broadcast %jit3A_189 : i32 to vector<128x1xi32>
    %div3A_191 = arith.divsi %broadcast_in_dim3A_183, %div3A_190 : vector<128x1xi32>
    %sign3A_192 = arith.constant 0 : i32
    %sign3A_193 = vector.broadcast %sign3A_192 : i32 to vector<128x1xi32>
    %sign3A_194 = arith.cmpi sgt, %broadcast_in_dim3A_183, %sign3A_193 : vector<128x1xi32>
    %sign3A_195 = arith.extui %sign3A_194 : vector<128x1xi1> to vector<128x1xi32>
    %sign3A_196 = arith.constant 0 : i32
    %sign3A_197 = vector.broadcast %sign3A_196 : i32 to vector<128x1xi32>
    %sign3A_198 = arith.cmpi slt, %broadcast_in_dim3A_183, %sign3A_197 : vector<128x1xi32>
    %sign3A_199 = arith.extui %sign3A_198 : vector<128x1xi1> to vector<128x1xi32>
    %sign3A_200 = arith.subi %sign3A_195, %sign3A_199 : vector<128x1xi32>
    %sign3A_201 = arith.constant 0 : i32
    %sign3A_202 = arith.cmpi sgt, %jit3A_189, %sign3A_201 : i32
    %sign3A_203 = arith.extui %sign3A_202 : i1 to i32
    %sign3A_204 = arith.constant 0 : i32
    %sign3A_205 = arith.cmpi slt, %jit3A_189, %sign3A_204 : i32
    %sign3A_206 = arith.extui %sign3A_205 : i1 to i32
    %sign3A_207 = arith.subi %sign3A_203, %sign3A_206 : i32
    %ne3A_208 = vector.broadcast %sign3A_207 : i32 to vector<128x1xi32>
    %ne3A_209 = arith.cmpi ne, %sign3A_200, %ne3A_208 : vector<128x1xi32>
    %rem3A_210 = vector.broadcast %jit3A_189 : i32 to vector<128x1xi32>
    %rem3A_211 = arith.remsi %broadcast_in_dim3A_183, %rem3A_210 : vector<128x1xi32>
    %ne3A_212 = arith.constant 0 : i32
    %ne3A_213 = vector.broadcast %ne3A_212 : i32 to vector<128x1xi32>
    %ne3A_214 = arith.cmpi ne, %rem3A_211, %ne3A_213 : vector<128x1xi32>
    %and3A_215 = arith.andi %ne3A_209, %ne3A_214 : vector<128x1xi1>
    %sub3A_216 = arith.constant 1 : i32
    %sub3A_217 = vector.broadcast %sub3A_216 : i32 to vector<128x1xi32>
    %sub3A_218 = arith.subi %div3A_191, %sub3A_217 : vector<128x1xi32>
    %select_n3A_219 = arith.select %and3A_215, %sub3A_218, %div3A_191 : vector<128x1xi1>, vector<128x1xi32>
    %mul3A_220 = arith.constant 32 : i32
    %mul3A_221 = vector.broadcast %mul3A_220 : i32 to vector<128x1xi32>
    %mul3A_222 = arith.muli %select_n3A_219, %mul3A_221 : vector<128x1xi32>
    %sub3A_223 = arith.subi %broadcast_in_dim3A_183, %mul3A_222 : vector<128x1xi32>
    %eq3A_224 = vector.broadcast %select_n3A_219 : vector<128x1xi32> to vector<128x128xi32>
    %eq3A_225 = arith.cmpi eq, %eq3A_224, %iota3A_35 : vector<128x128xi32>
    %convert_element_type3A_226 = arith.extui %eq3A_225 : vector<128x128xi1> to vector<128x128xi32>
    %convert_element_type3A_227 = arith.sitofp %convert_element_type3A_226 : vector<128x128xi32> to vector<128x128xf32>
    %dot_general3A_228 = arith.constant dense<0.000000e+00> : vector<128x160xf32>
    %dot_general3A_229 = tpu.matmul %convert_element_type3A_227, %get3A_42, %dot_general3A_228 {dimension_numbers = #tpu.dot_dimension_numbers<[1], [0], [0], [1], [0, 0, 1, 1], [], []>, transpose_lhs_hint = false} : vector<128x128xf32>, vector<128x160xf32>, vector<128x160xf32> -> vector<128x160xf32>
    %eq3A_230 = vector.broadcast %sub3A_223 : vector<128x1xi32> to vector<128x32xi32>
    %eq3A_231 = arith.cmpi eq, %eq3A_230, %iota3A_36 : vector<128x32xi32>
    %slice3A_232 = vector.extract_strided_slice %dot_general3A_229 {offsets = [0, 0], sizes = [128, 32], strides = [1, 1]} : vector<128x160xf32> to vector<128x32xf32>
    %jit3A_233 = arith.constant 0.000000e+00 : f32
    %broadcast_in_dim3A_234 = vector.broadcast %jit3A_233 : f32 to vector<128x32xf32>
    %select_n3A_235 = arith.select %eq3A_231, %slice3A_232, %broadcast_in_dim3A_234 : vector<128x32xi1>, vector<128x32xf32>
    %reduce_sum3A_236 = arith.constant dense<0.000000e+00> : vector<128xf32>
    %reduce_sum3A_237 = vector.multi_reduction <add>, %select_n3A_235, %reduce_sum3A_236 [1] : vector<128x32xf32> to vector<128xf32>
    %broadcast_in_dim3A_238 = vector.shape_cast %reduce_sum3A_237 : vector<128xf32> to vector<128x1xf32>
    %slice3A_239 = vector.extract_strided_slice %dot_general3A_229 {offsets = [0, 32], sizes = [128, 32], strides = [1, 1]} : vector<128x160xf32> to vector<128x32xf32>
    %jit3A_240 = arith.constant 0.000000e+00 : f32
    %broadcast_in_dim3A_241 = vector.broadcast %jit3A_240 : f32 to vector<128x32xf32>
    %select_n3A_242 = arith.select %eq3A_231, %slice3A_239, %broadcast_in_dim3A_241 : vector<128x32xi1>, vector<128x32xf32>
    %reduce_sum3A_243 = arith.constant dense<0.000000e+00> : vector<128xf32>
    %reduce_sum3A_244 = vector.multi_reduction <add>, %select_n3A_242, %reduce_sum3A_243 [1] : vector<128x32xf32> to vector<128xf32>
    %broadcast_in_dim3A_245 = vector.shape_cast %reduce_sum3A_244 : vector<128xf32> to vector<128x1xf32>
    %slice3A_246 = vector.extract_strided_slice %dot_general3A_229 {offsets = [0, 64], sizes = [128, 32], strides = [1, 1]} : vector<128x160xf32> to vector<128x32xf32>
    %jit3A_247 = arith.constant 0.000000e+00 : f32
    %broadcast_in_dim3A_248 = vector.broadcast %jit3A_247 : f32 to vector<128x32xf32>
    %select_n3A_249 = arith.select %eq3A_231, %slice3A_246, %broadcast_in_dim3A_248 : vector<128x32xi1>, vector<128x32xf32>
    %reduce_sum3A_250 = arith.constant dense<0.000000e+00> : vector<128xf32>
    %reduce_sum3A_251 = vector.multi_reduction <add>, %select_n3A_249, %reduce_sum3A_250 [1] : vector<128x32xf32> to vector<128xf32>
    %broadcast_in_dim3A_252 = vector.shape_cast %reduce_sum3A_251 : vector<128xf32> to vector<128x1xf32>
    %slice3A_253 = vector.extract_strided_slice %dot_general3A_229 {offsets = [0, 96], sizes = [128, 32], strides = [1, 1]} : vector<128x160xf32> to vector<128x32xf32>
    %jit3A_254 = arith.constant 0.000000e+00 : f32
    %broadcast_in_dim3A_255 = vector.broadcast %jit3A_254 : f32 to vector<128x32xf32>
    %select_n3A_256 = arith.select %eq3A_231, %slice3A_253, %broadcast_in_dim3A_255 : vector<128x32xi1>, vector<128x32xf32>
    %reduce_sum3A_257 = arith.constant dense<0.000000e+00> : vector<128xf32>
    %reduce_sum3A_258 = vector.multi_reduction <add>, %select_n3A_256, %reduce_sum3A_257 [1] : vector<128x32xf32> to vector<128xf32>
    %broadcast_in_dim3A_259 = vector.shape_cast %reduce_sum3A_258 : vector<128xf32> to vector<128x1xf32>
    %slice3A_260 = vector.extract_strided_slice %dot_general3A_229 {offsets = [0, 128], sizes = [128, 32], strides = [1, 1]} : vector<128x160xf32> to vector<128x32xf32>
    %jit3A_261 = arith.constant 0.000000e+00 : f32
    %broadcast_in_dim3A_262 = vector.broadcast %jit3A_261 : f32 to vector<128x32xf32>
    %select_n3A_263 = arith.select %eq3A_231, %slice3A_260, %broadcast_in_dim3A_262 : vector<128x32xi1>, vector<128x32xf32>
    %reduce_sum3A_264 = arith.constant dense<0.000000e+00> : vector<128xf32>
    %reduce_sum3A_265 = vector.multi_reduction <add>, %select_n3A_263, %reduce_sum3A_264 [1] : vector<128x32xf32> to vector<128xf32>
    %broadcast_in_dim3A_266 = vector.shape_cast %reduce_sum3A_265 : vector<128xf32> to vector<128x1xf32>
    %convert_element_type3A_267 = arith.fptosi %broadcast_in_dim3A_266 : vector<128x1xf32> to vector<128x1xi32>
    %eq3A_268 = vector.broadcast %convert_element_type3A_267 : vector<128x1xi32> to vector<128x128xi32>
    %eq3A_269 = arith.cmpi eq, %eq3A_268, %iota3A_37 : vector<128x128xi32>
    %convert_element_type3A_270 = arith.extui %eq3A_269 : vector<128x128xi1> to vector<128x128xi32>
    %convert_element_type3A_271 = arith.sitofp %convert_element_type3A_270 : vector<128x128xi32> to vector<128x128xf32>
    %dot_general3A_272 = arith.constant dense<0.000000e+00> : vector<128x64xf32>
    %dot_general3A_273 = tpu.matmul %convert_element_type3A_271, %get3A_45, %dot_general3A_272 {dimension_numbers = #tpu.dot_dimension_numbers<[1], [0], [0], [1], [0, 0, 1, 1], [], []>, transpose_lhs_hint = false} : vector<128x128xf32>, vector<128x64xf32>, vector<128x64xf32> -> vector<128x64xf32>
    %sub3A_274 = vector.broadcast %broadcast_in_dim3A_175 : vector<128x1xf32> to vector<128x32xf32>
    %sub3A_275 = vector.broadcast %get3A_48 : vector<1x32xf32> to vector<128x32xf32>
    %sub3A_276 = arith.subf %sub3A_274, %sub3A_275 : vector<128x32xf32>
    %integer_pow3A_277 = arith.mulf %sub3A_276, %sub3A_276 : vector<128x32xf32>
    %mul3A_278 = arith.constant -28.4444447 : f32
    %mul3A_279 = vector.broadcast %mul3A_278 : f32 to vector<128x32xf32>
    %mul3A_280 = arith.mulf %mul3A_279, %integer_pow3A_277 : vector<128x32xf32>
    %exp3A_281 = math.exp %mul3A_280 : vector<128x32xf32>
    %sub3A_282 = arith.subf %slice3A, %broadcast_in_dim3A_238 : vector<128x1xf32>
    %sub3A_283 = arith.subf %slice3A_4, %broadcast_in_dim3A_245 : vector<128x1xf32>
    %sub3A_284 = arith.subf %slice3A_5, %broadcast_in_dim3A_252 : vector<128x1xf32>
    %concatenate3A_285 = tpu.concatenate %sub3A_282, %sub3A_283, %sub3A_284, %broadcast_in_dim3A_259, %dot_general3A_273, %exp3A_281, %broadcast_in_dim3A_175 in 1 : vector<128x1xf32>, vector<128x1xf32>, vector<128x1xf32>, vector<128x1xf32>, vector<128x64xf32>, vector<128x32xf32>, vector<128x1xf32> -> vector<128x101xf32>
    %le3A_286 = arith.constant 6.000000e+00 : f32
    %le3A_287 = vector.broadcast %le3A_286 : f32 to vector<128x1xf32>
    %le3A_288 = arith.cmpf ole, %broadcast_in_dim3A_175, %le3A_287 : vector<128x1xf32>
    %jit3A_289 = arith.constant 0.000000e+00 : f32
    %broadcast_in_dim3A_290 = vector.shape_cast %le3A_288 : vector<128x1xi1> to vector<128x1xi1>
    %broadcast_in_dim3A_291 = vector.broadcast %broadcast_in_dim3A_290 : vector<128x1xi1> to vector<128x101xi1>
    %broadcast_in_dim3A_292 = vector.broadcast %jit3A_289 : f32 to vector<128x101xf32>
    %select_n3A_293 = arith.select %broadcast_in_dim3A_291, %concatenate3A_285, %broadcast_in_dim3A_292 : vector<128x101xi1>, vector<128x101xf32>
    %swap3A_294 = arith.constant 0 : index
    %swap3A_295 = arith.constant 1 : index
    %swap3A_296 = arith.constant 0 : index
    %swap3A_297 = arith.constant 0 : index
    %swap3A_298 = vector.load %arg7[%swap3A_294, %swap3A_295, %swap3A_296, %swap3A_297] : memref<1x32x128x101xf32, #tpu.memory_space<vmem>>, vector<1x1x128x101xf32>
    %swap3A_299 = vector.shape_cast %swap3A_298 : vector<1x1x128x101xf32> to vector<128x101xf32>
    %swap3A_300 = vector.shape_cast %select_n3A_293 : vector<128x101xf32> to vector<1x1x128x101xf32>
    tpu.vector_store %arg7[%swap3A_294, %swap3A_295, %swap3A_296, %swap3A_297], %swap3A_300 {strides = array<i32>} : memref<1x32x128x101xf32, #tpu.memory_space<vmem>>, vector<1x1x128x101xf32>,
    %eq3A_301 = arith.constant 1 : i32
    %eq3A_302 = vector.broadcast %eq3A_301 : i32 to vector<128x32xi32>
    %eq3A_303 = arith.cmpi eq, %iota3A, %eq3A_302 : vector<128x32xi32>
    %broadcast_in_dim3A_304 = vector.shape_cast %broadcast_in_dim3A_175 : vector<128x1xf32> to vector<128x1xf32>
    %broadcast_in_dim3A_305 = vector.broadcast %broadcast_in_dim3A_304 : vector<128x1xf32> to vector<128x32xf32>
    %select_n3A_306 = arith.select %eq3A_303, %broadcast_in_dim3A_305, %select_n3A_169 : vector<128x32xi1>, vector<128x32xf32>
    %broadcast_in_dim3A_307 = vector.shape_cast %broadcast_in_dim3A_183 : vector<128x1xi32> to vector<128x1xi32>
    %broadcast_in_dim3A_308 = vector.broadcast %broadcast_in_dim3A_307 : vector<128x1xi32> to vector<128x32xi32>
    %select_n3A_309 = arith.select %eq3A_303, %broadcast_in_dim3A_308, %select_n3A_172 : vector<128x32xi1>, vector<128x32xi32>
    %reduce_min3A_310 = arith.constant dense<0x7F800000> : vector<128xf32>
    %reduce_min3A_311 = vector.multi_reduction <minimumf>, %select_n3A_188, %reduce_min3A_310 [1] : vector<128x4096xf32> to vector<128xf32>
    %broadcast_in_dim3A_312 = vector.shape_cast %reduce_min3A_311 : vector<128xf32> to vector<128x1xf32>
    %eq3A_313 = vector.broadcast %broadcast_in_dim3A_312 : vector<128x1xf32> to vector<128x4096xf32>
    %eq3A_314 = arith.cmpf oeq, %select_n3A_188, %eq3A_313 : vector<128x4096xf32>
    %jit3A_315 = arith.constant 4096 : i32
    %broadcast_in_dim3A_316 = vector.broadcast %jit3A_315 : i32 to vector<128x4096xi32>
    %select_n3A_317 = arith.select %eq3A_314, %iota3A_49, %broadcast_in_dim3A_316 : vector<128x4096xi1>, vector<128x4096xi32>
    %reduce_min3A_318 = arith.constant dense<2147483647> : vector<128xi32>
    %reduce_min3A_319 = vector.multi_reduction <minsi>, %select_n3A_317, %reduce_min3A_318 [1] : vector<128x4096xi32> to vector<128xi32>
    %broadcast_in_dim3A_320 = vector.shape_cast %reduce_min3A_319 : vector<128xi32> to vector<128x1xi32>
    %eq3A_321 = vector.broadcast %broadcast_in_dim3A_320 : vector<128x1xi32> to vector<128x4096xi32>
    %eq3A_322 = arith.cmpi eq, %iota3A_49, %eq3A_321 : vector<128x4096xi32>
    %jit3A_323 = arith.constant 0x7F800000 : f32
    %broadcast_in_dim3A_324 = vector.broadcast %jit3A_323 : f32 to vector<128x4096xf32>
    %select_n3A_325 = arith.select %eq3A_322, %broadcast_in_dim3A_324, %select_n3A_188 : vector<128x4096xi1>, vector<128x4096xf32>
    %jit3A_326 = arith.constant 32 : i32
    %div3A_327 = vector.broadcast %jit3A_326 : i32 to vector<128x1xi32>
    %div3A_328 = arith.divsi %broadcast_in_dim3A_320, %div3A_327 : vector<128x1xi32>
    %sign3A_329 = arith.constant 0 : i32
    %sign3A_330 = vector.broadcast %sign3A_329 : i32 to vector<128x1xi32>
    %sign3A_331 = arith.cmpi sgt, %broadcast_in_dim3A_320, %sign3A_330 : vector<128x1xi32>
    %sign3A_332 = arith.extui %sign3A_331 : vector<128x1xi1> to vector<128x1xi32>
    %sign3A_333 = arith.constant 0 : i32
    %sign3A_334 = vector.broadcast %sign3A_333 : i32 to vector<128x1xi32>
    %sign3A_335 = arith.cmpi slt, %broadcast_in_dim3A_320, %sign3A_334 : vector<128x1xi32>
    %sign3A_336 = arith.extui %sign3A_335 : vector<128x1xi1> to vector<128x1xi32>
    %sign3A_337 = arith.subi %sign3A_332, %sign3A_336 : vector<128x1xi32>
    %sign3A_338 = arith.constant 0 : i32
    %sign3A_339 = arith.cmpi sgt, %jit3A_326, %sign3A_338 : i32
    %sign3A_340 = arith.extui %sign3A_339 : i1 to i32
    %sign3A_341 = arith.constant 0 : i32
    %sign3A_342 = arith.cmpi slt, %jit3A_326, %sign3A_341 : i32
    %sign3A_343 = arith.extui %sign3A_342 : i1 to i32
    %sign3A_344 = arith.subi %sign3A_340, %sign3A_343 : i32
    %ne3A_345 = vector.broadcast %sign3A_344 : i32 to vector<128x1xi32>
    %ne3A_346 = arith.cmpi ne, %sign3A_337, %ne3A_345 : vector<128x1xi32>
    %rem3A_347 = vector.broadcast %jit3A_326 : i32 to vector<128x1xi32>
    %rem3A_348 = arith.remsi %broadcast_in_dim3A_320, %rem3A_347 : vector<128x1xi32>
    %ne3A_349 = arith.constant 0 : i32
    %ne3A_350 = vector.broadcast %ne3A_349 : i32 to vector<128x1xi32>
    %ne3A_351 = arith.cmpi ne, %rem3A_348, %ne3A_350 : vector<128x1xi32>
    %and3A_352 = arith.andi %ne3A_346, %ne3A_351 : vector<128x1xi1>
    %sub3A_353 = arith.constant 1 : i32
    %sub3A_354 = vector.broadcast %sub3A_353 : i32 to vector<128x1xi32>
    %sub3A_355 = arith.subi %div3A_328, %sub3A_354 : vector<128x1xi32>
    %select_n3A_356 = arith.select %and3A_352, %sub3A_355, %div3A_328 : vector<128x1xi1>, vector<128x1xi32>
    %mul3A_357 = arith.constant 32 : i32
    %mul3A_358 = vector.broadcast %mul3A_357 : i32 to vector<128x1xi32>
    %mul3A_359 = arith.muli %select_n3A_356, %mul3A_358 : vector<128x1xi32>
    %sub3A_360 = arith.subi %broadcast_in_dim3A_320, %mul3A_359 : vector<128x1xi32>
    %eq3A_361 = vector.broadcast %select_n3A_356 : vector<128x1xi32> to vector<128x128xi32>
    %eq3A_362 = arith.cmpi eq, %eq3A_361, %iota3A_35 : vector<128x128xi32>
    %convert_element_type3A_363 = arith.extui %eq3A_362 : vector<128x128xi1> to vector<128x128xi32>
    %convert_element_type3A_364 = arith.sitofp %convert_element_type3A_363 : vector<128x128xi32> to vector<128x128xf32>
    %dot_general3A_365 = arith.constant dense<0.000000e+00> : vector<128x160xf32>
    %dot_general3A_366 = tpu.matmul %convert_element_type3A_364, %get3A_42, %dot_general3A_365 {dimension_numbers = #tpu.dot_dimension_numbers<[1], [0], [0], [1], [0, 0, 1, 1], [], []>, transpose_lhs_hint = false} : vector<128x128xf32>, vector<128x160xf32>, vector<128x160xf32> -> vector<128x160xf32>
    %eq3A_367 = vector.broadcast %sub3A_360 : vector<128x1xi32> to vector<128x32xi32>
    %eq3A_368 = arith.cmpi eq, %eq3A_367, %iota3A_36 : vector<128x32xi32>
    %slice3A_369 = vector.extract_strided_slice %dot_general3A_366 {offsets = [0, 0], sizes = [128, 32], strides = [1, 1]} : vector<128x160xf32> to vector<128x32xf32>
    %jit3A_370 = arith.constant 0.000000e+00 : f32
    %broadcast_in_dim3A_371 = vector.broadcast %jit3A_370 : f32 to vector<128x32xf32>
    %select_n3A_372 = arith.select %eq3A_368, %slice3A_369, %broadcast_in_dim3A_371 : vector<128x32xi1>, vector<128x32xf32>
    %reduce_sum3A_373 = arith.constant dense<0.000000e+00> : vector<128xf32>
    %reduce_sum3A_374 = vector.multi_reduction <add>, %select_n3A_372, %reduce_sum3A_373 [1] : vector<128x32xf32> to vector<128xf32>
    %broadcast_in_dim3A_375 = vector.shape_cast %reduce_sum3A_374 : vector<128xf32> to vector<128x1xf32>
    %slice3A_376 = vector.extract_strided_slice %dot_general3A_366 {offsets = [0, 32], sizes = [128, 32], strides = [1, 1]} : vector<128x160xf32> to vector<128x32xf32>
    %jit3A_377 = arith.constant 0.000000e+00 : f32
    %broadcast_in_dim3A_378 = vector.broadcast %jit3A_377 : f32 to vector<128x32xf32>
    %select_n3A_379 = arith.select %eq3A_368, %slice3A_376, %broadcast_in_dim3A_378 : vector<128x32xi1>, vector<128x32xf32>
    %reduce_sum3A_380 = arith.constant dense<0.000000e+00> : vector<128xf32>
    %reduce_sum3A_381 = vector.multi_reduction <add>, %select_n3A_379, %reduce_sum3A_380 [1] : vector<128x32xf32> to vector<128xf32>
    %broadcast_in_dim3A_382 = vector.shape_cast %reduce_sum3A_381 : vector<128xf32> to vector<128x1xf32>
    %slice3A_383 = vector.extract_strided_slice %dot_general3A_366 {offsets = [0, 64], sizes = [128, 32], strides = [1, 1]} : vector<128x160xf32> to vector<128x32xf32>
    %jit3A_384 = arith.constant 0.000000e+00 : f32
    %broadcast_in_dim3A_385 = vector.broadcast %jit3A_384 : f32 to vector<128x32xf32>
    %select_n3A_386 = arith.select %eq3A_368, %slice3A_383, %broadcast_in_dim3A_385 : vector<128x32xi1>, vector<128x32xf32>
    %reduce_sum3A_387 = arith.constant dense<0.000000e+00> : vector<128xf32>
    %reduce_sum3A_388 = vector.multi_reduction <add>, %select_n3A_386, %reduce_sum3A_387 [1] : vector<128x32xf32> to vector<128xf32>
    %broadcast_in_dim3A_389 = vector.shape_cast %reduce_sum3A_388 : vector<128xf32> to vector<128x1xf32>
    %slice3A_390 = vector.extract_strided_slice %dot_general3A_366 {offsets = [0, 96], sizes = [128, 32], strides = [1, 1]} : vector<128x160xf32> to vector<128x32xf32>
    %jit3A_391 = arith.constant 0.000000e+00 : f32
    %broadcast_in_dim3A_392 = vector.broadcast %jit3A_391 : f32 to vector<128x32xf32>
    %select_n3A_393 = arith.select %eq3A_368, %slice3A_390, %broadcast_in_dim3A_392 : vector<128x32xi1>, vector<128x32xf32>
    %reduce_sum3A_394 = arith.constant dense<0.000000e+00> : vector<128xf32>
    %reduce_sum3A_395 = vector.multi_reduction <add>, %select_n3A_393, %reduce_sum3A_394 [1] : vector<128x32xf32> to vector<128xf32>
    %broadcast_in_dim3A_396 = vector.shape_cast %reduce_sum3A_395 : vector<128xf32> to vector<128x1xf32>
    %slice3A_397 = vector.extract_strided_slice %dot_general3A_366 {offsets = [0, 128], sizes = [128, 32], strides = [1, 1]} : vector<128x160xf32> to vector<128x32xf32>
    %jit3A_398 = arith.constant 0.000000e+00 : f32
    %broadcast_in_dim3A_399 = vector.broadcast %jit3A_398 : f32 to vector<128x32xf32>
    %select_n3A_400 = arith.select %eq3A_368, %slice3A_397, %broadcast_in_dim3A_399 : vector<128x32xi1>, vector<128x32xf32>
    %reduce_sum3A_401 = arith.constant dense<0.000000e+00> : vector<128xf32>
    %reduce_sum3A_402 = vector.multi_reduction <add>, %select_n3A_400, %reduce_sum3A_401 [1] : vector<128x32xf32> to vector<128xf32>
    %broadcast_in_dim3A_403 = vector.shape_cast %reduce_sum3A_402 : vector<128xf32> to vector<128x1xf32>
    %convert_element_type3A_404 = arith.fptosi %broadcast_in_dim3A_403 : vector<128x1xf32> to vector<128x1xi32>
    %eq3A_405 = vector.broadcast %convert_element_type3A_404 : vector<128x1xi32> to vector<128x128xi32>
    %eq3A_406 = arith.cmpi eq, %eq3A_405, %iota3A_37 : vector<128x128xi32>
    %convert_element_type3A_407 = arith.extui %eq3A_406 : vector<128x128xi1> to vector<128x128xi32>
    %convert_element_type3A_408 = arith.sitofp %convert_element_type3A_407 : vector<128x128xi32> to vector<128x128xf32>
    %dot_general3A_409 = arith.constant dense<0.000000e+00> : vector<128x64xf32>
    %dot_general3A_410 = tpu.matmul %convert_element_type3A_408, %get3A_45, %dot_general3A_409 {dimension_numbers = #tpu.dot_dimension_numbers<[1], [0], [0], [1], [0, 0, 1, 1], [], []>, transpose_lhs_hint = false} : vector<128x128xf32>, vector<128x64xf32>, vector<128x64xf32> -> vector<128x64xf32>
    %sub3A_411 = vector.broadcast %broadcast_in_dim3A_312 : vector<128x1xf32> to vector<128x32xf32>
    %sub3A_412 = vector.broadcast %get3A_48 : vector<1x32xf32> to vector<128x32xf32>
    %sub3A_413 = arith.subf %sub3A_411, %sub3A_412 : vector<128x32xf32>
    %integer_pow3A_414 = arith.mulf %sub3A_413, %sub3A_413 : vector<128x32xf32>
    %mul3A_415 = arith.constant -28.4444447 : f32
    %mul3A_416 = vector.broadcast %mul3A_415 : f32 to vector<128x32xf32>
    %mul3A_417 = arith.mulf %mul3A_416, %integer_pow3A_414 : vector<128x32xf32>
    %exp3A_418 = math.exp %mul3A_417 : vector<128x32xf32>
    %sub3A_419 = arith.subf %slice3A, %broadcast_in_dim3A_375 : vector<128x1xf32>
    %sub3A_420 = arith.subf %slice3A_4, %broadcast_in_dim3A_382 : vector<128x1xf32>
    %sub3A_421 = arith.subf %slice3A_5, %broadcast_in_dim3A_389 : vector<128x1xf32>
    %concatenate3A_422 = tpu.concatenate %sub3A_419, %sub3A_420, %sub3A_421, %broadcast_in_dim3A_396, %dot_general3A_410, %exp3A_418, %broadcast_in_dim3A_312 in 1 : vector<128x1xf32>, vector<128x1xf32>, vector<128x1xf32>, vector<128x1xf32>, vector<128x64xf32>, vector<128x32xf32>, vector<128x1xf32> -> vector<128x101xf32>
    %le3A_423 = arith.constant 6.000000e+00 : f32
    %le3A_424 = vector.broadcast %le3A_423 : f32 to vector<128x1xf32>
    %le3A_425 = arith.cmpf ole, %broadcast_in_dim3A_312, %le3A_424 : vector<128x1xf32>
    %jit3A_426 = arith.constant 0.000000e+00 : f32
    %broadcast_in_dim3A_427 = vector.shape_cast %le3A_425 : vector<128x1xi1> to vector<128x1xi1>
    %broadcast_in_dim3A_428 = vector.broadcast %broadcast_in_dim3A_427 : vector<128x1xi1> to vector<128x101xi1>
    %broadcast_in_dim3A_429 = vector.broadcast %jit3A_426 : f32 to vector<128x101xf32>
    %select_n3A_430 = arith.select %broadcast_in_dim3A_428, %concatenate3A_422, %broadcast_in_dim3A_429 : vector<128x101xi1>, vector<128x101xf32>
    %swap3A_431 = arith.constant 0 : index
    %swap3A_432 = arith.constant 2 : index
    %swap3A_433 = arith.constant 0 : index
    %swap3A_434 = arith.constant 0 : index
    %swap3A_435 = vector.load %arg7[%swap3A_431, %swap3A_432, %swap3A_433, %swap3A_434] : memref<1x32x128x101xf32, #tpu.memory_space<vmem>>, vector<1x1x128x101xf32>
    %swap3A_436 = vector.shape_cast %swap3A_435 : vector<1x1x128x101xf32> to vector<128x101xf32>
    %swap3A_437 = vector.shape_cast %select_n3A_430 : vector<128x101xf32> to vector<1x1x128x101xf32>
    tpu.vector_store %arg7[%swap3A_431, %swap3A_432, %swap3A_433, %swap3A_434], %swap3A_437 {strides = array<i32>} : memref<1x32x128x101xf32, #tpu.memory_space<vmem>>, vector<1x1x128x101xf32>,
    %eq3A_438 = arith.constant 2 : i32
    %eq3A_439 = vector.broadcast %eq3A_438 : i32 to vector<128x32xi32>
    %eq3A_440 = arith.cmpi eq, %iota3A, %eq3A_439 : vector<128x32xi32>
    %broadcast_in_dim3A_441 = vector.shape_cast %broadcast_in_dim3A_312 : vector<128x1xf32> to vector<128x1xf32>
    %broadcast_in_dim3A_442 = vector.broadcast %broadcast_in_dim3A_441 : vector<128x1xf32> to vector<128x32xf32>
    %select_n3A_443 = arith.select %eq3A_440, %broadcast_in_dim3A_442, %select_n3A_306 : vector<128x32xi1>, vector<128x32xf32>
    %broadcast_in_dim3A_444 = vector.shape_cast %broadcast_in_dim3A_320 : vector<128x1xi32> to vector<128x1xi32>
    %broadcast_in_dim3A_445 = vector.broadcast %broadcast_in_dim3A_444 : vector<128x1xi32> to vector<128x32xi32>
    %select_n3A_446 = arith.select %eq3A_440, %broadcast_in_dim3A_445, %select_n3A_309 : vector<128x32xi1>, vector<128x32xi32>
    %reduce_min3A_447 = arith.constant dense<0x7F800000> : vector<128xf32>
    %reduce_min3A_448 = vector.multi_reduction <minimumf>, %select_n3A_325, %reduce_min3A_447 [1] : vector<128x4096xf32> to vector<128xf32>
    %broadcast_in_dim3A_449 = vector.shape_cast %reduce_min3A_448 : vector<128xf32> to vector<128x1xf32>
    %eq3A_450 = vector.broadcast %broadcast_in_dim3A_449 : vector<128x1xf32> to vector<128x4096xf32>
    %eq3A_451 = arith.cmpf oeq, %select_n3A_325, %eq3A_450 : vector<128x4096xf32>
    %jit3A_452 = arith.constant 4096 : i32
    %broadcast_in_dim3A_453 = vector.broadcast %jit3A_452 : i32 to vector<128x4096xi32>
    %select_n3A_454 = arith.select %eq3A_451, %iota3A_49, %broadcast_in_dim3A_453 : vector<128x4096xi1>, vector<128x4096xi32>
    %reduce_min3A_455 = arith.constant dense<2147483647> : vector<128xi32>
    %reduce_min3A_456 = vector.multi_reduction <minsi>, %select_n3A_454, %reduce_min3A_455 [1] : vector<128x4096xi32> to vector<128xi32>
    %broadcast_in_dim3A_457 = vector.shape_cast %reduce_min3A_456 : vector<128xi32> to vector<128x1xi32>
    %eq3A_458 = vector.broadcast %broadcast_in_dim3A_457 : vector<128x1xi32> to vector<128x4096xi32>
    %eq3A_459 = arith.cmpi eq, %iota3A_49, %eq3A_458 : vector<128x4096xi32>
    %jit3A_460 = arith.constant 0x7F800000 : f32
    %broadcast_in_dim3A_461 = vector.broadcast %jit3A_460 : f32 to vector<128x4096xf32>
    %select_n3A_462 = arith.select %eq3A_459, %broadcast_in_dim3A_461, %select_n3A_325 : vector<128x4096xi1>, vector<128x4096xf32>
    %jit3A_463 = arith.constant 32 : i32
    %div3A_464 = vector.broadcast %jit3A_463 : i32 to vector<128x1xi32>
    %div3A_465 = arith.divsi %broadcast_in_dim3A_457, %div3A_464 : vector<128x1xi32>
    %sign3A_466 = arith.constant 0 : i32
    %sign3A_467 = vector.broadcast %sign3A_466 : i32 to vector<128x1xi32>
    %sign3A_468 = arith.cmpi sgt, %broadcast_in_dim3A_457, %sign3A_467 : vector<128x1xi32>
    %sign3A_469 = arith.extui %sign3A_468 : vector<128x1xi1> to vector<128x1xi32>
    %sign3A_470 = arith.constant 0 : i32
    %sign3A_471 = vector.broadcast %sign3A_470 : i32 to vector<128x1xi32>
    %sign3A_472 = arith.cmpi slt, %broadcast_in_dim3A_457, %sign3A_471 : vector<128x1xi32>
    %sign3A_473 = arith.extui %sign3A_472 : vector<128x1xi1> to vector<128x1xi32>
    %sign3A_474 = arith.subi %sign3A_469, %sign3A_473 : vector<128x1xi32>
    %sign3A_475 = arith.constant 0 : i32
    %sign3A_476 = arith.cmpi sgt, %jit3A_463, %sign3A_475 : i32
    %sign3A_477 = arith.extui %sign3A_476 : i1 to i32
    %sign3A_478 = arith.constant 0 : i32
    %sign3A_479 = arith.cmpi slt, %jit3A_463, %sign3A_478 : i32
    %sign3A_480 = arith.extui %sign3A_479 : i1 to i32
    %sign3A_481 = arith.subi %sign3A_477, %sign3A_480 : i32
    %ne3A_482 = vector.broadcast %sign3A_481 : i32 to vector<128x1xi32>
    %ne3A_483 = arith.cmpi ne, %sign3A_474, %ne3A_482 : vector<128x1xi32>
    %rem3A_484 = vector.broadcast %jit3A_463 : i32 to vector<128x1xi32>
    %rem3A_485 = arith.remsi %broadcast_in_dim3A_457, %rem3A_484 : vector<128x1xi32>
    %ne3A_486 = arith.constant 0 : i32
    %ne3A_487 = vector.broadcast %ne3A_486 : i32 to vector<128x1xi32>
    %ne3A_488 = arith.cmpi ne, %rem3A_485, %ne3A_487 : vector<128x1xi32>
    %and3A_489 = arith.andi %ne3A_483, %ne3A_488 : vector<128x1xi1>
    %sub3A_490 = arith.constant 1 : i32
    %sub3A_491 = vector.broadcast %sub3A_490 : i32 to vector<128x1xi32>
    %sub3A_492 = arith.subi %div3A_465, %sub3A_491 : vector<128x1xi32>
    %select_n3A_493 = arith.select %and3A_489, %sub3A_492, %div3A_465 : vector<128x1xi1>, vector<128x1xi32>
    %mul3A_494 = arith.constant 32 : i32
    %mul3A_495 = vector.broadcast %mul3A_494 : i32 to vector<128x1xi32>
    %mul3A_496 = arith.muli %select_n3A_493, %mul3A_495 : vector<128x1xi32>
    %sub3A_497 = arith.subi %broadcast_in_dim3A_457, %mul3A_496 : vector<128x1xi32>
    %eq3A_498 = vector.broadcast %select_n3A_493 : vector<128x1xi32> to vector<128x128xi32>
    %eq3A_499 = arith.cmpi eq, %eq3A_498, %iota3A_35 : vector<128x128xi32>
    %convert_element_type3A_500 = arith.extui %eq3A_499 : vector<128x128xi1> to vector<128x128xi32>
    %convert_element_type3A_501 = arith.sitofp %convert_element_type3A_500 : vector<128x128xi32> to vector<128x128xf32>
    %dot_general3A_502 = arith.constant dense<0.000000e+00> : vector<128x160xf32>
    %dot_general3A_503 = tpu.matmul %convert_element_type3A_501, %get3A_42, %dot_general3A_502 {dimension_numbers = #tpu.dot_dimension_numbers<[1], [0], [0], [1], [0, 0, 1, 1], [], []>, transpose_lhs_hint = false} : vector<128x128xf32>, vector<128x160xf32>, vector<128x160xf32> -> vector<128x160xf32>
    %eq3A_504 = vector.broadcast %sub3A_497 : vector<128x1xi32> to vector<128x32xi32>
    %eq3A_505 = arith.cmpi eq, %eq3A_504, %iota3A_36 : vector<128x32xi32>
    %slice3A_506 = vector.extract_strided_slice %dot_general3A_503 {offsets = [0, 0], sizes = [128, 32], strides = [1, 1]} : vector<128x160xf32> to vector<128x32xf32>
    %jit3A_507 = arith.constant 0.000000e+00 : f32
    %broadcast_in_dim3A_508 = vector.broadcast %jit3A_507 : f32 to vector<128x32xf32>
    %select_n3A_509 = arith.select %eq3A_505, %slice3A_506, %broadcast_in_dim3A_508 : vector<128x32xi1>, vector<128x32xf32>
    %reduce_sum3A_510 = arith.constant dense<0.000000e+00> : vector<128xf32>
    %reduce_sum3A_511 = vector.multi_reduction <add>, %select_n3A_509, %reduce_sum3A_510 [1] : vector<128x32xf32> to vector<128xf32>
    %broadcast_in_dim3A_512 = vector.shape_cast %reduce_sum3A_511 : vector<128xf32> to vector<128x1xf32>
    %slice3A_513 = vector.extract_strided_slice %dot_general3A_503 {offsets = [0, 32], sizes = [128, 32], strides = [1, 1]} : vector<128x160xf32> to vector<128x32xf32>
    %jit3A_514 = arith.constant 0.000000e+00 : f32
    %broadcast_in_dim3A_515 = vector.broadcast %jit3A_514 : f32 to vector<128x32xf32>
    %select_n3A_516 = arith.select %eq3A_505, %slice3A_513, %broadcast_in_dim3A_515 : vector<128x32xi1>, vector<128x32xf32>
    %reduce_sum3A_517 = arith.constant dense<0.000000e+00> : vector<128xf32>
    %reduce_sum3A_518 = vector.multi_reduction <add>, %select_n3A_516, %reduce_sum3A_517 [1] : vector<128x32xf32> to vector<128xf32>
    %broadcast_in_dim3A_519 = vector.shape_cast %reduce_sum3A_518 : vector<128xf32> to vector<128x1xf32>
    %slice3A_520 = vector.extract_strided_slice %dot_general3A_503 {offsets = [0, 64], sizes = [128, 32], strides = [1, 1]} : vector<128x160xf32> to vector<128x32xf32>
    %jit3A_521 = arith.constant 0.000000e+00 : f32
    %broadcast_in_dim3A_522 = vector.broadcast %jit3A_521 : f32 to vector<128x32xf32>
    %select_n3A_523 = arith.select %eq3A_505, %slice3A_520, %broadcast_in_dim3A_522 : vector<128x32xi1>, vector<128x32xf32>
    %reduce_sum3A_524 = arith.constant dense<0.000000e+00> : vector<128xf32>
    %reduce_sum3A_525 = vector.multi_reduction <add>, %select_n3A_523, %reduce_sum3A_524 [1] : vector<128x32xf32> to vector<128xf32>
    %broadcast_in_dim3A_526 = vector.shape_cast %reduce_sum3A_525 : vector<128xf32> to vector<128x1xf32>
    %slice3A_527 = vector.extract_strided_slice %dot_general3A_503 {offsets = [0, 96], sizes = [128, 32], strides = [1, 1]} : vector<128x160xf32> to vector<128x32xf32>
    %jit3A_528 = arith.constant 0.000000e+00 : f32
    %broadcast_in_dim3A_529 = vector.broadcast %jit3A_528 : f32 to vector<128x32xf32>
    %select_n3A_530 = arith.select %eq3A_505, %slice3A_527, %broadcast_in_dim3A_529 : vector<128x32xi1>, vector<128x32xf32>
    %reduce_sum3A_531 = arith.constant dense<0.000000e+00> : vector<128xf32>
    %reduce_sum3A_532 = vector.multi_reduction <add>, %select_n3A_530, %reduce_sum3A_531 [1] : vector<128x32xf32> to vector<128xf32>
    %broadcast_in_dim3A_533 = vector.shape_cast %reduce_sum3A_532 : vector<128xf32> to vector<128x1xf32>
    %slice3A_534 = vector.extract_strided_slice %dot_general3A_503 {offsets = [0, 128], sizes = [128, 32], strides = [1, 1]} : vector<128x160xf32> to vector<128x32xf32>
    %jit3A_535 = arith.constant 0.000000e+00 : f32
    %broadcast_in_dim3A_536 = vector.broadcast %jit3A_535 : f32 to vector<128x32xf32>
    %select_n3A_537 = arith.select %eq3A_505, %slice3A_534, %broadcast_in_dim3A_536 : vector<128x32xi1>, vector<128x32xf32>
    %reduce_sum3A_538 = arith.constant dense<0.000000e+00> : vector<128xf32>
    %reduce_sum3A_539 = vector.multi_reduction <add>, %select_n3A_537, %reduce_sum3A_538 [1] : vector<128x32xf32> to vector<128xf32>
    %broadcast_in_dim3A_540 = vector.shape_cast %reduce_sum3A_539 : vector<128xf32> to vector<128x1xf32>
    %convert_element_type3A_541 = arith.fptosi %broadcast_in_dim3A_540 : vector<128x1xf32> to vector<128x1xi32>
    %eq3A_542 = vector.broadcast %convert_element_type3A_541 : vector<128x1xi32> to vector<128x128xi32>
    %eq3A_543 = arith.cmpi eq, %eq3A_542, %iota3A_37 : vector<128x128xi32>
    %convert_element_type3A_544 = arith.extui %eq3A_543 : vector<128x128xi1> to vector<128x128xi32>
    %convert_element_type3A_545 = arith.sitofp %convert_element_type3A_544 : vector<128x128xi32> to vector<128x128xf32>
    %dot_general3A_546 = arith.constant dense<0.000000e+00> : vector<128x64xf32>
    %dot_general3A_547 = tpu.matmul %convert_element_type3A_545, %get3A_45, %dot_general3A_546 {dimension_numbers = #tpu.dot_dimension_numbers<[1], [0], [0], [1], [0, 0, 1, 1], [], []>, transpose_lhs_hint = false} : vector<128x128xf32>, vector<128x64xf32>, vector<128x64xf32> -> vector<128x64xf32>
    %sub3A_548 = vector.broadcast %broadcast_in_dim3A_449 : vector<128x1xf32> to vector<128x32xf32>
    %sub3A_549 = vector.broadcast %get3A_48 : vector<1x32xf32> to vector<128x32xf32>
    %sub3A_550 = arith.subf %sub3A_548, %sub3A_549 : vector<128x32xf32>
    %integer_pow3A_551 = arith.mulf %sub3A_550, %sub3A_550 : vector<128x32xf32>
    %mul3A_552 = arith.constant -28.4444447 : f32
    %mul3A_553 = vector.broadcast %mul3A_552 : f32 to vector<128x32xf32>
    %mul3A_554 = arith.mulf %mul3A_553, %integer_pow3A_551 : vector<128x32xf32>
    %exp3A_555 = math.exp %mul3A_554 : vector<128x32xf32>
    %sub3A_556 = arith.subf %slice3A, %broadcast_in_dim3A_512 : vector<128x1xf32>
    %sub3A_557 = arith.subf %slice3A_4, %broadcast_in_dim3A_519 : vector<128x1xf32>
    %sub3A_558 = arith.subf %slice3A_5, %broadcast_in_dim3A_526 : vector<128x1xf32>
    %concatenate3A_559 = tpu.concatenate %sub3A_556, %sub3A_557, %sub3A_558, %broadcast_in_dim3A_533, %dot_general3A_547, %exp3A_555, %broadcast_in_dim3A_449 in 1 : vector<128x1xf32>, vector<128x1xf32>, vector<128x1xf32>, vector<128x1xf32>, vector<128x64xf32>, vector<128x32xf32>, vector<128x1xf32> -> vector<128x101xf32>
    %le3A_560 = arith.constant 6.000000e+00 : f32
    %le3A_561 = vector.broadcast %le3A_560 : f32 to vector<128x1xf32>
    %le3A_562 = arith.cmpf ole, %broadcast_in_dim3A_449, %le3A_561 : vector<128x1xf32>
    %jit3A_563 = arith.constant 0.000000e+00 : f32
    %broadcast_in_dim3A_564 = vector.shape_cast %le3A_562 : vector<128x1xi1> to vector<128x1xi1>
    %broadcast_in_dim3A_565 = vector.broadcast %broadcast_in_dim3A_564 : vector<128x1xi1> to vector<128x101xi1>
    %broadcast_in_dim3A_566 = vector.broadcast %jit3A_563 : f32 to vector<128x101xf32>
    %select_n3A_567 = arith.select %broadcast_in_dim3A_565, %concatenate3A_559, %broadcast_in_dim3A_566 : vector<128x101xi1>, vector<128x101xf32>
    %swap3A_568 = arith.constant 0 : index
    %swap3A_569 = arith.constant 3 : index
    %swap3A_570 = arith.constant 0 : index
    %swap3A_571 = arith.constant 0 : index
    %swap3A_572 = vector.load %arg7[%swap3A_568, %swap3A_569, %swap3A_570, %swap3A_571] : memref<1x32x128x101xf32, #tpu.memory_space<vmem>>, vector<1x1x128x101xf32>
    %swap3A_573 = vector.shape_cast %swap3A_572 : vector<1x1x128x101xf32> to vector<128x101xf32>
    %swap3A_574 = vector.shape_cast %select_n3A_567 : vector<128x101xf32> to vector<1x1x128x101xf32>
    tpu.vector_store %arg7[%swap3A_568, %swap3A_569, %swap3A_570, %swap3A_571], %swap3A_574 {strides = array<i32>} : memref<1x32x128x101xf32, #tpu.memory_space<vmem>>, vector<1x1x128x101xf32>,
    %eq3A_575 = arith.constant 3 : i32
    %eq3A_576 = vector.broadcast %eq3A_575 : i32 to vector<128x32xi32>
    %eq3A_577 = arith.cmpi eq, %iota3A, %eq3A_576 : vector<128x32xi32>
    %broadcast_in_dim3A_578 = vector.shape_cast %broadcast_in_dim3A_449 : vector<128x1xf32> to vector<128x1xf32>
    %broadcast_in_dim3A_579 = vector.broadcast %broadcast_in_dim3A_578 : vector<128x1xf32> to vector<128x32xf32>
    %select_n3A_580 = arith.select %eq3A_577, %broadcast_in_dim3A_579, %select_n3A_443 : vector<128x32xi1>, vector<128x32xf32>
    %broadcast_in_dim3A_581 = vector.shape_cast %broadcast_in_dim3A_457 : vector<128x1xi32> to vector<128x1xi32>
    %broadcast_in_dim3A_582 = vector.broadcast %broadcast_in_dim3A_581 : vector<128x1xi32> to vector<128x32xi32>
    %select_n3A_583 = arith.select %eq3A_577, %broadcast_in_dim3A_582, %select_n3A_446 : vector<128x32xi1>, vector<128x32xi32>
    %reduce_min3A_584 = arith.constant dense<0x7F800000> : vector<128xf32>
    %reduce_min3A_585 = vector.multi_reduction <minimumf>, %select_n3A_462, %reduce_min3A_584 [1] : vector<128x4096xf32> to vector<128xf32>
    %broadcast_in_dim3A_586 = vector.shape_cast %reduce_min3A_585 : vector<128xf32> to vector<128x1xf32>
    %eq3A_587 = vector.broadcast %broadcast_in_dim3A_586 : vector<128x1xf32> to vector<128x4096xf32>
    %eq3A_588 = arith.cmpf oeq, %select_n3A_462, %eq3A_587 : vector<128x4096xf32>
    %jit3A_589 = arith.constant 4096 : i32
    %broadcast_in_dim3A_590 = vector.broadcast %jit3A_589 : i32 to vector<128x4096xi32>
    %select_n3A_591 = arith.select %eq3A_588, %iota3A_49, %broadcast_in_dim3A_590 : vector<128x4096xi1>, vector<128x4096xi32>
    %reduce_min3A_592 = arith.constant dense<2147483647> : vector<128xi32>
    %reduce_min3A_593 = vector.multi_reduction <minsi>, %select_n3A_591, %reduce_min3A_592 [1] : vector<128x4096xi32> to vector<128xi32>
    %broadcast_in_dim3A_594 = vector.shape_cast %reduce_min3A_593 : vector<128xi32> to vector<128x1xi32>
    %eq3A_595 = vector.broadcast %broadcast_in_dim3A_594 : vector<128x1xi32> to vector<128x4096xi32>
    %eq3A_596 = arith.cmpi eq, %iota3A_49, %eq3A_595 : vector<128x4096xi32>
    %jit3A_597 = arith.constant 0x7F800000 : f32
    %broadcast_in_dim3A_598 = vector.broadcast %jit3A_597 : f32 to vector<128x4096xf32>
    %select_n3A_599 = arith.select %eq3A_596, %broadcast_in_dim3A_598, %select_n3A_462 : vector<128x4096xi1>, vector<128x4096xf32>
    %jit3A_600 = arith.constant 32 : i32
    %div3A_601 = vector.broadcast %jit3A_600 : i32 to vector<128x1xi32>
    %div3A_602 = arith.divsi %broadcast_in_dim3A_594, %div3A_601 : vector<128x1xi32>
    %sign3A_603 = arith.constant 0 : i32
    %sign3A_604 = vector.broadcast %sign3A_603 : i32 to vector<128x1xi32>
    %sign3A_605 = arith.cmpi sgt, %broadcast_in_dim3A_594, %sign3A_604 : vector<128x1xi32>
    %sign3A_606 = arith.extui %sign3A_605 : vector<128x1xi1> to vector<128x1xi32>
    %sign3A_607 = arith.constant 0 : i32
    %sign3A_608 = vector.broadcast %sign3A_607 : i32 to vector<128x1xi32>
    %sign3A_609 = arith.cmpi slt, %broadcast_in_dim3A_594, %sign3A_608 : vector<128x1xi32>
    %sign3A_610 = arith.extui %sign3A_609 : vector<128x1xi1> to vector<128x1xi32>
    %sign3A_611 = arith.subi %sign3A_606, %sign3A_610 : vector<128x1xi32>
    %sign3A_612 = arith.constant 0 : i32
    %sign3A_613 = arith.cmpi sgt, %jit3A_600, %sign3A_612 : i32
    %sign3A_614 = arith.extui %sign3A_613 : i1 to i32
    %sign3A_615 = arith.constant 0 : i32
    %sign3A_616 = arith.cmpi slt, %jit3A_600, %sign3A_615 : i32
    %sign3A_617 = arith.extui %sign3A_616 : i1 to i32
    %sign3A_618 = arith.subi %sign3A_614, %sign3A_617 : i32
    %ne3A_619 = vector.broadcast %sign3A_618 : i32 to vector<128x1xi32>
    %ne3A_620 = arith.cmpi ne, %sign3A_611, %ne3A_619 : vector<128x1xi32>
    %rem3A_621 = vector.broadcast %jit3A_600 : i32 to vector<128x1xi32>
    %rem3A_622 = arith.remsi %broadcast_in_dim3A_594, %rem3A_621 : vector<128x1xi32>
    %ne3A_623 = arith.constant 0 : i32
    %ne3A_624 = vector.broadcast %ne3A_623 : i32 to vector<128x1xi32>
    %ne3A_625 = arith.cmpi ne, %rem3A_622, %ne3A_624 : vector<128x1xi32>
    %and3A_626 = arith.andi %ne3A_620, %ne3A_625 : vector<128x1xi1>
    %sub3A_627 = arith.constant 1 : i32
    %sub3A_628 = vector.broadcast %sub3A_627 : i32 to vector<128x1xi32>
    %sub3A_629 = arith.subi %div3A_602, %sub3A_628 : vector<128x1xi32>
    %select_n3A_630 = arith.select %and3A_626, %sub3A_629, %div3A_602 : vector<128x1xi1>, vector<128x1xi32>
    %mul3A_631 = arith.constant 32 : i32
    %mul3A_632 = vector.broadcast %mul3A_631 : i32 to vector<128x1xi32>
    %mul3A_633 = arith.muli %select_n3A_630, %mul3A_632 : vector<128x1xi32>
    %sub3A_634 = arith.subi %broadcast_in_dim3A_594, %mul3A_633 : vector<128x1xi32>
    %eq3A_635 = vector.broadcast %select_n3A_630 : vector<128x1xi32> to vector<128x128xi32>
    %eq3A_636 = arith.cmpi eq, %eq3A_635, %iota3A_35 : vector<128x128xi32>
    %convert_element_type3A_637 = arith.extui %eq3A_636 : vector<128x128xi1> to vector<128x128xi32>
    %convert_element_type3A_638 = arith.sitofp %convert_element_type3A_637 : vector<128x128xi32> to vector<128x128xf32>
    %dot_general3A_639 = arith.constant dense<0.000000e+00> : vector<128x160xf32>
    %dot_general3A_640 = tpu.matmul %convert_element_type3A_638, %get3A_42, %dot_general3A_639 {dimension_numbers = #tpu.dot_dimension_numbers<[1], [0], [0], [1], [0, 0, 1, 1], [], []>, transpose_lhs_hint = false} : vector<128x128xf32>, vector<128x160xf32>, vector<128x160xf32> -> vector<128x160xf32>
    %eq3A_641 = vector.broadcast %sub3A_634 : vector<128x1xi32> to vector<128x32xi32>
    %eq3A_642 = arith.cmpi eq, %eq3A_641, %iota3A_36 : vector<128x32xi32>
    %slice3A_643 = vector.extract_strided_slice %dot_general3A_640 {offsets = [0, 0], sizes = [128, 32], strides = [1, 1]} : vector<128x160xf32> to vector<128x32xf32>
    %jit3A_644 = arith.constant 0.000000e+00 : f32
    %broadcast_in_dim3A_645 = vector.broadcast %jit3A_644 : f32 to vector<128x32xf32>
    %select_n3A_646 = arith.select %eq3A_642, %slice3A_643, %broadcast_in_dim3A_645 : vector<128x32xi1>, vector<128x32xf32>
    %reduce_sum3A_647 = arith.constant dense<0.000000e+00> : vector<128xf32>
    %reduce_sum3A_648 = vector.multi_reduction <add>, %select_n3A_646, %reduce_sum3A_647 [1] : vector<128x32xf32> to vector<128xf32>
    %broadcast_in_dim3A_649 = vector.shape_cast %reduce_sum3A_648 : vector<128xf32> to vector<128x1xf32>
    %slice3A_650 = vector.extract_strided_slice %dot_general3A_640 {offsets = [0, 32], sizes = [128, 32], strides = [1, 1]} : vector<128x160xf32> to vector<128x32xf32>
    %jit3A_651 = arith.constant 0.000000e+00 : f32
    %broadcast_in_dim3A_652 = vector.broadcast %jit3A_651 : f32 to vector<128x32xf32>
    %select_n3A_653 = arith.select %eq3A_642, %slice3A_650, %broadcast_in_dim3A_652 : vector<128x32xi1>, vector<128x32xf32>
    %reduce_sum3A_654 = arith.constant dense<0.000000e+00> : vector<128xf32>
    %reduce_sum3A_655 = vector.multi_reduction <add>, %select_n3A_653, %reduce_sum3A_654 [1] : vector<128x32xf32> to vector<128xf32>
    %broadcast_in_dim3A_656 = vector.shape_cast %reduce_sum3A_655 : vector<128xf32> to vector<128x1xf32>
    %slice3A_657 = vector.extract_strided_slice %dot_general3A_640 {offsets = [0, 64], sizes = [128, 32], strides = [1, 1]} : vector<128x160xf32> to vector<128x32xf32>
    %jit3A_658 = arith.constant 0.000000e+00 : f32
    %broadcast_in_dim3A_659 = vector.broadcast %jit3A_658 : f32 to vector<128x32xf32>
    %select_n3A_660 = arith.select %eq3A_642, %slice3A_657, %broadcast_in_dim3A_659 : vector<128x32xi1>, vector<128x32xf32>
    %reduce_sum3A_661 = arith.constant dense<0.000000e+00> : vector<128xf32>
    %reduce_sum3A_662 = vector.multi_reduction <add>, %select_n3A_660, %reduce_sum3A_661 [1] : vector<128x32xf32> to vector<128xf32>
    %broadcast_in_dim3A_663 = vector.shape_cast %reduce_sum3A_662 : vector<128xf32> to vector<128x1xf32>
    %slice3A_664 = vector.extract_strided_slice %dot_general3A_640 {offsets = [0, 96], sizes = [128, 32], strides = [1, 1]} : vector<128x160xf32> to vector<128x32xf32>
    %jit3A_665 = arith.constant 0.000000e+00 : f32
    %broadcast_in_dim3A_666 = vector.broadcast %jit3A_665 : f32 to vector<128x32xf32>
    %select_n3A_667 = arith.select %eq3A_642, %slice3A_664, %broadcast_in_dim3A_666 : vector<128x32xi1>, vector<128x32xf32>
    %reduce_sum3A_668 = arith.constant dense<0.000000e+00> : vector<128xf32>
    %reduce_sum3A_669 = vector.multi_reduction <add>, %select_n3A_667, %reduce_sum3A_668 [1] : vector<128x32xf32> to vector<128xf32>
    %broadcast_in_dim3A_670 = vector.shape_cast %reduce_sum3A_669 : vector<128xf32> to vector<128x1xf32>
    %slice3A_671 = vector.extract_strided_slice %dot_general3A_640 {offsets = [0, 128], sizes = [128, 32], strides = [1, 1]} : vector<128x160xf32> to vector<128x32xf32>
    %jit3A_672 = arith.constant 0.000000e+00 : f32
    %broadcast_in_dim3A_673 = vector.broadcast %jit3A_672 : f32 to vector<128x32xf32>
    %select_n3A_674 = arith.select %eq3A_642, %slice3A_671, %broadcast_in_dim3A_673 : vector<128x32xi1>, vector<128x32xf32>
    %reduce_sum3A_675 = arith.constant dense<0.000000e+00> : vector<128xf32>
    %reduce_sum3A_676 = vector.multi_reduction <add>, %select_n3A_674, %reduce_sum3A_675 [1] : vector<128x32xf32> to vector<128xf32>
    %broadcast_in_dim3A_677 = vector.shape_cast %reduce_sum3A_676 : vector<128xf32> to vector<128x1xf32>
    %convert_element_type3A_678 = arith.fptosi %broadcast_in_dim3A_677 : vector<128x1xf32> to vector<128x1xi32>
    %eq3A_679 = vector.broadcast %convert_element_type3A_678 : vector<128x1xi32> to vector<128x128xi32>
    %eq3A_680 = arith.cmpi eq, %eq3A_679, %iota3A_37 : vector<128x128xi32>
    %convert_element_type3A_681 = arith.extui %eq3A_680 : vector<128x128xi1> to vector<128x128xi32>
    %convert_element_type3A_682 = arith.sitofp %convert_element_type3A_681 : vector<128x128xi32> to vector<128x128xf32>
    %dot_general3A_683 = arith.constant dense<0.000000e+00> : vector<128x64xf32>
    %dot_general3A_684 = tpu.matmul %convert_element_type3A_682, %get3A_45, %dot_general3A_683 {dimension_numbers = #tpu.dot_dimension_numbers<[1], [0], [0], [1], [0, 0, 1, 1], [], []>, transpose_lhs_hint = false} : vector<128x128xf32>, vector<128x64xf32>, vector<128x64xf32> -> vector<128x64xf32>
    %sub3A_685 = vector.broadcast %broadcast_in_dim3A_586 : vector<128x1xf32> to vector<128x32xf32>
    %sub3A_686 = vector.broadcast %get3A_48 : vector<1x32xf32> to vector<128x32xf32>
    %sub3A_687 = arith.subf %sub3A_685, %sub3A_686 : vector<128x32xf32>
    %integer_pow3A_688 = arith.mulf %sub3A_687, %sub3A_687 : vector<128x32xf32>
    %mul3A_689 = arith.constant -28.4444447 : f32
    %mul3A_690 = vector.broadcast %mul3A_689 : f32 to vector<128x32xf32>
    %mul3A_691 = arith.mulf %mul3A_690, %integer_pow3A_688 : vector<128x32xf32>
    %exp3A_692 = math.exp %mul3A_691 : vector<128x32xf32>
    %sub3A_693 = arith.subf %slice3A, %broadcast_in_dim3A_649 : vector<128x1xf32>
    %sub3A_694 = arith.subf %slice3A_4, %broadcast_in_dim3A_656 : vector<128x1xf32>
    %sub3A_695 = arith.subf %slice3A_5, %broadcast_in_dim3A_663 : vector<128x1xf32>
    %concatenate3A_696 = tpu.concatenate %sub3A_693, %sub3A_694, %sub3A_695, %broadcast_in_dim3A_670, %dot_general3A_684, %exp3A_692, %broadcast_in_dim3A_586 in 1 : vector<128x1xf32>, vector<128x1xf32>, vector<128x1xf32>, vector<128x1xf32>, vector<128x64xf32>, vector<128x32xf32>, vector<128x1xf32> -> vector<128x101xf32>
    %le3A_697 = arith.constant 6.000000e+00 : f32
    %le3A_698 = vector.broadcast %le3A_697 : f32 to vector<128x1xf32>
    %le3A_699 = arith.cmpf ole, %broadcast_in_dim3A_586, %le3A_698 : vector<128x1xf32>
    %jit3A_700 = arith.constant 0.000000e+00 : f32
    %broadcast_in_dim3A_701 = vector.shape_cast %le3A_699 : vector<128x1xi1> to vector<128x1xi1>
    %broadcast_in_dim3A_702 = vector.broadcast %broadcast_in_dim3A_701 : vector<128x1xi1> to vector<128x101xi1>
    %broadcast_in_dim3A_703 = vector.broadcast %jit3A_700 : f32 to vector<128x101xf32>
    %select_n3A_704 = arith.select %broadcast_in_dim3A_702, %concatenate3A_696, %broadcast_in_dim3A_703 : vector<128x101xi1>, vector<128x101xf32>
    %swap3A_705 = arith.constant 0 : index
    %swap3A_706 = arith.constant 4 : index
    %swap3A_707 = arith.constant 0 : index
    %swap3A_708 = arith.constant 0 : index
    %swap3A_709 = vector.load %arg7[%swap3A_705, %swap3A_706, %swap3A_707, %swap3A_708] : memref<1x32x128x101xf32, #tpu.memory_space<vmem>>, vector<1x1x128x101xf32>
    %swap3A_710 = vector.shape_cast %swap3A_709 : vector<1x1x128x101xf32> to vector<128x101xf32>
    %swap3A_711 = vector.shape_cast %select_n3A_704 : vector<128x101xf32> to vector<1x1x128x101xf32>
    tpu.vector_store %arg7[%swap3A_705, %swap3A_706, %swap3A_707, %swap3A_708], %swap3A_711 {strides = array<i32>} : memref<1x32x128x101xf32, #tpu.memory_space<vmem>>, vector<1x1x128x101xf32>,
    %eq3A_712 = arith.constant 4 : i32
    %eq3A_713 = vector.broadcast %eq3A_712 : i32 to vector<128x32xi32>
    %eq3A_714 = arith.cmpi eq, %iota3A, %eq3A_713 : vector<128x32xi32>
    %broadcast_in_dim3A_715 = vector.shape_cast %broadcast_in_dim3A_586 : vector<128x1xf32> to vector<128x1xf32>
    %broadcast_in_dim3A_716 = vector.broadcast %broadcast_in_dim3A_715 : vector<128x1xf32> to vector<128x32xf32>
    %select_n3A_717 = arith.select %eq3A_714, %broadcast_in_dim3A_716, %select_n3A_580 : vector<128x32xi1>, vector<128x32xf32>
    %broadcast_in_dim3A_718 = vector.shape_cast %broadcast_in_dim3A_594 : vector<128x1xi32> to vector<128x1xi32>
    %broadcast_in_dim3A_719 = vector.broadcast %broadcast_in_dim3A_718 : vector<128x1xi32> to vector<128x32xi32>
    %select_n3A_720 = arith.select %eq3A_714, %broadcast_in_dim3A_719, %select_n3A_583 : vector<128x32xi1>, vector<128x32xi32>
    %reduce_min3A_721 = arith.constant dense<0x7F800000> : vector<128xf32>
    %reduce_min3A_722 = vector.multi_reduction <minimumf>, %select_n3A_599, %reduce_min3A_721 [1] : vector<128x4096xf32> to vector<128xf32>
    %broadcast_in_dim3A_723 = vector.shape_cast %reduce_min3A_722 : vector<128xf32> to vector<128x1xf32>
    %eq3A_724 = vector.broadcast %broadcast_in_dim3A_723 : vector<128x1xf32> to vector<128x4096xf32>
    %eq3A_725 = arith.cmpf oeq, %select_n3A_599, %eq3A_724 : vector<128x4096xf32>
    %jit3A_726 = arith.constant 4096 : i32
    %broadcast_in_dim3A_727 = vector.broadcast %jit3A_726 : i32 to vector<128x4096xi32>
    %select_n3A_728 = arith.select %eq3A_725, %iota3A_49, %broadcast_in_dim3A_727 : vector<128x4096xi1>, vector<128x4096xi32>
    %reduce_min3A_729 = arith.constant dense<2147483647> : vector<128xi32>
    %reduce_min3A_730 = vector.multi_reduction <minsi>, %select_n3A_728, %reduce_min3A_729 [1] : vector<128x4096xi32> to vector<128xi32>
    %broadcast_in_dim3A_731 = vector.shape_cast %reduce_min3A_730 : vector<128xi32> to vector<128x1xi32>
    %eq3A_732 = vector.broadcast %broadcast_in_dim3A_731 : vector<128x1xi32> to vector<128x4096xi32>
    %eq3A_733 = arith.cmpi eq, %iota3A_49, %eq3A_732 : vector<128x4096xi32>
    %jit3A_734 = arith.constant 0x7F800000 : f32
    %broadcast_in_dim3A_735 = vector.broadcast %jit3A_734 : f32 to vector<128x4096xf32>
    %select_n3A_736 = arith.select %eq3A_733, %broadcast_in_dim3A_735, %select_n3A_599 : vector<128x4096xi1>, vector<128x4096xf32>
    %jit3A_737 = arith.constant 32 : i32
    %div3A_738 = vector.broadcast %jit3A_737 : i32 to vector<128x1xi32>
    %div3A_739 = arith.divsi %broadcast_in_dim3A_731, %div3A_738 : vector<128x1xi32>
    %sign3A_740 = arith.constant 0 : i32
    %sign3A_741 = vector.broadcast %sign3A_740 : i32 to vector<128x1xi32>
    %sign3A_742 = arith.cmpi sgt, %broadcast_in_dim3A_731, %sign3A_741 : vector<128x1xi32>
    %sign3A_743 = arith.extui %sign3A_742 : vector<128x1xi1> to vector<128x1xi32>
    %sign3A_744 = arith.constant 0 : i32
    %sign3A_745 = vector.broadcast %sign3A_744 : i32 to vector<128x1xi32>
    %sign3A_746 = arith.cmpi slt, %broadcast_in_dim3A_731, %sign3A_745 : vector<128x1xi32>
    %sign3A_747 = arith.extui %sign3A_746 : vector<128x1xi1> to vector<128x1xi32>
    %sign3A_748 = arith.subi %sign3A_743, %sign3A_747 : vector<128x1xi32>
    %sign3A_749 = arith.constant 0 : i32
    %sign3A_750 = arith.cmpi sgt, %jit3A_737, %sign3A_749 : i32
    %sign3A_751 = arith.extui %sign3A_750 : i1 to i32
    %sign3A_752 = arith.constant 0 : i32
    %sign3A_753 = arith.cmpi slt, %jit3A_737, %sign3A_752 : i32
    %sign3A_754 = arith.extui %sign3A_753 : i1 to i32
    %sign3A_755 = arith.subi %sign3A_751, %sign3A_754 : i32
    %ne3A_756 = vector.broadcast %sign3A_755 : i32 to vector<128x1xi32>
    %ne3A_757 = arith.cmpi ne, %sign3A_748, %ne3A_756 : vector<128x1xi32>
    %rem3A_758 = vector.broadcast %jit3A_737 : i32 to vector<128x1xi32>
    %rem3A_759 = arith.remsi %broadcast_in_dim3A_731, %rem3A_758 : vector<128x1xi32>
    %ne3A_760 = arith.constant 0 : i32
    %ne3A_761 = vector.broadcast %ne3A_760 : i32 to vector<128x1xi32>
    %ne3A_762 = arith.cmpi ne, %rem3A_759, %ne3A_761 : vector<128x1xi32>
    %and3A_763 = arith.andi %ne3A_757, %ne3A_762 : vector<128x1xi1>
    %sub3A_764 = arith.constant 1 : i32
    %sub3A_765 = vector.broadcast %sub3A_764 : i32 to vector<128x1xi32>
    %sub3A_766 = arith.subi %div3A_739, %sub3A_765 : vector<128x1xi32>
    %select_n3A_767 = arith.select %and3A_763, %sub3A_766, %div3A_739 : vector<128x1xi1>, vector<128x1xi32>
    %mul3A_768 = arith.constant 32 : i32
    %mul3A_769 = vector.broadcast %mul3A_768 : i32 to vector<128x1xi32>
    %mul3A_770 = arith.muli %select_n3A_767, %mul3A_769 : vector<128x1xi32>
    %sub3A_771 = arith.subi %broadcast_in_dim3A_731, %mul3A_770 : vector<128x1xi32>
    %eq3A_772 = vector.broadcast %select_n3A_767 : vector<128x1xi32> to vector<128x128xi32>
    %eq3A_773 = arith.cmpi eq, %eq3A_772, %iota3A_35 : vector<128x128xi32>
    %convert_element_type3A_774 = arith.extui %eq3A_773 : vector<128x128xi1> to vector<128x128xi32>
    %convert_element_type3A_775 = arith.sitofp %convert_element_type3A_774 : vector<128x128xi32> to vector<128x128xf32>
    %dot_general3A_776 = arith.constant dense<0.000000e+00> : vector<128x160xf32>
    %dot_general3A_777 = tpu.matmul %convert_element_type3A_775, %get3A_42, %dot_general3A_776 {dimension_numbers = #tpu.dot_dimension_numbers<[1], [0], [0], [1], [0, 0, 1, 1], [], []>, transpose_lhs_hint = false} : vector<128x128xf32>, vector<128x160xf32>, vector<128x160xf32> -> vector<128x160xf32>
    %eq3A_778 = vector.broadcast %sub3A_771 : vector<128x1xi32> to vector<128x32xi32>
    %eq3A_779 = arith.cmpi eq, %eq3A_778, %iota3A_36 : vector<128x32xi32>
    %slice3A_780 = vector.extract_strided_slice %dot_general3A_777 {offsets = [0, 0], sizes = [128, 32], strides = [1, 1]} : vector<128x160xf32> to vector<128x32xf32>
    %jit3A_781 = arith.constant 0.000000e+00 : f32
    %broadcast_in_dim3A_782 = vector.broadcast %jit3A_781 : f32 to vector<128x32xf32>
    %select_n3A_783 = arith.select %eq3A_779, %slice3A_780, %broadcast_in_dim3A_782 : vector<128x32xi1>, vector<128x32xf32>
    %reduce_sum3A_784 = arith.constant dense<0.000000e+00> : vector<128xf32>
    %reduce_sum3A_785 = vector.multi_reduction <add>, %select_n3A_783, %reduce_sum3A_784 [1] : vector<128x32xf32> to vector<128xf32>
    %broadcast_in_dim3A_786 = vector.shape_cast %reduce_sum3A_785 : vector<128xf32> to vector<128x1xf32>
    %slice3A_787 = vector.extract_strided_slice %dot_general3A_777 {offsets = [0, 32], sizes = [128, 32], strides = [1, 1]} : vector<128x160xf32> to vector<128x32xf32>
    %jit3A_788 = arith.constant 0.000000e+00 : f32
    %broadcast_in_dim3A_789 = vector.broadcast %jit3A_788 : f32 to vector<128x32xf32>
    %select_n3A_790 = arith.select %eq3A_779, %slice3A_787, %broadcast_in_dim3A_789 : vector<128x32xi1>, vector<128x32xf32>
    %reduce_sum3A_791 = arith.constant dense<0.000000e+00> : vector<128xf32>
    %reduce_sum3A_792 = vector.multi_reduction <add>, %select_n3A_790, %reduce_sum3A_791 [1] : vector<128x32xf32> to vector<128xf32>
    %broadcast_in_dim3A_793 = vector.shape_cast %reduce_sum3A_792 : vector<128xf32> to vector<128x1xf32>
    %slice3A_794 = vector.extract_strided_slice %dot_general3A_777 {offsets = [0, 64], sizes = [128, 32], strides = [1, 1]} : vector<128x160xf32> to vector<128x32xf32>
    %jit3A_795 = arith.constant 0.000000e+00 : f32
    %broadcast_in_dim3A_796 = vector.broadcast %jit3A_795 : f32 to vector<128x32xf32>
    %select_n3A_797 = arith.select %eq3A_779, %slice3A_794, %broadcast_in_dim3A_796 : vector<128x32xi1>, vector<128x32xf32>
    %reduce_sum3A_798 = arith.constant dense<0.000000e+00> : vector<128xf32>
    %reduce_sum3A_799 = vector.multi_reduction <add>, %select_n3A_797, %reduce_sum3A_798 [1] : vector<128x32xf32> to vector<128xf32>
    %broadcast_in_dim3A_800 = vector.shape_cast %reduce_sum3A_799 : vector<128xf32> to vector<128x1xf32>
    %slice3A_801 = vector.extract_strided_slice %dot_general3A_777 {offsets = [0, 96], sizes = [128, 32], strides = [1, 1]} : vector<128x160xf32> to vector<128x32xf32>
    %jit3A_802 = arith.constant 0.000000e+00 : f32
    %broadcast_in_dim3A_803 = vector.broadcast %jit3A_802 : f32 to vector<128x32xf32>
    %select_n3A_804 = arith.select %eq3A_779, %slice3A_801, %broadcast_in_dim3A_803 : vector<128x32xi1>, vector<128x32xf32>
    %reduce_sum3A_805 = arith.constant dense<0.000000e+00> : vector<128xf32>
    %reduce_sum3A_806 = vector.multi_reduction <add>, %select_n3A_804, %reduce_sum3A_805 [1] : vector<128x32xf32> to vector<128xf32>
    %broadcast_in_dim3A_807 = vector.shape_cast %reduce_sum3A_806 : vector<128xf32> to vector<128x1xf32>
    %slice3A_808 = vector.extract_strided_slice %dot_general3A_777 {offsets = [0, 128], sizes = [128, 32], strides = [1, 1]} : vector<128x160xf32> to vector<128x32xf32>
    %jit3A_809 = arith.constant 0.000000e+00 : f32
    %broadcast_in_dim3A_810 = vector.broadcast %jit3A_809 : f32 to vector<128x32xf32>
    %select_n3A_811 = arith.select %eq3A_779, %slice3A_808, %broadcast_in_dim3A_810 : vector<128x32xi1>, vector<128x32xf32>
    %reduce_sum3A_812 = arith.constant dense<0.000000e+00> : vector<128xf32>
    %reduce_sum3A_813 = vector.multi_reduction <add>, %select_n3A_811, %reduce_sum3A_812 [1] : vector<128x32xf32> to vector<128xf32>
    %broadcast_in_dim3A_814 = vector.shape_cast %reduce_sum3A_813 : vector<128xf32> to vector<128x1xf32>
    %convert_element_type3A_815 = arith.fptosi %broadcast_in_dim3A_814 : vector<128x1xf32> to vector<128x1xi32>
    %eq3A_816 = vector.broadcast %convert_element_type3A_815 : vector<128x1xi32> to vector<128x128xi32>
    %eq3A_817 = arith.cmpi eq, %eq3A_816, %iota3A_37 : vector<128x128xi32>
    %convert_element_type3A_818 = arith.extui %eq3A_817 : vector<128x128xi1> to vector<128x128xi32>
    %convert_element_type3A_819 = arith.sitofp %convert_element_type3A_818 : vector<128x128xi32> to vector<128x128xf32>
    %dot_general3A_820 = arith.constant dense<0.000000e+00> : vector<128x64xf32>
    %dot_general3A_821 = tpu.matmul %convert_element_type3A_819, %get3A_45, %dot_general3A_820 {dimension_numbers = #tpu.dot_dimension_numbers<[1], [0], [0], [1], [0, 0, 1, 1], [], []>, transpose_lhs_hint = false} : vector<128x128xf32>, vector<128x64xf32>, vector<128x64xf32> -> vector<128x64xf32>
    %sub3A_822 = vector.broadcast %broadcast_in_dim3A_723 : vector<128x1xf32> to vector<128x32xf32>
    %sub3A_823 = vector.broadcast %get3A_48 : vector<1x32xf32> to vector<128x32xf32>
    %sub3A_824 = arith.subf %sub3A_822, %sub3A_823 : vector<128x32xf32>
    %integer_pow3A_825 = arith.mulf %sub3A_824, %sub3A_824 : vector<128x32xf32>
    %mul3A_826 = arith.constant -28.4444447 : f32
    %mul3A_827 = vector.broadcast %mul3A_826 : f32 to vector<128x32xf32>
    %mul3A_828 = arith.mulf %mul3A_827, %integer_pow3A_825 : vector<128x32xf32>
    %exp3A_829 = math.exp %mul3A_828 : vector<128x32xf32>
    %sub3A_830 = arith.subf %slice3A, %broadcast_in_dim3A_786 : vector<128x1xf32>
    %sub3A_831 = arith.subf %slice3A_4, %broadcast_in_dim3A_793 : vector<128x1xf32>
    %sub3A_832 = arith.subf %slice3A_5, %broadcast_in_dim3A_800 : vector<128x1xf32>
    %concatenate3A_833 = tpu.concatenate %sub3A_830, %sub3A_831, %sub3A_832, %broadcast_in_dim3A_807, %dot_general3A_821, %exp3A_829, %broadcast_in_dim3A_723 in 1 : vector<128x1xf32>, vector<128x1xf32>, vector<128x1xf32>, vector<128x1xf32>, vector<128x64xf32>, vector<128x32xf32>, vector<128x1xf32> -> vector<128x101xf32>
    %le3A_834 = arith.constant 6.000000e+00 : f32
    %le3A_835 = vector.broadcast %le3A_834 : f32 to vector<128x1xf32>
    %le3A_836 = arith.cmpf ole, %broadcast_in_dim3A_723, %le3A_835 : vector<128x1xf32>
    %jit3A_837 = arith.constant 0.000000e+00 : f32
    %broadcast_in_dim3A_838 = vector.shape_cast %le3A_836 : vector<128x1xi1> to vector<128x1xi1>
    %broadcast_in_dim3A_839 = vector.broadcast %broadcast_in_dim3A_838 : vector<128x1xi1> to vector<128x101xi1>
    %broadcast_in_dim3A_840 = vector.broadcast %jit3A_837 : f32 to vector<128x101xf32>
    %select_n3A_841 = arith.select %broadcast_in_dim3A_839, %concatenate3A_833, %broadcast_in_dim3A_840 : vector<128x101xi1>, vector<128x101xf32>
    %swap3A_842 = arith.constant 0 : index
    %swap3A_843 = arith.constant 5 : index
    %swap3A_844 = arith.constant 0 : index
    %swap3A_845 = arith.constant 0 : index
    %swap3A_846 = vector.load %arg7[%swap3A_842, %swap3A_843, %swap3A_844, %swap3A_845] : memref<1x32x128x101xf32, #tpu.memory_space<vmem>>, vector<1x1x128x101xf32>
    %swap3A_847 = vector.shape_cast %swap3A_846 : vector<1x1x128x101xf32> to vector<128x101xf32>
    %swap3A_848 = vector.shape_cast %select_n3A_841 : vector<128x101xf32> to vector<1x1x128x101xf32>
    tpu.vector_store %arg7[%swap3A_842, %swap3A_843, %swap3A_844, %swap3A_845], %swap3A_848 {strides = array<i32>} : memref<1x32x128x101xf32, #tpu.memory_space<vmem>>, vector<1x1x128x101xf32>,
    %eq3A_849 = arith.constant 5 : i32
    %eq3A_850 = vector.broadcast %eq3A_849 : i32 to vector<128x32xi32>
    %eq3A_851 = arith.cmpi eq, %iota3A, %eq3A_850 : vector<128x32xi32>
    %broadcast_in_dim3A_852 = vector.shape_cast %broadcast_in_dim3A_723 : vector<128x1xf32> to vector<128x1xf32>
    %broadcast_in_dim3A_853 = vector.broadcast %broadcast_in_dim3A_852 : vector<128x1xf32> to vector<128x32xf32>
    %select_n3A_854 = arith.select %eq3A_851, %broadcast_in_dim3A_853, %select_n3A_717 : vector<128x32xi1>, vector<128x32xf32>
    %broadcast_in_dim3A_855 = vector.shape_cast %broadcast_in_dim3A_731 : vector<128x1xi32> to vector<128x1xi32>
    %broadcast_in_dim3A_856 = vector.broadcast %broadcast_in_dim3A_855 : vector<128x1xi32> to vector<128x32xi32>
    %select_n3A_857 = arith.select %eq3A_851, %broadcast_in_dim3A_856, %select_n3A_720 : vector<128x32xi1>, vector<128x32xi32>
    %reduce_min3A_858 = arith.constant dense<0x7F800000> : vector<128xf32>
    %reduce_min3A_859 = vector.multi_reduction <minimumf>, %select_n3A_736, %reduce_min3A_858 [1] : vector<128x4096xf32> to vector<128xf32>
    %broadcast_in_dim3A_860 = vector.shape_cast %reduce_min3A_859 : vector<128xf32> to vector<128x1xf32>
    %eq3A_861 = vector.broadcast %broadcast_in_dim3A_860 : vector<128x1xf32> to vector<128x4096xf32>
    %eq3A_862 = arith.cmpf oeq, %select_n3A_736, %eq3A_861 : vector<128x4096xf32>
    %jit3A_863 = arith.constant 4096 : i32
    %broadcast_in_dim3A_864 = vector.broadcast %jit3A_863 : i32 to vector<128x4096xi32>
    %select_n3A_865 = arith.select %eq3A_862, %iota3A_49, %broadcast_in_dim3A_864 : vector<128x4096xi1>, vector<128x4096xi32>
    %reduce_min3A_866 = arith.constant dense<2147483647> : vector<128xi32>
    %reduce_min3A_867 = vector.multi_reduction <minsi>, %select_n3A_865, %reduce_min3A_866 [1] : vector<128x4096xi32> to vector<128xi32>
    %broadcast_in_dim3A_868 = vector.shape_cast %reduce_min3A_867 : vector<128xi32> to vector<128x1xi32>
    %eq3A_869 = vector.broadcast %broadcast_in_dim3A_868 : vector<128x1xi32> to vector<128x4096xi32>
    %eq3A_870 = arith.cmpi eq, %iota3A_49, %eq3A_869 : vector<128x4096xi32>
    %jit3A_871 = arith.constant 0x7F800000 : f32
    %broadcast_in_dim3A_872 = vector.broadcast %jit3A_871 : f32 to vector<128x4096xf32>
    %select_n3A_873 = arith.select %eq3A_870, %broadcast_in_dim3A_872, %select_n3A_736 : vector<128x4096xi1>, vector<128x4096xf32>
    %jit3A_874 = arith.constant 32 : i32
    %div3A_875 = vector.broadcast %jit3A_874 : i32 to vector<128x1xi32>
    %div3A_876 = arith.divsi %broadcast_in_dim3A_868, %div3A_875 : vector<128x1xi32>
    %sign3A_877 = arith.constant 0 : i32
    %sign3A_878 = vector.broadcast %sign3A_877 : i32 to vector<128x1xi32>
    %sign3A_879 = arith.cmpi sgt, %broadcast_in_dim3A_868, %sign3A_878 : vector<128x1xi32>
    %sign3A_880 = arith.extui %sign3A_879 : vector<128x1xi1> to vector<128x1xi32>
    %sign3A_881 = arith.constant 0 : i32
    %sign3A_882 = vector.broadcast %sign3A_881 : i32 to vector<128x1xi32>
    %sign3A_883 = arith.cmpi slt, %broadcast_in_dim3A_868, %sign3A_882 : vector<128x1xi32>
    %sign3A_884 = arith.extui %sign3A_883 : vector<128x1xi1> to vector<128x1xi32>
    %sign3A_885 = arith.subi %sign3A_880, %sign3A_884 : vector<128x1xi32>
    %sign3A_886 = arith.constant 0 : i32
    %sign3A_887 = arith.cmpi sgt, %jit3A_874, %sign3A_886 : i32
    %sign3A_888 = arith.extui %sign3A_887 : i1 to i32
    %sign3A_889 = arith.constant 0 : i32
    %sign3A_890 = arith.cmpi slt, %jit3A_874, %sign3A_889 : i32
    %sign3A_891 = arith.extui %sign3A_890 : i1 to i32
    %sign3A_892 = arith.subi %sign3A_888, %sign3A_891 : i32
    %ne3A_893 = vector.broadcast %sign3A_892 : i32 to vector<128x1xi32>
    %ne3A_894 = arith.cmpi ne, %sign3A_885, %ne3A_893 : vector<128x1xi32>
    %rem3A_895 = vector.broadcast %jit3A_874 : i32 to vector<128x1xi32>
    %rem3A_896 = arith.remsi %broadcast_in_dim3A_868, %rem3A_895 : vector<128x1xi32>
    %ne3A_897 = arith.constant 0 : i32
    %ne3A_898 = vector.broadcast %ne3A_897 : i32 to vector<128x1xi32>
    %ne3A_899 = arith.cmpi ne, %rem3A_896, %ne3A_898 : vector<128x1xi32>
    %and3A_900 = arith.andi %ne3A_894, %ne3A_899 : vector<128x1xi1>
    %sub3A_901 = arith.constant 1 : i32
    %sub3A_902 = vector.broadcast %sub3A_901 : i32 to vector<128x1xi32>
    %sub3A_903 = arith.subi %div3A_876, %sub3A_902 : vector<128x1xi32>
    %select_n3A_904 = arith.select %and3A_900, %sub3A_903, %div3A_876 : vector<128x1xi1>, vector<128x1xi32>
    %mul3A_905 = arith.constant 32 : i32
    %mul3A_906 = vector.broadcast %mul3A_905 : i32 to vector<128x1xi32>
    %mul3A_907 = arith.muli %select_n3A_904, %mul3A_906 : vector<128x1xi32>
    %sub3A_908 = arith.subi %broadcast_in_dim3A_868, %mul3A_907 : vector<128x1xi32>
    %eq3A_909 = vector.broadcast %select_n3A_904 : vector<128x1xi32> to vector<128x128xi32>
    %eq3A_910 = arith.cmpi eq, %eq3A_909, %iota3A_35 : vector<128x128xi32>
    %convert_element_type3A_911 = arith.extui %eq3A_910 : vector<128x128xi1> to vector<128x128xi32>
    %convert_element_type3A_912 = arith.sitofp %convert_element_type3A_911 : vector<128x128xi32> to vector<128x128xf32>
    %dot_general3A_913 = arith.constant dense<0.000000e+00> : vector<128x160xf32>
    %dot_general3A_914 = tpu.matmul %convert_element_type3A_912, %get3A_42, %dot_general3A_913 {dimension_numbers = #tpu.dot_dimension_numbers<[1], [0], [0], [1], [0, 0, 1, 1], [], []>, transpose_lhs_hint = false} : vector<128x128xf32>, vector<128x160xf32>, vector<128x160xf32> -> vector<128x160xf32>
    %eq3A_915 = vector.broadcast %sub3A_908 : vector<128x1xi32> to vector<128x32xi32>
    %eq3A_916 = arith.cmpi eq, %eq3A_915, %iota3A_36 : vector<128x32xi32>
    %slice3A_917 = vector.extract_strided_slice %dot_general3A_914 {offsets = [0, 0], sizes = [128, 32], strides = [1, 1]} : vector<128x160xf32> to vector<128x32xf32>
    %jit3A_918 = arith.constant 0.000000e+00 : f32
    %broadcast_in_dim3A_919 = vector.broadcast %jit3A_918 : f32 to vector<128x32xf32>
    %select_n3A_920 = arith.select %eq3A_916, %slice3A_917, %broadcast_in_dim3A_919 : vector<128x32xi1>, vector<128x32xf32>
    %reduce_sum3A_921 = arith.constant dense<0.000000e+00> : vector<128xf32>
    %reduce_sum3A_922 = vector.multi_reduction <add>, %select_n3A_920, %reduce_sum3A_921 [1] : vector<128x32xf32> to vector<128xf32>
    %broadcast_in_dim3A_923 = vector.shape_cast %reduce_sum3A_922 : vector<128xf32> to vector<128x1xf32>
    %slice3A_924 = vector.extract_strided_slice %dot_general3A_914 {offsets = [0, 32], sizes = [128, 32], strides = [1, 1]} : vector<128x160xf32> to vector<128x32xf32>
    %jit3A_925 = arith.constant 0.000000e+00 : f32
    %broadcast_in_dim3A_926 = vector.broadcast %jit3A_925 : f32 to vector<128x32xf32>
    %select_n3A_927 = arith.select %eq3A_916, %slice3A_924, %broadcast_in_dim3A_926 : vector<128x32xi1>, vector<128x32xf32>
    %reduce_sum3A_928 = arith.constant dense<0.000000e+00> : vector<128xf32>
    %reduce_sum3A_929 = vector.multi_reduction <add>, %select_n3A_927, %reduce_sum3A_928 [1] : vector<128x32xf32> to vector<128xf32>
    %broadcast_in_dim3A_930 = vector.shape_cast %reduce_sum3A_929 : vector<128xf32> to vector<128x1xf32>
    %slice3A_931 = vector.extract_strided_slice %dot_general3A_914 {offsets = [0, 64], sizes = [128, 32], strides = [1, 1]} : vector<128x160xf32> to vector<128x32xf32>
    %jit3A_932 = arith.constant 0.000000e+00 : f32
    %broadcast_in_dim3A_933 = vector.broadcast %jit3A_932 : f32 to vector<128x32xf32>
    %select_n3A_934 = arith.select %eq3A_916, %slice3A_931, %broadcast_in_dim3A_933 : vector<128x32xi1>, vector<128x32xf32>
    %reduce_sum3A_935 = arith.constant dense<0.000000e+00> : vector<128xf32>
    %reduce_sum3A_936 = vector.multi_reduction <add>, %select_n3A_934, %reduce_sum3A_935 [1] : vector<128x32xf32> to vector<128xf32>
    %broadcast_in_dim3A_937 = vector.shape_cast %reduce_sum3A_936 : vector<128xf32> to vector<128x1xf32>
    %slice3A_938 = vector.extract_strided_slice %dot_general3A_914 {offsets = [0, 96], sizes = [128, 32], strides = [1, 1]} : vector<128x160xf32> to vector<128x32xf32>
    %jit3A_939 = arith.constant 0.000000e+00 : f32
    %broadcast_in_dim3A_940 = vector.broadcast %jit3A_939 : f32 to vector<128x32xf32>
    %select_n3A_941 = arith.select %eq3A_916, %slice3A_938, %broadcast_in_dim3A_940 : vector<128x32xi1>, vector<128x32xf32>
    %reduce_sum3A_942 = arith.constant dense<0.000000e+00> : vector<128xf32>
    %reduce_sum3A_943 = vector.multi_reduction <add>, %select_n3A_941, %reduce_sum3A_942 [1] : vector<128x32xf32> to vector<128xf32>
    %broadcast_in_dim3A_944 = vector.shape_cast %reduce_sum3A_943 : vector<128xf32> to vector<128x1xf32>
    %slice3A_945 = vector.extract_strided_slice %dot_general3A_914 {offsets = [0, 128], sizes = [128, 32], strides = [1, 1]} : vector<128x160xf32> to vector<128x32xf32>
    %jit3A_946 = arith.constant 0.000000e+00 : f32
    %broadcast_in_dim3A_947 = vector.broadcast %jit3A_946 : f32 to vector<128x32xf32>
    %select_n3A_948 = arith.select %eq3A_916, %slice3A_945, %broadcast_in_dim3A_947 : vector<128x32xi1>, vector<128x32xf32>
    %reduce_sum3A_949 = arith.constant dense<0.000000e+00> : vector<128xf32>
    %reduce_sum3A_950 = vector.multi_reduction <add>, %select_n3A_948, %reduce_sum3A_949 [1] : vector<128x32xf32> to vector<128xf32>
    %broadcast_in_dim3A_951 = vector.shape_cast %reduce_sum3A_950 : vector<128xf32> to vector<128x1xf32>
    %convert_element_type3A_952 = arith.fptosi %broadcast_in_dim3A_951 : vector<128x1xf32> to vector<128x1xi32>
    %eq3A_953 = vector.broadcast %convert_element_type3A_952 : vector<128x1xi32> to vector<128x128xi32>
    %eq3A_954 = arith.cmpi eq, %eq3A_953, %iota3A_37 : vector<128x128xi32>
    %convert_element_type3A_955 = arith.extui %eq3A_954 : vector<128x128xi1> to vector<128x128xi32>
    %convert_element_type3A_956 = arith.sitofp %convert_element_type3A_955 : vector<128x128xi32> to vector<128x128xf32>
    %dot_general3A_957 = arith.constant dense<0.000000e+00> : vector<128x64xf32>
    %dot_general3A_958 = tpu.matmul %convert_element_type3A_956, %get3A_45, %dot_general3A_957 {dimension_numbers = #tpu.dot_dimension_numbers<[1], [0], [0], [1], [0, 0, 1, 1], [], []>, transpose_lhs_hint = false} : vector<128x128xf32>, vector<128x64xf32>, vector<128x64xf32> -> vector<128x64xf32>
    %sub3A_959 = vector.broadcast %broadcast_in_dim3A_860 : vector<128x1xf32> to vector<128x32xf32>
    %sub3A_960 = vector.broadcast %get3A_48 : vector<1x32xf32> to vector<128x32xf32>
    %sub3A_961 = arith.subf %sub3A_959, %sub3A_960 : vector<128x32xf32>
    %integer_pow3A_962 = arith.mulf %sub3A_961, %sub3A_961 : vector<128x32xf32>
    %mul3A_963 = arith.constant -28.4444447 : f32
    %mul3A_964 = vector.broadcast %mul3A_963 : f32 to vector<128x32xf32>
    %mul3A_965 = arith.mulf %mul3A_964, %integer_pow3A_962 : vector<128x32xf32>
    %exp3A_966 = math.exp %mul3A_965 : vector<128x32xf32>
    %sub3A_967 = arith.subf %slice3A, %broadcast_in_dim3A_923 : vector<128x1xf32>
    %sub3A_968 = arith.subf %slice3A_4, %broadcast_in_dim3A_930 : vector<128x1xf32>
    %sub3A_969 = arith.subf %slice3A_5, %broadcast_in_dim3A_937 : vector<128x1xf32>
    %concatenate3A_970 = tpu.concatenate %sub3A_967, %sub3A_968, %sub3A_969, %broadcast_in_dim3A_944, %dot_general3A_958, %exp3A_966, %broadcast_in_dim3A_860 in 1 : vector<128x1xf32>, vector<128x1xf32>, vector<128x1xf32>, vector<128x1xf32>, vector<128x64xf32>, vector<128x32xf32>, vector<128x1xf32> -> vector<128x101xf32>
    %le3A_971 = arith.constant 6.000000e+00 : f32
    %le3A_972 = vector.broadcast %le3A_971 : f32 to vector<128x1xf32>
    %le3A_973 = arith.cmpf ole, %broadcast_in_dim3A_860, %le3A_972 : vector<128x1xf32>
    %jit3A_974 = arith.constant 0.000000e+00 : f32
    %broadcast_in_dim3A_975 = vector.shape_cast %le3A_973 : vector<128x1xi1> to vector<128x1xi1>
    %broadcast_in_dim3A_976 = vector.broadcast %broadcast_in_dim3A_975 : vector<128x1xi1> to vector<128x101xi1>
    %broadcast_in_dim3A_977 = vector.broadcast %jit3A_974 : f32 to vector<128x101xf32>
    %select_n3A_978 = arith.select %broadcast_in_dim3A_976, %concatenate3A_970, %broadcast_in_dim3A_977 : vector<128x101xi1>, vector<128x101xf32>
    %swap3A_979 = arith.constant 0 : index
    %swap3A_980 = arith.constant 6 : index
    %swap3A_981 = arith.constant 0 : index
    %swap3A_982 = arith.constant 0 : index
    %swap3A_983 = vector.load %arg7[%swap3A_979, %swap3A_980, %swap3A_981, %swap3A_982] : memref<1x32x128x101xf32, #tpu.memory_space<vmem>>, vector<1x1x128x101xf32>
    %swap3A_984 = vector.shape_cast %swap3A_983 : vector<1x1x128x101xf32> to vector<128x101xf32>
    %swap3A_985 = vector.shape_cast %select_n3A_978 : vector<128x101xf32> to vector<1x1x128x101xf32>
    tpu.vector_store %arg7[%swap3A_979, %swap3A_980, %swap3A_981, %swap3A_982], %swap3A_985 {strides = array<i32>} : memref<1x32x128x101xf32, #tpu.memory_space<vmem>>, vector<1x1x128x101xf32>,
    %eq3A_986 = arith.constant 6 : i32
    %eq3A_987 = vector.broadcast %eq3A_986 : i32 to vector<128x32xi32>
    %eq3A_988 = arith.cmpi eq, %iota3A, %eq3A_987 : vector<128x32xi32>
    %broadcast_in_dim3A_989 = vector.shape_cast %broadcast_in_dim3A_860 : vector<128x1xf32> to vector<128x1xf32>
    %broadcast_in_dim3A_990 = vector.broadcast %broadcast_in_dim3A_989 : vector<128x1xf32> to vector<128x32xf32>
    %select_n3A_991 = arith.select %eq3A_988, %broadcast_in_dim3A_990, %select_n3A_854 : vector<128x32xi1>, vector<128x32xf32>
    %broadcast_in_dim3A_992 = vector.shape_cast %broadcast_in_dim3A_868 : vector<128x1xi32> to vector<128x1xi32>
    %broadcast_in_dim3A_993 = vector.broadcast %broadcast_in_dim3A_992 : vector<128x1xi32> to vector<128x32xi32>
    %select_n3A_994 = arith.select %eq3A_988, %broadcast_in_dim3A_993, %select_n3A_857 : vector<128x32xi1>, vector<128x32xi32>
    %reduce_min3A_995 = arith.constant dense<0x7F800000> : vector<128xf32>
    %reduce_min3A_996 = vector.multi_reduction <minimumf>, %select_n3A_873, %reduce_min3A_995 [1] : vector<128x4096xf32> to vector<128xf32>
    %broadcast_in_dim3A_997 = vector.shape_cast %reduce_min3A_996 : vector<128xf32> to vector<128x1xf32>
    %eq3A_998 = vector.broadcast %broadcast_in_dim3A_997 : vector<128x1xf32> to vector<128x4096xf32>
    %eq3A_999 = arith.cmpf oeq, %select_n3A_873, %eq3A_998 : vector<128x4096xf32>
    %jit3A_1000 = arith.constant 4096 : i32
    %broadcast_in_dim3A_1001 = vector.broadcast %jit3A_1000 : i32 to vector<128x4096xi32>
    %select_n3A_1002 = arith.select %eq3A_999, %iota3A_49, %broadcast_in_dim3A_1001 : vector<128x4096xi1>, vector<128x4096xi32>
    %reduce_min3A_1003 = arith.constant dense<2147483647> : vector<128xi32>
    %reduce_min3A_1004 = vector.multi_reduction <minsi>, %select_n3A_1002, %reduce_min3A_1003 [1] : vector<128x4096xi32> to vector<128xi32>
    %broadcast_in_dim3A_1005 = vector.shape_cast %reduce_min3A_1004 : vector<128xi32> to vector<128x1xi32>
    %eq3A_1006 = vector.broadcast %broadcast_in_dim3A_1005 : vector<128x1xi32> to vector<128x4096xi32>
    %eq3A_1007 = arith.cmpi eq, %iota3A_49, %eq3A_1006 : vector<128x4096xi32>
    %jit3A_1008 = arith.constant 0x7F800000 : f32
    %broadcast_in_dim3A_1009 = vector.broadcast %jit3A_1008 : f32 to vector<128x4096xf32>
    %select_n3A_1010 = arith.select %eq3A_1007, %broadcast_in_dim3A_1009, %select_n3A_873 : vector<128x4096xi1>, vector<128x4096xf32>
    %jit3A_1011 = arith.constant 32 : i32
    %div3A_1012 = vector.broadcast %jit3A_1011 : i32 to vector<128x1xi32>
    %div3A_1013 = arith.divsi %broadcast_in_dim3A_1005, %div3A_1012 : vector<128x1xi32>
    %sign3A_1014 = arith.constant 0 : i32
    %sign3A_1015 = vector.broadcast %sign3A_1014 : i32 to vector<128x1xi32>
    %sign3A_1016 = arith.cmpi sgt, %broadcast_in_dim3A_1005, %sign3A_1015 : vector<128x1xi32>
    %sign3A_1017 = arith.extui %sign3A_1016 : vector<128x1xi1> to vector<128x1xi32>
    %sign3A_1018 = arith.constant 0 : i32
    %sign3A_1019 = vector.broadcast %sign3A_1018 : i32 to vector<128x1xi32>
    %sign3A_1020 = arith.cmpi slt, %broadcast_in_dim3A_1005, %sign3A_1019 : vector<128x1xi32>
    %sign3A_1021 = arith.extui %sign3A_1020 : vector<128x1xi1> to vector<128x1xi32>
    %sign3A_1022 = arith.subi %sign3A_1017, %sign3A_1021 : vector<128x1xi32>
    %sign3A_1023 = arith.constant 0 : i32
    %sign3A_1024 = arith.cmpi sgt, %jit3A_1011, %sign3A_1023 : i32
    %sign3A_1025 = arith.extui %sign3A_1024 : i1 to i32
    %sign3A_1026 = arith.constant 0 : i32
    %sign3A_1027 = arith.cmpi slt, %jit3A_1011, %sign3A_1026 : i32
    %sign3A_1028 = arith.extui %sign3A_1027 : i1 to i32
    %sign3A_1029 = arith.subi %sign3A_1025, %sign3A_1028 : i32
    %ne3A_1030 = vector.broadcast %sign3A_1029 : i32 to vector<128x1xi32>
    %ne3A_1031 = arith.cmpi ne, %sign3A_1022, %ne3A_1030 : vector<128x1xi32>
    %rem3A_1032 = vector.broadcast %jit3A_1011 : i32 to vector<128x1xi32>
    %rem3A_1033 = arith.remsi %broadcast_in_dim3A_1005, %rem3A_1032 : vector<128x1xi32>
    %ne3A_1034 = arith.constant 0 : i32
    %ne3A_1035 = vector.broadcast %ne3A_1034 : i32 to vector<128x1xi32>
    %ne3A_1036 = arith.cmpi ne, %rem3A_1033, %ne3A_1035 : vector<128x1xi32>
    %and3A_1037 = arith.andi %ne3A_1031, %ne3A_1036 : vector<128x1xi1>
    %sub3A_1038 = arith.constant 1 : i32
    %sub3A_1039 = vector.broadcast %sub3A_1038 : i32 to vector<128x1xi32>
    %sub3A_1040 = arith.subi %div3A_1013, %sub3A_1039 : vector<128x1xi32>
    %select_n3A_1041 = arith.select %and3A_1037, %sub3A_1040, %div3A_1013 : vector<128x1xi1>, vector<128x1xi32>
    %mul3A_1042 = arith.constant 32 : i32
    %mul3A_1043 = vector.broadcast %mul3A_1042 : i32 to vector<128x1xi32>
    %mul3A_1044 = arith.muli %select_n3A_1041, %mul3A_1043 : vector<128x1xi32>
    %sub3A_1045 = arith.subi %broadcast_in_dim3A_1005, %mul3A_1044 : vector<128x1xi32>
    %eq3A_1046 = vector.broadcast %select_n3A_1041 : vector<128x1xi32> to vector<128x128xi32>
    %eq3A_1047 = arith.cmpi eq, %eq3A_1046, %iota3A_35 : vector<128x128xi32>
    %convert_element_type3A_1048 = arith.extui %eq3A_1047 : vector<128x128xi1> to vector<128x128xi32>
    %convert_element_type3A_1049 = arith.sitofp %convert_element_type3A_1048 : vector<128x128xi32> to vector<128x128xf32>
    %dot_general3A_1050 = arith.constant dense<0.000000e+00> : vector<128x160xf32>
    %dot_general3A_1051 = tpu.matmul %convert_element_type3A_1049, %get3A_42, %dot_general3A_1050 {dimension_numbers = #tpu.dot_dimension_numbers<[1], [0], [0], [1], [0, 0, 1, 1], [], []>, transpose_lhs_hint = false} : vector<128x128xf32>, vector<128x160xf32>, vector<128x160xf32> -> vector<128x160xf32>
    %eq3A_1052 = vector.broadcast %sub3A_1045 : vector<128x1xi32> to vector<128x32xi32>
    %eq3A_1053 = arith.cmpi eq, %eq3A_1052, %iota3A_36 : vector<128x32xi32>
    %slice3A_1054 = vector.extract_strided_slice %dot_general3A_1051 {offsets = [0, 0], sizes = [128, 32], strides = [1, 1]} : vector<128x160xf32> to vector<128x32xf32>
    %jit3A_1055 = arith.constant 0.000000e+00 : f32
    %broadcast_in_dim3A_1056 = vector.broadcast %jit3A_1055 : f32 to vector<128x32xf32>
    %select_n3A_1057 = arith.select %eq3A_1053, %slice3A_1054, %broadcast_in_dim3A_1056 : vector<128x32xi1>, vector<128x32xf32>
    %reduce_sum3A_1058 = arith.constant dense<0.000000e+00> : vector<128xf32>
    %reduce_sum3A_1059 = vector.multi_reduction <add>, %select_n3A_1057, %reduce_sum3A_1058 [1] : vector<128x32xf32> to vector<128xf32>
    %broadcast_in_dim3A_1060 = vector.shape_cast %reduce_sum3A_1059 : vector<128xf32> to vector<128x1xf32>
    %slice3A_1061 = vector.extract_strided_slice %dot_general3A_1051 {offsets = [0, 32], sizes = [128, 32], strides = [1, 1]} : vector<128x160xf32> to vector<128x32xf32>
    %jit3A_1062 = arith.constant 0.000000e+00 : f32
    %broadcast_in_dim3A_1063 = vector.broadcast %jit3A_1062 : f32 to vector<128x32xf32>
    %select_n3A_1064 = arith.select %eq3A_1053, %slice3A_1061, %broadcast_in_dim3A_1063 : vector<128x32xi1>, vector<128x32xf32>
    %reduce_sum3A_1065 = arith.constant dense<0.000000e+00> : vector<128xf32>
    %reduce_sum3A_1066 = vector.multi_reduction <add>, %select_n3A_1064, %reduce_sum3A_1065 [1] : vector<128x32xf32> to vector<128xf32>
    %broadcast_in_dim3A_1067 = vector.shape_cast %reduce_sum3A_1066 : vector<128xf32> to vector<128x1xf32>
    %slice3A_1068 = vector.extract_strided_slice %dot_general3A_1051 {offsets = [0, 64], sizes = [128, 32], strides = [1, 1]} : vector<128x160xf32> to vector<128x32xf32>
    %jit3A_1069 = arith.constant 0.000000e+00 : f32
    %broadcast_in_dim3A_1070 = vector.broadcast %jit3A_1069 : f32 to vector<128x32xf32>
    %select_n3A_1071 = arith.select %eq3A_1053, %slice3A_1068, %broadcast_in_dim3A_1070 : vector<128x32xi1>, vector<128x32xf32>
    %reduce_sum3A_1072 = arith.constant dense<0.000000e+00> : vector<128xf32>
    %reduce_sum3A_1073 = vector.multi_reduction <add>, %select_n3A_1071, %reduce_sum3A_1072 [1] : vector<128x32xf32> to vector<128xf32>
    %broadcast_in_dim3A_1074 = vector.shape_cast %reduce_sum3A_1073 : vector<128xf32> to vector<128x1xf32>
    %slice3A_1075 = vector.extract_strided_slice %dot_general3A_1051 {offsets = [0, 96], sizes = [128, 32], strides = [1, 1]} : vector<128x160xf32> to vector<128x32xf32>
    %jit3A_1076 = arith.constant 0.000000e+00 : f32
    %broadcast_in_dim3A_1077 = vector.broadcast %jit3A_1076 : f32 to vector<128x32xf32>
    %select_n3A_1078 = arith.select %eq3A_1053, %slice3A_1075, %broadcast_in_dim3A_1077 : vector<128x32xi1>, vector<128x32xf32>
    %reduce_sum3A_1079 = arith.constant dense<0.000000e+00> : vector<128xf32>
    %reduce_sum3A_1080 = vector.multi_reduction <add>, %select_n3A_1078, %reduce_sum3A_1079 [1] : vector<128x32xf32> to vector<128xf32>
    %broadcast_in_dim3A_1081 = vector.shape_cast %reduce_sum3A_1080 : vector<128xf32> to vector<128x1xf32>
    %slice3A_1082 = vector.extract_strided_slice %dot_general3A_1051 {offsets = [0, 128], sizes = [128, 32], strides = [1, 1]} : vector<128x160xf32> to vector<128x32xf32>
    %jit3A_1083 = arith.constant 0.000000e+00 : f32
    %broadcast_in_dim3A_1084 = vector.broadcast %jit3A_1083 : f32 to vector<128x32xf32>
    %select_n3A_1085 = arith.select %eq3A_1053, %slice3A_1082, %broadcast_in_dim3A_1084 : vector<128x32xi1>, vector<128x32xf32>
    %reduce_sum3A_1086 = arith.constant dense<0.000000e+00> : vector<128xf32>
    %reduce_sum3A_1087 = vector.multi_reduction <add>, %select_n3A_1085, %reduce_sum3A_1086 [1] : vector<128x32xf32> to vector<128xf32>
    %broadcast_in_dim3A_1088 = vector.shape_cast %reduce_sum3A_1087 : vector<128xf32> to vector<128x1xf32>
    %convert_element_type3A_1089 = arith.fptosi %broadcast_in_dim3A_1088 : vector<128x1xf32> to vector<128x1xi32>
    %eq3A_1090 = vector.broadcast %convert_element_type3A_1089 : vector<128x1xi32> to vector<128x128xi32>
    %eq3A_1091 = arith.cmpi eq, %eq3A_1090, %iota3A_37 : vector<128x128xi32>
    %convert_element_type3A_1092 = arith.extui %eq3A_1091 : vector<128x128xi1> to vector<128x128xi32>
    %convert_element_type3A_1093 = arith.sitofp %convert_element_type3A_1092 : vector<128x128xi32> to vector<128x128xf32>
    %dot_general3A_1094 = arith.constant dense<0.000000e+00> : vector<128x64xf32>
    %dot_general3A_1095 = tpu.matmul %convert_element_type3A_1093, %get3A_45, %dot_general3A_1094 {dimension_numbers = #tpu.dot_dimension_numbers<[1], [0], [0], [1], [0, 0, 1, 1], [], []>, transpose_lhs_hint = false} : vector<128x128xf32>, vector<128x64xf32>, vector<128x64xf32> -> vector<128x64xf32>
    %sub3A_1096 = vector.broadcast %broadcast_in_dim3A_997 : vector<128x1xf32> to vector<128x32xf32>
    %sub3A_1097 = vector.broadcast %get3A_48 : vector<1x32xf32> to vector<128x32xf32>
    %sub3A_1098 = arith.subf %sub3A_1096, %sub3A_1097 : vector<128x32xf32>
    %integer_pow3A_1099 = arith.mulf %sub3A_1098, %sub3A_1098 : vector<128x32xf32>
    %mul3A_1100 = arith.constant -28.4444447 : f32
    %mul3A_1101 = vector.broadcast %mul3A_1100 : f32 to vector<128x32xf32>
    %mul3A_1102 = arith.mulf %mul3A_1101, %integer_pow3A_1099 : vector<128x32xf32>
    %exp3A_1103 = math.exp %mul3A_1102 : vector<128x32xf32>
    %sub3A_1104 = arith.subf %slice3A, %broadcast_in_dim3A_1060 : vector<128x1xf32>
    %sub3A_1105 = arith.subf %slice3A_4, %broadcast_in_dim3A_1067 : vector<128x1xf32>
    %sub3A_1106 = arith.subf %slice3A_5, %broadcast_in_dim3A_1074 : vector<128x1xf32>
    %concatenate3A_1107 = tpu.concatenate %sub3A_1104, %sub3A_1105, %sub3A_1106, %broadcast_in_dim3A_1081, %dot_general3A_1095, %exp3A_1103, %broadcast_in_dim3A_997 in 1 : vector<128x1xf32>, vector<128x1xf32>, vector<128x1xf32>, vector<128x1xf32>, vector<128x64xf32>, vector<128x32xf32>, vector<128x1xf32> -> vector<128x101xf32>
    %le3A_1108 = arith.constant 6.000000e+00 : f32
    %le3A_1109 = vector.broadcast %le3A_1108 : f32 to vector<128x1xf32>
    %le3A_1110 = arith.cmpf ole, %broadcast_in_dim3A_997, %le3A_1109 : vector<128x1xf32>
    %jit3A_1111 = arith.constant 0.000000e+00 : f32
    %broadcast_in_dim3A_1112 = vector.shape_cast %le3A_1110 : vector<128x1xi1> to vector<128x1xi1>
    %broadcast_in_dim3A_1113 = vector.broadcast %broadcast_in_dim3A_1112 : vector<128x1xi1> to vector<128x101xi1>
    %broadcast_in_dim3A_1114 = vector.broadcast %jit3A_1111 : f32 to vector<128x101xf32>
    %select_n3A_1115 = arith.select %broadcast_in_dim3A_1113, %concatenate3A_1107, %broadcast_in_dim3A_1114 : vector<128x101xi1>, vector<128x101xf32>
    %swap3A_1116 = arith.constant 0 : index
    %swap3A_1117 = arith.constant 7 : index
    %swap3A_1118 = arith.constant 0 : index
    %swap3A_1119 = arith.constant 0 : index
    %swap3A_1120 = vector.load %arg7[%swap3A_1116, %swap3A_1117, %swap3A_1118, %swap3A_1119] : memref<1x32x128x101xf32, #tpu.memory_space<vmem>>, vector<1x1x128x101xf32>
    %swap3A_1121 = vector.shape_cast %swap3A_1120 : vector<1x1x128x101xf32> to vector<128x101xf32>
    %swap3A_1122 = vector.shape_cast %select_n3A_1115 : vector<128x101xf32> to vector<1x1x128x101xf32>
    tpu.vector_store %arg7[%swap3A_1116, %swap3A_1117, %swap3A_1118, %swap3A_1119], %swap3A_1122 {strides = array<i32>} : memref<1x32x128x101xf32, #tpu.memory_space<vmem>>, vector<1x1x128x101xf32>,
    %eq3A_1123 = arith.constant 7 : i32
    %eq3A_1124 = vector.broadcast %eq3A_1123 : i32 to vector<128x32xi32>
    %eq3A_1125 = arith.cmpi eq, %iota3A, %eq3A_1124 : vector<128x32xi32>
    %broadcast_in_dim3A_1126 = vector.shape_cast %broadcast_in_dim3A_997 : vector<128x1xf32> to vector<128x1xf32>
    %broadcast_in_dim3A_1127 = vector.broadcast %broadcast_in_dim3A_1126 : vector<128x1xf32> to vector<128x32xf32>
    %select_n3A_1128 = arith.select %eq3A_1125, %broadcast_in_dim3A_1127, %select_n3A_991 : vector<128x32xi1>, vector<128x32xf32>
    %broadcast_in_dim3A_1129 = vector.shape_cast %broadcast_in_dim3A_1005 : vector<128x1xi32> to vector<128x1xi32>
    %broadcast_in_dim3A_1130 = vector.broadcast %broadcast_in_dim3A_1129 : vector<128x1xi32> to vector<128x32xi32>
    %select_n3A_1131 = arith.select %eq3A_1125, %broadcast_in_dim3A_1130, %select_n3A_994 : vector<128x32xi1>, vector<128x32xi32>
    %reduce_min3A_1132 = arith.constant dense<0x7F800000> : vector<128xf32>
    %reduce_min3A_1133 = vector.multi_reduction <minimumf>, %select_n3A_1010, %reduce_min3A_1132 [1] : vector<128x4096xf32> to vector<128xf32>
    %broadcast_in_dim3A_1134 = vector.shape_cast %reduce_min3A_1133 : vector<128xf32> to vector<128x1xf32>
    %eq3A_1135 = vector.broadcast %broadcast_in_dim3A_1134 : vector<128x1xf32> to vector<128x4096xf32>
    %eq3A_1136 = arith.cmpf oeq, %select_n3A_1010, %eq3A_1135 : vector<128x4096xf32>
    %jit3A_1137 = arith.constant 4096 : i32
    %broadcast_in_dim3A_1138 = vector.broadcast %jit3A_1137 : i32 to vector<128x4096xi32>
    %select_n3A_1139 = arith.select %eq3A_1136, %iota3A_49, %broadcast_in_dim3A_1138 : vector<128x4096xi1>, vector<128x4096xi32>
    %reduce_min3A_1140 = arith.constant dense<2147483647> : vector<128xi32>
    %reduce_min3A_1141 = vector.multi_reduction <minsi>, %select_n3A_1139, %reduce_min3A_1140 [1] : vector<128x4096xi32> to vector<128xi32>
    %broadcast_in_dim3A_1142 = vector.shape_cast %reduce_min3A_1141 : vector<128xi32> to vector<128x1xi32>
    %eq3A_1143 = vector.broadcast %broadcast_in_dim3A_1142 : vector<128x1xi32> to vector<128x4096xi32>
    %eq3A_1144 = arith.cmpi eq, %iota3A_49, %eq3A_1143 : vector<128x4096xi32>
    %jit3A_1145 = arith.constant 0x7F800000 : f32
    %broadcast_in_dim3A_1146 = vector.broadcast %jit3A_1145 : f32 to vector<128x4096xf32>
    %select_n3A_1147 = arith.select %eq3A_1144, %broadcast_in_dim3A_1146, %select_n3A_1010 : vector<128x4096xi1>, vector<128x4096xf32>
    %jit3A_1148 = arith.constant 32 : i32
    %div3A_1149 = vector.broadcast %jit3A_1148 : i32 to vector<128x1xi32>
    %div3A_1150 = arith.divsi %broadcast_in_dim3A_1142, %div3A_1149 : vector<128x1xi32>
    %sign3A_1151 = arith.constant 0 : i32
    %sign3A_1152 = vector.broadcast %sign3A_1151 : i32 to vector<128x1xi32>
    %sign3A_1153 = arith.cmpi sgt, %broadcast_in_dim3A_1142, %sign3A_1152 : vector<128x1xi32>
    %sign3A_1154 = arith.extui %sign3A_1153 : vector<128x1xi1> to vector<128x1xi32>
    %sign3A_1155 = arith.constant 0 : i32
    %sign3A_1156 = vector.broadcast %sign3A_1155 : i32 to vector<128x1xi32>
    %sign3A_1157 = arith.cmpi slt, %broadcast_in_dim3A_1142, %sign3A_1156 : vector<128x1xi32>
    %sign3A_1158 = arith.extui %sign3A_1157 : vector<128x1xi1> to vector<128x1xi32>
    %sign3A_1159 = arith.subi %sign3A_1154, %sign3A_1158 : vector<128x1xi32>
    %sign3A_1160 = arith.constant 0 : i32
    %sign3A_1161 = arith.cmpi sgt, %jit3A_1148, %sign3A_1160 : i32
    %sign3A_1162 = arith.extui %sign3A_1161 : i1 to i32
    %sign3A_1163 = arith.constant 0 : i32
    %sign3A_1164 = arith.cmpi slt, %jit3A_1148, %sign3A_1163 : i32
    %sign3A_1165 = arith.extui %sign3A_1164 : i1 to i32
    %sign3A_1166 = arith.subi %sign3A_1162, %sign3A_1165 : i32
    %ne3A_1167 = vector.broadcast %sign3A_1166 : i32 to vector<128x1xi32>
    %ne3A_1168 = arith.cmpi ne, %sign3A_1159, %ne3A_1167 : vector<128x1xi32>
    %rem3A_1169 = vector.broadcast %jit3A_1148 : i32 to vector<128x1xi32>
    %rem3A_1170 = arith.remsi %broadcast_in_dim3A_1142, %rem3A_1169 : vector<128x1xi32>
    %ne3A_1171 = arith.constant 0 : i32
    %ne3A_1172 = vector.broadcast %ne3A_1171 : i32 to vector<128x1xi32>
    %ne3A_1173 = arith.cmpi ne, %rem3A_1170, %ne3A_1172 : vector<128x1xi32>
    %and3A_1174 = arith.andi %ne3A_1168, %ne3A_1173 : vector<128x1xi1>
    %sub3A_1175 = arith.constant 1 : i32
    %sub3A_1176 = vector.broadcast %sub3A_1175 : i32 to vector<128x1xi32>
    %sub3A_1177 = arith.subi %div3A_1150, %sub3A_1176 : vector<128x1xi32>
    %select_n3A_1178 = arith.select %and3A_1174, %sub3A_1177, %div3A_1150 : vector<128x1xi1>, vector<128x1xi32>
    %mul3A_1179 = arith.constant 32 : i32
    %mul3A_1180 = vector.broadcast %mul3A_1179 : i32 to vector<128x1xi32>
    %mul3A_1181 = arith.muli %select_n3A_1178, %mul3A_1180 : vector<128x1xi32>
    %sub3A_1182 = arith.subi %broadcast_in_dim3A_1142, %mul3A_1181 : vector<128x1xi32>
    %eq3A_1183 = vector.broadcast %select_n3A_1178 : vector<128x1xi32> to vector<128x128xi32>
    %eq3A_1184 = arith.cmpi eq, %eq3A_1183, %iota3A_35 : vector<128x128xi32>
    %convert_element_type3A_1185 = arith.extui %eq3A_1184 : vector<128x128xi1> to vector<128x128xi32>
    %convert_element_type3A_1186 = arith.sitofp %convert_element_type3A_1185 : vector<128x128xi32> to vector<128x128xf32>
    %dot_general3A_1187 = arith.constant dense<0.000000e+00> : vector<128x160xf32>
    %dot_general3A_1188 = tpu.matmul %convert_element_type3A_1186, %get3A_42, %dot_general3A_1187 {dimension_numbers = #tpu.dot_dimension_numbers<[1], [0], [0], [1], [0, 0, 1, 1], [], []>, transpose_lhs_hint = false} : vector<128x128xf32>, vector<128x160xf32>, vector<128x160xf32> -> vector<128x160xf32>
    %eq3A_1189 = vector.broadcast %sub3A_1182 : vector<128x1xi32> to vector<128x32xi32>
    %eq3A_1190 = arith.cmpi eq, %eq3A_1189, %iota3A_36 : vector<128x32xi32>
    %slice3A_1191 = vector.extract_strided_slice %dot_general3A_1188 {offsets = [0, 0], sizes = [128, 32], strides = [1, 1]} : vector<128x160xf32> to vector<128x32xf32>
    %jit3A_1192 = arith.constant 0.000000e+00 : f32
    %broadcast_in_dim3A_1193 = vector.broadcast %jit3A_1192 : f32 to vector<128x32xf32>
    %select_n3A_1194 = arith.select %eq3A_1190, %slice3A_1191, %broadcast_in_dim3A_1193 : vector<128x32xi1>, vector<128x32xf32>
    %reduce_sum3A_1195 = arith.constant dense<0.000000e+00> : vector<128xf32>
    %reduce_sum3A_1196 = vector.multi_reduction <add>, %select_n3A_1194, %reduce_sum3A_1195 [1] : vector<128x32xf32> to vector<128xf32>
    %broadcast_in_dim3A_1197 = vector.shape_cast %reduce_sum3A_1196 : vector<128xf32> to vector<128x1xf32>
    %slice3A_1198 = vector.extract_strided_slice %dot_general3A_1188 {offsets = [0, 32], sizes = [128, 32], strides = [1, 1]} : vector<128x160xf32> to vector<128x32xf32>
    %jit3A_1199 = arith.constant 0.000000e+00 : f32
    %broadcast_in_dim3A_1200 = vector.broadcast %jit3A_1199 : f32 to vector<128x32xf32>
    %select_n3A_1201 = arith.select %eq3A_1190, %slice3A_1198, %broadcast_in_dim3A_1200 : vector<128x32xi1>, vector<128x32xf32>
    %reduce_sum3A_1202 = arith.constant dense<0.000000e+00> : vector<128xf32>
    %reduce_sum3A_1203 = vector.multi_reduction <add>, %select_n3A_1201, %reduce_sum3A_1202 [1] : vector<128x32xf32> to vector<128xf32>
    %broadcast_in_dim3A_1204 = vector.shape_cast %reduce_sum3A_1203 : vector<128xf32> to vector<128x1xf32>
    %slice3A_1205 = vector.extract_strided_slice %dot_general3A_1188 {offsets = [0, 64], sizes = [128, 32], strides = [1, 1]} : vector<128x160xf32> to vector<128x32xf32>
    %jit3A_1206 = arith.constant 0.000000e+00 : f32
    %broadcast_in_dim3A_1207 = vector.broadcast %jit3A_1206 : f32 to vector<128x32xf32>
    %select_n3A_1208 = arith.select %eq3A_1190, %slice3A_1205, %broadcast_in_dim3A_1207 : vector<128x32xi1>, vector<128x32xf32>
    %reduce_sum3A_1209 = arith.constant dense<0.000000e+00> : vector<128xf32>
    %reduce_sum3A_1210 = vector.multi_reduction <add>, %select_n3A_1208, %reduce_sum3A_1209 [1] : vector<128x32xf32> to vector<128xf32>
    %broadcast_in_dim3A_1211 = vector.shape_cast %reduce_sum3A_1210 : vector<128xf32> to vector<128x1xf32>
    %slice3A_1212 = vector.extract_strided_slice %dot_general3A_1188 {offsets = [0, 96], sizes = [128, 32], strides = [1, 1]} : vector<128x160xf32> to vector<128x32xf32>
    %jit3A_1213 = arith.constant 0.000000e+00 : f32
    %broadcast_in_dim3A_1214 = vector.broadcast %jit3A_1213 : f32 to vector<128x32xf32>
    %select_n3A_1215 = arith.select %eq3A_1190, %slice3A_1212, %broadcast_in_dim3A_1214 : vector<128x32xi1>, vector<128x32xf32>
    %reduce_sum3A_1216 = arith.constant dense<0.000000e+00> : vector<128xf32>
    %reduce_sum3A_1217 = vector.multi_reduction <add>, %select_n3A_1215, %reduce_sum3A_1216 [1] : vector<128x32xf32> to vector<128xf32>
    %broadcast_in_dim3A_1218 = vector.shape_cast %reduce_sum3A_1217 : vector<128xf32> to vector<128x1xf32>
    %slice3A_1219 = vector.extract_strided_slice %dot_general3A_1188 {offsets = [0, 128], sizes = [128, 32], strides = [1, 1]} : vector<128x160xf32> to vector<128x32xf32>
    %jit3A_1220 = arith.constant 0.000000e+00 : f32
    %broadcast_in_dim3A_1221 = vector.broadcast %jit3A_1220 : f32 to vector<128x32xf32>
    %select_n3A_1222 = arith.select %eq3A_1190, %slice3A_1219, %broadcast_in_dim3A_1221 : vector<128x32xi1>, vector<128x32xf32>
    %reduce_sum3A_1223 = arith.constant dense<0.000000e+00> : vector<128xf32>
    %reduce_sum3A_1224 = vector.multi_reduction <add>, %select_n3A_1222, %reduce_sum3A_1223 [1] : vector<128x32xf32> to vector<128xf32>
    %broadcast_in_dim3A_1225 = vector.shape_cast %reduce_sum3A_1224 : vector<128xf32> to vector<128x1xf32>
    %convert_element_type3A_1226 = arith.fptosi %broadcast_in_dim3A_1225 : vector<128x1xf32> to vector<128x1xi32>
    %eq3A_1227 = vector.broadcast %convert_element_type3A_1226 : vector<128x1xi32> to vector<128x128xi32>
    %eq3A_1228 = arith.cmpi eq, %eq3A_1227, %iota3A_37 : vector<128x128xi32>
    %convert_element_type3A_1229 = arith.extui %eq3A_1228 : vector<128x128xi1> to vector<128x128xi32>
    %convert_element_type3A_1230 = arith.sitofp %convert_element_type3A_1229 : vector<128x128xi32> to vector<128x128xf32>
    %dot_general3A_1231 = arith.constant dense<0.000000e+00> : vector<128x64xf32>
    %dot_general3A_1232 = tpu.matmul %convert_element_type3A_1230, %get3A_45, %dot_general3A_1231 {dimension_numbers = #tpu.dot_dimension_numbers<[1], [0], [0], [1], [0, 0, 1, 1], [], []>, transpose_lhs_hint = false} : vector<128x128xf32>, vector<128x64xf32>, vector<128x64xf32> -> vector<128x64xf32>
    %sub3A_1233 = vector.broadcast %broadcast_in_dim3A_1134 : vector<128x1xf32> to vector<128x32xf32>
    %sub3A_1234 = vector.broadcast %get3A_48 : vector<1x32xf32> to vector<128x32xf32>
    %sub3A_1235 = arith.subf %sub3A_1233, %sub3A_1234 : vector<128x32xf32>
    %integer_pow3A_1236 = arith.mulf %sub3A_1235, %sub3A_1235 : vector<128x32xf32>
    %mul3A_1237 = arith.constant -28.4444447 : f32
    %mul3A_1238 = vector.broadcast %mul3A_1237 : f32 to vector<128x32xf32>
    %mul3A_1239 = arith.mulf %mul3A_1238, %integer_pow3A_1236 : vector<128x32xf32>
    %exp3A_1240 = math.exp %mul3A_1239 : vector<128x32xf32>
    %sub3A_1241 = arith.subf %slice3A, %broadcast_in_dim3A_1197 : vector<128x1xf32>
    %sub3A_1242 = arith.subf %slice3A_4, %broadcast_in_dim3A_1204 : vector<128x1xf32>
    %sub3A_1243 = arith.subf %slice3A_5, %broadcast_in_dim3A_1211 : vector<128x1xf32>
    %concatenate3A_1244 = tpu.concatenate %sub3A_1241, %sub3A_1242, %sub3A_1243, %broadcast_in_dim3A_1218, %dot_general3A_1232, %exp3A_1240, %broadcast_in_dim3A_1134 in 1 : vector<128x1xf32>, vector<128x1xf32>, vector<128x1xf32>, vector<128x1xf32>, vector<128x64xf32>, vector<128x32xf32>, vector<128x1xf32> -> vector<128x101xf32>
    %le3A_1245 = arith.constant 6.000000e+00 : f32
    %le3A_1246 = vector.broadcast %le3A_1245 : f32 to vector<128x1xf32>
    %le3A_1247 = arith.cmpf ole, %broadcast_in_dim3A_1134, %le3A_1246 : vector<128x1xf32>
    %jit3A_1248 = arith.constant 0.000000e+00 : f32
    %broadcast_in_dim3A_1249 = vector.shape_cast %le3A_1247 : vector<128x1xi1> to vector<128x1xi1>
    %broadcast_in_dim3A_1250 = vector.broadcast %broadcast_in_dim3A_1249 : vector<128x1xi1> to vector<128x101xi1>
    %broadcast_in_dim3A_1251 = vector.broadcast %jit3A_1248 : f32 to vector<128x101xf32>
    %select_n3A_1252 = arith.select %broadcast_in_dim3A_1250, %concatenate3A_1244, %broadcast_in_dim3A_1251 : vector<128x101xi1>, vector<128x101xf32>
    %swap3A_1253 = arith.constant 0 : index
    %swap3A_1254 = arith.constant 8 : index
    %swap3A_1255 = arith.constant 0 : index
    %swap3A_1256 = arith.constant 0 : index
    %swap3A_1257 = vector.load %arg7[%swap3A_1253, %swap3A_1254, %swap3A_1255, %swap3A_1256] : memref<1x32x128x101xf32, #tpu.memory_space<vmem>>, vector<1x1x128x101xf32>
    %swap3A_1258 = vector.shape_cast %swap3A_1257 : vector<1x1x128x101xf32> to vector<128x101xf32>
    %swap3A_1259 = vector.shape_cast %select_n3A_1252 : vector<128x101xf32> to vector<1x1x128x101xf32>
    tpu.vector_store %arg7[%swap3A_1253, %swap3A_1254, %swap3A_1255, %swap3A_1256], %swap3A_1259 {strides = array<i32>} : memref<1x32x128x101xf32, #tpu.memory_space<vmem>>, vector<1x1x128x101xf32>,
    %eq3A_1260 = arith.constant 8 : i32
    %eq3A_1261 = vector.broadcast %eq3A_1260 : i32 to vector<128x32xi32>
    %eq3A_1262 = arith.cmpi eq, %iota3A, %eq3A_1261 : vector<128x32xi32>
    %broadcast_in_dim3A_1263 = vector.shape_cast %broadcast_in_dim3A_1134 : vector<128x1xf32> to vector<128x1xf32>
    %broadcast_in_dim3A_1264 = vector.broadcast %broadcast_in_dim3A_1263 : vector<128x1xf32> to vector<128x32xf32>
    %select_n3A_1265 = arith.select %eq3A_1262, %broadcast_in_dim3A_1264, %select_n3A_1128 : vector<128x32xi1>, vector<128x32xf32>
    %broadcast_in_dim3A_1266 = vector.shape_cast %broadcast_in_dim3A_1142 : vector<128x1xi32> to vector<128x1xi32>
    %broadcast_in_dim3A_1267 = vector.broadcast %broadcast_in_dim3A_1266 : vector<128x1xi32> to vector<128x32xi32>
    %select_n3A_1268 = arith.select %eq3A_1262, %broadcast_in_dim3A_1267, %select_n3A_1131 : vector<128x32xi1>, vector<128x32xi32>
    %reduce_min3A_1269 = arith.constant dense<0x7F800000> : vector<128xf32>
    %reduce_min3A_1270 = vector.multi_reduction <minimumf>, %select_n3A_1147, %reduce_min3A_1269 [1] : vector<128x4096xf32> to vector<128xf32>
    %broadcast_in_dim3A_1271 = vector.shape_cast %reduce_min3A_1270 : vector<128xf32> to vector<128x1xf32>
    %eq3A_1272 = vector.broadcast %broadcast_in_dim3A_1271 : vector<128x1xf32> to vector<128x4096xf32>
    %eq3A_1273 = arith.cmpf oeq, %select_n3A_1147, %eq3A_1272 : vector<128x4096xf32>
    %jit3A_1274 = arith.constant 4096 : i32
    %broadcast_in_dim3A_1275 = vector.broadcast %jit3A_1274 : i32 to vector<128x4096xi32>
    %select_n3A_1276 = arith.select %eq3A_1273, %iota3A_49, %broadcast_in_dim3A_1275 : vector<128x4096xi1>, vector<128x4096xi32>
    %reduce_min3A_1277 = arith.constant dense<2147483647> : vector<128xi32>
    %reduce_min3A_1278 = vector.multi_reduction <minsi>, %select_n3A_1276, %reduce_min3A_1277 [1] : vector<128x4096xi32> to vector<128xi32>
    %broadcast_in_dim3A_1279 = vector.shape_cast %reduce_min3A_1278 : vector<128xi32> to vector<128x1xi32>
    %eq3A_1280 = vector.broadcast %broadcast_in_dim3A_1279 : vector<128x1xi32> to vector<128x4096xi32>
    %eq3A_1281 = arith.cmpi eq, %iota3A_49, %eq3A_1280 : vector<128x4096xi32>
    %jit3A_1282 = arith.constant 0x7F800000 : f32
    %broadcast_in_dim3A_1283 = vector.broadcast %jit3A_1282 : f32 to vector<128x4096xf32>
    %select_n3A_1284 = arith.select %eq3A_1281, %broadcast_in_dim3A_1283, %select_n3A_1147 : vector<128x4096xi1>, vector<128x4096xf32>
    %jit3A_1285 = arith.constant 32 : i32
    %div3A_1286 = vector.broadcast %jit3A_1285 : i32 to vector<128x1xi32>
    %div3A_1287 = arith.divsi %broadcast_in_dim3A_1279, %div3A_1286 : vector<128x1xi32>
    %sign3A_1288 = arith.constant 0 : i32
    %sign3A_1289 = vector.broadcast %sign3A_1288 : i32 to vector<128x1xi32>
    %sign3A_1290 = arith.cmpi sgt, %broadcast_in_dim3A_1279, %sign3A_1289 : vector<128x1xi32>
    %sign3A_1291 = arith.extui %sign3A_1290 : vector<128x1xi1> to vector<128x1xi32>
    %sign3A_1292 = arith.constant 0 : i32
    %sign3A_1293 = vector.broadcast %sign3A_1292 : i32 to vector<128x1xi32>
    %sign3A_1294 = arith.cmpi slt, %broadcast_in_dim3A_1279, %sign3A_1293 : vector<128x1xi32>
    %sign3A_1295 = arith.extui %sign3A_1294 : vector<128x1xi1> to vector<128x1xi32>
    %sign3A_1296 = arith.subi %sign3A_1291, %sign3A_1295 : vector<128x1xi32>
    %sign3A_1297 = arith.constant 0 : i32
    %sign3A_1298 = arith.cmpi sgt, %jit3A_1285, %sign3A_1297 : i32
    %sign3A_1299 = arith.extui %sign3A_1298 : i1 to i32
    %sign3A_1300 = arith.constant 0 : i32
    %sign3A_1301 = arith.cmpi slt, %jit3A_1285, %sign3A_1300 : i32
    %sign3A_1302 = arith.extui %sign3A_1301 : i1 to i32
    %sign3A_1303 = arith.subi %sign3A_1299, %sign3A_1302 : i32
    %ne3A_1304 = vector.broadcast %sign3A_1303 : i32 to vector<128x1xi32>
    %ne3A_1305 = arith.cmpi ne, %sign3A_1296, %ne3A_1304 : vector<128x1xi32>
    %rem3A_1306 = vector.broadcast %jit3A_1285 : i32 to vector<128x1xi32>
    %rem3A_1307 = arith.remsi %broadcast_in_dim3A_1279, %rem3A_1306 : vector<128x1xi32>
    %ne3A_1308 = arith.constant 0 : i32
    %ne3A_1309 = vector.broadcast %ne3A_1308 : i32 to vector<128x1xi32>
    %ne3A_1310 = arith.cmpi ne, %rem3A_1307, %ne3A_1309 : vector<128x1xi32>
    %and3A_1311 = arith.andi %ne3A_1305, %ne3A_1310 : vector<128x1xi1>
    %sub3A_1312 = arith.constant 1 : i32
    %sub3A_1313 = vector.broadcast %sub3A_1312 : i32 to vector<128x1xi32>
    %sub3A_1314 = arith.subi %div3A_1287, %sub3A_1313 : vector<128x1xi32>
    %select_n3A_1315 = arith.select %and3A_1311, %sub3A_1314, %div3A_1287 : vector<128x1xi1>, vector<128x1xi32>
    %mul3A_1316 = arith.constant 32 : i32
    %mul3A_1317 = vector.broadcast %mul3A_1316 : i32 to vector<128x1xi32>
    %mul3A_1318 = arith.muli %select_n3A_1315, %mul3A_1317 : vector<128x1xi32>
    %sub3A_1319 = arith.subi %broadcast_in_dim3A_1279, %mul3A_1318 : vector<128x1xi32>
    %eq3A_1320 = vector.broadcast %select_n3A_1315 : vector<128x1xi32> to vector<128x128xi32>
    %eq3A_1321 = arith.cmpi eq, %eq3A_1320, %iota3A_35 : vector<128x128xi32>
    %convert_element_type3A_1322 = arith.extui %eq3A_1321 : vector<128x128xi1> to vector<128x128xi32>
    %convert_element_type3A_1323 = arith.sitofp %convert_element_type3A_1322 : vector<128x128xi32> to vector<128x128xf32>
    %dot_general3A_1324 = arith.constant dense<0.000000e+00> : vector<128x160xf32>
    %dot_general3A_1325 = tpu.matmul %convert_element_type3A_1323, %get3A_42, %dot_general3A_1324 {dimension_numbers = #tpu.dot_dimension_numbers<[1], [0], [0], [1], [0, 0, 1, 1], [], []>, transpose_lhs_hint = false} : vector<128x128xf32>, vector<128x160xf32>, vector<128x160xf32> -> vector<128x160xf32>
    %eq3A_1326 = vector.broadcast %sub3A_1319 : vector<128x1xi32> to vector<128x32xi32>
    %eq3A_1327 = arith.cmpi eq, %eq3A_1326, %iota3A_36 : vector<128x32xi32>
    %slice3A_1328 = vector.extract_strided_slice %dot_general3A_1325 {offsets = [0, 0], sizes = [128, 32], strides = [1, 1]} : vector<128x160xf32> to vector<128x32xf32>
    %jit3A_1329 = arith.constant 0.000000e+00 : f32
    %broadcast_in_dim3A_1330 = vector.broadcast %jit3A_1329 : f32 to vector<128x32xf32>
    %select_n3A_1331 = arith.select %eq3A_1327, %slice3A_1328, %broadcast_in_dim3A_1330 : vector<128x32xi1>, vector<128x32xf32>
    %reduce_sum3A_1332 = arith.constant dense<0.000000e+00> : vector<128xf32>
    %reduce_sum3A_1333 = vector.multi_reduction <add>, %select_n3A_1331, %reduce_sum3A_1332 [1] : vector<128x32xf32> to vector<128xf32>
    %broadcast_in_dim3A_1334 = vector.shape_cast %reduce_sum3A_1333 : vector<128xf32> to vector<128x1xf32>
    %slice3A_1335 = vector.extract_strided_slice %dot_general3A_1325 {offsets = [0, 32], sizes = [128, 32], strides = [1, 1]} : vector<128x160xf32> to vector<128x32xf32>
    %jit3A_1336 = arith.constant 0.000000e+00 : f32
    %broadcast_in_dim3A_1337 = vector.broadcast %jit3A_1336 : f32 to vector<128x32xf32>
    %select_n3A_1338 = arith.select %eq3A_1327, %slice3A_1335, %broadcast_in_dim3A_1337 : vector<128x32xi1>, vector<128x32xf32>
    %reduce_sum3A_1339 = arith.constant dense<0.000000e+00> : vector<128xf32>
    %reduce_sum3A_1340 = vector.multi_reduction <add>, %select_n3A_1338, %reduce_sum3A_1339 [1] : vector<128x32xf32> to vector<128xf32>
    %broadcast_in_dim3A_1341 = vector.shape_cast %reduce_sum3A_1340 : vector<128xf32> to vector<128x1xf32>
    %slice3A_1342 = vector.extract_strided_slice %dot_general3A_1325 {offsets = [0, 64], sizes = [128, 32], strides = [1, 1]} : vector<128x160xf32> to vector<128x32xf32>
    %jit3A_1343 = arith.constant 0.000000e+00 : f32
    %broadcast_in_dim3A_1344 = vector.broadcast %jit3A_1343 : f32 to vector<128x32xf32>
    %select_n3A_1345 = arith.select %eq3A_1327, %slice3A_1342, %broadcast_in_dim3A_1344 : vector<128x32xi1>, vector<128x32xf32>
    %reduce_sum3A_1346 = arith.constant dense<0.000000e+00> : vector<128xf32>
    %reduce_sum3A_1347 = vector.multi_reduction <add>, %select_n3A_1345, %reduce_sum3A_1346 [1] : vector<128x32xf32> to vector<128xf32>
    %broadcast_in_dim3A_1348 = vector.shape_cast %reduce_sum3A_1347 : vector<128xf32> to vector<128x1xf32>
    %slice3A_1349 = vector.extract_strided_slice %dot_general3A_1325 {offsets = [0, 96], sizes = [128, 32], strides = [1, 1]} : vector<128x160xf32> to vector<128x32xf32>
    %jit3A_1350 = arith.constant 0.000000e+00 : f32
    %broadcast_in_dim3A_1351 = vector.broadcast %jit3A_1350 : f32 to vector<128x32xf32>
    %select_n3A_1352 = arith.select %eq3A_1327, %slice3A_1349, %broadcast_in_dim3A_1351 : vector<128x32xi1>, vector<128x32xf32>
    %reduce_sum3A_1353 = arith.constant dense<0.000000e+00> : vector<128xf32>
    %reduce_sum3A_1354 = vector.multi_reduction <add>, %select_n3A_1352, %reduce_sum3A_1353 [1] : vector<128x32xf32> to vector<128xf32>
    %broadcast_in_dim3A_1355 = vector.shape_cast %reduce_sum3A_1354 : vector<128xf32> to vector<128x1xf32>
    %slice3A_1356 = vector.extract_strided_slice %dot_general3A_1325 {offsets = [0, 128], sizes = [128, 32], strides = [1, 1]} : vector<128x160xf32> to vector<128x32xf32>
    %jit3A_1357 = arith.constant 0.000000e+00 : f32
    %broadcast_in_dim3A_1358 = vector.broadcast %jit3A_1357 : f32 to vector<128x32xf32>
    %select_n3A_1359 = arith.select %eq3A_1327, %slice3A_1356, %broadcast_in_dim3A_1358 : vector<128x32xi1>, vector<128x32xf32>
    %reduce_sum3A_1360 = arith.constant dense<0.000000e+00> : vector<128xf32>
    %reduce_sum3A_1361 = vector.multi_reduction <add>, %select_n3A_1359, %reduce_sum3A_1360 [1] : vector<128x32xf32> to vector<128xf32>
    %broadcast_in_dim3A_1362 = vector.shape_cast %reduce_sum3A_1361 : vector<128xf32> to vector<128x1xf32>
    %convert_element_type3A_1363 = arith.fptosi %broadcast_in_dim3A_1362 : vector<128x1xf32> to vector<128x1xi32>
    %eq3A_1364 = vector.broadcast %convert_element_type3A_1363 : vector<128x1xi32> to vector<128x128xi32>
    %eq3A_1365 = arith.cmpi eq, %eq3A_1364, %iota3A_37 : vector<128x128xi32>
    %convert_element_type3A_1366 = arith.extui %eq3A_1365 : vector<128x128xi1> to vector<128x128xi32>
    %convert_element_type3A_1367 = arith.sitofp %convert_element_type3A_1366 : vector<128x128xi32> to vector<128x128xf32>
    %dot_general3A_1368 = arith.constant dense<0.000000e+00> : vector<128x64xf32>
    %dot_general3A_1369 = tpu.matmul %convert_element_type3A_1367, %get3A_45, %dot_general3A_1368 {dimension_numbers = #tpu.dot_dimension_numbers<[1], [0], [0], [1], [0, 0, 1, 1], [], []>, transpose_lhs_hint = false} : vector<128x128xf32>, vector<128x64xf32>, vector<128x64xf32> -> vector<128x64xf32>
    %sub3A_1370 = vector.broadcast %broadcast_in_dim3A_1271 : vector<128x1xf32> to vector<128x32xf32>
    %sub3A_1371 = vector.broadcast %get3A_48 : vector<1x32xf32> to vector<128x32xf32>
    %sub3A_1372 = arith.subf %sub3A_1370, %sub3A_1371 : vector<128x32xf32>
    %integer_pow3A_1373 = arith.mulf %sub3A_1372, %sub3A_1372 : vector<128x32xf32>
    %mul3A_1374 = arith.constant -28.4444447 : f32
    %mul3A_1375 = vector.broadcast %mul3A_1374 : f32 to vector<128x32xf32>
    %mul3A_1376 = arith.mulf %mul3A_1375, %integer_pow3A_1373 : vector<128x32xf32>
    %exp3A_1377 = math.exp %mul3A_1376 : vector<128x32xf32>
    %sub3A_1378 = arith.subf %slice3A, %broadcast_in_dim3A_1334 : vector<128x1xf32>
    %sub3A_1379 = arith.subf %slice3A_4, %broadcast_in_dim3A_1341 : vector<128x1xf32>
    %sub3A_1380 = arith.subf %slice3A_5, %broadcast_in_dim3A_1348 : vector<128x1xf32>
    %concatenate3A_1381 = tpu.concatenate %sub3A_1378, %sub3A_1379, %sub3A_1380, %broadcast_in_dim3A_1355, %dot_general3A_1369, %exp3A_1377, %broadcast_in_dim3A_1271 in 1 : vector<128x1xf32>, vector<128x1xf32>, vector<128x1xf32>, vector<128x1xf32>, vector<128x64xf32>, vector<128x32xf32>, vector<128x1xf32> -> vector<128x101xf32>
    %le3A_1382 = arith.constant 6.000000e+00 : f32
    %le3A_1383 = vector.broadcast %le3A_1382 : f32 to vector<128x1xf32>
    %le3A_1384 = arith.cmpf ole, %broadcast_in_dim3A_1271, %le3A_1383 : vector<128x1xf32>
    %jit3A_1385 = arith.constant 0.000000e+00 : f32
    %broadcast_in_dim3A_1386 = vector.shape_cast %le3A_1384 : vector<128x1xi1> to vector<128x1xi1>
    %broadcast_in_dim3A_1387 = vector.broadcast %broadcast_in_dim3A_1386 : vector<128x1xi1> to vector<128x101xi1>
    %broadcast_in_dim3A_1388 = vector.broadcast %jit3A_1385 : f32 to vector<128x101xf32>
    %select_n3A_1389 = arith.select %broadcast_in_dim3A_1387, %concatenate3A_1381, %broadcast_in_dim3A_1388 : vector<128x101xi1>, vector<128x101xf32>
    %swap3A_1390 = arith.constant 0 : index
    %swap3A_1391 = arith.constant 9 : index
    %swap3A_1392 = arith.constant 0 : index
    %swap3A_1393 = arith.constant 0 : index
    %swap3A_1394 = vector.load %arg7[%swap3A_1390, %swap3A_1391, %swap3A_1392, %swap3A_1393] : memref<1x32x128x101xf32, #tpu.memory_space<vmem>>, vector<1x1x128x101xf32>
    %swap3A_1395 = vector.shape_cast %swap3A_1394 : vector<1x1x128x101xf32> to vector<128x101xf32>
    %swap3A_1396 = vector.shape_cast %select_n3A_1389 : vector<128x101xf32> to vector<1x1x128x101xf32>
    tpu.vector_store %arg7[%swap3A_1390, %swap3A_1391, %swap3A_1392, %swap3A_1393], %swap3A_1396 {strides = array<i32>} : memref<1x32x128x101xf32, #tpu.memory_space<vmem>>, vector<1x1x128x101xf32>,
    %eq3A_1397 = arith.constant 9 : i32
    %eq3A_1398 = vector.broadcast %eq3A_1397 : i32 to vector<128x32xi32>
    %eq3A_1399 = arith.cmpi eq, %iota3A, %eq3A_1398 : vector<128x32xi32>
    %broadcast_in_dim3A_1400 = vector.shape_cast %broadcast_in_dim3A_1271 : vector<128x1xf32> to vector<128x1xf32>
    %broadcast_in_dim3A_1401 = vector.broadcast %broadcast_in_dim3A_1400 : vector<128x1xf32> to vector<128x32xf32>
    %select_n3A_1402 = arith.select %eq3A_1399, %broadcast_in_dim3A_1401, %select_n3A_1265 : vector<128x32xi1>, vector<128x32xf32>
    %broadcast_in_dim3A_1403 = vector.shape_cast %broadcast_in_dim3A_1279 : vector<128x1xi32> to vector<128x1xi32>
    %broadcast_in_dim3A_1404 = vector.broadcast %broadcast_in_dim3A_1403 : vector<128x1xi32> to vector<128x32xi32>
    %select_n3A_1405 = arith.select %eq3A_1399, %broadcast_in_dim3A_1404, %select_n3A_1268 : vector<128x32xi1>, vector<128x32xi32>
    %reduce_min3A_1406 = arith.constant dense<0x7F800000> : vector<128xf32>
    %reduce_min3A_1407 = vector.multi_reduction <minimumf>, %select_n3A_1284, %reduce_min3A_1406 [1] : vector<128x4096xf32> to vector<128xf32>
    %broadcast_in_dim3A_1408 = vector.shape_cast %reduce_min3A_1407 : vector<128xf32> to vector<128x1xf32>
    %eq3A_1409 = vector.broadcast %broadcast_in_dim3A_1408 : vector<128x1xf32> to vector<128x4096xf32>
    %eq3A_1410 = arith.cmpf oeq, %select_n3A_1284, %eq3A_1409 : vector<128x4096xf32>
    %jit3A_1411 = arith.constant 4096 : i32
    %broadcast_in_dim3A_1412 = vector.broadcast %jit3A_1411 : i32 to vector<128x4096xi32>
    %select_n3A_1413 = arith.select %eq3A_1410, %iota3A_49, %broadcast_in_dim3A_1412 : vector<128x4096xi1>, vector<128x4096xi32>
    %reduce_min3A_1414 = arith.constant dense<2147483647> : vector<128xi32>
    %reduce_min3A_1415 = vector.multi_reduction <minsi>, %select_n3A_1413, %reduce_min3A_1414 [1] : vector<128x4096xi32> to vector<128xi32>
    %broadcast_in_dim3A_1416 = vector.shape_cast %reduce_min3A_1415 : vector<128xi32> to vector<128x1xi32>
    %eq3A_1417 = vector.broadcast %broadcast_in_dim3A_1416 : vector<128x1xi32> to vector<128x4096xi32>
    %eq3A_1418 = arith.cmpi eq, %iota3A_49, %eq3A_1417 : vector<128x4096xi32>
    %jit3A_1419 = arith.constant 0x7F800000 : f32
    %broadcast_in_dim3A_1420 = vector.broadcast %jit3A_1419 : f32 to vector<128x4096xf32>
    %select_n3A_1421 = arith.select %eq3A_1418, %broadcast_in_dim3A_1420, %select_n3A_1284 : vector<128x4096xi1>, vector<128x4096xf32>
    %jit3A_1422 = arith.constant 32 : i32
    %div3A_1423 = vector.broadcast %jit3A_1422 : i32 to vector<128x1xi32>
    %div3A_1424 = arith.divsi %broadcast_in_dim3A_1416, %div3A_1423 : vector<128x1xi32>
    %sign3A_1425 = arith.constant 0 : i32
    %sign3A_1426 = vector.broadcast %sign3A_1425 : i32 to vector<128x1xi32>
    %sign3A_1427 = arith.cmpi sgt, %broadcast_in_dim3A_1416, %sign3A_1426 : vector<128x1xi32>
    %sign3A_1428 = arith.extui %sign3A_1427 : vector<128x1xi1> to vector<128x1xi32>
    %sign3A_1429 = arith.constant 0 : i32
    %sign3A_1430 = vector.broadcast %sign3A_1429 : i32 to vector<128x1xi32>
    %sign3A_1431 = arith.cmpi slt, %broadcast_in_dim3A_1416, %sign3A_1430 : vector<128x1xi32>
    %sign3A_1432 = arith.extui %sign3A_1431 : vector<128x1xi1> to vector<128x1xi32>
    %sign3A_1433 = arith.subi %sign3A_1428, %sign3A_1432 : vector<128x1xi32>
    %sign3A_1434 = arith.constant 0 : i32
    %sign3A_1435 = arith.cmpi sgt, %jit3A_1422, %sign3A_1434 : i32
    %sign3A_1436 = arith.extui %sign3A_1435 : i1 to i32
    %sign3A_1437 = arith.constant 0 : i32
    %sign3A_1438 = arith.cmpi slt, %jit3A_1422, %sign3A_1437 : i32
    %sign3A_1439 = arith.extui %sign3A_1438 : i1 to i32
    %sign3A_1440 = arith.subi %sign3A_1436, %sign3A_1439 : i32
    %ne3A_1441 = vector.broadcast %sign3A_1440 : i32 to vector<128x1xi32>
    %ne3A_1442 = arith.cmpi ne, %sign3A_1433, %ne3A_1441 : vector<128x1xi32>
    %rem3A_1443 = vector.broadcast %jit3A_1422 : i32 to vector<128x1xi32>
    %rem3A_1444 = arith.remsi %broadcast_in_dim3A_1416, %rem3A_1443 : vector<128x1xi32>
    %ne3A_1445 = arith.constant 0 : i32
    %ne3A_1446 = vector.broadcast %ne3A_1445 : i32 to vector<128x1xi32>
    %ne3A_1447 = arith.cmpi ne, %rem3A_1444, %ne3A_1446 : vector<128x1xi32>
    %and3A_1448 = arith.andi %ne3A_1442, %ne3A_1447 : vector<128x1xi1>
    %sub3A_1449 = arith.constant 1 : i32
    %sub3A_1450 = vector.broadcast %sub3A_1449 : i32 to vector<128x1xi32>
    %sub3A_1451 = arith.subi %div3A_1424, %sub3A_1450 : vector<128x1xi32>
    %select_n3A_1452 = arith.select %and3A_1448, %sub3A_1451, %div3A_1424 : vector<128x1xi1>, vector<128x1xi32>
    %mul3A_1453 = arith.constant 32 : i32
    %mul3A_1454 = vector.broadcast %mul3A_1453 : i32 to vector<128x1xi32>
    %mul3A_1455 = arith.muli %select_n3A_1452, %mul3A_1454 : vector<128x1xi32>
    %sub3A_1456 = arith.subi %broadcast_in_dim3A_1416, %mul3A_1455 : vector<128x1xi32>
    %eq3A_1457 = vector.broadcast %select_n3A_1452 : vector<128x1xi32> to vector<128x128xi32>
    %eq3A_1458 = arith.cmpi eq, %eq3A_1457, %iota3A_35 : vector<128x128xi32>
    %convert_element_type3A_1459 = arith.extui %eq3A_1458 : vector<128x128xi1> to vector<128x128xi32>
    %convert_element_type3A_1460 = arith.sitofp %convert_element_type3A_1459 : vector<128x128xi32> to vector<128x128xf32>
    %dot_general3A_1461 = arith.constant dense<0.000000e+00> : vector<128x160xf32>
    %dot_general3A_1462 = tpu.matmul %convert_element_type3A_1460, %get3A_42, %dot_general3A_1461 {dimension_numbers = #tpu.dot_dimension_numbers<[1], [0], [0], [1], [0, 0, 1, 1], [], []>, transpose_lhs_hint = false} : vector<128x128xf32>, vector<128x160xf32>, vector<128x160xf32> -> vector<128x160xf32>
    %eq3A_1463 = vector.broadcast %sub3A_1456 : vector<128x1xi32> to vector<128x32xi32>
    %eq3A_1464 = arith.cmpi eq, %eq3A_1463, %iota3A_36 : vector<128x32xi32>
    %slice3A_1465 = vector.extract_strided_slice %dot_general3A_1462 {offsets = [0, 0], sizes = [128, 32], strides = [1, 1]} : vector<128x160xf32> to vector<128x32xf32>
    %jit3A_1466 = arith.constant 0.000000e+00 : f32
    %broadcast_in_dim3A_1467 = vector.broadcast %jit3A_1466 : f32 to vector<128x32xf32>
    %select_n3A_1468 = arith.select %eq3A_1464, %slice3A_1465, %broadcast_in_dim3A_1467 : vector<128x32xi1>, vector<128x32xf32>
    %reduce_sum3A_1469 = arith.constant dense<0.000000e+00> : vector<128xf32>
    %reduce_sum3A_1470 = vector.multi_reduction <add>, %select_n3A_1468, %reduce_sum3A_1469 [1] : vector<128x32xf32> to vector<128xf32>
    %broadcast_in_dim3A_1471 = vector.shape_cast %reduce_sum3A_1470 : vector<128xf32> to vector<128x1xf32>
    %slice3A_1472 = vector.extract_strided_slice %dot_general3A_1462 {offsets = [0, 32], sizes = [128, 32], strides = [1, 1]} : vector<128x160xf32> to vector<128x32xf32>
    %jit3A_1473 = arith.constant 0.000000e+00 : f32
    %broadcast_in_dim3A_1474 = vector.broadcast %jit3A_1473 : f32 to vector<128x32xf32>
    %select_n3A_1475 = arith.select %eq3A_1464, %slice3A_1472, %broadcast_in_dim3A_1474 : vector<128x32xi1>, vector<128x32xf32>
    %reduce_sum3A_1476 = arith.constant dense<0.000000e+00> : vector<128xf32>
    %reduce_sum3A_1477 = vector.multi_reduction <add>, %select_n3A_1475, %reduce_sum3A_1476 [1] : vector<128x32xf32> to vector<128xf32>
    %broadcast_in_dim3A_1478 = vector.shape_cast %reduce_sum3A_1477 : vector<128xf32> to vector<128x1xf32>
    %slice3A_1479 = vector.extract_strided_slice %dot_general3A_1462 {offsets = [0, 64], sizes = [128, 32], strides = [1, 1]} : vector<128x160xf32> to vector<128x32xf32>
    %jit3A_1480 = arith.constant 0.000000e+00 : f32
    %broadcast_in_dim3A_1481 = vector.broadcast %jit3A_1480 : f32 to vector<128x32xf32>
    %select_n3A_1482 = arith.select %eq3A_1464, %slice3A_1479, %broadcast_in_dim3A_1481 : vector<128x32xi1>, vector<128x32xf32>
    %reduce_sum3A_1483 = arith.constant dense<0.000000e+00> : vector<128xf32>
    %reduce_sum3A_1484 = vector.multi_reduction <add>, %select_n3A_1482, %reduce_sum3A_1483 [1] : vector<128x32xf32> to vector<128xf32>
    %broadcast_in_dim3A_1485 = vector.shape_cast %reduce_sum3A_1484 : vector<128xf32> to vector<128x1xf32>
    %slice3A_1486 = vector.extract_strided_slice %dot_general3A_1462 {offsets = [0, 96], sizes = [128, 32], strides = [1, 1]} : vector<128x160xf32> to vector<128x32xf32>
    %jit3A_1487 = arith.constant 0.000000e+00 : f32
    %broadcast_in_dim3A_1488 = vector.broadcast %jit3A_1487 : f32 to vector<128x32xf32>
    %select_n3A_1489 = arith.select %eq3A_1464, %slice3A_1486, %broadcast_in_dim3A_1488 : vector<128x32xi1>, vector<128x32xf32>
    %reduce_sum3A_1490 = arith.constant dense<0.000000e+00> : vector<128xf32>
    %reduce_sum3A_1491 = vector.multi_reduction <add>, %select_n3A_1489, %reduce_sum3A_1490 [1] : vector<128x32xf32> to vector<128xf32>
    %broadcast_in_dim3A_1492 = vector.shape_cast %reduce_sum3A_1491 : vector<128xf32> to vector<128x1xf32>
    %slice3A_1493 = vector.extract_strided_slice %dot_general3A_1462 {offsets = [0, 128], sizes = [128, 32], strides = [1, 1]} : vector<128x160xf32> to vector<128x32xf32>
    %jit3A_1494 = arith.constant 0.000000e+00 : f32
    %broadcast_in_dim3A_1495 = vector.broadcast %jit3A_1494 : f32 to vector<128x32xf32>
    %select_n3A_1496 = arith.select %eq3A_1464, %slice3A_1493, %broadcast_in_dim3A_1495 : vector<128x32xi1>, vector<128x32xf32>
    %reduce_sum3A_1497 = arith.constant dense<0.000000e+00> : vector<128xf32>
    %reduce_sum3A_1498 = vector.multi_reduction <add>, %select_n3A_1496, %reduce_sum3A_1497 [1] : vector<128x32xf32> to vector<128xf32>
    %broadcast_in_dim3A_1499 = vector.shape_cast %reduce_sum3A_1498 : vector<128xf32> to vector<128x1xf32>
    %convert_element_type3A_1500 = arith.fptosi %broadcast_in_dim3A_1499 : vector<128x1xf32> to vector<128x1xi32>
    %eq3A_1501 = vector.broadcast %convert_element_type3A_1500 : vector<128x1xi32> to vector<128x128xi32>
    %eq3A_1502 = arith.cmpi eq, %eq3A_1501, %iota3A_37 : vector<128x128xi32>
    %convert_element_type3A_1503 = arith.extui %eq3A_1502 : vector<128x128xi1> to vector<128x128xi32>
    %convert_element_type3A_1504 = arith.sitofp %convert_element_type3A_1503 : vector<128x128xi32> to vector<128x128xf32>
    %dot_general3A_1505 = arith.constant dense<0.000000e+00> : vector<128x64xf32>
    %dot_general3A_1506 = tpu.matmul %convert_element_type3A_1504, %get3A_45, %dot_general3A_1505 {dimension_numbers = #tpu.dot_dimension_numbers<[1], [0], [0], [1], [0, 0, 1, 1], [], []>, transpose_lhs_hint = false} : vector<128x128xf32>, vector<128x64xf32>, vector<128x64xf32> -> vector<128x64xf32>
    %sub3A_1507 = vector.broadcast %broadcast_in_dim3A_1408 : vector<128x1xf32> to vector<128x32xf32>
    %sub3A_1508 = vector.broadcast %get3A_48 : vector<1x32xf32> to vector<128x32xf32>
    %sub3A_1509 = arith.subf %sub3A_1507, %sub3A_1508 : vector<128x32xf32>
    %integer_pow3A_1510 = arith.mulf %sub3A_1509, %sub3A_1509 : vector<128x32xf32>
    %mul3A_1511 = arith.constant -28.4444447 : f32
    %mul3A_1512 = vector.broadcast %mul3A_1511 : f32 to vector<128x32xf32>
    %mul3A_1513 = arith.mulf %mul3A_1512, %integer_pow3A_1510 : vector<128x32xf32>
    %exp3A_1514 = math.exp %mul3A_1513 : vector<128x32xf32>
    %sub3A_1515 = arith.subf %slice3A, %broadcast_in_dim3A_1471 : vector<128x1xf32>
    %sub3A_1516 = arith.subf %slice3A_4, %broadcast_in_dim3A_1478 : vector<128x1xf32>
    %sub3A_1517 = arith.subf %slice3A_5, %broadcast_in_dim3A_1485 : vector<128x1xf32>
    %concatenate3A_1518 = tpu.concatenate %sub3A_1515, %sub3A_1516, %sub3A_1517, %broadcast_in_dim3A_1492, %dot_general3A_1506, %exp3A_1514, %broadcast_in_dim3A_1408 in 1 : vector<128x1xf32>, vector<128x1xf32>, vector<128x1xf32>, vector<128x1xf32>, vector<128x64xf32>, vector<128x32xf32>, vector<128x1xf32> -> vector<128x101xf32>
    %le3A_1519 = arith.constant 6.000000e+00 : f32
    %le3A_1520 = vector.broadcast %le3A_1519 : f32 to vector<128x1xf32>
    %le3A_1521 = arith.cmpf ole, %broadcast_in_dim3A_1408, %le3A_1520 : vector<128x1xf32>
    %jit3A_1522 = arith.constant 0.000000e+00 : f32
    %broadcast_in_dim3A_1523 = vector.shape_cast %le3A_1521 : vector<128x1xi1> to vector<128x1xi1>
    %broadcast_in_dim3A_1524 = vector.broadcast %broadcast_in_dim3A_1523 : vector<128x1xi1> to vector<128x101xi1>
    %broadcast_in_dim3A_1525 = vector.broadcast %jit3A_1522 : f32 to vector<128x101xf32>
    %select_n3A_1526 = arith.select %broadcast_in_dim3A_1524, %concatenate3A_1518, %broadcast_in_dim3A_1525 : vector<128x101xi1>, vector<128x101xf32>
    %swap3A_1527 = arith.constant 0 : index
    %swap3A_1528 = arith.constant 10 : index
    %swap3A_1529 = arith.constant 0 : index
    %swap3A_1530 = arith.constant 0 : index
    %swap3A_1531 = vector.load %arg7[%swap3A_1527, %swap3A_1528, %swap3A_1529, %swap3A_1530] : memref<1x32x128x101xf32, #tpu.memory_space<vmem>>, vector<1x1x128x101xf32>
    %swap3A_1532 = vector.shape_cast %swap3A_1531 : vector<1x1x128x101xf32> to vector<128x101xf32>
    %swap3A_1533 = vector.shape_cast %select_n3A_1526 : vector<128x101xf32> to vector<1x1x128x101xf32>
    tpu.vector_store %arg7[%swap3A_1527, %swap3A_1528, %swap3A_1529, %swap3A_1530], %swap3A_1533 {strides = array<i32>} : memref<1x32x128x101xf32, #tpu.memory_space<vmem>>, vector<1x1x128x101xf32>,
    %eq3A_1534 = arith.constant 10 : i32
    %eq3A_1535 = vector.broadcast %eq3A_1534 : i32 to vector<128x32xi32>
    %eq3A_1536 = arith.cmpi eq, %iota3A, %eq3A_1535 : vector<128x32xi32>
    %broadcast_in_dim3A_1537 = vector.shape_cast %broadcast_in_dim3A_1408 : vector<128x1xf32> to vector<128x1xf32>
    %broadcast_in_dim3A_1538 = vector.broadcast %broadcast_in_dim3A_1537 : vector<128x1xf32> to vector<128x32xf32>
    %select_n3A_1539 = arith.select %eq3A_1536, %broadcast_in_dim3A_1538, %select_n3A_1402 : vector<128x32xi1>, vector<128x32xf32>
    %broadcast_in_dim3A_1540 = vector.shape_cast %broadcast_in_dim3A_1416 : vector<128x1xi32> to vector<128x1xi32>
    %broadcast_in_dim3A_1541 = vector.broadcast %broadcast_in_dim3A_1540 : vector<128x1xi32> to vector<128x32xi32>
    %select_n3A_1542 = arith.select %eq3A_1536, %broadcast_in_dim3A_1541, %select_n3A_1405 : vector<128x32xi1>, vector<128x32xi32>
    %reduce_min3A_1543 = arith.constant dense<0x7F800000> : vector<128xf32>
    %reduce_min3A_1544 = vector.multi_reduction <minimumf>, %select_n3A_1421, %reduce_min3A_1543 [1] : vector<128x4096xf32> to vector<128xf32>
    %broadcast_in_dim3A_1545 = vector.shape_cast %reduce_min3A_1544 : vector<128xf32> to vector<128x1xf32>
    %eq3A_1546 = vector.broadcast %broadcast_in_dim3A_1545 : vector<128x1xf32> to vector<128x4096xf32>
    %eq3A_1547 = arith.cmpf oeq, %select_n3A_1421, %eq3A_1546 : vector<128x4096xf32>
    %jit3A_1548 = arith.constant 4096 : i32
    %broadcast_in_dim3A_1549 = vector.broadcast %jit3A_1548 : i32 to vector<128x4096xi32>
    %select_n3A_1550 = arith.select %eq3A_1547, %iota3A_49, %broadcast_in_dim3A_1549 : vector<128x4096xi1>, vector<128x4096xi32>
    %reduce_min3A_1551 = arith.constant dense<2147483647> : vector<128xi32>
    %reduce_min3A_1552 = vector.multi_reduction <minsi>, %select_n3A_1550, %reduce_min3A_1551 [1] : vector<128x4096xi32> to vector<128xi32>
    %broadcast_in_dim3A_1553 = vector.shape_cast %reduce_min3A_1552 : vector<128xi32> to vector<128x1xi32>
    %eq3A_1554 = vector.broadcast %broadcast_in_dim3A_1553 : vector<128x1xi32> to vector<128x4096xi32>
    %eq3A_1555 = arith.cmpi eq, %iota3A_49, %eq3A_1554 : vector<128x4096xi32>
    %jit3A_1556 = arith.constant 0x7F800000 : f32
    %broadcast_in_dim3A_1557 = vector.broadcast %jit3A_1556 : f32 to vector<128x4096xf32>
    %select_n3A_1558 = arith.select %eq3A_1555, %broadcast_in_dim3A_1557, %select_n3A_1421 : vector<128x4096xi1>, vector<128x4096xf32>
    %jit3A_1559 = arith.constant 32 : i32
    %div3A_1560 = vector.broadcast %jit3A_1559 : i32 to vector<128x1xi32>
    %div3A_1561 = arith.divsi %broadcast_in_dim3A_1553, %div3A_1560 : vector<128x1xi32>
    %sign3A_1562 = arith.constant 0 : i32
    %sign3A_1563 = vector.broadcast %sign3A_1562 : i32 to vector<128x1xi32>
    %sign3A_1564 = arith.cmpi sgt, %broadcast_in_dim3A_1553, %sign3A_1563 : vector<128x1xi32>
    %sign3A_1565 = arith.extui %sign3A_1564 : vector<128x1xi1> to vector<128x1xi32>
    %sign3A_1566 = arith.constant 0 : i32
    %sign3A_1567 = vector.broadcast %sign3A_1566 : i32 to vector<128x1xi32>
    %sign3A_1568 = arith.cmpi slt, %broadcast_in_dim3A_1553, %sign3A_1567 : vector<128x1xi32>
    %sign3A_1569 = arith.extui %sign3A_1568 : vector<128x1xi1> to vector<128x1xi32>
    %sign3A_1570 = arith.subi %sign3A_1565, %sign3A_1569 : vector<128x1xi32>
    %sign3A_1571 = arith.constant 0 : i32
    %sign3A_1572 = arith.cmpi sgt, %jit3A_1559, %sign3A_1571 : i32
    %sign3A_1573 = arith.extui %sign3A_1572 : i1 to i32
    %sign3A_1574 = arith.constant 0 : i32
    %sign3A_1575 = arith.cmpi slt, %jit3A_1559, %sign3A_1574 : i32
    %sign3A_1576 = arith.extui %sign3A_1575 : i1 to i32
    %sign3A_1577 = arith.subi %sign3A_1573, %sign3A_1576 : i32
    %ne3A_1578 = vector.broadcast %sign3A_1577 : i32 to vector<128x1xi32>
    %ne3A_1579 = arith.cmpi ne, %sign3A_1570, %ne3A_1578 : vector<128x1xi32>
    %rem3A_1580 = vector.broadcast %jit3A_1559 : i32 to vector<128x1xi32>
    %rem3A_1581 = arith.remsi %broadcast_in_dim3A_1553, %rem3A_1580 : vector<128x1xi32>
    %ne3A_1582 = arith.constant 0 : i32
    %ne3A_1583 = vector.broadcast %ne3A_1582 : i32 to vector<128x1xi32>
    %ne3A_1584 = arith.cmpi ne, %rem3A_1581, %ne3A_1583 : vector<128x1xi32>
    %and3A_1585 = arith.andi %ne3A_1579, %ne3A_1584 : vector<128x1xi1>
    %sub3A_1586 = arith.constant 1 : i32
    %sub3A_1587 = vector.broadcast %sub3A_1586 : i32 to vector<128x1xi32>
    %sub3A_1588 = arith.subi %div3A_1561, %sub3A_1587 : vector<128x1xi32>
    %select_n3A_1589 = arith.select %and3A_1585, %sub3A_1588, %div3A_1561 : vector<128x1xi1>, vector<128x1xi32>
    %mul3A_1590 = arith.constant 32 : i32
    %mul3A_1591 = vector.broadcast %mul3A_1590 : i32 to vector<128x1xi32>
    %mul3A_1592 = arith.muli %select_n3A_1589, %mul3A_1591 : vector<128x1xi32>
    %sub3A_1593 = arith.subi %broadcast_in_dim3A_1553, %mul3A_1592 : vector<128x1xi32>
    %eq3A_1594 = vector.broadcast %select_n3A_1589 : vector<128x1xi32> to vector<128x128xi32>
    %eq3A_1595 = arith.cmpi eq, %eq3A_1594, %iota3A_35 : vector<128x128xi32>
    %convert_element_type3A_1596 = arith.extui %eq3A_1595 : vector<128x128xi1> to vector<128x128xi32>
    %convert_element_type3A_1597 = arith.sitofp %convert_element_type3A_1596 : vector<128x128xi32> to vector<128x128xf32>
    %dot_general3A_1598 = arith.constant dense<0.000000e+00> : vector<128x160xf32>
    %dot_general3A_1599 = tpu.matmul %convert_element_type3A_1597, %get3A_42, %dot_general3A_1598 {dimension_numbers = #tpu.dot_dimension_numbers<[1], [0], [0], [1], [0, 0, 1, 1], [], []>, transpose_lhs_hint = false} : vector<128x128xf32>, vector<128x160xf32>, vector<128x160xf32> -> vector<128x160xf32>
    %eq3A_1600 = vector.broadcast %sub3A_1593 : vector<128x1xi32> to vector<128x32xi32>
    %eq3A_1601 = arith.cmpi eq, %eq3A_1600, %iota3A_36 : vector<128x32xi32>
    %slice3A_1602 = vector.extract_strided_slice %dot_general3A_1599 {offsets = [0, 0], sizes = [128, 32], strides = [1, 1]} : vector<128x160xf32> to vector<128x32xf32>
    %jit3A_1603 = arith.constant 0.000000e+00 : f32
    %broadcast_in_dim3A_1604 = vector.broadcast %jit3A_1603 : f32 to vector<128x32xf32>
    %select_n3A_1605 = arith.select %eq3A_1601, %slice3A_1602, %broadcast_in_dim3A_1604 : vector<128x32xi1>, vector<128x32xf32>
    %reduce_sum3A_1606 = arith.constant dense<0.000000e+00> : vector<128xf32>
    %reduce_sum3A_1607 = vector.multi_reduction <add>, %select_n3A_1605, %reduce_sum3A_1606 [1] : vector<128x32xf32> to vector<128xf32>
    %broadcast_in_dim3A_1608 = vector.shape_cast %reduce_sum3A_1607 : vector<128xf32> to vector<128x1xf32>
    %slice3A_1609 = vector.extract_strided_slice %dot_general3A_1599 {offsets = [0, 32], sizes = [128, 32], strides = [1, 1]} : vector<128x160xf32> to vector<128x32xf32>
    %jit3A_1610 = arith.constant 0.000000e+00 : f32
    %broadcast_in_dim3A_1611 = vector.broadcast %jit3A_1610 : f32 to vector<128x32xf32>
    %select_n3A_1612 = arith.select %eq3A_1601, %slice3A_1609, %broadcast_in_dim3A_1611 : vector<128x32xi1>, vector<128x32xf32>
    %reduce_sum3A_1613 = arith.constant dense<0.000000e+00> : vector<128xf32>
    %reduce_sum3A_1614 = vector.multi_reduction <add>, %select_n3A_1612, %reduce_sum3A_1613 [1] : vector<128x32xf32> to vector<128xf32>
    %broadcast_in_dim3A_1615 = vector.shape_cast %reduce_sum3A_1614 : vector<128xf32> to vector<128x1xf32>
    %slice3A_1616 = vector.extract_strided_slice %dot_general3A_1599 {offsets = [0, 64], sizes = [128, 32], strides = [1, 1]} : vector<128x160xf32> to vector<128x32xf32>
    %jit3A_1617 = arith.constant 0.000000e+00 : f32
    %broadcast_in_dim3A_1618 = vector.broadcast %jit3A_1617 : f32 to vector<128x32xf32>
    %select_n3A_1619 = arith.select %eq3A_1601, %slice3A_1616, %broadcast_in_dim3A_1618 : vector<128x32xi1>, vector<128x32xf32>
    %reduce_sum3A_1620 = arith.constant dense<0.000000e+00> : vector<128xf32>
    %reduce_sum3A_1621 = vector.multi_reduction <add>, %select_n3A_1619, %reduce_sum3A_1620 [1] : vector<128x32xf32> to vector<128xf32>
    %broadcast_in_dim3A_1622 = vector.shape_cast %reduce_sum3A_1621 : vector<128xf32> to vector<128x1xf32>
    %slice3A_1623 = vector.extract_strided_slice %dot_general3A_1599 {offsets = [0, 96], sizes = [128, 32], strides = [1, 1]} : vector<128x160xf32> to vector<128x32xf32>
    %jit3A_1624 = arith.constant 0.000000e+00 : f32
    %broadcast_in_dim3A_1625 = vector.broadcast %jit3A_1624 : f32 to vector<128x32xf32>
    %select_n3A_1626 = arith.select %eq3A_1601, %slice3A_1623, %broadcast_in_dim3A_1625 : vector<128x32xi1>, vector<128x32xf32>
    %reduce_sum3A_1627 = arith.constant dense<0.000000e+00> : vector<128xf32>
    %reduce_sum3A_1628 = vector.multi_reduction <add>, %select_n3A_1626, %reduce_sum3A_1627 [1] : vector<128x32xf32> to vector<128xf32>
    %broadcast_in_dim3A_1629 = vector.shape_cast %reduce_sum3A_1628 : vector<128xf32> to vector<128x1xf32>
    %slice3A_1630 = vector.extract_strided_slice %dot_general3A_1599 {offsets = [0, 128], sizes = [128, 32], strides = [1, 1]} : vector<128x160xf32> to vector<128x32xf32>
    %jit3A_1631 = arith.constant 0.000000e+00 : f32
    %broadcast_in_dim3A_1632 = vector.broadcast %jit3A_1631 : f32 to vector<128x32xf32>
    %select_n3A_1633 = arith.select %eq3A_1601, %slice3A_1630, %broadcast_in_dim3A_1632 : vector<128x32xi1>, vector<128x32xf32>
    %reduce_sum3A_1634 = arith.constant dense<0.000000e+00> : vector<128xf32>
    %reduce_sum3A_1635 = vector.multi_reduction <add>, %select_n3A_1633, %reduce_sum3A_1634 [1] : vector<128x32xf32> to vector<128xf32>
    %broadcast_in_dim3A_1636 = vector.shape_cast %reduce_sum3A_1635 : vector<128xf32> to vector<128x1xf32>
    %convert_element_type3A_1637 = arith.fptosi %broadcast_in_dim3A_1636 : vector<128x1xf32> to vector<128x1xi32>
    %eq3A_1638 = vector.broadcast %convert_element_type3A_1637 : vector<128x1xi32> to vector<128x128xi32>
    %eq3A_1639 = arith.cmpi eq, %eq3A_1638, %iota3A_37 : vector<128x128xi32>
    %convert_element_type3A_1640 = arith.extui %eq3A_1639 : vector<128x128xi1> to vector<128x128xi32>
    %convert_element_type3A_1641 = arith.sitofp %convert_element_type3A_1640 : vector<128x128xi32> to vector<128x128xf32>
    %dot_general3A_1642 = arith.constant dense<0.000000e+00> : vector<128x64xf32>
    %dot_general3A_1643 = tpu.matmul %convert_element_type3A_1641, %get3A_45, %dot_general3A_1642 {dimension_numbers = #tpu.dot_dimension_numbers<[1], [0], [0], [1], [0, 0, 1, 1], [], []>, transpose_lhs_hint = false} : vector<128x128xf32>, vector<128x64xf32>, vector<128x64xf32> -> vector<128x64xf32>
    %sub3A_1644 = vector.broadcast %broadcast_in_dim3A_1545 : vector<128x1xf32> to vector<128x32xf32>
    %sub3A_1645 = vector.broadcast %get3A_48 : vector<1x32xf32> to vector<128x32xf32>
    %sub3A_1646 = arith.subf %sub3A_1644, %sub3A_1645 : vector<128x32xf32>
    %integer_pow3A_1647 = arith.mulf %sub3A_1646, %sub3A_1646 : vector<128x32xf32>
    %mul3A_1648 = arith.constant -28.4444447 : f32
    %mul3A_1649 = vector.broadcast %mul3A_1648 : f32 to vector<128x32xf32>
    %mul3A_1650 = arith.mulf %mul3A_1649, %integer_pow3A_1647 : vector<128x32xf32>
    %exp3A_1651 = math.exp %mul3A_1650 : vector<128x32xf32>
    %sub3A_1652 = arith.subf %slice3A, %broadcast_in_dim3A_1608 : vector<128x1xf32>
    %sub3A_1653 = arith.subf %slice3A_4, %broadcast_in_dim3A_1615 : vector<128x1xf32>
    %sub3A_1654 = arith.subf %slice3A_5, %broadcast_in_dim3A_1622 : vector<128x1xf32>
    %concatenate3A_1655 = tpu.concatenate %sub3A_1652, %sub3A_1653, %sub3A_1654, %broadcast_in_dim3A_1629, %dot_general3A_1643, %exp3A_1651, %broadcast_in_dim3A_1545 in 1 : vector<128x1xf32>, vector<128x1xf32>, vector<128x1xf32>, vector<128x1xf32>, vector<128x64xf32>, vector<128x32xf32>, vector<128x1xf32> -> vector<128x101xf32>
    %le3A_1656 = arith.constant 6.000000e+00 : f32
    %le3A_1657 = vector.broadcast %le3A_1656 : f32 to vector<128x1xf32>
    %le3A_1658 = arith.cmpf ole, %broadcast_in_dim3A_1545, %le3A_1657 : vector<128x1xf32>
    %jit3A_1659 = arith.constant 0.000000e+00 : f32
    %broadcast_in_dim3A_1660 = vector.shape_cast %le3A_1658 : vector<128x1xi1> to vector<128x1xi1>
    %broadcast_in_dim3A_1661 = vector.broadcast %broadcast_in_dim3A_1660 : vector<128x1xi1> to vector<128x101xi1>
    %broadcast_in_dim3A_1662 = vector.broadcast %jit3A_1659 : f32 to vector<128x101xf32>
    %select_n3A_1663 = arith.select %broadcast_in_dim3A_1661, %concatenate3A_1655, %broadcast_in_dim3A_1662 : vector<128x101xi1>, vector<128x101xf32>
    %swap3A_1664 = arith.constant 0 : index
    %swap3A_1665 = arith.constant 11 : index
    %swap3A_1666 = arith.constant 0 : index
    %swap3A_1667 = arith.constant 0 : index
    %swap3A_1668 = vector.load %arg7[%swap3A_1664, %swap3A_1665, %swap3A_1666, %swap3A_1667] : memref<1x32x128x101xf32, #tpu.memory_space<vmem>>, vector<1x1x128x101xf32>
    %swap3A_1669 = vector.shape_cast %swap3A_1668 : vector<1x1x128x101xf32> to vector<128x101xf32>
    %swap3A_1670 = vector.shape_cast %select_n3A_1663 : vector<128x101xf32> to vector<1x1x128x101xf32>
    tpu.vector_store %arg7[%swap3A_1664, %swap3A_1665, %swap3A_1666, %swap3A_1667], %swap3A_1670 {strides = array<i32>} : memref<1x32x128x101xf32, #tpu.memory_space<vmem>>, vector<1x1x128x101xf32>,
    %eq3A_1671 = arith.constant 11 : i32
    %eq3A_1672 = vector.broadcast %eq3A_1671 : i32 to vector<128x32xi32>
    %eq3A_1673 = arith.cmpi eq, %iota3A, %eq3A_1672 : vector<128x32xi32>
    %broadcast_in_dim3A_1674 = vector.shape_cast %broadcast_in_dim3A_1545 : vector<128x1xf32> to vector<128x1xf32>
    %broadcast_in_dim3A_1675 = vector.broadcast %broadcast_in_dim3A_1674 : vector<128x1xf32> to vector<128x32xf32>
    %select_n3A_1676 = arith.select %eq3A_1673, %broadcast_in_dim3A_1675, %select_n3A_1539 : vector<128x32xi1>, vector<128x32xf32>
    %broadcast_in_dim3A_1677 = vector.shape_cast %broadcast_in_dim3A_1553 : vector<128x1xi32> to vector<128x1xi32>
    %broadcast_in_dim3A_1678 = vector.broadcast %broadcast_in_dim3A_1677 : vector<128x1xi32> to vector<128x32xi32>
    %select_n3A_1679 = arith.select %eq3A_1673, %broadcast_in_dim3A_1678, %select_n3A_1542 : vector<128x32xi1>, vector<128x32xi32>
    %reduce_min3A_1680 = arith.constant dense<0x7F800000> : vector<128xf32>
    %reduce_min3A_1681 = vector.multi_reduction <minimumf>, %select_n3A_1558, %reduce_min3A_1680 [1] : vector<128x4096xf32> to vector<128xf32>
    %broadcast_in_dim3A_1682 = vector.shape_cast %reduce_min3A_1681 : vector<128xf32> to vector<128x1xf32>
    %eq3A_1683 = vector.broadcast %broadcast_in_dim3A_1682 : vector<128x1xf32> to vector<128x4096xf32>
    %eq3A_1684 = arith.cmpf oeq, %select_n3A_1558, %eq3A_1683 : vector<128x4096xf32>
    %jit3A_1685 = arith.constant 4096 : i32
    %broadcast_in_dim3A_1686 = vector.broadcast %jit3A_1685 : i32 to vector<128x4096xi32>
    %select_n3A_1687 = arith.select %eq3A_1684, %iota3A_49, %broadcast_in_dim3A_1686 : vector<128x4096xi1>, vector<128x4096xi32>
    %reduce_min3A_1688 = arith.constant dense<2147483647> : vector<128xi32>
    %reduce_min3A_1689 = vector.multi_reduction <minsi>, %select_n3A_1687, %reduce_min3A_1688 [1] : vector<128x4096xi32> to vector<128xi32>
    %broadcast_in_dim3A_1690 = vector.shape_cast %reduce_min3A_1689 : vector<128xi32> to vector<128x1xi32>
    %eq3A_1691 = vector.broadcast %broadcast_in_dim3A_1690 : vector<128x1xi32> to vector<128x4096xi32>
    %eq3A_1692 = arith.cmpi eq, %iota3A_49, %eq3A_1691 : vector<128x4096xi32>
    %jit3A_1693 = arith.constant 0x7F800000 : f32
    %broadcast_in_dim3A_1694 = vector.broadcast %jit3A_1693 : f32 to vector<128x4096xf32>
    %select_n3A_1695 = arith.select %eq3A_1692, %broadcast_in_dim3A_1694, %select_n3A_1558 : vector<128x4096xi1>, vector<128x4096xf32>
    %jit3A_1696 = arith.constant 32 : i32
    %div3A_1697 = vector.broadcast %jit3A_1696 : i32 to vector<128x1xi32>
    %div3A_1698 = arith.divsi %broadcast_in_dim3A_1690, %div3A_1697 : vector<128x1xi32>
    %sign3A_1699 = arith.constant 0 : i32
    %sign3A_1700 = vector.broadcast %sign3A_1699 : i32 to vector<128x1xi32>
    %sign3A_1701 = arith.cmpi sgt, %broadcast_in_dim3A_1690, %sign3A_1700 : vector<128x1xi32>
    %sign3A_1702 = arith.extui %sign3A_1701 : vector<128x1xi1> to vector<128x1xi32>
    %sign3A_1703 = arith.constant 0 : i32
    %sign3A_1704 = vector.broadcast %sign3A_1703 : i32 to vector<128x1xi32>
    %sign3A_1705 = arith.cmpi slt, %broadcast_in_dim3A_1690, %sign3A_1704 : vector<128x1xi32>
    %sign3A_1706 = arith.extui %sign3A_1705 : vector<128x1xi1> to vector<128x1xi32>
    %sign3A_1707 = arith.subi %sign3A_1702, %sign3A_1706 : vector<128x1xi32>
    %sign3A_1708 = arith.constant 0 : i32
    %sign3A_1709 = arith.cmpi sgt, %jit3A_1696, %sign3A_1708 : i32
    %sign3A_1710 = arith.extui %sign3A_1709 : i1 to i32
    %sign3A_1711 = arith.constant 0 : i32
    %sign3A_1712 = arith.cmpi slt, %jit3A_1696, %sign3A_1711 : i32
    %sign3A_1713 = arith.extui %sign3A_1712 : i1 to i32
    %sign3A_1714 = arith.subi %sign3A_1710, %sign3A_1713 : i32
    %ne3A_1715 = vector.broadcast %sign3A_1714 : i32 to vector<128x1xi32>
    %ne3A_1716 = arith.cmpi ne, %sign3A_1707, %ne3A_1715 : vector<128x1xi32>
    %rem3A_1717 = vector.broadcast %jit3A_1696 : i32 to vector<128x1xi32>
    %rem3A_1718 = arith.remsi %broadcast_in_dim3A_1690, %rem3A_1717 : vector<128x1xi32>
    %ne3A_1719 = arith.constant 0 : i32
    %ne3A_1720 = vector.broadcast %ne3A_1719 : i32 to vector<128x1xi32>
    %ne3A_1721 = arith.cmpi ne, %rem3A_1718, %ne3A_1720 : vector<128x1xi32>
    %and3A_1722 = arith.andi %ne3A_1716, %ne3A_1721 : vector<128x1xi1>
    %sub3A_1723 = arith.constant 1 : i32
    %sub3A_1724 = vector.broadcast %sub3A_1723 : i32 to vector<128x1xi32>
    %sub3A_1725 = arith.subi %div3A_1698, %sub3A_1724 : vector<128x1xi32>
    %select_n3A_1726 = arith.select %and3A_1722, %sub3A_1725, %div3A_1698 : vector<128x1xi1>, vector<128x1xi32>
    %mul3A_1727 = arith.constant 32 : i32
    %mul3A_1728 = vector.broadcast %mul3A_1727 : i32 to vector<128x1xi32>
    %mul3A_1729 = arith.muli %select_n3A_1726, %mul3A_1728 : vector<128x1xi32>
    %sub3A_1730 = arith.subi %broadcast_in_dim3A_1690, %mul3A_1729 : vector<128x1xi32>
    %eq3A_1731 = vector.broadcast %select_n3A_1726 : vector<128x1xi32> to vector<128x128xi32>
    %eq3A_1732 = arith.cmpi eq, %eq3A_1731, %iota3A_35 : vector<128x128xi32>
    %convert_element_type3A_1733 = arith.extui %eq3A_1732 : vector<128x128xi1> to vector<128x128xi32>
    %convert_element_type3A_1734 = arith.sitofp %convert_element_type3A_1733 : vector<128x128xi32> to vector<128x128xf32>
    %dot_general3A_1735 = arith.constant dense<0.000000e+00> : vector<128x160xf32>
    %dot_general3A_1736 = tpu.matmul %convert_element_type3A_1734, %get3A_42, %dot_general3A_1735 {dimension_numbers = #tpu.dot_dimension_numbers<[1], [0], [0], [1], [0, 0, 1, 1], [], []>, transpose_lhs_hint = false} : vector<128x128xf32>, vector<128x160xf32>, vector<128x160xf32> -> vector<128x160xf32>
    %eq3A_1737 = vector.broadcast %sub3A_1730 : vector<128x1xi32> to vector<128x32xi32>
    %eq3A_1738 = arith.cmpi eq, %eq3A_1737, %iota3A_36 : vector<128x32xi32>
    %slice3A_1739 = vector.extract_strided_slice %dot_general3A_1736 {offsets = [0, 0], sizes = [128, 32], strides = [1, 1]} : vector<128x160xf32> to vector<128x32xf32>
    %jit3A_1740 = arith.constant 0.000000e+00 : f32
    %broadcast_in_dim3A_1741 = vector.broadcast %jit3A_1740 : f32 to vector<128x32xf32>
    %select_n3A_1742 = arith.select %eq3A_1738, %slice3A_1739, %broadcast_in_dim3A_1741 : vector<128x32xi1>, vector<128x32xf32>
    %reduce_sum3A_1743 = arith.constant dense<0.000000e+00> : vector<128xf32>
    %reduce_sum3A_1744 = vector.multi_reduction <add>, %select_n3A_1742, %reduce_sum3A_1743 [1] : vector<128x32xf32> to vector<128xf32>
    %broadcast_in_dim3A_1745 = vector.shape_cast %reduce_sum3A_1744 : vector<128xf32> to vector<128x1xf32>
    %slice3A_1746 = vector.extract_strided_slice %dot_general3A_1736 {offsets = [0, 32], sizes = [128, 32], strides = [1, 1]} : vector<128x160xf32> to vector<128x32xf32>
    %jit3A_1747 = arith.constant 0.000000e+00 : f32
    %broadcast_in_dim3A_1748 = vector.broadcast %jit3A_1747 : f32 to vector<128x32xf32>
    %select_n3A_1749 = arith.select %eq3A_1738, %slice3A_1746, %broadcast_in_dim3A_1748 : vector<128x32xi1>, vector<128x32xf32>
    %reduce_sum3A_1750 = arith.constant dense<0.000000e+00> : vector<128xf32>
    %reduce_sum3A_1751 = vector.multi_reduction <add>, %select_n3A_1749, %reduce_sum3A_1750 [1] : vector<128x32xf32> to vector<128xf32>
    %broadcast_in_dim3A_1752 = vector.shape_cast %reduce_sum3A_1751 : vector<128xf32> to vector<128x1xf32>
    %slice3A_1753 = vector.extract_strided_slice %dot_general3A_1736 {offsets = [0, 64], sizes = [128, 32], strides = [1, 1]} : vector<128x160xf32> to vector<128x32xf32>
    %jit3A_1754 = arith.constant 0.000000e+00 : f32
    %broadcast_in_dim3A_1755 = vector.broadcast %jit3A_1754 : f32 to vector<128x32xf32>
    %select_n3A_1756 = arith.select %eq3A_1738, %slice3A_1753, %broadcast_in_dim3A_1755 : vector<128x32xi1>, vector<128x32xf32>
    %reduce_sum3A_1757 = arith.constant dense<0.000000e+00> : vector<128xf32>
    %reduce_sum3A_1758 = vector.multi_reduction <add>, %select_n3A_1756, %reduce_sum3A_1757 [1] : vector<128x32xf32> to vector<128xf32>
    %broadcast_in_dim3A_1759 = vector.shape_cast %reduce_sum3A_1758 : vector<128xf32> to vector<128x1xf32>
    %slice3A_1760 = vector.extract_strided_slice %dot_general3A_1736 {offsets = [0, 96], sizes = [128, 32], strides = [1, 1]} : vector<128x160xf32> to vector<128x32xf32>
    %jit3A_1761 = arith.constant 0.000000e+00 : f32
    %broadcast_in_dim3A_1762 = vector.broadcast %jit3A_1761 : f32 to vector<128x32xf32>
    %select_n3A_1763 = arith.select %eq3A_1738, %slice3A_1760, %broadcast_in_dim3A_1762 : vector<128x32xi1>, vector<128x32xf32>
    %reduce_sum3A_1764 = arith.constant dense<0.000000e+00> : vector<128xf32>
    %reduce_sum3A_1765 = vector.multi_reduction <add>, %select_n3A_1763, %reduce_sum3A_1764 [1] : vector<128x32xf32> to vector<128xf32>
    %broadcast_in_dim3A_1766 = vector.shape_cast %reduce_sum3A_1765 : vector<128xf32> to vector<128x1xf32>
    %slice3A_1767 = vector.extract_strided_slice %dot_general3A_1736 {offsets = [0, 128], sizes = [128, 32], strides = [1, 1]} : vector<128x160xf32> to vector<128x32xf32>
    %jit3A_1768 = arith.constant 0.000000e+00 : f32
    %broadcast_in_dim3A_1769 = vector.broadcast %jit3A_1768 : f32 to vector<128x32xf32>
    %select_n3A_1770 = arith.select %eq3A_1738, %slice3A_1767, %broadcast_in_dim3A_1769 : vector<128x32xi1>, vector<128x32xf32>
    %reduce_sum3A_1771 = arith.constant dense<0.000000e+00> : vector<128xf32>
    %reduce_sum3A_1772 = vector.multi_reduction <add>, %select_n3A_1770, %reduce_sum3A_1771 [1] : vector<128x32xf32> to vector<128xf32>
    %broadcast_in_dim3A_1773 = vector.shape_cast %reduce_sum3A_1772 : vector<128xf32> to vector<128x1xf32>
    %convert_element_type3A_1774 = arith.fptosi %broadcast_in_dim3A_1773 : vector<128x1xf32> to vector<128x1xi32>
    %eq3A_1775 = vector.broadcast %convert_element_type3A_1774 : vector<128x1xi32> to vector<128x128xi32>
    %eq3A_1776 = arith.cmpi eq, %eq3A_1775, %iota3A_37 : vector<128x128xi32>
    %convert_element_type3A_1777 = arith.extui %eq3A_1776 : vector<128x128xi1> to vector<128x128xi32>
    %convert_element_type3A_1778 = arith.sitofp %convert_element_type3A_1777 : vector<128x128xi32> to vector<128x128xf32>
    %dot_general3A_1779 = arith.constant dense<0.000000e+00> : vector<128x64xf32>
    %dot_general3A_1780 = tpu.matmul %convert_element_type3A_1778, %get3A_45, %dot_general3A_1779 {dimension_numbers = #tpu.dot_dimension_numbers<[1], [0], [0], [1], [0, 0, 1, 1], [], []>, transpose_lhs_hint = false} : vector<128x128xf32>, vector<128x64xf32>, vector<128x64xf32> -> vector<128x64xf32>
    %sub3A_1781 = vector.broadcast %broadcast_in_dim3A_1682 : vector<128x1xf32> to vector<128x32xf32>
    %sub3A_1782 = vector.broadcast %get3A_48 : vector<1x32xf32> to vector<128x32xf32>
    %sub3A_1783 = arith.subf %sub3A_1781, %sub3A_1782 : vector<128x32xf32>
    %integer_pow3A_1784 = arith.mulf %sub3A_1783, %sub3A_1783 : vector<128x32xf32>
    %mul3A_1785 = arith.constant -28.4444447 : f32
    %mul3A_1786 = vector.broadcast %mul3A_1785 : f32 to vector<128x32xf32>
    %mul3A_1787 = arith.mulf %mul3A_1786, %integer_pow3A_1784 : vector<128x32xf32>
    %exp3A_1788 = math.exp %mul3A_1787 : vector<128x32xf32>
    %sub3A_1789 = arith.subf %slice3A, %broadcast_in_dim3A_1745 : vector<128x1xf32>
    %sub3A_1790 = arith.subf %slice3A_4, %broadcast_in_dim3A_1752 : vector<128x1xf32>
    %sub3A_1791 = arith.subf %slice3A_5, %broadcast_in_dim3A_1759 : vector<128x1xf32>
    %concatenate3A_1792 = tpu.concatenate %sub3A_1789, %sub3A_1790, %sub3A_1791, %broadcast_in_dim3A_1766, %dot_general3A_1780, %exp3A_1788, %broadcast_in_dim3A_1682 in 1 : vector<128x1xf32>, vector<128x1xf32>, vector<128x1xf32>, vector<128x1xf32>, vector<128x64xf32>, vector<128x32xf32>, vector<128x1xf32> -> vector<128x101xf32>
    %le3A_1793 = arith.constant 6.000000e+00 : f32
    %le3A_1794 = vector.broadcast %le3A_1793 : f32 to vector<128x1xf32>
    %le3A_1795 = arith.cmpf ole, %broadcast_in_dim3A_1682, %le3A_1794 : vector<128x1xf32>
    %jit3A_1796 = arith.constant 0.000000e+00 : f32
    %broadcast_in_dim3A_1797 = vector.shape_cast %le3A_1795 : vector<128x1xi1> to vector<128x1xi1>
    %broadcast_in_dim3A_1798 = vector.broadcast %broadcast_in_dim3A_1797 : vector<128x1xi1> to vector<128x101xi1>
    %broadcast_in_dim3A_1799 = vector.broadcast %jit3A_1796 : f32 to vector<128x101xf32>
    %select_n3A_1800 = arith.select %broadcast_in_dim3A_1798, %concatenate3A_1792, %broadcast_in_dim3A_1799 : vector<128x101xi1>, vector<128x101xf32>
    %swap3A_1801 = arith.constant 0 : index
    %swap3A_1802 = arith.constant 12 : index
    %swap3A_1803 = arith.constant 0 : index
    %swap3A_1804 = arith.constant 0 : index
    %swap3A_1805 = vector.load %arg7[%swap3A_1801, %swap3A_1802, %swap3A_1803, %swap3A_1804] : memref<1x32x128x101xf32, #tpu.memory_space<vmem>>, vector<1x1x128x101xf32>
    %swap3A_1806 = vector.shape_cast %swap3A_1805 : vector<1x1x128x101xf32> to vector<128x101xf32>
    %swap3A_1807 = vector.shape_cast %select_n3A_1800 : vector<128x101xf32> to vector<1x1x128x101xf32>
    tpu.vector_store %arg7[%swap3A_1801, %swap3A_1802, %swap3A_1803, %swap3A_1804], %swap3A_1807 {strides = array<i32>} : memref<1x32x128x101xf32, #tpu.memory_space<vmem>>, vector<1x1x128x101xf32>,
    %eq3A_1808 = arith.constant 12 : i32
    %eq3A_1809 = vector.broadcast %eq3A_1808 : i32 to vector<128x32xi32>
    %eq3A_1810 = arith.cmpi eq, %iota3A, %eq3A_1809 : vector<128x32xi32>
    %broadcast_in_dim3A_1811 = vector.shape_cast %broadcast_in_dim3A_1682 : vector<128x1xf32> to vector<128x1xf32>
    %broadcast_in_dim3A_1812 = vector.broadcast %broadcast_in_dim3A_1811 : vector<128x1xf32> to vector<128x32xf32>
    %select_n3A_1813 = arith.select %eq3A_1810, %broadcast_in_dim3A_1812, %select_n3A_1676 : vector<128x32xi1>, vector<128x32xf32>
    %broadcast_in_dim3A_1814 = vector.shape_cast %broadcast_in_dim3A_1690 : vector<128x1xi32> to vector<128x1xi32>
    %broadcast_in_dim3A_1815 = vector.broadcast %broadcast_in_dim3A_1814 : vector<128x1xi32> to vector<128x32xi32>
    %select_n3A_1816 = arith.select %eq3A_1810, %broadcast_in_dim3A_1815, %select_n3A_1679 : vector<128x32xi1>, vector<128x32xi32>
    %reduce_min3A_1817 = arith.constant dense<0x7F800000> : vector<128xf32>
    %reduce_min3A_1818 = vector.multi_reduction <minimumf>, %select_n3A_1695, %reduce_min3A_1817 [1] : vector<128x4096xf32> to vector<128xf32>
    %broadcast_in_dim3A_1819 = vector.shape_cast %reduce_min3A_1818 : vector<128xf32> to vector<128x1xf32>
    %eq3A_1820 = vector.broadcast %broadcast_in_dim3A_1819 : vector<128x1xf32> to vector<128x4096xf32>
    %eq3A_1821 = arith.cmpf oeq, %select_n3A_1695, %eq3A_1820 : vector<128x4096xf32>
    %jit3A_1822 = arith.constant 4096 : i32
    %broadcast_in_dim3A_1823 = vector.broadcast %jit3A_1822 : i32 to vector<128x4096xi32>
    %select_n3A_1824 = arith.select %eq3A_1821, %iota3A_49, %broadcast_in_dim3A_1823 : vector<128x4096xi1>, vector<128x4096xi32>
    %reduce_min3A_1825 = arith.constant dense<2147483647> : vector<128xi32>
    %reduce_min3A_1826 = vector.multi_reduction <minsi>, %select_n3A_1824, %reduce_min3A_1825 [1] : vector<128x4096xi32> to vector<128xi32>
    %broadcast_in_dim3A_1827 = vector.shape_cast %reduce_min3A_1826 : vector<128xi32> to vector<128x1xi32>
    %eq3A_1828 = vector.broadcast %broadcast_in_dim3A_1827 : vector<128x1xi32> to vector<128x4096xi32>
    %eq3A_1829 = arith.cmpi eq, %iota3A_49, %eq3A_1828 : vector<128x4096xi32>
    %jit3A_1830 = arith.constant 0x7F800000 : f32
    %broadcast_in_dim3A_1831 = vector.broadcast %jit3A_1830 : f32 to vector<128x4096xf32>
    %select_n3A_1832 = arith.select %eq3A_1829, %broadcast_in_dim3A_1831, %select_n3A_1695 : vector<128x4096xi1>, vector<128x4096xf32>
    %jit3A_1833 = arith.constant 32 : i32
    %div3A_1834 = vector.broadcast %jit3A_1833 : i32 to vector<128x1xi32>
    %div3A_1835 = arith.divsi %broadcast_in_dim3A_1827, %div3A_1834 : vector<128x1xi32>
    %sign3A_1836 = arith.constant 0 : i32
    %sign3A_1837 = vector.broadcast %sign3A_1836 : i32 to vector<128x1xi32>
    %sign3A_1838 = arith.cmpi sgt, %broadcast_in_dim3A_1827, %sign3A_1837 : vector<128x1xi32>
    %sign3A_1839 = arith.extui %sign3A_1838 : vector<128x1xi1> to vector<128x1xi32>
    %sign3A_1840 = arith.constant 0 : i32
    %sign3A_1841 = vector.broadcast %sign3A_1840 : i32 to vector<128x1xi32>
    %sign3A_1842 = arith.cmpi slt, %broadcast_in_dim3A_1827, %sign3A_1841 : vector<128x1xi32>
    %sign3A_1843 = arith.extui %sign3A_1842 : vector<128x1xi1> to vector<128x1xi32>
    %sign3A_1844 = arith.subi %sign3A_1839, %sign3A_1843 : vector<128x1xi32>
    %sign3A_1845 = arith.constant 0 : i32
    %sign3A_1846 = arith.cmpi sgt, %jit3A_1833, %sign3A_1845 : i32
    %sign3A_1847 = arith.extui %sign3A_1846 : i1 to i32
    %sign3A_1848 = arith.constant 0 : i32
    %sign3A_1849 = arith.cmpi slt, %jit3A_1833, %sign3A_1848 : i32
    %sign3A_1850 = arith.extui %sign3A_1849 : i1 to i32
    %sign3A_1851 = arith.subi %sign3A_1847, %sign3A_1850 : i32
    %ne3A_1852 = vector.broadcast %sign3A_1851 : i32 to vector<128x1xi32>
    %ne3A_1853 = arith.cmpi ne, %sign3A_1844, %ne3A_1852 : vector<128x1xi32>
    %rem3A_1854 = vector.broadcast %jit3A_1833 : i32 to vector<128x1xi32>
    %rem3A_1855 = arith.remsi %broadcast_in_dim3A_1827, %rem3A_1854 : vector<128x1xi32>
    %ne3A_1856 = arith.constant 0 : i32
    %ne3A_1857 = vector.broadcast %ne3A_1856 : i32 to vector<128x1xi32>
    %ne3A_1858 = arith.cmpi ne, %rem3A_1855, %ne3A_1857 : vector<128x1xi32>
    %and3A_1859 = arith.andi %ne3A_1853, %ne3A_1858 : vector<128x1xi1>
    %sub3A_1860 = arith.constant 1 : i32
    %sub3A_1861 = vector.broadcast %sub3A_1860 : i32 to vector<128x1xi32>
    %sub3A_1862 = arith.subi %div3A_1835, %sub3A_1861 : vector<128x1xi32>
    %select_n3A_1863 = arith.select %and3A_1859, %sub3A_1862, %div3A_1835 : vector<128x1xi1>, vector<128x1xi32>
    %mul3A_1864 = arith.constant 32 : i32
    %mul3A_1865 = vector.broadcast %mul3A_1864 : i32 to vector<128x1xi32>
    %mul3A_1866 = arith.muli %select_n3A_1863, %mul3A_1865 : vector<128x1xi32>
    %sub3A_1867 = arith.subi %broadcast_in_dim3A_1827, %mul3A_1866 : vector<128x1xi32>
    %eq3A_1868 = vector.broadcast %select_n3A_1863 : vector<128x1xi32> to vector<128x128xi32>
    %eq3A_1869 = arith.cmpi eq, %eq3A_1868, %iota3A_35 : vector<128x128xi32>
    %convert_element_type3A_1870 = arith.extui %eq3A_1869 : vector<128x128xi1> to vector<128x128xi32>
    %convert_element_type3A_1871 = arith.sitofp %convert_element_type3A_1870 : vector<128x128xi32> to vector<128x128xf32>
    %dot_general3A_1872 = arith.constant dense<0.000000e+00> : vector<128x160xf32>
    %dot_general3A_1873 = tpu.matmul %convert_element_type3A_1871, %get3A_42, %dot_general3A_1872 {dimension_numbers = #tpu.dot_dimension_numbers<[1], [0], [0], [1], [0, 0, 1, 1], [], []>, transpose_lhs_hint = false} : vector<128x128xf32>, vector<128x160xf32>, vector<128x160xf32> -> vector<128x160xf32>
    %eq3A_1874 = vector.broadcast %sub3A_1867 : vector<128x1xi32> to vector<128x32xi32>
    %eq3A_1875 = arith.cmpi eq, %eq3A_1874, %iota3A_36 : vector<128x32xi32>
    %slice3A_1876 = vector.extract_strided_slice %dot_general3A_1873 {offsets = [0, 0], sizes = [128, 32], strides = [1, 1]} : vector<128x160xf32> to vector<128x32xf32>
    %jit3A_1877 = arith.constant 0.000000e+00 : f32
    %broadcast_in_dim3A_1878 = vector.broadcast %jit3A_1877 : f32 to vector<128x32xf32>
    %select_n3A_1879 = arith.select %eq3A_1875, %slice3A_1876, %broadcast_in_dim3A_1878 : vector<128x32xi1>, vector<128x32xf32>
    %reduce_sum3A_1880 = arith.constant dense<0.000000e+00> : vector<128xf32>
    %reduce_sum3A_1881 = vector.multi_reduction <add>, %select_n3A_1879, %reduce_sum3A_1880 [1] : vector<128x32xf32> to vector<128xf32>
    %broadcast_in_dim3A_1882 = vector.shape_cast %reduce_sum3A_1881 : vector<128xf32> to vector<128x1xf32>
    %slice3A_1883 = vector.extract_strided_slice %dot_general3A_1873 {offsets = [0, 32], sizes = [128, 32], strides = [1, 1]} : vector<128x160xf32> to vector<128x32xf32>
    %jit3A_1884 = arith.constant 0.000000e+00 : f32
    %broadcast_in_dim3A_1885 = vector.broadcast %jit3A_1884 : f32 to vector<128x32xf32>
    %select_n3A_1886 = arith.select %eq3A_1875, %slice3A_1883, %broadcast_in_dim3A_1885 : vector<128x32xi1>, vector<128x32xf32>
    %reduce_sum3A_1887 = arith.constant dense<0.000000e+00> : vector<128xf32>
    %reduce_sum3A_1888 = vector.multi_reduction <add>, %select_n3A_1886, %reduce_sum3A_1887 [1] : vector<128x32xf32> to vector<128xf32>
    %broadcast_in_dim3A_1889 = vector.shape_cast %reduce_sum3A_1888 : vector<128xf32> to vector<128x1xf32>
    %slice3A_1890 = vector.extract_strided_slice %dot_general3A_1873 {offsets = [0, 64], sizes = [128, 32], strides = [1, 1]} : vector<128x160xf32> to vector<128x32xf32>
    %jit3A_1891 = arith.constant 0.000000e+00 : f32
    %broadcast_in_dim3A_1892 = vector.broadcast %jit3A_1891 : f32 to vector<128x32xf32>
    %select_n3A_1893 = arith.select %eq3A_1875, %slice3A_1890, %broadcast_in_dim3A_1892 : vector<128x32xi1>, vector<128x32xf32>
    %reduce_sum3A_1894 = arith.constant dense<0.000000e+00> : vector<128xf32>
    %reduce_sum3A_1895 = vector.multi_reduction <add>, %select_n3A_1893, %reduce_sum3A_1894 [1] : vector<128x32xf32> to vector<128xf32>
    %broadcast_in_dim3A_1896 = vector.shape_cast %reduce_sum3A_1895 : vector<128xf32> to vector<128x1xf32>
    %slice3A_1897 = vector.extract_strided_slice %dot_general3A_1873 {offsets = [0, 96], sizes = [128, 32], strides = [1, 1]} : vector<128x160xf32> to vector<128x32xf32>
    %jit3A_1898 = arith.constant 0.000000e+00 : f32
    %broadcast_in_dim3A_1899 = vector.broadcast %jit3A_1898 : f32 to vector<128x32xf32>
    %select_n3A_1900 = arith.select %eq3A_1875, %slice3A_1897, %broadcast_in_dim3A_1899 : vector<128x32xi1>, vector<128x32xf32>
    %reduce_sum3A_1901 = arith.constant dense<0.000000e+00> : vector<128xf32>
    %reduce_sum3A_1902 = vector.multi_reduction <add>, %select_n3A_1900, %reduce_sum3A_1901 [1] : vector<128x32xf32> to vector<128xf32>
    %broadcast_in_dim3A_1903 = vector.shape_cast %reduce_sum3A_1902 : vector<128xf32> to vector<128x1xf32>
    %slice3A_1904 = vector.extract_strided_slice %dot_general3A_1873 {offsets = [0, 128], sizes = [128, 32], strides = [1, 1]} : vector<128x160xf32> to vector<128x32xf32>
    %jit3A_1905 = arith.constant 0.000000e+00 : f32
    %broadcast_in_dim3A_1906 = vector.broadcast %jit3A_1905 : f32 to vector<128x32xf32>
    %select_n3A_1907 = arith.select %eq3A_1875, %slice3A_1904, %broadcast_in_dim3A_1906 : vector<128x32xi1>, vector<128x32xf32>
    %reduce_sum3A_1908 = arith.constant dense<0.000000e+00> : vector<128xf32>
    %reduce_sum3A_1909 = vector.multi_reduction <add>, %select_n3A_1907, %reduce_sum3A_1908 [1] : vector<128x32xf32> to vector<128xf32>
    %broadcast_in_dim3A_1910 = vector.shape_cast %reduce_sum3A_1909 : vector<128xf32> to vector<128x1xf32>
    %convert_element_type3A_1911 = arith.fptosi %broadcast_in_dim3A_1910 : vector<128x1xf32> to vector<128x1xi32>
    %eq3A_1912 = vector.broadcast %convert_element_type3A_1911 : vector<128x1xi32> to vector<128x128xi32>
    %eq3A_1913 = arith.cmpi eq, %eq3A_1912, %iota3A_37 : vector<128x128xi32>
    %convert_element_type3A_1914 = arith.extui %eq3A_1913 : vector<128x128xi1> to vector<128x128xi32>
    %convert_element_type3A_1915 = arith.sitofp %convert_element_type3A_1914 : vector<128x128xi32> to vector<128x128xf32>
    %dot_general3A_1916 = arith.constant dense<0.000000e+00> : vector<128x64xf32>
    %dot_general3A_1917 = tpu.matmul %convert_element_type3A_1915, %get3A_45, %dot_general3A_1916 {dimension_numbers = #tpu.dot_dimension_numbers<[1], [0], [0], [1], [0, 0, 1, 1], [], []>, transpose_lhs_hint = false} : vector<128x128xf32>, vector<128x64xf32>, vector<128x64xf32> -> vector<128x64xf32>
    %sub3A_1918 = vector.broadcast %broadcast_in_dim3A_1819 : vector<128x1xf32> to vector<128x32xf32>
    %sub3A_1919 = vector.broadcast %get3A_48 : vector<1x32xf32> to vector<128x32xf32>
    %sub3A_1920 = arith.subf %sub3A_1918, %sub3A_1919 : vector<128x32xf32>
    %integer_pow3A_1921 = arith.mulf %sub3A_1920, %sub3A_1920 : vector<128x32xf32>
    %mul3A_1922 = arith.constant -28.4444447 : f32
    %mul3A_1923 = vector.broadcast %mul3A_1922 : f32 to vector<128x32xf32>
    %mul3A_1924 = arith.mulf %mul3A_1923, %integer_pow3A_1921 : vector<128x32xf32>
    %exp3A_1925 = math.exp %mul3A_1924 : vector<128x32xf32>
    %sub3A_1926 = arith.subf %slice3A, %broadcast_in_dim3A_1882 : vector<128x1xf32>
    %sub3A_1927 = arith.subf %slice3A_4, %broadcast_in_dim3A_1889 : vector<128x1xf32>
    %sub3A_1928 = arith.subf %slice3A_5, %broadcast_in_dim3A_1896 : vector<128x1xf32>
    %concatenate3A_1929 = tpu.concatenate %sub3A_1926, %sub3A_1927, %sub3A_1928, %broadcast_in_dim3A_1903, %dot_general3A_1917, %exp3A_1925, %broadcast_in_dim3A_1819 in 1 : vector<128x1xf32>, vector<128x1xf32>, vector<128x1xf32>, vector<128x1xf32>, vector<128x64xf32>, vector<128x32xf32>, vector<128x1xf32> -> vector<128x101xf32>
    %le3A_1930 = arith.constant 6.000000e+00 : f32
    %le3A_1931 = vector.broadcast %le3A_1930 : f32 to vector<128x1xf32>
    %le3A_1932 = arith.cmpf ole, %broadcast_in_dim3A_1819, %le3A_1931 : vector<128x1xf32>
    %jit3A_1933 = arith.constant 0.000000e+00 : f32
    %broadcast_in_dim3A_1934 = vector.shape_cast %le3A_1932 : vector<128x1xi1> to vector<128x1xi1>
    %broadcast_in_dim3A_1935 = vector.broadcast %broadcast_in_dim3A_1934 : vector<128x1xi1> to vector<128x101xi1>
    %broadcast_in_dim3A_1936 = vector.broadcast %jit3A_1933 : f32 to vector<128x101xf32>
    %select_n3A_1937 = arith.select %broadcast_in_dim3A_1935, %concatenate3A_1929, %broadcast_in_dim3A_1936 : vector<128x101xi1>, vector<128x101xf32>
    %swap3A_1938 = arith.constant 0 : index
    %swap3A_1939 = arith.constant 13 : index
    %swap3A_1940 = arith.constant 0 : index
    %swap3A_1941 = arith.constant 0 : index
    %swap3A_1942 = vector.load %arg7[%swap3A_1938, %swap3A_1939, %swap3A_1940, %swap3A_1941] : memref<1x32x128x101xf32, #tpu.memory_space<vmem>>, vector<1x1x128x101xf32>
    %swap3A_1943 = vector.shape_cast %swap3A_1942 : vector<1x1x128x101xf32> to vector<128x101xf32>
    %swap3A_1944 = vector.shape_cast %select_n3A_1937 : vector<128x101xf32> to vector<1x1x128x101xf32>
    tpu.vector_store %arg7[%swap3A_1938, %swap3A_1939, %swap3A_1940, %swap3A_1941], %swap3A_1944 {strides = array<i32>} : memref<1x32x128x101xf32, #tpu.memory_space<vmem>>, vector<1x1x128x101xf32>,
    %eq3A_1945 = arith.constant 13 : i32
    %eq3A_1946 = vector.broadcast %eq3A_1945 : i32 to vector<128x32xi32>
    %eq3A_1947 = arith.cmpi eq, %iota3A, %eq3A_1946 : vector<128x32xi32>
    %broadcast_in_dim3A_1948 = vector.shape_cast %broadcast_in_dim3A_1819 : vector<128x1xf32> to vector<128x1xf32>
    %broadcast_in_dim3A_1949 = vector.broadcast %broadcast_in_dim3A_1948 : vector<128x1xf32> to vector<128x32xf32>
    %select_n3A_1950 = arith.select %eq3A_1947, %broadcast_in_dim3A_1949, %select_n3A_1813 : vector<128x32xi1>, vector<128x32xf32>
    %broadcast_in_dim3A_1951 = vector.shape_cast %broadcast_in_dim3A_1827 : vector<128x1xi32> to vector<128x1xi32>
    %broadcast_in_dim3A_1952 = vector.broadcast %broadcast_in_dim3A_1951 : vector<128x1xi32> to vector<128x32xi32>
    %select_n3A_1953 = arith.select %eq3A_1947, %broadcast_in_dim3A_1952, %select_n3A_1816 : vector<128x32xi1>, vector<128x32xi32>
    %reduce_min3A_1954 = arith.constant dense<0x7F800000> : vector<128xf32>
    %reduce_min3A_1955 = vector.multi_reduction <minimumf>, %select_n3A_1832, %reduce_min3A_1954 [1] : vector<128x4096xf32> to vector<128xf32>
    %broadcast_in_dim3A_1956 = vector.shape_cast %reduce_min3A_1955 : vector<128xf32> to vector<128x1xf32>
    %eq3A_1957 = vector.broadcast %broadcast_in_dim3A_1956 : vector<128x1xf32> to vector<128x4096xf32>
    %eq3A_1958 = arith.cmpf oeq, %select_n3A_1832, %eq3A_1957 : vector<128x4096xf32>
    %jit3A_1959 = arith.constant 4096 : i32
    %broadcast_in_dim3A_1960 = vector.broadcast %jit3A_1959 : i32 to vector<128x4096xi32>
    %select_n3A_1961 = arith.select %eq3A_1958, %iota3A_49, %broadcast_in_dim3A_1960 : vector<128x4096xi1>, vector<128x4096xi32>
    %reduce_min3A_1962 = arith.constant dense<2147483647> : vector<128xi32>
    %reduce_min3A_1963 = vector.multi_reduction <minsi>, %select_n3A_1961, %reduce_min3A_1962 [1] : vector<128x4096xi32> to vector<128xi32>
    %broadcast_in_dim3A_1964 = vector.shape_cast %reduce_min3A_1963 : vector<128xi32> to vector<128x1xi32>
    %eq3A_1965 = vector.broadcast %broadcast_in_dim3A_1964 : vector<128x1xi32> to vector<128x4096xi32>
    %eq3A_1966 = arith.cmpi eq, %iota3A_49, %eq3A_1965 : vector<128x4096xi32>
    %jit3A_1967 = arith.constant 0x7F800000 : f32
    %broadcast_in_dim3A_1968 = vector.broadcast %jit3A_1967 : f32 to vector<128x4096xf32>
    %select_n3A_1969 = arith.select %eq3A_1966, %broadcast_in_dim3A_1968, %select_n3A_1832 : vector<128x4096xi1>, vector<128x4096xf32>
    %jit3A_1970 = arith.constant 32 : i32
    %div3A_1971 = vector.broadcast %jit3A_1970 : i32 to vector<128x1xi32>
    %div3A_1972 = arith.divsi %broadcast_in_dim3A_1964, %div3A_1971 : vector<128x1xi32>
    %sign3A_1973 = arith.constant 0 : i32
    %sign3A_1974 = vector.broadcast %sign3A_1973 : i32 to vector<128x1xi32>
    %sign3A_1975 = arith.cmpi sgt, %broadcast_in_dim3A_1964, %sign3A_1974 : vector<128x1xi32>
    %sign3A_1976 = arith.extui %sign3A_1975 : vector<128x1xi1> to vector<128x1xi32>
    %sign3A_1977 = arith.constant 0 : i32
    %sign3A_1978 = vector.broadcast %sign3A_1977 : i32 to vector<128x1xi32>
    %sign3A_1979 = arith.cmpi slt, %broadcast_in_dim3A_1964, %sign3A_1978 : vector<128x1xi32>
    %sign3A_1980 = arith.extui %sign3A_1979 : vector<128x1xi1> to vector<128x1xi32>
    %sign3A_1981 = arith.subi %sign3A_1976, %sign3A_1980 : vector<128x1xi32>
    %sign3A_1982 = arith.constant 0 : i32
    %sign3A_1983 = arith.cmpi sgt, %jit3A_1970, %sign3A_1982 : i32
    %sign3A_1984 = arith.extui %sign3A_1983 : i1 to i32
    %sign3A_1985 = arith.constant 0 : i32
    %sign3A_1986 = arith.cmpi slt, %jit3A_1970, %sign3A_1985 : i32
    %sign3A_1987 = arith.extui %sign3A_1986 : i1 to i32
    %sign3A_1988 = arith.subi %sign3A_1984, %sign3A_1987 : i32
    %ne3A_1989 = vector.broadcast %sign3A_1988 : i32 to vector<128x1xi32>
    %ne3A_1990 = arith.cmpi ne, %sign3A_1981, %ne3A_1989 : vector<128x1xi32>
    %rem3A_1991 = vector.broadcast %jit3A_1970 : i32 to vector<128x1xi32>
    %rem3A_1992 = arith.remsi %broadcast_in_dim3A_1964, %rem3A_1991 : vector<128x1xi32>
    %ne3A_1993 = arith.constant 0 : i32
    %ne3A_1994 = vector.broadcast %ne3A_1993 : i32 to vector<128x1xi32>
    %ne3A_1995 = arith.cmpi ne, %rem3A_1992, %ne3A_1994 : vector<128x1xi32>
    %and3A_1996 = arith.andi %ne3A_1990, %ne3A_1995 : vector<128x1xi1>
    %sub3A_1997 = arith.constant 1 : i32
    %sub3A_1998 = vector.broadcast %sub3A_1997 : i32 to vector<128x1xi32>
    %sub3A_1999 = arith.subi %div3A_1972, %sub3A_1998 : vector<128x1xi32>
    %select_n3A_2000 = arith.select %and3A_1996, %sub3A_1999, %div3A_1972 : vector<128x1xi1>, vector<128x1xi32>
    %mul3A_2001 = arith.constant 32 : i32
    %mul3A_2002 = vector.broadcast %mul3A_2001 : i32 to vector<128x1xi32>
    %mul3A_2003 = arith.muli %select_n3A_2000, %mul3A_2002 : vector<128x1xi32>
    %sub3A_2004 = arith.subi %broadcast_in_dim3A_1964, %mul3A_2003 : vector<128x1xi32>
    %eq3A_2005 = vector.broadcast %select_n3A_2000 : vector<128x1xi32> to vector<128x128xi32>
    %eq3A_2006 = arith.cmpi eq, %eq3A_2005, %iota3A_35 : vector<128x128xi32>
    %convert_element_type3A_2007 = arith.extui %eq3A_2006 : vector<128x128xi1> to vector<128x128xi32>
    %convert_element_type3A_2008 = arith.sitofp %convert_element_type3A_2007 : vector<128x128xi32> to vector<128x128xf32>
    %dot_general3A_2009 = arith.constant dense<0.000000e+00> : vector<128x160xf32>
    %dot_general3A_2010 = tpu.matmul %convert_element_type3A_2008, %get3A_42, %dot_general3A_2009 {dimension_numbers = #tpu.dot_dimension_numbers<[1], [0], [0], [1], [0, 0, 1, 1], [], []>, transpose_lhs_hint = false} : vector<128x128xf32>, vector<128x160xf32>, vector<128x160xf32> -> vector<128x160xf32>
    %eq3A_2011 = vector.broadcast %sub3A_2004 : vector<128x1xi32> to vector<128x32xi32>
    %eq3A_2012 = arith.cmpi eq, %eq3A_2011, %iota3A_36 : vector<128x32xi32>
    %slice3A_2013 = vector.extract_strided_slice %dot_general3A_2010 {offsets = [0, 0], sizes = [128, 32], strides = [1, 1]} : vector<128x160xf32> to vector<128x32xf32>
    %jit3A_2014 = arith.constant 0.000000e+00 : f32
    %broadcast_in_dim3A_2015 = vector.broadcast %jit3A_2014 : f32 to vector<128x32xf32>
    %select_n3A_2016 = arith.select %eq3A_2012, %slice3A_2013, %broadcast_in_dim3A_2015 : vector<128x32xi1>, vector<128x32xf32>
    %reduce_sum3A_2017 = arith.constant dense<0.000000e+00> : vector<128xf32>
    %reduce_sum3A_2018 = vector.multi_reduction <add>, %select_n3A_2016, %reduce_sum3A_2017 [1] : vector<128x32xf32> to vector<128xf32>
    %broadcast_in_dim3A_2019 = vector.shape_cast %reduce_sum3A_2018 : vector<128xf32> to vector<128x1xf32>
    %slice3A_2020 = vector.extract_strided_slice %dot_general3A_2010 {offsets = [0, 32], sizes = [128, 32], strides = [1, 1]} : vector<128x160xf32> to vector<128x32xf32>
    %jit3A_2021 = arith.constant 0.000000e+00 : f32
    %broadcast_in_dim3A_2022 = vector.broadcast %jit3A_2021 : f32 to vector<128x32xf32>
    %select_n3A_2023 = arith.select %eq3A_2012, %slice3A_2020, %broadcast_in_dim3A_2022 : vector<128x32xi1>, vector<128x32xf32>
    %reduce_sum3A_2024 = arith.constant dense<0.000000e+00> : vector<128xf32>
    %reduce_sum3A_2025 = vector.multi_reduction <add>, %select_n3A_2023, %reduce_sum3A_2024 [1] : vector<128x32xf32> to vector<128xf32>
    %broadcast_in_dim3A_2026 = vector.shape_cast %reduce_sum3A_2025 : vector<128xf32> to vector<128x1xf32>
    %slice3A_2027 = vector.extract_strided_slice %dot_general3A_2010 {offsets = [0, 64], sizes = [128, 32], strides = [1, 1]} : vector<128x160xf32> to vector<128x32xf32>
    %jit3A_2028 = arith.constant 0.000000e+00 : f32
    %broadcast_in_dim3A_2029 = vector.broadcast %jit3A_2028 : f32 to vector<128x32xf32>
    %select_n3A_2030 = arith.select %eq3A_2012, %slice3A_2027, %broadcast_in_dim3A_2029 : vector<128x32xi1>, vector<128x32xf32>
    %reduce_sum3A_2031 = arith.constant dense<0.000000e+00> : vector<128xf32>
    %reduce_sum3A_2032 = vector.multi_reduction <add>, %select_n3A_2030, %reduce_sum3A_2031 [1] : vector<128x32xf32> to vector<128xf32>
    %broadcast_in_dim3A_2033 = vector.shape_cast %reduce_sum3A_2032 : vector<128xf32> to vector<128x1xf32>
    %slice3A_2034 = vector.extract_strided_slice %dot_general3A_2010 {offsets = [0, 96], sizes = [128, 32], strides = [1, 1]} : vector<128x160xf32> to vector<128x32xf32>
    %jit3A_2035 = arith.constant 0.000000e+00 : f32
    %broadcast_in_dim3A_2036 = vector.broadcast %jit3A_2035 : f32 to vector<128x32xf32>
    %select_n3A_2037 = arith.select %eq3A_2012, %slice3A_2034, %broadcast_in_dim3A_2036 : vector<128x32xi1>, vector<128x32xf32>
    %reduce_sum3A_2038 = arith.constant dense<0.000000e+00> : vector<128xf32>
    %reduce_sum3A_2039 = vector.multi_reduction <add>, %select_n3A_2037, %reduce_sum3A_2038 [1] : vector<128x32xf32> to vector<128xf32>
    %broadcast_in_dim3A_2040 = vector.shape_cast %reduce_sum3A_2039 : vector<128xf32> to vector<128x1xf32>
    %slice3A_2041 = vector.extract_strided_slice %dot_general3A_2010 {offsets = [0, 128], sizes = [128, 32], strides = [1, 1]} : vector<128x160xf32> to vector<128x32xf32>
    %jit3A_2042 = arith.constant 0.000000e+00 : f32
    %broadcast_in_dim3A_2043 = vector.broadcast %jit3A_2042 : f32 to vector<128x32xf32>
    %select_n3A_2044 = arith.select %eq3A_2012, %slice3A_2041, %broadcast_in_dim3A_2043 : vector<128x32xi1>, vector<128x32xf32>
    %reduce_sum3A_2045 = arith.constant dense<0.000000e+00> : vector<128xf32>
    %reduce_sum3A_2046 = vector.multi_reduction <add>, %select_n3A_2044, %reduce_sum3A_2045 [1] : vector<128x32xf32> to vector<128xf32>
    %broadcast_in_dim3A_2047 = vector.shape_cast %reduce_sum3A_2046 : vector<128xf32> to vector<128x1xf32>
    %convert_element_type3A_2048 = arith.fptosi %broadcast_in_dim3A_2047 : vector<128x1xf32> to vector<128x1xi32>
    %eq3A_2049 = vector.broadcast %convert_element_type3A_2048 : vector<128x1xi32> to vector<128x128xi32>
    %eq3A_2050 = arith.cmpi eq, %eq3A_2049, %iota3A_37 : vector<128x128xi32>
    %convert_element_type3A_2051 = arith.extui %eq3A_2050 : vector<128x128xi1> to vector<128x128xi32>
    %convert_element_type3A_2052 = arith.sitofp %convert_element_type3A_2051 : vector<128x128xi32> to vector<128x128xf32>
    %dot_general3A_2053 = arith.constant dense<0.000000e+00> : vector<128x64xf32>
    %dot_general3A_2054 = tpu.matmul %convert_element_type3A_2052, %get3A_45, %dot_general3A_2053 {dimension_numbers = #tpu.dot_dimension_numbers<[1], [0], [0], [1], [0, 0, 1, 1], [], []>, transpose_lhs_hint = false} : vector<128x128xf32>, vector<128x64xf32>, vector<128x64xf32> -> vector<128x64xf32>
    %sub3A_2055 = vector.broadcast %broadcast_in_dim3A_1956 : vector<128x1xf32> to vector<128x32xf32>
    %sub3A_2056 = vector.broadcast %get3A_48 : vector<1x32xf32> to vector<128x32xf32>
    %sub3A_2057 = arith.subf %sub3A_2055, %sub3A_2056 : vector<128x32xf32>
    %integer_pow3A_2058 = arith.mulf %sub3A_2057, %sub3A_2057 : vector<128x32xf32>
    %mul3A_2059 = arith.constant -28.4444447 : f32
    %mul3A_2060 = vector.broadcast %mul3A_2059 : f32 to vector<128x32xf32>
    %mul3A_2061 = arith.mulf %mul3A_2060, %integer_pow3A_2058 : vector<128x32xf32>
    %exp3A_2062 = math.exp %mul3A_2061 : vector<128x32xf32>
    %sub3A_2063 = arith.subf %slice3A, %broadcast_in_dim3A_2019 : vector<128x1xf32>
    %sub3A_2064 = arith.subf %slice3A_4, %broadcast_in_dim3A_2026 : vector<128x1xf32>
    %sub3A_2065 = arith.subf %slice3A_5, %broadcast_in_dim3A_2033 : vector<128x1xf32>
    %concatenate3A_2066 = tpu.concatenate %sub3A_2063, %sub3A_2064, %sub3A_2065, %broadcast_in_dim3A_2040, %dot_general3A_2054, %exp3A_2062, %broadcast_in_dim3A_1956 in 1 : vector<128x1xf32>, vector<128x1xf32>, vector<128x1xf32>, vector<128x1xf32>, vector<128x64xf32>, vector<128x32xf32>, vector<128x1xf32> -> vector<128x101xf32>
    %le3A_2067 = arith.constant 6.000000e+00 : f32
    %le3A_2068 = vector.broadcast %le3A_2067 : f32 to vector<128x1xf32>
    %le3A_2069 = arith.cmpf ole, %broadcast_in_dim3A_1956, %le3A_2068 : vector<128x1xf32>
    %jit3A_2070 = arith.constant 0.000000e+00 : f32
    %broadcast_in_dim3A_2071 = vector.shape_cast %le3A_2069 : vector<128x1xi1> to vector<128x1xi1>
    %broadcast_in_dim3A_2072 = vector.broadcast %broadcast_in_dim3A_2071 : vector<128x1xi1> to vector<128x101xi1>
    %broadcast_in_dim3A_2073 = vector.broadcast %jit3A_2070 : f32 to vector<128x101xf32>
    %select_n3A_2074 = arith.select %broadcast_in_dim3A_2072, %concatenate3A_2066, %broadcast_in_dim3A_2073 : vector<128x101xi1>, vector<128x101xf32>
    %swap3A_2075 = arith.constant 0 : index
    %swap3A_2076 = arith.constant 14 : index
    %swap3A_2077 = arith.constant 0 : index
    %swap3A_2078 = arith.constant 0 : index
    %swap3A_2079 = vector.load %arg7[%swap3A_2075, %swap3A_2076, %swap3A_2077, %swap3A_2078] : memref<1x32x128x101xf32, #tpu.memory_space<vmem>>, vector<1x1x128x101xf32>
    %swap3A_2080 = vector.shape_cast %swap3A_2079 : vector<1x1x128x101xf32> to vector<128x101xf32>
    %swap3A_2081 = vector.shape_cast %select_n3A_2074 : vector<128x101xf32> to vector<1x1x128x101xf32>
    tpu.vector_store %arg7[%swap3A_2075, %swap3A_2076, %swap3A_2077, %swap3A_2078], %swap3A_2081 {strides = array<i32>} : memref<1x32x128x101xf32, #tpu.memory_space<vmem>>, vector<1x1x128x101xf32>,
    %eq3A_2082 = arith.constant 14 : i32
    %eq3A_2083 = vector.broadcast %eq3A_2082 : i32 to vector<128x32xi32>
    %eq3A_2084 = arith.cmpi eq, %iota3A, %eq3A_2083 : vector<128x32xi32>
    %broadcast_in_dim3A_2085 = vector.shape_cast %broadcast_in_dim3A_1956 : vector<128x1xf32> to vector<128x1xf32>
    %broadcast_in_dim3A_2086 = vector.broadcast %broadcast_in_dim3A_2085 : vector<128x1xf32> to vector<128x32xf32>
    %select_n3A_2087 = arith.select %eq3A_2084, %broadcast_in_dim3A_2086, %select_n3A_1950 : vector<128x32xi1>, vector<128x32xf32>
    %broadcast_in_dim3A_2088 = vector.shape_cast %broadcast_in_dim3A_1964 : vector<128x1xi32> to vector<128x1xi32>
    %broadcast_in_dim3A_2089 = vector.broadcast %broadcast_in_dim3A_2088 : vector<128x1xi32> to vector<128x32xi32>
    %select_n3A_2090 = arith.select %eq3A_2084, %broadcast_in_dim3A_2089, %select_n3A_1953 : vector<128x32xi1>, vector<128x32xi32>
    %reduce_min3A_2091 = arith.constant dense<0x7F800000> : vector<128xf32>
    %reduce_min3A_2092 = vector.multi_reduction <minimumf>, %select_n3A_1969, %reduce_min3A_2091 [1] : vector<128x4096xf32> to vector<128xf32>
    %broadcast_in_dim3A_2093 = vector.shape_cast %reduce_min3A_2092 : vector<128xf32> to vector<128x1xf32>
    %eq3A_2094 = vector.broadcast %broadcast_in_dim3A_2093 : vector<128x1xf32> to vector<128x4096xf32>
    %eq3A_2095 = arith.cmpf oeq, %select_n3A_1969, %eq3A_2094 : vector<128x4096xf32>
    %jit3A_2096 = arith.constant 4096 : i32
    %broadcast_in_dim3A_2097 = vector.broadcast %jit3A_2096 : i32 to vector<128x4096xi32>
    %select_n3A_2098 = arith.select %eq3A_2095, %iota3A_49, %broadcast_in_dim3A_2097 : vector<128x4096xi1>, vector<128x4096xi32>
    %reduce_min3A_2099 = arith.constant dense<2147483647> : vector<128xi32>
    %reduce_min3A_2100 = vector.multi_reduction <minsi>, %select_n3A_2098, %reduce_min3A_2099 [1] : vector<128x4096xi32> to vector<128xi32>
    %broadcast_in_dim3A_2101 = vector.shape_cast %reduce_min3A_2100 : vector<128xi32> to vector<128x1xi32>
    %eq3A_2102 = vector.broadcast %broadcast_in_dim3A_2101 : vector<128x1xi32> to vector<128x4096xi32>
    %eq3A_2103 = arith.cmpi eq, %iota3A_49, %eq3A_2102 : vector<128x4096xi32>
    %jit3A_2104 = arith.constant 0x7F800000 : f32
    %broadcast_in_dim3A_2105 = vector.broadcast %jit3A_2104 : f32 to vector<128x4096xf32>
    %select_n3A_2106 = arith.select %eq3A_2103, %broadcast_in_dim3A_2105, %select_n3A_1969 : vector<128x4096xi1>, vector<128x4096xf32>
    %jit3A_2107 = arith.constant 32 : i32
    %div3A_2108 = vector.broadcast %jit3A_2107 : i32 to vector<128x1xi32>
    %div3A_2109 = arith.divsi %broadcast_in_dim3A_2101, %div3A_2108 : vector<128x1xi32>
    %sign3A_2110 = arith.constant 0 : i32
    %sign3A_2111 = vector.broadcast %sign3A_2110 : i32 to vector<128x1xi32>
    %sign3A_2112 = arith.cmpi sgt, %broadcast_in_dim3A_2101, %sign3A_2111 : vector<128x1xi32>
    %sign3A_2113 = arith.extui %sign3A_2112 : vector<128x1xi1> to vector<128x1xi32>
    %sign3A_2114 = arith.constant 0 : i32
    %sign3A_2115 = vector.broadcast %sign3A_2114 : i32 to vector<128x1xi32>
    %sign3A_2116 = arith.cmpi slt, %broadcast_in_dim3A_2101, %sign3A_2115 : vector<128x1xi32>
    %sign3A_2117 = arith.extui %sign3A_2116 : vector<128x1xi1> to vector<128x1xi32>
    %sign3A_2118 = arith.subi %sign3A_2113, %sign3A_2117 : vector<128x1xi32>
    %sign3A_2119 = arith.constant 0 : i32
    %sign3A_2120 = arith.cmpi sgt, %jit3A_2107, %sign3A_2119 : i32
    %sign3A_2121 = arith.extui %sign3A_2120 : i1 to i32
    %sign3A_2122 = arith.constant 0 : i32
    %sign3A_2123 = arith.cmpi slt, %jit3A_2107, %sign3A_2122 : i32
    %sign3A_2124 = arith.extui %sign3A_2123 : i1 to i32
    %sign3A_2125 = arith.subi %sign3A_2121, %sign3A_2124 : i32
    %ne3A_2126 = vector.broadcast %sign3A_2125 : i32 to vector<128x1xi32>
    %ne3A_2127 = arith.cmpi ne, %sign3A_2118, %ne3A_2126 : vector<128x1xi32>
    %rem3A_2128 = vector.broadcast %jit3A_2107 : i32 to vector<128x1xi32>
    %rem3A_2129 = arith.remsi %broadcast_in_dim3A_2101, %rem3A_2128 : vector<128x1xi32>
    %ne3A_2130 = arith.constant 0 : i32
    %ne3A_2131 = vector.broadcast %ne3A_2130 : i32 to vector<128x1xi32>
    %ne3A_2132 = arith.cmpi ne, %rem3A_2129, %ne3A_2131 : vector<128x1xi32>
    %and3A_2133 = arith.andi %ne3A_2127, %ne3A_2132 : vector<128x1xi1>
    %sub3A_2134 = arith.constant 1 : i32
    %sub3A_2135 = vector.broadcast %sub3A_2134 : i32 to vector<128x1xi32>
    %sub3A_2136 = arith.subi %div3A_2109, %sub3A_2135 : vector<128x1xi32>
    %select_n3A_2137 = arith.select %and3A_2133, %sub3A_2136, %div3A_2109 : vector<128x1xi1>, vector<128x1xi32>
    %mul3A_2138 = arith.constant 32 : i32
    %mul3A_2139 = vector.broadcast %mul3A_2138 : i32 to vector<128x1xi32>
    %mul3A_2140 = arith.muli %select_n3A_2137, %mul3A_2139 : vector<128x1xi32>
    %sub3A_2141 = arith.subi %broadcast_in_dim3A_2101, %mul3A_2140 : vector<128x1xi32>
    %eq3A_2142 = vector.broadcast %select_n3A_2137 : vector<128x1xi32> to vector<128x128xi32>
    %eq3A_2143 = arith.cmpi eq, %eq3A_2142, %iota3A_35 : vector<128x128xi32>
    %convert_element_type3A_2144 = arith.extui %eq3A_2143 : vector<128x128xi1> to vector<128x128xi32>
    %convert_element_type3A_2145 = arith.sitofp %convert_element_type3A_2144 : vector<128x128xi32> to vector<128x128xf32>
    %dot_general3A_2146 = arith.constant dense<0.000000e+00> : vector<128x160xf32>
    %dot_general3A_2147 = tpu.matmul %convert_element_type3A_2145, %get3A_42, %dot_general3A_2146 {dimension_numbers = #tpu.dot_dimension_numbers<[1], [0], [0], [1], [0, 0, 1, 1], [], []>, transpose_lhs_hint = false} : vector<128x128xf32>, vector<128x160xf32>, vector<128x160xf32> -> vector<128x160xf32>
    %eq3A_2148 = vector.broadcast %sub3A_2141 : vector<128x1xi32> to vector<128x32xi32>
    %eq3A_2149 = arith.cmpi eq, %eq3A_2148, %iota3A_36 : vector<128x32xi32>
    %slice3A_2150 = vector.extract_strided_slice %dot_general3A_2147 {offsets = [0, 0], sizes = [128, 32], strides = [1, 1]} : vector<128x160xf32> to vector<128x32xf32>
    %jit3A_2151 = arith.constant 0.000000e+00 : f32
    %broadcast_in_dim3A_2152 = vector.broadcast %jit3A_2151 : f32 to vector<128x32xf32>
    %select_n3A_2153 = arith.select %eq3A_2149, %slice3A_2150, %broadcast_in_dim3A_2152 : vector<128x32xi1>, vector<128x32xf32>
    %reduce_sum3A_2154 = arith.constant dense<0.000000e+00> : vector<128xf32>
    %reduce_sum3A_2155 = vector.multi_reduction <add>, %select_n3A_2153, %reduce_sum3A_2154 [1] : vector<128x32xf32> to vector<128xf32>
    %broadcast_in_dim3A_2156 = vector.shape_cast %reduce_sum3A_2155 : vector<128xf32> to vector<128x1xf32>
    %slice3A_2157 = vector.extract_strided_slice %dot_general3A_2147 {offsets = [0, 32], sizes = [128, 32], strides = [1, 1]} : vector<128x160xf32> to vector<128x32xf32>
    %jit3A_2158 = arith.constant 0.000000e+00 : f32
    %broadcast_in_dim3A_2159 = vector.broadcast %jit3A_2158 : f32 to vector<128x32xf32>
    %select_n3A_2160 = arith.select %eq3A_2149, %slice3A_2157, %broadcast_in_dim3A_2159 : vector<128x32xi1>, vector<128x32xf32>
    %reduce_sum3A_2161 = arith.constant dense<0.000000e+00> : vector<128xf32>
    %reduce_sum3A_2162 = vector.multi_reduction <add>, %select_n3A_2160, %reduce_sum3A_2161 [1] : vector<128x32xf32> to vector<128xf32>
    %broadcast_in_dim3A_2163 = vector.shape_cast %reduce_sum3A_2162 : vector<128xf32> to vector<128x1xf32>
    %slice3A_2164 = vector.extract_strided_slice %dot_general3A_2147 {offsets = [0, 64], sizes = [128, 32], strides = [1, 1]} : vector<128x160xf32> to vector<128x32xf32>
    %jit3A_2165 = arith.constant 0.000000e+00 : f32
    %broadcast_in_dim3A_2166 = vector.broadcast %jit3A_2165 : f32 to vector<128x32xf32>
    %select_n3A_2167 = arith.select %eq3A_2149, %slice3A_2164, %broadcast_in_dim3A_2166 : vector<128x32xi1>, vector<128x32xf32>
    %reduce_sum3A_2168 = arith.constant dense<0.000000e+00> : vector<128xf32>
    %reduce_sum3A_2169 = vector.multi_reduction <add>, %select_n3A_2167, %reduce_sum3A_2168 [1] : vector<128x32xf32> to vector<128xf32>
    %broadcast_in_dim3A_2170 = vector.shape_cast %reduce_sum3A_2169 : vector<128xf32> to vector<128x1xf32>
    %slice3A_2171 = vector.extract_strided_slice %dot_general3A_2147 {offsets = [0, 96], sizes = [128, 32], strides = [1, 1]} : vector<128x160xf32> to vector<128x32xf32>
    %jit3A_2172 = arith.constant 0.000000e+00 : f32
    %broadcast_in_dim3A_2173 = vector.broadcast %jit3A_2172 : f32 to vector<128x32xf32>
    %select_n3A_2174 = arith.select %eq3A_2149, %slice3A_2171, %broadcast_in_dim3A_2173 : vector<128x32xi1>, vector<128x32xf32>
    %reduce_sum3A_2175 = arith.constant dense<0.000000e+00> : vector<128xf32>
    %reduce_sum3A_2176 = vector.multi_reduction <add>, %select_n3A_2174, %reduce_sum3A_2175 [1] : vector<128x32xf32> to vector<128xf32>
    %broadcast_in_dim3A_2177 = vector.shape_cast %reduce_sum3A_2176 : vector<128xf32> to vector<128x1xf32>
    %slice3A_2178 = vector.extract_strided_slice %dot_general3A_2147 {offsets = [0, 128], sizes = [128, 32], strides = [1, 1]} : vector<128x160xf32> to vector<128x32xf32>
    %jit3A_2179 = arith.constant 0.000000e+00 : f32
    %broadcast_in_dim3A_2180 = vector.broadcast %jit3A_2179 : f32 to vector<128x32xf32>
    %select_n3A_2181 = arith.select %eq3A_2149, %slice3A_2178, %broadcast_in_dim3A_2180 : vector<128x32xi1>, vector<128x32xf32>
    %reduce_sum3A_2182 = arith.constant dense<0.000000e+00> : vector<128xf32>
    %reduce_sum3A_2183 = vector.multi_reduction <add>, %select_n3A_2181, %reduce_sum3A_2182 [1] : vector<128x32xf32> to vector<128xf32>
    %broadcast_in_dim3A_2184 = vector.shape_cast %reduce_sum3A_2183 : vector<128xf32> to vector<128x1xf32>
    %convert_element_type3A_2185 = arith.fptosi %broadcast_in_dim3A_2184 : vector<128x1xf32> to vector<128x1xi32>
    %eq3A_2186 = vector.broadcast %convert_element_type3A_2185 : vector<128x1xi32> to vector<128x128xi32>
    %eq3A_2187 = arith.cmpi eq, %eq3A_2186, %iota3A_37 : vector<128x128xi32>
    %convert_element_type3A_2188 = arith.extui %eq3A_2187 : vector<128x128xi1> to vector<128x128xi32>
    %convert_element_type3A_2189 = arith.sitofp %convert_element_type3A_2188 : vector<128x128xi32> to vector<128x128xf32>
    %dot_general3A_2190 = arith.constant dense<0.000000e+00> : vector<128x64xf32>
    %dot_general3A_2191 = tpu.matmul %convert_element_type3A_2189, %get3A_45, %dot_general3A_2190 {dimension_numbers = #tpu.dot_dimension_numbers<[1], [0], [0], [1], [0, 0, 1, 1], [], []>, transpose_lhs_hint = false} : vector<128x128xf32>, vector<128x64xf32>, vector<128x64xf32> -> vector<128x64xf32>
    %sub3A_2192 = vector.broadcast %broadcast_in_dim3A_2093 : vector<128x1xf32> to vector<128x32xf32>
    %sub3A_2193 = vector.broadcast %get3A_48 : vector<1x32xf32> to vector<128x32xf32>
    %sub3A_2194 = arith.subf %sub3A_2192, %sub3A_2193 : vector<128x32xf32>
    %integer_pow3A_2195 = arith.mulf %sub3A_2194, %sub3A_2194 : vector<128x32xf32>
    %mul3A_2196 = arith.constant -28.4444447 : f32
    %mul3A_2197 = vector.broadcast %mul3A_2196 : f32 to vector<128x32xf32>
    %mul3A_2198 = arith.mulf %mul3A_2197, %integer_pow3A_2195 : vector<128x32xf32>
    %exp3A_2199 = math.exp %mul3A_2198 : vector<128x32xf32>
    %sub3A_2200 = arith.subf %slice3A, %broadcast_in_dim3A_2156 : vector<128x1xf32>
    %sub3A_2201 = arith.subf %slice3A_4, %broadcast_in_dim3A_2163 : vector<128x1xf32>
    %sub3A_2202 = arith.subf %slice3A_5, %broadcast_in_dim3A_2170 : vector<128x1xf32>
    %concatenate3A_2203 = tpu.concatenate %sub3A_2200, %sub3A_2201, %sub3A_2202, %broadcast_in_dim3A_2177, %dot_general3A_2191, %exp3A_2199, %broadcast_in_dim3A_2093 in 1 : vector<128x1xf32>, vector<128x1xf32>, vector<128x1xf32>, vector<128x1xf32>, vector<128x64xf32>, vector<128x32xf32>, vector<128x1xf32> -> vector<128x101xf32>
    %le3A_2204 = arith.constant 6.000000e+00 : f32
    %le3A_2205 = vector.broadcast %le3A_2204 : f32 to vector<128x1xf32>
    %le3A_2206 = arith.cmpf ole, %broadcast_in_dim3A_2093, %le3A_2205 : vector<128x1xf32>
    %jit3A_2207 = arith.constant 0.000000e+00 : f32
    %broadcast_in_dim3A_2208 = vector.shape_cast %le3A_2206 : vector<128x1xi1> to vector<128x1xi1>
    %broadcast_in_dim3A_2209 = vector.broadcast %broadcast_in_dim3A_2208 : vector<128x1xi1> to vector<128x101xi1>
    %broadcast_in_dim3A_2210 = vector.broadcast %jit3A_2207 : f32 to vector<128x101xf32>
    %select_n3A_2211 = arith.select %broadcast_in_dim3A_2209, %concatenate3A_2203, %broadcast_in_dim3A_2210 : vector<128x101xi1>, vector<128x101xf32>
    %swap3A_2212 = arith.constant 0 : index
    %swap3A_2213 = arith.constant 15 : index
    %swap3A_2214 = arith.constant 0 : index
    %swap3A_2215 = arith.constant 0 : index
    %swap3A_2216 = vector.load %arg7[%swap3A_2212, %swap3A_2213, %swap3A_2214, %swap3A_2215] : memref<1x32x128x101xf32, #tpu.memory_space<vmem>>, vector<1x1x128x101xf32>
    %swap3A_2217 = vector.shape_cast %swap3A_2216 : vector<1x1x128x101xf32> to vector<128x101xf32>
    %swap3A_2218 = vector.shape_cast %select_n3A_2211 : vector<128x101xf32> to vector<1x1x128x101xf32>
    tpu.vector_store %arg7[%swap3A_2212, %swap3A_2213, %swap3A_2214, %swap3A_2215], %swap3A_2218 {strides = array<i32>} : memref<1x32x128x101xf32, #tpu.memory_space<vmem>>, vector<1x1x128x101xf32>,
    %eq3A_2219 = arith.constant 15 : i32
    %eq3A_2220 = vector.broadcast %eq3A_2219 : i32 to vector<128x32xi32>
    %eq3A_2221 = arith.cmpi eq, %iota3A, %eq3A_2220 : vector<128x32xi32>
    %broadcast_in_dim3A_2222 = vector.shape_cast %broadcast_in_dim3A_2093 : vector<128x1xf32> to vector<128x1xf32>
    %broadcast_in_dim3A_2223 = vector.broadcast %broadcast_in_dim3A_2222 : vector<128x1xf32> to vector<128x32xf32>
    %select_n3A_2224 = arith.select %eq3A_2221, %broadcast_in_dim3A_2223, %select_n3A_2087 : vector<128x32xi1>, vector<128x32xf32>
    %broadcast_in_dim3A_2225 = vector.shape_cast %broadcast_in_dim3A_2101 : vector<128x1xi32> to vector<128x1xi32>
    %broadcast_in_dim3A_2226 = vector.broadcast %broadcast_in_dim3A_2225 : vector<128x1xi32> to vector<128x32xi32>
    %select_n3A_2227 = arith.select %eq3A_2221, %broadcast_in_dim3A_2226, %select_n3A_2090 : vector<128x32xi1>, vector<128x32xi32>
    %reduce_min3A_2228 = arith.constant dense<0x7F800000> : vector<128xf32>
    %reduce_min3A_2229 = vector.multi_reduction <minimumf>, %select_n3A_2106, %reduce_min3A_2228 [1] : vector<128x4096xf32> to vector<128xf32>
    %broadcast_in_dim3A_2230 = vector.shape_cast %reduce_min3A_2229 : vector<128xf32> to vector<128x1xf32>
    %eq3A_2231 = vector.broadcast %broadcast_in_dim3A_2230 : vector<128x1xf32> to vector<128x4096xf32>
    %eq3A_2232 = arith.cmpf oeq, %select_n3A_2106, %eq3A_2231 : vector<128x4096xf32>
    %jit3A_2233 = arith.constant 4096 : i32
    %broadcast_in_dim3A_2234 = vector.broadcast %jit3A_2233 : i32 to vector<128x4096xi32>
    %select_n3A_2235 = arith.select %eq3A_2232, %iota3A_49, %broadcast_in_dim3A_2234 : vector<128x4096xi1>, vector<128x4096xi32>
    %reduce_min3A_2236 = arith.constant dense<2147483647> : vector<128xi32>
    %reduce_min3A_2237 = vector.multi_reduction <minsi>, %select_n3A_2235, %reduce_min3A_2236 [1] : vector<128x4096xi32> to vector<128xi32>
    %broadcast_in_dim3A_2238 = vector.shape_cast %reduce_min3A_2237 : vector<128xi32> to vector<128x1xi32>
    %eq3A_2239 = vector.broadcast %broadcast_in_dim3A_2238 : vector<128x1xi32> to vector<128x4096xi32>
    %eq3A_2240 = arith.cmpi eq, %iota3A_49, %eq3A_2239 : vector<128x4096xi32>
    %jit3A_2241 = arith.constant 0x7F800000 : f32
    %broadcast_in_dim3A_2242 = vector.broadcast %jit3A_2241 : f32 to vector<128x4096xf32>
    %select_n3A_2243 = arith.select %eq3A_2240, %broadcast_in_dim3A_2242, %select_n3A_2106 : vector<128x4096xi1>, vector<128x4096xf32>
    %jit3A_2244 = arith.constant 32 : i32
    %div3A_2245 = vector.broadcast %jit3A_2244 : i32 to vector<128x1xi32>
    %div3A_2246 = arith.divsi %broadcast_in_dim3A_2238, %div3A_2245 : vector<128x1xi32>
    %sign3A_2247 = arith.constant 0 : i32
    %sign3A_2248 = vector.broadcast %sign3A_2247 : i32 to vector<128x1xi32>
    %sign3A_2249 = arith.cmpi sgt, %broadcast_in_dim3A_2238, %sign3A_2248 : vector<128x1xi32>
    %sign3A_2250 = arith.extui %sign3A_2249 : vector<128x1xi1> to vector<128x1xi32>
    %sign3A_2251 = arith.constant 0 : i32
    %sign3A_2252 = vector.broadcast %sign3A_2251 : i32 to vector<128x1xi32>
    %sign3A_2253 = arith.cmpi slt, %broadcast_in_dim3A_2238, %sign3A_2252 : vector<128x1xi32>
    %sign3A_2254 = arith.extui %sign3A_2253 : vector<128x1xi1> to vector<128x1xi32>
    %sign3A_2255 = arith.subi %sign3A_2250, %sign3A_2254 : vector<128x1xi32>
    %sign3A_2256 = arith.constant 0 : i32
    %sign3A_2257 = arith.cmpi sgt, %jit3A_2244, %sign3A_2256 : i32
    %sign3A_2258 = arith.extui %sign3A_2257 : i1 to i32
    %sign3A_2259 = arith.constant 0 : i32
    %sign3A_2260 = arith.cmpi slt, %jit3A_2244, %sign3A_2259 : i32
    %sign3A_2261 = arith.extui %sign3A_2260 : i1 to i32
    %sign3A_2262 = arith.subi %sign3A_2258, %sign3A_2261 : i32
    %ne3A_2263 = vector.broadcast %sign3A_2262 : i32 to vector<128x1xi32>
    %ne3A_2264 = arith.cmpi ne, %sign3A_2255, %ne3A_2263 : vector<128x1xi32>
    %rem3A_2265 = vector.broadcast %jit3A_2244 : i32 to vector<128x1xi32>
    %rem3A_2266 = arith.remsi %broadcast_in_dim3A_2238, %rem3A_2265 : vector<128x1xi32>
    %ne3A_2267 = arith.constant 0 : i32
    %ne3A_2268 = vector.broadcast %ne3A_2267 : i32 to vector<128x1xi32>
    %ne3A_2269 = arith.cmpi ne, %rem3A_2266, %ne3A_2268 : vector<128x1xi32>
    %and3A_2270 = arith.andi %ne3A_2264, %ne3A_2269 : vector<128x1xi1>
    %sub3A_2271 = arith.constant 1 : i32
    %sub3A_2272 = vector.broadcast %sub3A_2271 : i32 to vector<128x1xi32>
    %sub3A_2273 = arith.subi %div3A_2246, %sub3A_2272 : vector<128x1xi32>
    %select_n3A_2274 = arith.select %and3A_2270, %sub3A_2273, %div3A_2246 : vector<128x1xi1>, vector<128x1xi32>
    %mul3A_2275 = arith.constant 32 : i32
    %mul3A_2276 = vector.broadcast %mul3A_2275 : i32 to vector<128x1xi32>
    %mul3A_2277 = arith.muli %select_n3A_2274, %mul3A_2276 : vector<128x1xi32>
    %sub3A_2278 = arith.subi %broadcast_in_dim3A_2238, %mul3A_2277 : vector<128x1xi32>
    %eq3A_2279 = vector.broadcast %select_n3A_2274 : vector<128x1xi32> to vector<128x128xi32>
    %eq3A_2280 = arith.cmpi eq, %eq3A_2279, %iota3A_35 : vector<128x128xi32>
    %convert_element_type3A_2281 = arith.extui %eq3A_2280 : vector<128x128xi1> to vector<128x128xi32>
    %convert_element_type3A_2282 = arith.sitofp %convert_element_type3A_2281 : vector<128x128xi32> to vector<128x128xf32>
    %dot_general3A_2283 = arith.constant dense<0.000000e+00> : vector<128x160xf32>
    %dot_general3A_2284 = tpu.matmul %convert_element_type3A_2282, %get3A_42, %dot_general3A_2283 {dimension_numbers = #tpu.dot_dimension_numbers<[1], [0], [0], [1], [0, 0, 1, 1], [], []>, transpose_lhs_hint = false} : vector<128x128xf32>, vector<128x160xf32>, vector<128x160xf32> -> vector<128x160xf32>
    %eq3A_2285 = vector.broadcast %sub3A_2278 : vector<128x1xi32> to vector<128x32xi32>
    %eq3A_2286 = arith.cmpi eq, %eq3A_2285, %iota3A_36 : vector<128x32xi32>
    %slice3A_2287 = vector.extract_strided_slice %dot_general3A_2284 {offsets = [0, 0], sizes = [128, 32], strides = [1, 1]} : vector<128x160xf32> to vector<128x32xf32>
    %jit3A_2288 = arith.constant 0.000000e+00 : f32
    %broadcast_in_dim3A_2289 = vector.broadcast %jit3A_2288 : f32 to vector<128x32xf32>
    %select_n3A_2290 = arith.select %eq3A_2286, %slice3A_2287, %broadcast_in_dim3A_2289 : vector<128x32xi1>, vector<128x32xf32>
    %reduce_sum3A_2291 = arith.constant dense<0.000000e+00> : vector<128xf32>
    %reduce_sum3A_2292 = vector.multi_reduction <add>, %select_n3A_2290, %reduce_sum3A_2291 [1] : vector<128x32xf32> to vector<128xf32>
    %broadcast_in_dim3A_2293 = vector.shape_cast %reduce_sum3A_2292 : vector<128xf32> to vector<128x1xf32>
    %slice3A_2294 = vector.extract_strided_slice %dot_general3A_2284 {offsets = [0, 32], sizes = [128, 32], strides = [1, 1]} : vector<128x160xf32> to vector<128x32xf32>
    %jit3A_2295 = arith.constant 0.000000e+00 : f32
    %broadcast_in_dim3A_2296 = vector.broadcast %jit3A_2295 : f32 to vector<128x32xf32>
    %select_n3A_2297 = arith.select %eq3A_2286, %slice3A_2294, %broadcast_in_dim3A_2296 : vector<128x32xi1>, vector<128x32xf32>
    %reduce_sum3A_2298 = arith.constant dense<0.000000e+00> : vector<128xf32>
    %reduce_sum3A_2299 = vector.multi_reduction <add>, %select_n3A_2297, %reduce_sum3A_2298 [1] : vector<128x32xf32> to vector<128xf32>
    %broadcast_in_dim3A_2300 = vector.shape_cast %reduce_sum3A_2299 : vector<128xf32> to vector<128x1xf32>
    %slice3A_2301 = vector.extract_strided_slice %dot_general3A_2284 {offsets = [0, 64], sizes = [128, 32], strides = [1, 1]} : vector<128x160xf32> to vector<128x32xf32>
    %jit3A_2302 = arith.constant 0.000000e+00 : f32
    %broadcast_in_dim3A_2303 = vector.broadcast %jit3A_2302 : f32 to vector<128x32xf32>
    %select_n3A_2304 = arith.select %eq3A_2286, %slice3A_2301, %broadcast_in_dim3A_2303 : vector<128x32xi1>, vector<128x32xf32>
    %reduce_sum3A_2305 = arith.constant dense<0.000000e+00> : vector<128xf32>
    %reduce_sum3A_2306 = vector.multi_reduction <add>, %select_n3A_2304, %reduce_sum3A_2305 [1] : vector<128x32xf32> to vector<128xf32>
    %broadcast_in_dim3A_2307 = vector.shape_cast %reduce_sum3A_2306 : vector<128xf32> to vector<128x1xf32>
    %slice3A_2308 = vector.extract_strided_slice %dot_general3A_2284 {offsets = [0, 96], sizes = [128, 32], strides = [1, 1]} : vector<128x160xf32> to vector<128x32xf32>
    %jit3A_2309 = arith.constant 0.000000e+00 : f32
    %broadcast_in_dim3A_2310 = vector.broadcast %jit3A_2309 : f32 to vector<128x32xf32>
    %select_n3A_2311 = arith.select %eq3A_2286, %slice3A_2308, %broadcast_in_dim3A_2310 : vector<128x32xi1>, vector<128x32xf32>
    %reduce_sum3A_2312 = arith.constant dense<0.000000e+00> : vector<128xf32>
    %reduce_sum3A_2313 = vector.multi_reduction <add>, %select_n3A_2311, %reduce_sum3A_2312 [1] : vector<128x32xf32> to vector<128xf32>
    %broadcast_in_dim3A_2314 = vector.shape_cast %reduce_sum3A_2313 : vector<128xf32> to vector<128x1xf32>
    %slice3A_2315 = vector.extract_strided_slice %dot_general3A_2284 {offsets = [0, 128], sizes = [128, 32], strides = [1, 1]} : vector<128x160xf32> to vector<128x32xf32>
    %jit3A_2316 = arith.constant 0.000000e+00 : f32
    %broadcast_in_dim3A_2317 = vector.broadcast %jit3A_2316 : f32 to vector<128x32xf32>
    %select_n3A_2318 = arith.select %eq3A_2286, %slice3A_2315, %broadcast_in_dim3A_2317 : vector<128x32xi1>, vector<128x32xf32>
    %reduce_sum3A_2319 = arith.constant dense<0.000000e+00> : vector<128xf32>
    %reduce_sum3A_2320 = vector.multi_reduction <add>, %select_n3A_2318, %reduce_sum3A_2319 [1] : vector<128x32xf32> to vector<128xf32>
    %broadcast_in_dim3A_2321 = vector.shape_cast %reduce_sum3A_2320 : vector<128xf32> to vector<128x1xf32>
    %convert_element_type3A_2322 = arith.fptosi %broadcast_in_dim3A_2321 : vector<128x1xf32> to vector<128x1xi32>
    %eq3A_2323 = vector.broadcast %convert_element_type3A_2322 : vector<128x1xi32> to vector<128x128xi32>
    %eq3A_2324 = arith.cmpi eq, %eq3A_2323, %iota3A_37 : vector<128x128xi32>
    %convert_element_type3A_2325 = arith.extui %eq3A_2324 : vector<128x128xi1> to vector<128x128xi32>
    %convert_element_type3A_2326 = arith.sitofp %convert_element_type3A_2325 : vector<128x128xi32> to vector<128x128xf32>
    %dot_general3A_2327 = arith.constant dense<0.000000e+00> : vector<128x64xf32>
    %dot_general3A_2328 = tpu.matmul %convert_element_type3A_2326, %get3A_45, %dot_general3A_2327 {dimension_numbers = #tpu.dot_dimension_numbers<[1], [0], [0], [1], [0, 0, 1, 1], [], []>, transpose_lhs_hint = false} : vector<128x128xf32>, vector<128x64xf32>, vector<128x64xf32> -> vector<128x64xf32>
    %sub3A_2329 = vector.broadcast %broadcast_in_dim3A_2230 : vector<128x1xf32> to vector<128x32xf32>
    %sub3A_2330 = vector.broadcast %get3A_48 : vector<1x32xf32> to vector<128x32xf32>
    %sub3A_2331 = arith.subf %sub3A_2329, %sub3A_2330 : vector<128x32xf32>
    %integer_pow3A_2332 = arith.mulf %sub3A_2331, %sub3A_2331 : vector<128x32xf32>
    %mul3A_2333 = arith.constant -28.4444447 : f32
    %mul3A_2334 = vector.broadcast %mul3A_2333 : f32 to vector<128x32xf32>
    %mul3A_2335 = arith.mulf %mul3A_2334, %integer_pow3A_2332 : vector<128x32xf32>
    %exp3A_2336 = math.exp %mul3A_2335 : vector<128x32xf32>
    %sub3A_2337 = arith.subf %slice3A, %broadcast_in_dim3A_2293 : vector<128x1xf32>
    %sub3A_2338 = arith.subf %slice3A_4, %broadcast_in_dim3A_2300 : vector<128x1xf32>
    %sub3A_2339 = arith.subf %slice3A_5, %broadcast_in_dim3A_2307 : vector<128x1xf32>
    %concatenate3A_2340 = tpu.concatenate %sub3A_2337, %sub3A_2338, %sub3A_2339, %broadcast_in_dim3A_2314, %dot_general3A_2328, %exp3A_2336, %broadcast_in_dim3A_2230 in 1 : vector<128x1xf32>, vector<128x1xf32>, vector<128x1xf32>, vector<128x1xf32>, vector<128x64xf32>, vector<128x32xf32>, vector<128x1xf32> -> vector<128x101xf32>
    %le3A_2341 = arith.constant 6.000000e+00 : f32
    %le3A_2342 = vector.broadcast %le3A_2341 : f32 to vector<128x1xf32>
    %le3A_2343 = arith.cmpf ole, %broadcast_in_dim3A_2230, %le3A_2342 : vector<128x1xf32>
    %jit3A_2344 = arith.constant 0.000000e+00 : f32
    %broadcast_in_dim3A_2345 = vector.shape_cast %le3A_2343 : vector<128x1xi1> to vector<128x1xi1>
    %broadcast_in_dim3A_2346 = vector.broadcast %broadcast_in_dim3A_2345 : vector<128x1xi1> to vector<128x101xi1>
    %broadcast_in_dim3A_2347 = vector.broadcast %jit3A_2344 : f32 to vector<128x101xf32>
    %select_n3A_2348 = arith.select %broadcast_in_dim3A_2346, %concatenate3A_2340, %broadcast_in_dim3A_2347 : vector<128x101xi1>, vector<128x101xf32>
    %swap3A_2349 = arith.constant 0 : index
    %swap3A_2350 = arith.constant 16 : index
    %swap3A_2351 = arith.constant 0 : index
    %swap3A_2352 = arith.constant 0 : index
    %swap3A_2353 = vector.load %arg7[%swap3A_2349, %swap3A_2350, %swap3A_2351, %swap3A_2352] : memref<1x32x128x101xf32, #tpu.memory_space<vmem>>, vector<1x1x128x101xf32>
    %swap3A_2354 = vector.shape_cast %swap3A_2353 : vector<1x1x128x101xf32> to vector<128x101xf32>
    %swap3A_2355 = vector.shape_cast %select_n3A_2348 : vector<128x101xf32> to vector<1x1x128x101xf32>
    tpu.vector_store %arg7[%swap3A_2349, %swap3A_2350, %swap3A_2351, %swap3A_2352], %swap3A_2355 {strides = array<i32>} : memref<1x32x128x101xf32, #tpu.memory_space<vmem>>, vector<1x1x128x101xf32>,
    %eq3A_2356 = arith.constant 16 : i32
    %eq3A_2357 = vector.broadcast %eq3A_2356 : i32 to vector<128x32xi32>
    %eq3A_2358 = arith.cmpi eq, %iota3A, %eq3A_2357 : vector<128x32xi32>
    %broadcast_in_dim3A_2359 = vector.shape_cast %broadcast_in_dim3A_2230 : vector<128x1xf32> to vector<128x1xf32>
    %broadcast_in_dim3A_2360 = vector.broadcast %broadcast_in_dim3A_2359 : vector<128x1xf32> to vector<128x32xf32>
    %select_n3A_2361 = arith.select %eq3A_2358, %broadcast_in_dim3A_2360, %select_n3A_2224 : vector<128x32xi1>, vector<128x32xf32>
    %broadcast_in_dim3A_2362 = vector.shape_cast %broadcast_in_dim3A_2238 : vector<128x1xi32> to vector<128x1xi32>
    %broadcast_in_dim3A_2363 = vector.broadcast %broadcast_in_dim3A_2362 : vector<128x1xi32> to vector<128x32xi32>
    %select_n3A_2364 = arith.select %eq3A_2358, %broadcast_in_dim3A_2363, %select_n3A_2227 : vector<128x32xi1>, vector<128x32xi32>
    %reduce_min3A_2365 = arith.constant dense<0x7F800000> : vector<128xf32>
    %reduce_min3A_2366 = vector.multi_reduction <minimumf>, %select_n3A_2243, %reduce_min3A_2365 [1] : vector<128x4096xf32> to vector<128xf32>
    %broadcast_in_dim3A_2367 = vector.shape_cast %reduce_min3A_2366 : vector<128xf32> to vector<128x1xf32>
    %eq3A_2368 = vector.broadcast %broadcast_in_dim3A_2367 : vector<128x1xf32> to vector<128x4096xf32>
    %eq3A_2369 = arith.cmpf oeq, %select_n3A_2243, %eq3A_2368 : vector<128x4096xf32>
    %jit3A_2370 = arith.constant 4096 : i32
    %broadcast_in_dim3A_2371 = vector.broadcast %jit3A_2370 : i32 to vector<128x4096xi32>
    %select_n3A_2372 = arith.select %eq3A_2369, %iota3A_49, %broadcast_in_dim3A_2371 : vector<128x4096xi1>, vector<128x4096xi32>
    %reduce_min3A_2373 = arith.constant dense<2147483647> : vector<128xi32>
    %reduce_min3A_2374 = vector.multi_reduction <minsi>, %select_n3A_2372, %reduce_min3A_2373 [1] : vector<128x4096xi32> to vector<128xi32>
    %broadcast_in_dim3A_2375 = vector.shape_cast %reduce_min3A_2374 : vector<128xi32> to vector<128x1xi32>
    %eq3A_2376 = vector.broadcast %broadcast_in_dim3A_2375 : vector<128x1xi32> to vector<128x4096xi32>
    %eq3A_2377 = arith.cmpi eq, %iota3A_49, %eq3A_2376 : vector<128x4096xi32>
    %jit3A_2378 = arith.constant 0x7F800000 : f32
    %broadcast_in_dim3A_2379 = vector.broadcast %jit3A_2378 : f32 to vector<128x4096xf32>
    %select_n3A_2380 = arith.select %eq3A_2377, %broadcast_in_dim3A_2379, %select_n3A_2243 : vector<128x4096xi1>, vector<128x4096xf32>
    %jit3A_2381 = arith.constant 32 : i32
    %div3A_2382 = vector.broadcast %jit3A_2381 : i32 to vector<128x1xi32>
    %div3A_2383 = arith.divsi %broadcast_in_dim3A_2375, %div3A_2382 : vector<128x1xi32>
    %sign3A_2384 = arith.constant 0 : i32
    %sign3A_2385 = vector.broadcast %sign3A_2384 : i32 to vector<128x1xi32>
    %sign3A_2386 = arith.cmpi sgt, %broadcast_in_dim3A_2375, %sign3A_2385 : vector<128x1xi32>
    %sign3A_2387 = arith.extui %sign3A_2386 : vector<128x1xi1> to vector<128x1xi32>
    %sign3A_2388 = arith.constant 0 : i32
    %sign3A_2389 = vector.broadcast %sign3A_2388 : i32 to vector<128x1xi32>
    %sign3A_2390 = arith.cmpi slt, %broadcast_in_dim3A_2375, %sign3A_2389 : vector<128x1xi32>
    %sign3A_2391 = arith.extui %sign3A_2390 : vector<128x1xi1> to vector<128x1xi32>
    %sign3A_2392 = arith.subi %sign3A_2387, %sign3A_2391 : vector<128x1xi32>
    %sign3A_2393 = arith.constant 0 : i32
    %sign3A_2394 = arith.cmpi sgt, %jit3A_2381, %sign3A_2393 : i32
    %sign3A_2395 = arith.extui %sign3A_2394 : i1 to i32
    %sign3A_2396 = arith.constant 0 : i32
    %sign3A_2397 = arith.cmpi slt, %jit3A_2381, %sign3A_2396 : i32
    %sign3A_2398 = arith.extui %sign3A_2397 : i1 to i32
    %sign3A_2399 = arith.subi %sign3A_2395, %sign3A_2398 : i32
    %ne3A_2400 = vector.broadcast %sign3A_2399 : i32 to vector<128x1xi32>
    %ne3A_2401 = arith.cmpi ne, %sign3A_2392, %ne3A_2400 : vector<128x1xi32>
    %rem3A_2402 = vector.broadcast %jit3A_2381 : i32 to vector<128x1xi32>
    %rem3A_2403 = arith.remsi %broadcast_in_dim3A_2375, %rem3A_2402 : vector<128x1xi32>
    %ne3A_2404 = arith.constant 0 : i32
    %ne3A_2405 = vector.broadcast %ne3A_2404 : i32 to vector<128x1xi32>
    %ne3A_2406 = arith.cmpi ne, %rem3A_2403, %ne3A_2405 : vector<128x1xi32>
    %and3A_2407 = arith.andi %ne3A_2401, %ne3A_2406 : vector<128x1xi1>
    %sub3A_2408 = arith.constant 1 : i32
    %sub3A_2409 = vector.broadcast %sub3A_2408 : i32 to vector<128x1xi32>
    %sub3A_2410 = arith.subi %div3A_2383, %sub3A_2409 : vector<128x1xi32>
    %select_n3A_2411 = arith.select %and3A_2407, %sub3A_2410, %div3A_2383 : vector<128x1xi1>, vector<128x1xi32>
    %mul3A_2412 = arith.constant 32 : i32
    %mul3A_2413 = vector.broadcast %mul3A_2412 : i32 to vector<128x1xi32>
    %mul3A_2414 = arith.muli %select_n3A_2411, %mul3A_2413 : vector<128x1xi32>
    %sub3A_2415 = arith.subi %broadcast_in_dim3A_2375, %mul3A_2414 : vector<128x1xi32>
    %eq3A_2416 = vector.broadcast %select_n3A_2411 : vector<128x1xi32> to vector<128x128xi32>
    %eq3A_2417 = arith.cmpi eq, %eq3A_2416, %iota3A_35 : vector<128x128xi32>
    %convert_element_type3A_2418 = arith.extui %eq3A_2417 : vector<128x128xi1> to vector<128x128xi32>
    %convert_element_type3A_2419 = arith.sitofp %convert_element_type3A_2418 : vector<128x128xi32> to vector<128x128xf32>
    %dot_general3A_2420 = arith.constant dense<0.000000e+00> : vector<128x160xf32>
    %dot_general3A_2421 = tpu.matmul %convert_element_type3A_2419, %get3A_42, %dot_general3A_2420 {dimension_numbers = #tpu.dot_dimension_numbers<[1], [0], [0], [1], [0, 0, 1, 1], [], []>, transpose_lhs_hint = false} : vector<128x128xf32>, vector<128x160xf32>, vector<128x160xf32> -> vector<128x160xf32>
    %eq3A_2422 = vector.broadcast %sub3A_2415 : vector<128x1xi32> to vector<128x32xi32>
    %eq3A_2423 = arith.cmpi eq, %eq3A_2422, %iota3A_36 : vector<128x32xi32>
    %slice3A_2424 = vector.extract_strided_slice %dot_general3A_2421 {offsets = [0, 0], sizes = [128, 32], strides = [1, 1]} : vector<128x160xf32> to vector<128x32xf32>
    %jit3A_2425 = arith.constant 0.000000e+00 : f32
    %broadcast_in_dim3A_2426 = vector.broadcast %jit3A_2425 : f32 to vector<128x32xf32>
    %select_n3A_2427 = arith.select %eq3A_2423, %slice3A_2424, %broadcast_in_dim3A_2426 : vector<128x32xi1>, vector<128x32xf32>
    %reduce_sum3A_2428 = arith.constant dense<0.000000e+00> : vector<128xf32>
    %reduce_sum3A_2429 = vector.multi_reduction <add>, %select_n3A_2427, %reduce_sum3A_2428 [1] : vector<128x32xf32> to vector<128xf32>
    %broadcast_in_dim3A_2430 = vector.shape_cast %reduce_sum3A_2429 : vector<128xf32> to vector<128x1xf32>
    %slice3A_2431 = vector.extract_strided_slice %dot_general3A_2421 {offsets = [0, 32], sizes = [128, 32], strides = [1, 1]} : vector<128x160xf32> to vector<128x32xf32>
    %jit3A_2432 = arith.constant 0.000000e+00 : f32
    %broadcast_in_dim3A_2433 = vector.broadcast %jit3A_2432 : f32 to vector<128x32xf32>
    %select_n3A_2434 = arith.select %eq3A_2423, %slice3A_2431, %broadcast_in_dim3A_2433 : vector<128x32xi1>, vector<128x32xf32>
    %reduce_sum3A_2435 = arith.constant dense<0.000000e+00> : vector<128xf32>
    %reduce_sum3A_2436 = vector.multi_reduction <add>, %select_n3A_2434, %reduce_sum3A_2435 [1] : vector<128x32xf32> to vector<128xf32>
    %broadcast_in_dim3A_2437 = vector.shape_cast %reduce_sum3A_2436 : vector<128xf32> to vector<128x1xf32>
    %slice3A_2438 = vector.extract_strided_slice %dot_general3A_2421 {offsets = [0, 64], sizes = [128, 32], strides = [1, 1]} : vector<128x160xf32> to vector<128x32xf32>
    %jit3A_2439 = arith.constant 0.000000e+00 : f32
    %broadcast_in_dim3A_2440 = vector.broadcast %jit3A_2439 : f32 to vector<128x32xf32>
    %select_n3A_2441 = arith.select %eq3A_2423, %slice3A_2438, %broadcast_in_dim3A_2440 : vector<128x32xi1>, vector<128x32xf32>
    %reduce_sum3A_2442 = arith.constant dense<0.000000e+00> : vector<128xf32>
    %reduce_sum3A_2443 = vector.multi_reduction <add>, %select_n3A_2441, %reduce_sum3A_2442 [1] : vector<128x32xf32> to vector<128xf32>
    %broadcast_in_dim3A_2444 = vector.shape_cast %reduce_sum3A_2443 : vector<128xf32> to vector<128x1xf32>
    %slice3A_2445 = vector.extract_strided_slice %dot_general3A_2421 {offsets = [0, 96], sizes = [128, 32], strides = [1, 1]} : vector<128x160xf32> to vector<128x32xf32>
    %jit3A_2446 = arith.constant 0.000000e+00 : f32
    %broadcast_in_dim3A_2447 = vector.broadcast %jit3A_2446 : f32 to vector<128x32xf32>
    %select_n3A_2448 = arith.select %eq3A_2423, %slice3A_2445, %broadcast_in_dim3A_2447 : vector<128x32xi1>, vector<128x32xf32>
    %reduce_sum3A_2449 = arith.constant dense<0.000000e+00> : vector<128xf32>
    %reduce_sum3A_2450 = vector.multi_reduction <add>, %select_n3A_2448, %reduce_sum3A_2449 [1] : vector<128x32xf32> to vector<128xf32>
    %broadcast_in_dim3A_2451 = vector.shape_cast %reduce_sum3A_2450 : vector<128xf32> to vector<128x1xf32>
    %slice3A_2452 = vector.extract_strided_slice %dot_general3A_2421 {offsets = [0, 128], sizes = [128, 32], strides = [1, 1]} : vector<128x160xf32> to vector<128x32xf32>
    %jit3A_2453 = arith.constant 0.000000e+00 : f32
    %broadcast_in_dim3A_2454 = vector.broadcast %jit3A_2453 : f32 to vector<128x32xf32>
    %select_n3A_2455 = arith.select %eq3A_2423, %slice3A_2452, %broadcast_in_dim3A_2454 : vector<128x32xi1>, vector<128x32xf32>
    %reduce_sum3A_2456 = arith.constant dense<0.000000e+00> : vector<128xf32>
    %reduce_sum3A_2457 = vector.multi_reduction <add>, %select_n3A_2455, %reduce_sum3A_2456 [1] : vector<128x32xf32> to vector<128xf32>
    %broadcast_in_dim3A_2458 = vector.shape_cast %reduce_sum3A_2457 : vector<128xf32> to vector<128x1xf32>
    %convert_element_type3A_2459 = arith.fptosi %broadcast_in_dim3A_2458 : vector<128x1xf32> to vector<128x1xi32>
    %eq3A_2460 = vector.broadcast %convert_element_type3A_2459 : vector<128x1xi32> to vector<128x128xi32>
    %eq3A_2461 = arith.cmpi eq, %eq3A_2460, %iota3A_37 : vector<128x128xi32>
    %convert_element_type3A_2462 = arith.extui %eq3A_2461 : vector<128x128xi1> to vector<128x128xi32>
    %convert_element_type3A_2463 = arith.sitofp %convert_element_type3A_2462 : vector<128x128xi32> to vector<128x128xf32>
    %dot_general3A_2464 = arith.constant dense<0.000000e+00> : vector<128x64xf32>
    %dot_general3A_2465 = tpu.matmul %convert_element_type3A_2463, %get3A_45, %dot_general3A_2464 {dimension_numbers = #tpu.dot_dimension_numbers<[1], [0], [0], [1], [0, 0, 1, 1], [], []>, transpose_lhs_hint = false} : vector<128x128xf32>, vector<128x64xf32>, vector<128x64xf32> -> vector<128x64xf32>
    %sub3A_2466 = vector.broadcast %broadcast_in_dim3A_2367 : vector<128x1xf32> to vector<128x32xf32>
    %sub3A_2467 = vector.broadcast %get3A_48 : vector<1x32xf32> to vector<128x32xf32>
    %sub3A_2468 = arith.subf %sub3A_2466, %sub3A_2467 : vector<128x32xf32>
    %integer_pow3A_2469 = arith.mulf %sub3A_2468, %sub3A_2468 : vector<128x32xf32>
    %mul3A_2470 = arith.constant -28.4444447 : f32
    %mul3A_2471 = vector.broadcast %mul3A_2470 : f32 to vector<128x32xf32>
    %mul3A_2472 = arith.mulf %mul3A_2471, %integer_pow3A_2469 : vector<128x32xf32>
    %exp3A_2473 = math.exp %mul3A_2472 : vector<128x32xf32>
    %sub3A_2474 = arith.subf %slice3A, %broadcast_in_dim3A_2430 : vector<128x1xf32>
    %sub3A_2475 = arith.subf %slice3A_4, %broadcast_in_dim3A_2437 : vector<128x1xf32>
    %sub3A_2476 = arith.subf %slice3A_5, %broadcast_in_dim3A_2444 : vector<128x1xf32>
    %concatenate3A_2477 = tpu.concatenate %sub3A_2474, %sub3A_2475, %sub3A_2476, %broadcast_in_dim3A_2451, %dot_general3A_2465, %exp3A_2473, %broadcast_in_dim3A_2367 in 1 : vector<128x1xf32>, vector<128x1xf32>, vector<128x1xf32>, vector<128x1xf32>, vector<128x64xf32>, vector<128x32xf32>, vector<128x1xf32> -> vector<128x101xf32>
    %le3A_2478 = arith.constant 6.000000e+00 : f32
    %le3A_2479 = vector.broadcast %le3A_2478 : f32 to vector<128x1xf32>
    %le3A_2480 = arith.cmpf ole, %broadcast_in_dim3A_2367, %le3A_2479 : vector<128x1xf32>
    %jit3A_2481 = arith.constant 0.000000e+00 : f32
    %broadcast_in_dim3A_2482 = vector.shape_cast %le3A_2480 : vector<128x1xi1> to vector<128x1xi1>
    %broadcast_in_dim3A_2483 = vector.broadcast %broadcast_in_dim3A_2482 : vector<128x1xi1> to vector<128x101xi1>
    %broadcast_in_dim3A_2484 = vector.broadcast %jit3A_2481 : f32 to vector<128x101xf32>
    %select_n3A_2485 = arith.select %broadcast_in_dim3A_2483, %concatenate3A_2477, %broadcast_in_dim3A_2484 : vector<128x101xi1>, vector<128x101xf32>
    %swap3A_2486 = arith.constant 0 : index
    %swap3A_2487 = arith.constant 17 : index
    %swap3A_2488 = arith.constant 0 : index
    %swap3A_2489 = arith.constant 0 : index
    %swap3A_2490 = vector.load %arg7[%swap3A_2486, %swap3A_2487, %swap3A_2488, %swap3A_2489] : memref<1x32x128x101xf32, #tpu.memory_space<vmem>>, vector<1x1x128x101xf32>
    %swap3A_2491 = vector.shape_cast %swap3A_2490 : vector<1x1x128x101xf32> to vector<128x101xf32>
    %swap3A_2492 = vector.shape_cast %select_n3A_2485 : vector<128x101xf32> to vector<1x1x128x101xf32>
    tpu.vector_store %arg7[%swap3A_2486, %swap3A_2487, %swap3A_2488, %swap3A_2489], %swap3A_2492 {strides = array<i32>} : memref<1x32x128x101xf32, #tpu.memory_space<vmem>>, vector<1x1x128x101xf32>,
    %eq3A_2493 = arith.constant 17 : i32
    %eq3A_2494 = vector.broadcast %eq3A_2493 : i32 to vector<128x32xi32>
    %eq3A_2495 = arith.cmpi eq, %iota3A, %eq3A_2494 : vector<128x32xi32>
    %broadcast_in_dim3A_2496 = vector.shape_cast %broadcast_in_dim3A_2367 : vector<128x1xf32> to vector<128x1xf32>
    %broadcast_in_dim3A_2497 = vector.broadcast %broadcast_in_dim3A_2496 : vector<128x1xf32> to vector<128x32xf32>
    %select_n3A_2498 = arith.select %eq3A_2495, %broadcast_in_dim3A_2497, %select_n3A_2361 : vector<128x32xi1>, vector<128x32xf32>
    %broadcast_in_dim3A_2499 = vector.shape_cast %broadcast_in_dim3A_2375 : vector<128x1xi32> to vector<128x1xi32>
    %broadcast_in_dim3A_2500 = vector.broadcast %broadcast_in_dim3A_2499 : vector<128x1xi32> to vector<128x32xi32>
    %select_n3A_2501 = arith.select %eq3A_2495, %broadcast_in_dim3A_2500, %select_n3A_2364 : vector<128x32xi1>, vector<128x32xi32>
    %reduce_min3A_2502 = arith.constant dense<0x7F800000> : vector<128xf32>
    %reduce_min3A_2503 = vector.multi_reduction <minimumf>, %select_n3A_2380, %reduce_min3A_2502 [1] : vector<128x4096xf32> to vector<128xf32>
    %broadcast_in_dim3A_2504 = vector.shape_cast %reduce_min3A_2503 : vector<128xf32> to vector<128x1xf32>
    %eq3A_2505 = vector.broadcast %broadcast_in_dim3A_2504 : vector<128x1xf32> to vector<128x4096xf32>
    %eq3A_2506 = arith.cmpf oeq, %select_n3A_2380, %eq3A_2505 : vector<128x4096xf32>
    %jit3A_2507 = arith.constant 4096 : i32
    %broadcast_in_dim3A_2508 = vector.broadcast %jit3A_2507 : i32 to vector<128x4096xi32>
    %select_n3A_2509 = arith.select %eq3A_2506, %iota3A_49, %broadcast_in_dim3A_2508 : vector<128x4096xi1>, vector<128x4096xi32>
    %reduce_min3A_2510 = arith.constant dense<2147483647> : vector<128xi32>
    %reduce_min3A_2511 = vector.multi_reduction <minsi>, %select_n3A_2509, %reduce_min3A_2510 [1] : vector<128x4096xi32> to vector<128xi32>
    %broadcast_in_dim3A_2512 = vector.shape_cast %reduce_min3A_2511 : vector<128xi32> to vector<128x1xi32>
    %eq3A_2513 = vector.broadcast %broadcast_in_dim3A_2512 : vector<128x1xi32> to vector<128x4096xi32>
    %eq3A_2514 = arith.cmpi eq, %iota3A_49, %eq3A_2513 : vector<128x4096xi32>
    %jit3A_2515 = arith.constant 0x7F800000 : f32
    %broadcast_in_dim3A_2516 = vector.broadcast %jit3A_2515 : f32 to vector<128x4096xf32>
    %select_n3A_2517 = arith.select %eq3A_2514, %broadcast_in_dim3A_2516, %select_n3A_2380 : vector<128x4096xi1>, vector<128x4096xf32>
    %jit3A_2518 = arith.constant 32 : i32
    %div3A_2519 = vector.broadcast %jit3A_2518 : i32 to vector<128x1xi32>
    %div3A_2520 = arith.divsi %broadcast_in_dim3A_2512, %div3A_2519 : vector<128x1xi32>
    %sign3A_2521 = arith.constant 0 : i32
    %sign3A_2522 = vector.broadcast %sign3A_2521 : i32 to vector<128x1xi32>
    %sign3A_2523 = arith.cmpi sgt, %broadcast_in_dim3A_2512, %sign3A_2522 : vector<128x1xi32>
    %sign3A_2524 = arith.extui %sign3A_2523 : vector<128x1xi1> to vector<128x1xi32>
    %sign3A_2525 = arith.constant 0 : i32
    %sign3A_2526 = vector.broadcast %sign3A_2525 : i32 to vector<128x1xi32>
    %sign3A_2527 = arith.cmpi slt, %broadcast_in_dim3A_2512, %sign3A_2526 : vector<128x1xi32>
    %sign3A_2528 = arith.extui %sign3A_2527 : vector<128x1xi1> to vector<128x1xi32>
    %sign3A_2529 = arith.subi %sign3A_2524, %sign3A_2528 : vector<128x1xi32>
    %sign3A_2530 = arith.constant 0 : i32
    %sign3A_2531 = arith.cmpi sgt, %jit3A_2518, %sign3A_2530 : i32
    %sign3A_2532 = arith.extui %sign3A_2531 : i1 to i32
    %sign3A_2533 = arith.constant 0 : i32
    %sign3A_2534 = arith.cmpi slt, %jit3A_2518, %sign3A_2533 : i32
    %sign3A_2535 = arith.extui %sign3A_2534 : i1 to i32
    %sign3A_2536 = arith.subi %sign3A_2532, %sign3A_2535 : i32
    %ne3A_2537 = vector.broadcast %sign3A_2536 : i32 to vector<128x1xi32>
    %ne3A_2538 = arith.cmpi ne, %sign3A_2529, %ne3A_2537 : vector<128x1xi32>
    %rem3A_2539 = vector.broadcast %jit3A_2518 : i32 to vector<128x1xi32>
    %rem3A_2540 = arith.remsi %broadcast_in_dim3A_2512, %rem3A_2539 : vector<128x1xi32>
    %ne3A_2541 = arith.constant 0 : i32
    %ne3A_2542 = vector.broadcast %ne3A_2541 : i32 to vector<128x1xi32>
    %ne3A_2543 = arith.cmpi ne, %rem3A_2540, %ne3A_2542 : vector<128x1xi32>
    %and3A_2544 = arith.andi %ne3A_2538, %ne3A_2543 : vector<128x1xi1>
    %sub3A_2545 = arith.constant 1 : i32
    %sub3A_2546 = vector.broadcast %sub3A_2545 : i32 to vector<128x1xi32>
    %sub3A_2547 = arith.subi %div3A_2520, %sub3A_2546 : vector<128x1xi32>
    %select_n3A_2548 = arith.select %and3A_2544, %sub3A_2547, %div3A_2520 : vector<128x1xi1>, vector<128x1xi32>
    %mul3A_2549 = arith.constant 32 : i32
    %mul3A_2550 = vector.broadcast %mul3A_2549 : i32 to vector<128x1xi32>
    %mul3A_2551 = arith.muli %select_n3A_2548, %mul3A_2550 : vector<128x1xi32>
    %sub3A_2552 = arith.subi %broadcast_in_dim3A_2512, %mul3A_2551 : vector<128x1xi32>
    %eq3A_2553 = vector.broadcast %select_n3A_2548 : vector<128x1xi32> to vector<128x128xi32>
    %eq3A_2554 = arith.cmpi eq, %eq3A_2553, %iota3A_35 : vector<128x128xi32>
    %convert_element_type3A_2555 = arith.extui %eq3A_2554 : vector<128x128xi1> to vector<128x128xi32>
    %convert_element_type3A_2556 = arith.sitofp %convert_element_type3A_2555 : vector<128x128xi32> to vector<128x128xf32>
    %dot_general3A_2557 = arith.constant dense<0.000000e+00> : vector<128x160xf32>
    %dot_general3A_2558 = tpu.matmul %convert_element_type3A_2556, %get3A_42, %dot_general3A_2557 {dimension_numbers = #tpu.dot_dimension_numbers<[1], [0], [0], [1], [0, 0, 1, 1], [], []>, transpose_lhs_hint = false} : vector<128x128xf32>, vector<128x160xf32>, vector<128x160xf32> -> vector<128x160xf32>
    %eq3A_2559 = vector.broadcast %sub3A_2552 : vector<128x1xi32> to vector<128x32xi32>
    %eq3A_2560 = arith.cmpi eq, %eq3A_2559, %iota3A_36 : vector<128x32xi32>
    %slice3A_2561 = vector.extract_strided_slice %dot_general3A_2558 {offsets = [0, 0], sizes = [128, 32], strides = [1, 1]} : vector<128x160xf32> to vector<128x32xf32>
    %jit3A_2562 = arith.constant 0.000000e+00 : f32
    %broadcast_in_dim3A_2563 = vector.broadcast %jit3A_2562 : f32 to vector<128x32xf32>
    %select_n3A_2564 = arith.select %eq3A_2560, %slice3A_2561, %broadcast_in_dim3A_2563 : vector<128x32xi1>, vector<128x32xf32>
    %reduce_sum3A_2565 = arith.constant dense<0.000000e+00> : vector<128xf32>
    %reduce_sum3A_2566 = vector.multi_reduction <add>, %select_n3A_2564, %reduce_sum3A_2565 [1] : vector<128x32xf32> to vector<128xf32>
    %broadcast_in_dim3A_2567 = vector.shape_cast %reduce_sum3A_2566 : vector<128xf32> to vector<128x1xf32>
    %slice3A_2568 = vector.extract_strided_slice %dot_general3A_2558 {offsets = [0, 32], sizes = [128, 32], strides = [1, 1]} : vector<128x160xf32> to vector<128x32xf32>
    %jit3A_2569 = arith.constant 0.000000e+00 : f32
    %broadcast_in_dim3A_2570 = vector.broadcast %jit3A_2569 : f32 to vector<128x32xf32>
    %select_n3A_2571 = arith.select %eq3A_2560, %slice3A_2568, %broadcast_in_dim3A_2570 : vector<128x32xi1>, vector<128x32xf32>
    %reduce_sum3A_2572 = arith.constant dense<0.000000e+00> : vector<128xf32>
    %reduce_sum3A_2573 = vector.multi_reduction <add>, %select_n3A_2571, %reduce_sum3A_2572 [1] : vector<128x32xf32> to vector<128xf32>
    %broadcast_in_dim3A_2574 = vector.shape_cast %reduce_sum3A_2573 : vector<128xf32> to vector<128x1xf32>
    %slice3A_2575 = vector.extract_strided_slice %dot_general3A_2558 {offsets = [0, 64], sizes = [128, 32], strides = [1, 1]} : vector<128x160xf32> to vector<128x32xf32>
    %jit3A_2576 = arith.constant 0.000000e+00 : f32
    %broadcast_in_dim3A_2577 = vector.broadcast %jit3A_2576 : f32 to vector<128x32xf32>
    %select_n3A_2578 = arith.select %eq3A_2560, %slice3A_2575, %broadcast_in_dim3A_2577 : vector<128x32xi1>, vector<128x32xf32>
    %reduce_sum3A_2579 = arith.constant dense<0.000000e+00> : vector<128xf32>
    %reduce_sum3A_2580 = vector.multi_reduction <add>, %select_n3A_2578, %reduce_sum3A_2579 [1] : vector<128x32xf32> to vector<128xf32>
    %broadcast_in_dim3A_2581 = vector.shape_cast %reduce_sum3A_2580 : vector<128xf32> to vector<128x1xf32>
    %slice3A_2582 = vector.extract_strided_slice %dot_general3A_2558 {offsets = [0, 96], sizes = [128, 32], strides = [1, 1]} : vector<128x160xf32> to vector<128x32xf32>
    %jit3A_2583 = arith.constant 0.000000e+00 : f32
    %broadcast_in_dim3A_2584 = vector.broadcast %jit3A_2583 : f32 to vector<128x32xf32>
    %select_n3A_2585 = arith.select %eq3A_2560, %slice3A_2582, %broadcast_in_dim3A_2584 : vector<128x32xi1>, vector<128x32xf32>
    %reduce_sum3A_2586 = arith.constant dense<0.000000e+00> : vector<128xf32>
    %reduce_sum3A_2587 = vector.multi_reduction <add>, %select_n3A_2585, %reduce_sum3A_2586 [1] : vector<128x32xf32> to vector<128xf32>
    %broadcast_in_dim3A_2588 = vector.shape_cast %reduce_sum3A_2587 : vector<128xf32> to vector<128x1xf32>
    %slice3A_2589 = vector.extract_strided_slice %dot_general3A_2558 {offsets = [0, 128], sizes = [128, 32], strides = [1, 1]} : vector<128x160xf32> to vector<128x32xf32>
    %jit3A_2590 = arith.constant 0.000000e+00 : f32
    %broadcast_in_dim3A_2591 = vector.broadcast %jit3A_2590 : f32 to vector<128x32xf32>
    %select_n3A_2592 = arith.select %eq3A_2560, %slice3A_2589, %broadcast_in_dim3A_2591 : vector<128x32xi1>, vector<128x32xf32>
    %reduce_sum3A_2593 = arith.constant dense<0.000000e+00> : vector<128xf32>
    %reduce_sum3A_2594 = vector.multi_reduction <add>, %select_n3A_2592, %reduce_sum3A_2593 [1] : vector<128x32xf32> to vector<128xf32>
    %broadcast_in_dim3A_2595 = vector.shape_cast %reduce_sum3A_2594 : vector<128xf32> to vector<128x1xf32>
    %convert_element_type3A_2596 = arith.fptosi %broadcast_in_dim3A_2595 : vector<128x1xf32> to vector<128x1xi32>
    %eq3A_2597 = vector.broadcast %convert_element_type3A_2596 : vector<128x1xi32> to vector<128x128xi32>
    %eq3A_2598 = arith.cmpi eq, %eq3A_2597, %iota3A_37 : vector<128x128xi32>
    %convert_element_type3A_2599 = arith.extui %eq3A_2598 : vector<128x128xi1> to vector<128x128xi32>
    %convert_element_type3A_2600 = arith.sitofp %convert_element_type3A_2599 : vector<128x128xi32> to vector<128x128xf32>
    %dot_general3A_2601 = arith.constant dense<0.000000e+00> : vector<128x64xf32>
    %dot_general3A_2602 = tpu.matmul %convert_element_type3A_2600, %get3A_45, %dot_general3A_2601 {dimension_numbers = #tpu.dot_dimension_numbers<[1], [0], [0], [1], [0, 0, 1, 1], [], []>, transpose_lhs_hint = false} : vector<128x128xf32>, vector<128x64xf32>, vector<128x64xf32> -> vector<128x64xf32>
    %sub3A_2603 = vector.broadcast %broadcast_in_dim3A_2504 : vector<128x1xf32> to vector<128x32xf32>
    %sub3A_2604 = vector.broadcast %get3A_48 : vector<1x32xf32> to vector<128x32xf32>
    %sub3A_2605 = arith.subf %sub3A_2603, %sub3A_2604 : vector<128x32xf32>
    %integer_pow3A_2606 = arith.mulf %sub3A_2605, %sub3A_2605 : vector<128x32xf32>
    %mul3A_2607 = arith.constant -28.4444447 : f32
    %mul3A_2608 = vector.broadcast %mul3A_2607 : f32 to vector<128x32xf32>
    %mul3A_2609 = arith.mulf %mul3A_2608, %integer_pow3A_2606 : vector<128x32xf32>
    %exp3A_2610 = math.exp %mul3A_2609 : vector<128x32xf32>
    %sub3A_2611 = arith.subf %slice3A, %broadcast_in_dim3A_2567 : vector<128x1xf32>
    %sub3A_2612 = arith.subf %slice3A_4, %broadcast_in_dim3A_2574 : vector<128x1xf32>
    %sub3A_2613 = arith.subf %slice3A_5, %broadcast_in_dim3A_2581 : vector<128x1xf32>
    %concatenate3A_2614 = tpu.concatenate %sub3A_2611, %sub3A_2612, %sub3A_2613, %broadcast_in_dim3A_2588, %dot_general3A_2602, %exp3A_2610, %broadcast_in_dim3A_2504 in 1 : vector<128x1xf32>, vector<128x1xf32>, vector<128x1xf32>, vector<128x1xf32>, vector<128x64xf32>, vector<128x32xf32>, vector<128x1xf32> -> vector<128x101xf32>
    %le3A_2615 = arith.constant 6.000000e+00 : f32
    %le3A_2616 = vector.broadcast %le3A_2615 : f32 to vector<128x1xf32>
    %le3A_2617 = arith.cmpf ole, %broadcast_in_dim3A_2504, %le3A_2616 : vector<128x1xf32>
    %jit3A_2618 = arith.constant 0.000000e+00 : f32
    %broadcast_in_dim3A_2619 = vector.shape_cast %le3A_2617 : vector<128x1xi1> to vector<128x1xi1>
    %broadcast_in_dim3A_2620 = vector.broadcast %broadcast_in_dim3A_2619 : vector<128x1xi1> to vector<128x101xi1>
    %broadcast_in_dim3A_2621 = vector.broadcast %jit3A_2618 : f32 to vector<128x101xf32>
    %select_n3A_2622 = arith.select %broadcast_in_dim3A_2620, %concatenate3A_2614, %broadcast_in_dim3A_2621 : vector<128x101xi1>, vector<128x101xf32>
    %swap3A_2623 = arith.constant 0 : index
    %swap3A_2624 = arith.constant 18 : index
    %swap3A_2625 = arith.constant 0 : index
    %swap3A_2626 = arith.constant 0 : index
    %swap3A_2627 = vector.load %arg7[%swap3A_2623, %swap3A_2624, %swap3A_2625, %swap3A_2626] : memref<1x32x128x101xf32, #tpu.memory_space<vmem>>, vector<1x1x128x101xf32>
    %swap3A_2628 = vector.shape_cast %swap3A_2627 : vector<1x1x128x101xf32> to vector<128x101xf32>
    %swap3A_2629 = vector.shape_cast %select_n3A_2622 : vector<128x101xf32> to vector<1x1x128x101xf32>
    tpu.vector_store %arg7[%swap3A_2623, %swap3A_2624, %swap3A_2625, %swap3A_2626], %swap3A_2629 {strides = array<i32>} : memref<1x32x128x101xf32, #tpu.memory_space<vmem>>, vector<1x1x128x101xf32>,
    %eq3A_2630 = arith.constant 18 : i32
    %eq3A_2631 = vector.broadcast %eq3A_2630 : i32 to vector<128x32xi32>
    %eq3A_2632 = arith.cmpi eq, %iota3A, %eq3A_2631 : vector<128x32xi32>
    %broadcast_in_dim3A_2633 = vector.shape_cast %broadcast_in_dim3A_2504 : vector<128x1xf32> to vector<128x1xf32>
    %broadcast_in_dim3A_2634 = vector.broadcast %broadcast_in_dim3A_2633 : vector<128x1xf32> to vector<128x32xf32>
    %select_n3A_2635 = arith.select %eq3A_2632, %broadcast_in_dim3A_2634, %select_n3A_2498 : vector<128x32xi1>, vector<128x32xf32>
    %broadcast_in_dim3A_2636 = vector.shape_cast %broadcast_in_dim3A_2512 : vector<128x1xi32> to vector<128x1xi32>
    %broadcast_in_dim3A_2637 = vector.broadcast %broadcast_in_dim3A_2636 : vector<128x1xi32> to vector<128x32xi32>
    %select_n3A_2638 = arith.select %eq3A_2632, %broadcast_in_dim3A_2637, %select_n3A_2501 : vector<128x32xi1>, vector<128x32xi32>
    %reduce_min3A_2639 = arith.constant dense<0x7F800000> : vector<128xf32>
    %reduce_min3A_2640 = vector.multi_reduction <minimumf>, %select_n3A_2517, %reduce_min3A_2639 [1] : vector<128x4096xf32> to vector<128xf32>
    %broadcast_in_dim3A_2641 = vector.shape_cast %reduce_min3A_2640 : vector<128xf32> to vector<128x1xf32>
    %eq3A_2642 = vector.broadcast %broadcast_in_dim3A_2641 : vector<128x1xf32> to vector<128x4096xf32>
    %eq3A_2643 = arith.cmpf oeq, %select_n3A_2517, %eq3A_2642 : vector<128x4096xf32>
    %jit3A_2644 = arith.constant 4096 : i32
    %broadcast_in_dim3A_2645 = vector.broadcast %jit3A_2644 : i32 to vector<128x4096xi32>
    %select_n3A_2646 = arith.select %eq3A_2643, %iota3A_49, %broadcast_in_dim3A_2645 : vector<128x4096xi1>, vector<128x4096xi32>
    %reduce_min3A_2647 = arith.constant dense<2147483647> : vector<128xi32>
    %reduce_min3A_2648 = vector.multi_reduction <minsi>, %select_n3A_2646, %reduce_min3A_2647 [1] : vector<128x4096xi32> to vector<128xi32>
    %broadcast_in_dim3A_2649 = vector.shape_cast %reduce_min3A_2648 : vector<128xi32> to vector<128x1xi32>
    %eq3A_2650 = vector.broadcast %broadcast_in_dim3A_2649 : vector<128x1xi32> to vector<128x4096xi32>
    %eq3A_2651 = arith.cmpi eq, %iota3A_49, %eq3A_2650 : vector<128x4096xi32>
    %jit3A_2652 = arith.constant 0x7F800000 : f32
    %broadcast_in_dim3A_2653 = vector.broadcast %jit3A_2652 : f32 to vector<128x4096xf32>
    %select_n3A_2654 = arith.select %eq3A_2651, %broadcast_in_dim3A_2653, %select_n3A_2517 : vector<128x4096xi1>, vector<128x4096xf32>
    %jit3A_2655 = arith.constant 32 : i32
    %div3A_2656 = vector.broadcast %jit3A_2655 : i32 to vector<128x1xi32>
    %div3A_2657 = arith.divsi %broadcast_in_dim3A_2649, %div3A_2656 : vector<128x1xi32>
    %sign3A_2658 = arith.constant 0 : i32
    %sign3A_2659 = vector.broadcast %sign3A_2658 : i32 to vector<128x1xi32>
    %sign3A_2660 = arith.cmpi sgt, %broadcast_in_dim3A_2649, %sign3A_2659 : vector<128x1xi32>
    %sign3A_2661 = arith.extui %sign3A_2660 : vector<128x1xi1> to vector<128x1xi32>
    %sign3A_2662 = arith.constant 0 : i32
    %sign3A_2663 = vector.broadcast %sign3A_2662 : i32 to vector<128x1xi32>
    %sign3A_2664 = arith.cmpi slt, %broadcast_in_dim3A_2649, %sign3A_2663 : vector<128x1xi32>
    %sign3A_2665 = arith.extui %sign3A_2664 : vector<128x1xi1> to vector<128x1xi32>
    %sign3A_2666 = arith.subi %sign3A_2661, %sign3A_2665 : vector<128x1xi32>
    %sign3A_2667 = arith.constant 0 : i32
    %sign3A_2668 = arith.cmpi sgt, %jit3A_2655, %sign3A_2667 : i32
    %sign3A_2669 = arith.extui %sign3A_2668 : i1 to i32
    %sign3A_2670 = arith.constant 0 : i32
    %sign3A_2671 = arith.cmpi slt, %jit3A_2655, %sign3A_2670 : i32
    %sign3A_2672 = arith.extui %sign3A_2671 : i1 to i32
    %sign3A_2673 = arith.subi %sign3A_2669, %sign3A_2672 : i32
    %ne3A_2674 = vector.broadcast %sign3A_2673 : i32 to vector<128x1xi32>
    %ne3A_2675 = arith.cmpi ne, %sign3A_2666, %ne3A_2674 : vector<128x1xi32>
    %rem3A_2676 = vector.broadcast %jit3A_2655 : i32 to vector<128x1xi32>
    %rem3A_2677 = arith.remsi %broadcast_in_dim3A_2649, %rem3A_2676 : vector<128x1xi32>
    %ne3A_2678 = arith.constant 0 : i32
    %ne3A_2679 = vector.broadcast %ne3A_2678 : i32 to vector<128x1xi32>
    %ne3A_2680 = arith.cmpi ne, %rem3A_2677, %ne3A_2679 : vector<128x1xi32>
    %and3A_2681 = arith.andi %ne3A_2675, %ne3A_2680 : vector<128x1xi1>
    %sub3A_2682 = arith.constant 1 : i32
    %sub3A_2683 = vector.broadcast %sub3A_2682 : i32 to vector<128x1xi32>
    %sub3A_2684 = arith.subi %div3A_2657, %sub3A_2683 : vector<128x1xi32>
    %select_n3A_2685 = arith.select %and3A_2681, %sub3A_2684, %div3A_2657 : vector<128x1xi1>, vector<128x1xi32>
    %mul3A_2686 = arith.constant 32 : i32
    %mul3A_2687 = vector.broadcast %mul3A_2686 : i32 to vector<128x1xi32>
    %mul3A_2688 = arith.muli %select_n3A_2685, %mul3A_2687 : vector<128x1xi32>
    %sub3A_2689 = arith.subi %broadcast_in_dim3A_2649, %mul3A_2688 : vector<128x1xi32>
    %eq3A_2690 = vector.broadcast %select_n3A_2685 : vector<128x1xi32> to vector<128x128xi32>
    %eq3A_2691 = arith.cmpi eq, %eq3A_2690, %iota3A_35 : vector<128x128xi32>
    %convert_element_type3A_2692 = arith.extui %eq3A_2691 : vector<128x128xi1> to vector<128x128xi32>
    %convert_element_type3A_2693 = arith.sitofp %convert_element_type3A_2692 : vector<128x128xi32> to vector<128x128xf32>
    %dot_general3A_2694 = arith.constant dense<0.000000e+00> : vector<128x160xf32>
    %dot_general3A_2695 = tpu.matmul %convert_element_type3A_2693, %get3A_42, %dot_general3A_2694 {dimension_numbers = #tpu.dot_dimension_numbers<[1], [0], [0], [1], [0, 0, 1, 1], [], []>, transpose_lhs_hint = false} : vector<128x128xf32>, vector<128x160xf32>, vector<128x160xf32> -> vector<128x160xf32>
    %eq3A_2696 = vector.broadcast %sub3A_2689 : vector<128x1xi32> to vector<128x32xi32>
    %eq3A_2697 = arith.cmpi eq, %eq3A_2696, %iota3A_36 : vector<128x32xi32>
    %slice3A_2698 = vector.extract_strided_slice %dot_general3A_2695 {offsets = [0, 0], sizes = [128, 32], strides = [1, 1]} : vector<128x160xf32> to vector<128x32xf32>
    %jit3A_2699 = arith.constant 0.000000e+00 : f32
    %broadcast_in_dim3A_2700 = vector.broadcast %jit3A_2699 : f32 to vector<128x32xf32>
    %select_n3A_2701 = arith.select %eq3A_2697, %slice3A_2698, %broadcast_in_dim3A_2700 : vector<128x32xi1>, vector<128x32xf32>
    %reduce_sum3A_2702 = arith.constant dense<0.000000e+00> : vector<128xf32>
    %reduce_sum3A_2703 = vector.multi_reduction <add>, %select_n3A_2701, %reduce_sum3A_2702 [1] : vector<128x32xf32> to vector<128xf32>
    %broadcast_in_dim3A_2704 = vector.shape_cast %reduce_sum3A_2703 : vector<128xf32> to vector<128x1xf32>
    %slice3A_2705 = vector.extract_strided_slice %dot_general3A_2695 {offsets = [0, 32], sizes = [128, 32], strides = [1, 1]} : vector<128x160xf32> to vector<128x32xf32>
    %jit3A_2706 = arith.constant 0.000000e+00 : f32
    %broadcast_in_dim3A_2707 = vector.broadcast %jit3A_2706 : f32 to vector<128x32xf32>
    %select_n3A_2708 = arith.select %eq3A_2697, %slice3A_2705, %broadcast_in_dim3A_2707 : vector<128x32xi1>, vector<128x32xf32>
    %reduce_sum3A_2709 = arith.constant dense<0.000000e+00> : vector<128xf32>
    %reduce_sum3A_2710 = vector.multi_reduction <add>, %select_n3A_2708, %reduce_sum3A_2709 [1] : vector<128x32xf32> to vector<128xf32>
    %broadcast_in_dim3A_2711 = vector.shape_cast %reduce_sum3A_2710 : vector<128xf32> to vector<128x1xf32>
    %slice3A_2712 = vector.extract_strided_slice %dot_general3A_2695 {offsets = [0, 64], sizes = [128, 32], strides = [1, 1]} : vector<128x160xf32> to vector<128x32xf32>
    %jit3A_2713 = arith.constant 0.000000e+00 : f32
    %broadcast_in_dim3A_2714 = vector.broadcast %jit3A_2713 : f32 to vector<128x32xf32>
    %select_n3A_2715 = arith.select %eq3A_2697, %slice3A_2712, %broadcast_in_dim3A_2714 : vector<128x32xi1>, vector<128x32xf32>
    %reduce_sum3A_2716 = arith.constant dense<0.000000e+00> : vector<128xf32>
    %reduce_sum3A_2717 = vector.multi_reduction <add>, %select_n3A_2715, %reduce_sum3A_2716 [1] : vector<128x32xf32> to vector<128xf32>
    %broadcast_in_dim3A_2718 = vector.shape_cast %reduce_sum3A_2717 : vector<128xf32> to vector<128x1xf32>
    %slice3A_2719 = vector.extract_strided_slice %dot_general3A_2695 {offsets = [0, 96], sizes = [128, 32], strides = [1, 1]} : vector<128x160xf32> to vector<128x32xf32>
    %jit3A_2720 = arith.constant 0.000000e+00 : f32
    %broadcast_in_dim3A_2721 = vector.broadcast %jit3A_2720 : f32 to vector<128x32xf32>
    %select_n3A_2722 = arith.select %eq3A_2697, %slice3A_2719, %broadcast_in_dim3A_2721 : vector<128x32xi1>, vector<128x32xf32>
    %reduce_sum3A_2723 = arith.constant dense<0.000000e+00> : vector<128xf32>
    %reduce_sum3A_2724 = vector.multi_reduction <add>, %select_n3A_2722, %reduce_sum3A_2723 [1] : vector<128x32xf32> to vector<128xf32>
    %broadcast_in_dim3A_2725 = vector.shape_cast %reduce_sum3A_2724 : vector<128xf32> to vector<128x1xf32>
    %slice3A_2726 = vector.extract_strided_slice %dot_general3A_2695 {offsets = [0, 128], sizes = [128, 32], strides = [1, 1]} : vector<128x160xf32> to vector<128x32xf32>
    %jit3A_2727 = arith.constant 0.000000e+00 : f32
    %broadcast_in_dim3A_2728 = vector.broadcast %jit3A_2727 : f32 to vector<128x32xf32>
    %select_n3A_2729 = arith.select %eq3A_2697, %slice3A_2726, %broadcast_in_dim3A_2728 : vector<128x32xi1>, vector<128x32xf32>
    %reduce_sum3A_2730 = arith.constant dense<0.000000e+00> : vector<128xf32>
    %reduce_sum3A_2731 = vector.multi_reduction <add>, %select_n3A_2729, %reduce_sum3A_2730 [1] : vector<128x32xf32> to vector<128xf32>
    %broadcast_in_dim3A_2732 = vector.shape_cast %reduce_sum3A_2731 : vector<128xf32> to vector<128x1xf32>
    %convert_element_type3A_2733 = arith.fptosi %broadcast_in_dim3A_2732 : vector<128x1xf32> to vector<128x1xi32>
    %eq3A_2734 = vector.broadcast %convert_element_type3A_2733 : vector<128x1xi32> to vector<128x128xi32>
    %eq3A_2735 = arith.cmpi eq, %eq3A_2734, %iota3A_37 : vector<128x128xi32>
    %convert_element_type3A_2736 = arith.extui %eq3A_2735 : vector<128x128xi1> to vector<128x128xi32>
    %convert_element_type3A_2737 = arith.sitofp %convert_element_type3A_2736 : vector<128x128xi32> to vector<128x128xf32>
    %dot_general3A_2738 = arith.constant dense<0.000000e+00> : vector<128x64xf32>
    %dot_general3A_2739 = tpu.matmul %convert_element_type3A_2737, %get3A_45, %dot_general3A_2738 {dimension_numbers = #tpu.dot_dimension_numbers<[1], [0], [0], [1], [0, 0, 1, 1], [], []>, transpose_lhs_hint = false} : vector<128x128xf32>, vector<128x64xf32>, vector<128x64xf32> -> vector<128x64xf32>
    %sub3A_2740 = vector.broadcast %broadcast_in_dim3A_2641 : vector<128x1xf32> to vector<128x32xf32>
    %sub3A_2741 = vector.broadcast %get3A_48 : vector<1x32xf32> to vector<128x32xf32>
    %sub3A_2742 = arith.subf %sub3A_2740, %sub3A_2741 : vector<128x32xf32>
    %integer_pow3A_2743 = arith.mulf %sub3A_2742, %sub3A_2742 : vector<128x32xf32>
    %mul3A_2744 = arith.constant -28.4444447 : f32
    %mul3A_2745 = vector.broadcast %mul3A_2744 : f32 to vector<128x32xf32>
    %mul3A_2746 = arith.mulf %mul3A_2745, %integer_pow3A_2743 : vector<128x32xf32>
    %exp3A_2747 = math.exp %mul3A_2746 : vector<128x32xf32>
    %sub3A_2748 = arith.subf %slice3A, %broadcast_in_dim3A_2704 : vector<128x1xf32>
    %sub3A_2749 = arith.subf %slice3A_4, %broadcast_in_dim3A_2711 : vector<128x1xf32>
    %sub3A_2750 = arith.subf %slice3A_5, %broadcast_in_dim3A_2718 : vector<128x1xf32>
    %concatenate3A_2751 = tpu.concatenate %sub3A_2748, %sub3A_2749, %sub3A_2750, %broadcast_in_dim3A_2725, %dot_general3A_2739, %exp3A_2747, %broadcast_in_dim3A_2641 in 1 : vector<128x1xf32>, vector<128x1xf32>, vector<128x1xf32>, vector<128x1xf32>, vector<128x64xf32>, vector<128x32xf32>, vector<128x1xf32> -> vector<128x101xf32>
    %le3A_2752 = arith.constant 6.000000e+00 : f32
    %le3A_2753 = vector.broadcast %le3A_2752 : f32 to vector<128x1xf32>
    %le3A_2754 = arith.cmpf ole, %broadcast_in_dim3A_2641, %le3A_2753 : vector<128x1xf32>
    %jit3A_2755 = arith.constant 0.000000e+00 : f32
    %broadcast_in_dim3A_2756 = vector.shape_cast %le3A_2754 : vector<128x1xi1> to vector<128x1xi1>
    %broadcast_in_dim3A_2757 = vector.broadcast %broadcast_in_dim3A_2756 : vector<128x1xi1> to vector<128x101xi1>
    %broadcast_in_dim3A_2758 = vector.broadcast %jit3A_2755 : f32 to vector<128x101xf32>
    %select_n3A_2759 = arith.select %broadcast_in_dim3A_2757, %concatenate3A_2751, %broadcast_in_dim3A_2758 : vector<128x101xi1>, vector<128x101xf32>
    %swap3A_2760 = arith.constant 0 : index
    %swap3A_2761 = arith.constant 19 : index
    %swap3A_2762 = arith.constant 0 : index
    %swap3A_2763 = arith.constant 0 : index
    %swap3A_2764 = vector.load %arg7[%swap3A_2760, %swap3A_2761, %swap3A_2762, %swap3A_2763] : memref<1x32x128x101xf32, #tpu.memory_space<vmem>>, vector<1x1x128x101xf32>
    %swap3A_2765 = vector.shape_cast %swap3A_2764 : vector<1x1x128x101xf32> to vector<128x101xf32>
    %swap3A_2766 = vector.shape_cast %select_n3A_2759 : vector<128x101xf32> to vector<1x1x128x101xf32>
    tpu.vector_store %arg7[%swap3A_2760, %swap3A_2761, %swap3A_2762, %swap3A_2763], %swap3A_2766 {strides = array<i32>} : memref<1x32x128x101xf32, #tpu.memory_space<vmem>>, vector<1x1x128x101xf32>,
    %eq3A_2767 = arith.constant 19 : i32
    %eq3A_2768 = vector.broadcast %eq3A_2767 : i32 to vector<128x32xi32>
    %eq3A_2769 = arith.cmpi eq, %iota3A, %eq3A_2768 : vector<128x32xi32>
    %broadcast_in_dim3A_2770 = vector.shape_cast %broadcast_in_dim3A_2641 : vector<128x1xf32> to vector<128x1xf32>
    %broadcast_in_dim3A_2771 = vector.broadcast %broadcast_in_dim3A_2770 : vector<128x1xf32> to vector<128x32xf32>
    %select_n3A_2772 = arith.select %eq3A_2769, %broadcast_in_dim3A_2771, %select_n3A_2635 : vector<128x32xi1>, vector<128x32xf32>
    %broadcast_in_dim3A_2773 = vector.shape_cast %broadcast_in_dim3A_2649 : vector<128x1xi32> to vector<128x1xi32>
    %broadcast_in_dim3A_2774 = vector.broadcast %broadcast_in_dim3A_2773 : vector<128x1xi32> to vector<128x32xi32>
    %select_n3A_2775 = arith.select %eq3A_2769, %broadcast_in_dim3A_2774, %select_n3A_2638 : vector<128x32xi1>, vector<128x32xi32>
    %reduce_min3A_2776 = arith.constant dense<0x7F800000> : vector<128xf32>
    %reduce_min3A_2777 = vector.multi_reduction <minimumf>, %select_n3A_2654, %reduce_min3A_2776 [1] : vector<128x4096xf32> to vector<128xf32>
    %broadcast_in_dim3A_2778 = vector.shape_cast %reduce_min3A_2777 : vector<128xf32> to vector<128x1xf32>
    %eq3A_2779 = vector.broadcast %broadcast_in_dim3A_2778 : vector<128x1xf32> to vector<128x4096xf32>
    %eq3A_2780 = arith.cmpf oeq, %select_n3A_2654, %eq3A_2779 : vector<128x4096xf32>
    %jit3A_2781 = arith.constant 4096 : i32
    %broadcast_in_dim3A_2782 = vector.broadcast %jit3A_2781 : i32 to vector<128x4096xi32>
    %select_n3A_2783 = arith.select %eq3A_2780, %iota3A_49, %broadcast_in_dim3A_2782 : vector<128x4096xi1>, vector<128x4096xi32>
    %reduce_min3A_2784 = arith.constant dense<2147483647> : vector<128xi32>
    %reduce_min3A_2785 = vector.multi_reduction <minsi>, %select_n3A_2783, %reduce_min3A_2784 [1] : vector<128x4096xi32> to vector<128xi32>
    %broadcast_in_dim3A_2786 = vector.shape_cast %reduce_min3A_2785 : vector<128xi32> to vector<128x1xi32>
    %eq3A_2787 = vector.broadcast %broadcast_in_dim3A_2786 : vector<128x1xi32> to vector<128x4096xi32>
    %eq3A_2788 = arith.cmpi eq, %iota3A_49, %eq3A_2787 : vector<128x4096xi32>
    %jit3A_2789 = arith.constant 0x7F800000 : f32
    %broadcast_in_dim3A_2790 = vector.broadcast %jit3A_2789 : f32 to vector<128x4096xf32>
    %select_n3A_2791 = arith.select %eq3A_2788, %broadcast_in_dim3A_2790, %select_n3A_2654 : vector<128x4096xi1>, vector<128x4096xf32>
    %jit3A_2792 = arith.constant 32 : i32
    %div3A_2793 = vector.broadcast %jit3A_2792 : i32 to vector<128x1xi32>
    %div3A_2794 = arith.divsi %broadcast_in_dim3A_2786, %div3A_2793 : vector<128x1xi32>
    %sign3A_2795 = arith.constant 0 : i32
    %sign3A_2796 = vector.broadcast %sign3A_2795 : i32 to vector<128x1xi32>
    %sign3A_2797 = arith.cmpi sgt, %broadcast_in_dim3A_2786, %sign3A_2796 : vector<128x1xi32>
    %sign3A_2798 = arith.extui %sign3A_2797 : vector<128x1xi1> to vector<128x1xi32>
    %sign3A_2799 = arith.constant 0 : i32
    %sign3A_2800 = vector.broadcast %sign3A_2799 : i32 to vector<128x1xi32>
    %sign3A_2801 = arith.cmpi slt, %broadcast_in_dim3A_2786, %sign3A_2800 : vector<128x1xi32>
    %sign3A_2802 = arith.extui %sign3A_2801 : vector<128x1xi1> to vector<128x1xi32>
    %sign3A_2803 = arith.subi %sign3A_2798, %sign3A_2802 : vector<128x1xi32>
    %sign3A_2804 = arith.constant 0 : i32
    %sign3A_2805 = arith.cmpi sgt, %jit3A_2792, %sign3A_2804 : i32
    %sign3A_2806 = arith.extui %sign3A_2805 : i1 to i32
    %sign3A_2807 = arith.constant 0 : i32
    %sign3A_2808 = arith.cmpi slt, %jit3A_2792, %sign3A_2807 : i32
    %sign3A_2809 = arith.extui %sign3A_2808 : i1 to i32
    %sign3A_2810 = arith.subi %sign3A_2806, %sign3A_2809 : i32
    %ne3A_2811 = vector.broadcast %sign3A_2810 : i32 to vector<128x1xi32>
    %ne3A_2812 = arith.cmpi ne, %sign3A_2803, %ne3A_2811 : vector<128x1xi32>
    %rem3A_2813 = vector.broadcast %jit3A_2792 : i32 to vector<128x1xi32>
    %rem3A_2814 = arith.remsi %broadcast_in_dim3A_2786, %rem3A_2813 : vector<128x1xi32>
    %ne3A_2815 = arith.constant 0 : i32
    %ne3A_2816 = vector.broadcast %ne3A_2815 : i32 to vector<128x1xi32>
    %ne3A_2817 = arith.cmpi ne, %rem3A_2814, %ne3A_2816 : vector<128x1xi32>
    %and3A_2818 = arith.andi %ne3A_2812, %ne3A_2817 : vector<128x1xi1>
    %sub3A_2819 = arith.constant 1 : i32
    %sub3A_2820 = vector.broadcast %sub3A_2819 : i32 to vector<128x1xi32>
    %sub3A_2821 = arith.subi %div3A_2794, %sub3A_2820 : vector<128x1xi32>
    %select_n3A_2822 = arith.select %and3A_2818, %sub3A_2821, %div3A_2794 : vector<128x1xi1>, vector<128x1xi32>
    %mul3A_2823 = arith.constant 32 : i32
    %mul3A_2824 = vector.broadcast %mul3A_2823 : i32 to vector<128x1xi32>
    %mul3A_2825 = arith.muli %select_n3A_2822, %mul3A_2824 : vector<128x1xi32>
    %sub3A_2826 = arith.subi %broadcast_in_dim3A_2786, %mul3A_2825 : vector<128x1xi32>
    %eq3A_2827 = vector.broadcast %select_n3A_2822 : vector<128x1xi32> to vector<128x128xi32>
    %eq3A_2828 = arith.cmpi eq, %eq3A_2827, %iota3A_35 : vector<128x128xi32>
    %convert_element_type3A_2829 = arith.extui %eq3A_2828 : vector<128x128xi1> to vector<128x128xi32>
    %convert_element_type3A_2830 = arith.sitofp %convert_element_type3A_2829 : vector<128x128xi32> to vector<128x128xf32>
    %dot_general3A_2831 = arith.constant dense<0.000000e+00> : vector<128x160xf32>
    %dot_general3A_2832 = tpu.matmul %convert_element_type3A_2830, %get3A_42, %dot_general3A_2831 {dimension_numbers = #tpu.dot_dimension_numbers<[1], [0], [0], [1], [0, 0, 1, 1], [], []>, transpose_lhs_hint = false} : vector<128x128xf32>, vector<128x160xf32>, vector<128x160xf32> -> vector<128x160xf32>
    %eq3A_2833 = vector.broadcast %sub3A_2826 : vector<128x1xi32> to vector<128x32xi32>
    %eq3A_2834 = arith.cmpi eq, %eq3A_2833, %iota3A_36 : vector<128x32xi32>
    %slice3A_2835 = vector.extract_strided_slice %dot_general3A_2832 {offsets = [0, 0], sizes = [128, 32], strides = [1, 1]} : vector<128x160xf32> to vector<128x32xf32>
    %jit3A_2836 = arith.constant 0.000000e+00 : f32
    %broadcast_in_dim3A_2837 = vector.broadcast %jit3A_2836 : f32 to vector<128x32xf32>
    %select_n3A_2838 = arith.select %eq3A_2834, %slice3A_2835, %broadcast_in_dim3A_2837 : vector<128x32xi1>, vector<128x32xf32>
    %reduce_sum3A_2839 = arith.constant dense<0.000000e+00> : vector<128xf32>
    %reduce_sum3A_2840 = vector.multi_reduction <add>, %select_n3A_2838, %reduce_sum3A_2839 [1] : vector<128x32xf32> to vector<128xf32>
    %broadcast_in_dim3A_2841 = vector.shape_cast %reduce_sum3A_2840 : vector<128xf32> to vector<128x1xf32>
    %slice3A_2842 = vector.extract_strided_slice %dot_general3A_2832 {offsets = [0, 32], sizes = [128, 32], strides = [1, 1]} : vector<128x160xf32> to vector<128x32xf32>
    %jit3A_2843 = arith.constant 0.000000e+00 : f32
    %broadcast_in_dim3A_2844 = vector.broadcast %jit3A_2843 : f32 to vector<128x32xf32>
    %select_n3A_2845 = arith.select %eq3A_2834, %slice3A_2842, %broadcast_in_dim3A_2844 : vector<128x32xi1>, vector<128x32xf32>
    %reduce_sum3A_2846 = arith.constant dense<0.000000e+00> : vector<128xf32>
    %reduce_sum3A_2847 = vector.multi_reduction <add>, %select_n3A_2845, %reduce_sum3A_2846 [1] : vector<128x32xf32> to vector<128xf32>
    %broadcast_in_dim3A_2848 = vector.shape_cast %reduce_sum3A_2847 : vector<128xf32> to vector<128x1xf32>
    %slice3A_2849 = vector.extract_strided_slice %dot_general3A_2832 {offsets = [0, 64], sizes = [128, 32], strides = [1, 1]} : vector<128x160xf32> to vector<128x32xf32>
    %jit3A_2850 = arith.constant 0.000000e+00 : f32
    %broadcast_in_dim3A_2851 = vector.broadcast %jit3A_2850 : f32 to vector<128x32xf32>
    %select_n3A_2852 = arith.select %eq3A_2834, %slice3A_2849, %broadcast_in_dim3A_2851 : vector<128x32xi1>, vector<128x32xf32>
    %reduce_sum3A_2853 = arith.constant dense<0.000000e+00> : vector<128xf32>
    %reduce_sum3A_2854 = vector.multi_reduction <add>, %select_n3A_2852, %reduce_sum3A_2853 [1] : vector<128x32xf32> to vector<128xf32>
    %broadcast_in_dim3A_2855 = vector.shape_cast %reduce_sum3A_2854 : vector<128xf32> to vector<128x1xf32>
    %slice3A_2856 = vector.extract_strided_slice %dot_general3A_2832 {offsets = [0, 96], sizes = [128, 32], strides = [1, 1]} : vector<128x160xf32> to vector<128x32xf32>
    %jit3A_2857 = arith.constant 0.000000e+00 : f32
    %broadcast_in_dim3A_2858 = vector.broadcast %jit3A_2857 : f32 to vector<128x32xf32>
    %select_n3A_2859 = arith.select %eq3A_2834, %slice3A_2856, %broadcast_in_dim3A_2858 : vector<128x32xi1>, vector<128x32xf32>
    %reduce_sum3A_2860 = arith.constant dense<0.000000e+00> : vector<128xf32>
    %reduce_sum3A_2861 = vector.multi_reduction <add>, %select_n3A_2859, %reduce_sum3A_2860 [1] : vector<128x32xf32> to vector<128xf32>
    %broadcast_in_dim3A_2862 = vector.shape_cast %reduce_sum3A_2861 : vector<128xf32> to vector<128x1xf32>
    %slice3A_2863 = vector.extract_strided_slice %dot_general3A_2832 {offsets = [0, 128], sizes = [128, 32], strides = [1, 1]} : vector<128x160xf32> to vector<128x32xf32>
    %jit3A_2864 = arith.constant 0.000000e+00 : f32
    %broadcast_in_dim3A_2865 = vector.broadcast %jit3A_2864 : f32 to vector<128x32xf32>
    %select_n3A_2866 = arith.select %eq3A_2834, %slice3A_2863, %broadcast_in_dim3A_2865 : vector<128x32xi1>, vector<128x32xf32>
    %reduce_sum3A_2867 = arith.constant dense<0.000000e+00> : vector<128xf32>
    %reduce_sum3A_2868 = vector.multi_reduction <add>, %select_n3A_2866, %reduce_sum3A_2867 [1] : vector<128x32xf32> to vector<128xf32>
    %broadcast_in_dim3A_2869 = vector.shape_cast %reduce_sum3A_2868 : vector<128xf32> to vector<128x1xf32>
    %convert_element_type3A_2870 = arith.fptosi %broadcast_in_dim3A_2869 : vector<128x1xf32> to vector<128x1xi32>
    %eq3A_2871 = vector.broadcast %convert_element_type3A_2870 : vector<128x1xi32> to vector<128x128xi32>
    %eq3A_2872 = arith.cmpi eq, %eq3A_2871, %iota3A_37 : vector<128x128xi32>
    %convert_element_type3A_2873 = arith.extui %eq3A_2872 : vector<128x128xi1> to vector<128x128xi32>
    %convert_element_type3A_2874 = arith.sitofp %convert_element_type3A_2873 : vector<128x128xi32> to vector<128x128xf32>
    %dot_general3A_2875 = arith.constant dense<0.000000e+00> : vector<128x64xf32>
    %dot_general3A_2876 = tpu.matmul %convert_element_type3A_2874, %get3A_45, %dot_general3A_2875 {dimension_numbers = #tpu.dot_dimension_numbers<[1], [0], [0], [1], [0, 0, 1, 1], [], []>, transpose_lhs_hint = false} : vector<128x128xf32>, vector<128x64xf32>, vector<128x64xf32> -> vector<128x64xf32>
    %sub3A_2877 = vector.broadcast %broadcast_in_dim3A_2778 : vector<128x1xf32> to vector<128x32xf32>
    %sub3A_2878 = vector.broadcast %get3A_48 : vector<1x32xf32> to vector<128x32xf32>
    %sub3A_2879 = arith.subf %sub3A_2877, %sub3A_2878 : vector<128x32xf32>
    %integer_pow3A_2880 = arith.mulf %sub3A_2879, %sub3A_2879 : vector<128x32xf32>
    %mul3A_2881 = arith.constant -28.4444447 : f32
    %mul3A_2882 = vector.broadcast %mul3A_2881 : f32 to vector<128x32xf32>
    %mul3A_2883 = arith.mulf %mul3A_2882, %integer_pow3A_2880 : vector<128x32xf32>
    %exp3A_2884 = math.exp %mul3A_2883 : vector<128x32xf32>
    %sub3A_2885 = arith.subf %slice3A, %broadcast_in_dim3A_2841 : vector<128x1xf32>
    %sub3A_2886 = arith.subf %slice3A_4, %broadcast_in_dim3A_2848 : vector<128x1xf32>
    %sub3A_2887 = arith.subf %slice3A_5, %broadcast_in_dim3A_2855 : vector<128x1xf32>
    %concatenate3A_2888 = tpu.concatenate %sub3A_2885, %sub3A_2886, %sub3A_2887, %broadcast_in_dim3A_2862, %dot_general3A_2876, %exp3A_2884, %broadcast_in_dim3A_2778 in 1 : vector<128x1xf32>, vector<128x1xf32>, vector<128x1xf32>, vector<128x1xf32>, vector<128x64xf32>, vector<128x32xf32>, vector<128x1xf32> -> vector<128x101xf32>
    %le3A_2889 = arith.constant 6.000000e+00 : f32
    %le3A_2890 = vector.broadcast %le3A_2889 : f32 to vector<128x1xf32>
    %le3A_2891 = arith.cmpf ole, %broadcast_in_dim3A_2778, %le3A_2890 : vector<128x1xf32>
    %jit3A_2892 = arith.constant 0.000000e+00 : f32
    %broadcast_in_dim3A_2893 = vector.shape_cast %le3A_2891 : vector<128x1xi1> to vector<128x1xi1>
    %broadcast_in_dim3A_2894 = vector.broadcast %broadcast_in_dim3A_2893 : vector<128x1xi1> to vector<128x101xi1>
    %broadcast_in_dim3A_2895 = vector.broadcast %jit3A_2892 : f32 to vector<128x101xf32>
    %select_n3A_2896 = arith.select %broadcast_in_dim3A_2894, %concatenate3A_2888, %broadcast_in_dim3A_2895 : vector<128x101xi1>, vector<128x101xf32>
    %swap3A_2897 = arith.constant 0 : index
    %swap3A_2898 = arith.constant 20 : index
    %swap3A_2899 = arith.constant 0 : index
    %swap3A_2900 = arith.constant 0 : index
    %swap3A_2901 = vector.load %arg7[%swap3A_2897, %swap3A_2898, %swap3A_2899, %swap3A_2900] : memref<1x32x128x101xf32, #tpu.memory_space<vmem>>, vector<1x1x128x101xf32>
    %swap3A_2902 = vector.shape_cast %swap3A_2901 : vector<1x1x128x101xf32> to vector<128x101xf32>
    %swap3A_2903 = vector.shape_cast %select_n3A_2896 : vector<128x101xf32> to vector<1x1x128x101xf32>
    tpu.vector_store %arg7[%swap3A_2897, %swap3A_2898, %swap3A_2899, %swap3A_2900], %swap3A_2903 {strides = array<i32>} : memref<1x32x128x101xf32, #tpu.memory_space<vmem>>, vector<1x1x128x101xf32>,
    %eq3A_2904 = arith.constant 20 : i32
    %eq3A_2905 = vector.broadcast %eq3A_2904 : i32 to vector<128x32xi32>
    %eq3A_2906 = arith.cmpi eq, %iota3A, %eq3A_2905 : vector<128x32xi32>
    %broadcast_in_dim3A_2907 = vector.shape_cast %broadcast_in_dim3A_2778 : vector<128x1xf32> to vector<128x1xf32>
    %broadcast_in_dim3A_2908 = vector.broadcast %broadcast_in_dim3A_2907 : vector<128x1xf32> to vector<128x32xf32>
    %select_n3A_2909 = arith.select %eq3A_2906, %broadcast_in_dim3A_2908, %select_n3A_2772 : vector<128x32xi1>, vector<128x32xf32>
    %broadcast_in_dim3A_2910 = vector.shape_cast %broadcast_in_dim3A_2786 : vector<128x1xi32> to vector<128x1xi32>
    %broadcast_in_dim3A_2911 = vector.broadcast %broadcast_in_dim3A_2910 : vector<128x1xi32> to vector<128x32xi32>
    %select_n3A_2912 = arith.select %eq3A_2906, %broadcast_in_dim3A_2911, %select_n3A_2775 : vector<128x32xi1>, vector<128x32xi32>
    %reduce_min3A_2913 = arith.constant dense<0x7F800000> : vector<128xf32>
    %reduce_min3A_2914 = vector.multi_reduction <minimumf>, %select_n3A_2791, %reduce_min3A_2913 [1] : vector<128x4096xf32> to vector<128xf32>
    %broadcast_in_dim3A_2915 = vector.shape_cast %reduce_min3A_2914 : vector<128xf32> to vector<128x1xf32>
    %eq3A_2916 = vector.broadcast %broadcast_in_dim3A_2915 : vector<128x1xf32> to vector<128x4096xf32>
    %eq3A_2917 = arith.cmpf oeq, %select_n3A_2791, %eq3A_2916 : vector<128x4096xf32>
    %jit3A_2918 = arith.constant 4096 : i32
    %broadcast_in_dim3A_2919 = vector.broadcast %jit3A_2918 : i32 to vector<128x4096xi32>
    %select_n3A_2920 = arith.select %eq3A_2917, %iota3A_49, %broadcast_in_dim3A_2919 : vector<128x4096xi1>, vector<128x4096xi32>
    %reduce_min3A_2921 = arith.constant dense<2147483647> : vector<128xi32>
    %reduce_min3A_2922 = vector.multi_reduction <minsi>, %select_n3A_2920, %reduce_min3A_2921 [1] : vector<128x4096xi32> to vector<128xi32>
    %broadcast_in_dim3A_2923 = vector.shape_cast %reduce_min3A_2922 : vector<128xi32> to vector<128x1xi32>
    %eq3A_2924 = vector.broadcast %broadcast_in_dim3A_2923 : vector<128x1xi32> to vector<128x4096xi32>
    %eq3A_2925 = arith.cmpi eq, %iota3A_49, %eq3A_2924 : vector<128x4096xi32>
    %jit3A_2926 = arith.constant 0x7F800000 : f32
    %broadcast_in_dim3A_2927 = vector.broadcast %jit3A_2926 : f32 to vector<128x4096xf32>
    %select_n3A_2928 = arith.select %eq3A_2925, %broadcast_in_dim3A_2927, %select_n3A_2791 : vector<128x4096xi1>, vector<128x4096xf32>
    %jit3A_2929 = arith.constant 32 : i32
    %div3A_2930 = vector.broadcast %jit3A_2929 : i32 to vector<128x1xi32>
    %div3A_2931 = arith.divsi %broadcast_in_dim3A_2923, %div3A_2930 : vector<128x1xi32>
    %sign3A_2932 = arith.constant 0 : i32
    %sign3A_2933 = vector.broadcast %sign3A_2932 : i32 to vector<128x1xi32>
    %sign3A_2934 = arith.cmpi sgt, %broadcast_in_dim3A_2923, %sign3A_2933 : vector<128x1xi32>
    %sign3A_2935 = arith.extui %sign3A_2934 : vector<128x1xi1> to vector<128x1xi32>
    %sign3A_2936 = arith.constant 0 : i32
    %sign3A_2937 = vector.broadcast %sign3A_2936 : i32 to vector<128x1xi32>
    %sign3A_2938 = arith.cmpi slt, %broadcast_in_dim3A_2923, %sign3A_2937 : vector<128x1xi32>
    %sign3A_2939 = arith.extui %sign3A_2938 : vector<128x1xi1> to vector<128x1xi32>
    %sign3A_2940 = arith.subi %sign3A_2935, %sign3A_2939 : vector<128x1xi32>
    %sign3A_2941 = arith.constant 0 : i32
    %sign3A_2942 = arith.cmpi sgt, %jit3A_2929, %sign3A_2941 : i32
    %sign3A_2943 = arith.extui %sign3A_2942 : i1 to i32
    %sign3A_2944 = arith.constant 0 : i32
    %sign3A_2945 = arith.cmpi slt, %jit3A_2929, %sign3A_2944 : i32
    %sign3A_2946 = arith.extui %sign3A_2945 : i1 to i32
    %sign3A_2947 = arith.subi %sign3A_2943, %sign3A_2946 : i32
    %ne3A_2948 = vector.broadcast %sign3A_2947 : i32 to vector<128x1xi32>
    %ne3A_2949 = arith.cmpi ne, %sign3A_2940, %ne3A_2948 : vector<128x1xi32>
    %rem3A_2950 = vector.broadcast %jit3A_2929 : i32 to vector<128x1xi32>
    %rem3A_2951 = arith.remsi %broadcast_in_dim3A_2923, %rem3A_2950 : vector<128x1xi32>
    %ne3A_2952 = arith.constant 0 : i32
    %ne3A_2953 = vector.broadcast %ne3A_2952 : i32 to vector<128x1xi32>
    %ne3A_2954 = arith.cmpi ne, %rem3A_2951, %ne3A_2953 : vector<128x1xi32>
    %and3A_2955 = arith.andi %ne3A_2949, %ne3A_2954 : vector<128x1xi1>
    %sub3A_2956 = arith.constant 1 : i32
    %sub3A_2957 = vector.broadcast %sub3A_2956 : i32 to vector<128x1xi32>
    %sub3A_2958 = arith.subi %div3A_2931, %sub3A_2957 : vector<128x1xi32>
    %select_n3A_2959 = arith.select %and3A_2955, %sub3A_2958, %div3A_2931 : vector<128x1xi1>, vector<128x1xi32>
    %mul3A_2960 = arith.constant 32 : i32
    %mul3A_2961 = vector.broadcast %mul3A_2960 : i32 to vector<128x1xi32>
    %mul3A_2962 = arith.muli %select_n3A_2959, %mul3A_2961 : vector<128x1xi32>
    %sub3A_2963 = arith.subi %broadcast_in_dim3A_2923, %mul3A_2962 : vector<128x1xi32>
    %eq3A_2964 = vector.broadcast %select_n3A_2959 : vector<128x1xi32> to vector<128x128xi32>
    %eq3A_2965 = arith.cmpi eq, %eq3A_2964, %iota3A_35 : vector<128x128xi32>
    %convert_element_type3A_2966 = arith.extui %eq3A_2965 : vector<128x128xi1> to vector<128x128xi32>
    %convert_element_type3A_2967 = arith.sitofp %convert_element_type3A_2966 : vector<128x128xi32> to vector<128x128xf32>
    %dot_general3A_2968 = arith.constant dense<0.000000e+00> : vector<128x160xf32>
    %dot_general3A_2969 = tpu.matmul %convert_element_type3A_2967, %get3A_42, %dot_general3A_2968 {dimension_numbers = #tpu.dot_dimension_numbers<[1], [0], [0], [1], [0, 0, 1, 1], [], []>, transpose_lhs_hint = false} : vector<128x128xf32>, vector<128x160xf32>, vector<128x160xf32> -> vector<128x160xf32>
    %eq3A_2970 = vector.broadcast %sub3A_2963 : vector<128x1xi32> to vector<128x32xi32>
    %eq3A_2971 = arith.cmpi eq, %eq3A_2970, %iota3A_36 : vector<128x32xi32>
    %slice3A_2972 = vector.extract_strided_slice %dot_general3A_2969 {offsets = [0, 0], sizes = [128, 32], strides = [1, 1]} : vector<128x160xf32> to vector<128x32xf32>
    %jit3A_2973 = arith.constant 0.000000e+00 : f32
    %broadcast_in_dim3A_2974 = vector.broadcast %jit3A_2973 : f32 to vector<128x32xf32>
    %select_n3A_2975 = arith.select %eq3A_2971, %slice3A_2972, %broadcast_in_dim3A_2974 : vector<128x32xi1>, vector<128x32xf32>
    %reduce_sum3A_2976 = arith.constant dense<0.000000e+00> : vector<128xf32>
    %reduce_sum3A_2977 = vector.multi_reduction <add>, %select_n3A_2975, %reduce_sum3A_2976 [1] : vector<128x32xf32> to vector<128xf32>
    %broadcast_in_dim3A_2978 = vector.shape_cast %reduce_sum3A_2977 : vector<128xf32> to vector<128x1xf32>
    %slice3A_2979 = vector.extract_strided_slice %dot_general3A_2969 {offsets = [0, 32], sizes = [128, 32], strides = [1, 1]} : vector<128x160xf32> to vector<128x32xf32>
    %jit3A_2980 = arith.constant 0.000000e+00 : f32
    %broadcast_in_dim3A_2981 = vector.broadcast %jit3A_2980 : f32 to vector<128x32xf32>
    %select_n3A_2982 = arith.select %eq3A_2971, %slice3A_2979, %broadcast_in_dim3A_2981 : vector<128x32xi1>, vector<128x32xf32>
    %reduce_sum3A_2983 = arith.constant dense<0.000000e+00> : vector<128xf32>
    %reduce_sum3A_2984 = vector.multi_reduction <add>, %select_n3A_2982, %reduce_sum3A_2983 [1] : vector<128x32xf32> to vector<128xf32>
    %broadcast_in_dim3A_2985 = vector.shape_cast %reduce_sum3A_2984 : vector<128xf32> to vector<128x1xf32>
    %slice3A_2986 = vector.extract_strided_slice %dot_general3A_2969 {offsets = [0, 64], sizes = [128, 32], strides = [1, 1]} : vector<128x160xf32> to vector<128x32xf32>
    %jit3A_2987 = arith.constant 0.000000e+00 : f32
    %broadcast_in_dim3A_2988 = vector.broadcast %jit3A_2987 : f32 to vector<128x32xf32>
    %select_n3A_2989 = arith.select %eq3A_2971, %slice3A_2986, %broadcast_in_dim3A_2988 : vector<128x32xi1>, vector<128x32xf32>
    %reduce_sum3A_2990 = arith.constant dense<0.000000e+00> : vector<128xf32>
    %reduce_sum3A_2991 = vector.multi_reduction <add>, %select_n3A_2989, %reduce_sum3A_2990 [1] : vector<128x32xf32> to vector<128xf32>
    %broadcast_in_dim3A_2992 = vector.shape_cast %reduce_sum3A_2991 : vector<128xf32> to vector<128x1xf32>
    %slice3A_2993 = vector.extract_strided_slice %dot_general3A_2969 {offsets = [0, 96], sizes = [128, 32], strides = [1, 1]} : vector<128x160xf32> to vector<128x32xf32>
    %jit3A_2994 = arith.constant 0.000000e+00 : f32
    %broadcast_in_dim3A_2995 = vector.broadcast %jit3A_2994 : f32 to vector<128x32xf32>
    %select_n3A_2996 = arith.select %eq3A_2971, %slice3A_2993, %broadcast_in_dim3A_2995 : vector<128x32xi1>, vector<128x32xf32>
    %reduce_sum3A_2997 = arith.constant dense<0.000000e+00> : vector<128xf32>
    %reduce_sum3A_2998 = vector.multi_reduction <add>, %select_n3A_2996, %reduce_sum3A_2997 [1] : vector<128x32xf32> to vector<128xf32>
    %broadcast_in_dim3A_2999 = vector.shape_cast %reduce_sum3A_2998 : vector<128xf32> to vector<128x1xf32>
    %slice3A_3000 = vector.extract_strided_slice %dot_general3A_2969 {offsets = [0, 128], sizes = [128, 32], strides = [1, 1]} : vector<128x160xf32> to vector<128x32xf32>
    %jit3A_3001 = arith.constant 0.000000e+00 : f32
    %broadcast_in_dim3A_3002 = vector.broadcast %jit3A_3001 : f32 to vector<128x32xf32>
    %select_n3A_3003 = arith.select %eq3A_2971, %slice3A_3000, %broadcast_in_dim3A_3002 : vector<128x32xi1>, vector<128x32xf32>
    %reduce_sum3A_3004 = arith.constant dense<0.000000e+00> : vector<128xf32>
    %reduce_sum3A_3005 = vector.multi_reduction <add>, %select_n3A_3003, %reduce_sum3A_3004 [1] : vector<128x32xf32> to vector<128xf32>
    %broadcast_in_dim3A_3006 = vector.shape_cast %reduce_sum3A_3005 : vector<128xf32> to vector<128x1xf32>
    %convert_element_type3A_3007 = arith.fptosi %broadcast_in_dim3A_3006 : vector<128x1xf32> to vector<128x1xi32>
    %eq3A_3008 = vector.broadcast %convert_element_type3A_3007 : vector<128x1xi32> to vector<128x128xi32>
    %eq3A_3009 = arith.cmpi eq, %eq3A_3008, %iota3A_37 : vector<128x128xi32>
    %convert_element_type3A_3010 = arith.extui %eq3A_3009 : vector<128x128xi1> to vector<128x128xi32>
    %convert_element_type3A_3011 = arith.sitofp %convert_element_type3A_3010 : vector<128x128xi32> to vector<128x128xf32>
    %dot_general3A_3012 = arith.constant dense<0.000000e+00> : vector<128x64xf32>
    %dot_general3A_3013 = tpu.matmul %convert_element_type3A_3011, %get3A_45, %dot_general3A_3012 {dimension_numbers = #tpu.dot_dimension_numbers<[1], [0], [0], [1], [0, 0, 1, 1], [], []>, transpose_lhs_hint = false} : vector<128x128xf32>, vector<128x64xf32>, vector<128x64xf32> -> vector<128x64xf32>
    %sub3A_3014 = vector.broadcast %broadcast_in_dim3A_2915 : vector<128x1xf32> to vector<128x32xf32>
    %sub3A_3015 = vector.broadcast %get3A_48 : vector<1x32xf32> to vector<128x32xf32>
    %sub3A_3016 = arith.subf %sub3A_3014, %sub3A_3015 : vector<128x32xf32>
    %integer_pow3A_3017 = arith.mulf %sub3A_3016, %sub3A_3016 : vector<128x32xf32>
    %mul3A_3018 = arith.constant -28.4444447 : f32
    %mul3A_3019 = vector.broadcast %mul3A_3018 : f32 to vector<128x32xf32>
    %mul3A_3020 = arith.mulf %mul3A_3019, %integer_pow3A_3017 : vector<128x32xf32>
    %exp3A_3021 = math.exp %mul3A_3020 : vector<128x32xf32>
    %sub3A_3022 = arith.subf %slice3A, %broadcast_in_dim3A_2978 : vector<128x1xf32>
    %sub3A_3023 = arith.subf %slice3A_4, %broadcast_in_dim3A_2985 : vector<128x1xf32>
    %sub3A_3024 = arith.subf %slice3A_5, %broadcast_in_dim3A_2992 : vector<128x1xf32>
    %concatenate3A_3025 = tpu.concatenate %sub3A_3022, %sub3A_3023, %sub3A_3024, %broadcast_in_dim3A_2999, %dot_general3A_3013, %exp3A_3021, %broadcast_in_dim3A_2915 in 1 : vector<128x1xf32>, vector<128x1xf32>, vector<128x1xf32>, vector<128x1xf32>, vector<128x64xf32>, vector<128x32xf32>, vector<128x1xf32> -> vector<128x101xf32>
    %le3A_3026 = arith.constant 6.000000e+00 : f32
    %le3A_3027 = vector.broadcast %le3A_3026 : f32 to vector<128x1xf32>
    %le3A_3028 = arith.cmpf ole, %broadcast_in_dim3A_2915, %le3A_3027 : vector<128x1xf32>
    %jit3A_3029 = arith.constant 0.000000e+00 : f32
    %broadcast_in_dim3A_3030 = vector.shape_cast %le3A_3028 : vector<128x1xi1> to vector<128x1xi1>
    %broadcast_in_dim3A_3031 = vector.broadcast %broadcast_in_dim3A_3030 : vector<128x1xi1> to vector<128x101xi1>
    %broadcast_in_dim3A_3032 = vector.broadcast %jit3A_3029 : f32 to vector<128x101xf32>
    %select_n3A_3033 = arith.select %broadcast_in_dim3A_3031, %concatenate3A_3025, %broadcast_in_dim3A_3032 : vector<128x101xi1>, vector<128x101xf32>
    %swap3A_3034 = arith.constant 0 : index
    %swap3A_3035 = arith.constant 21 : index
    %swap3A_3036 = arith.constant 0 : index
    %swap3A_3037 = arith.constant 0 : index
    %swap3A_3038 = vector.load %arg7[%swap3A_3034, %swap3A_3035, %swap3A_3036, %swap3A_3037] : memref<1x32x128x101xf32, #tpu.memory_space<vmem>>, vector<1x1x128x101xf32>
    %swap3A_3039 = vector.shape_cast %swap3A_3038 : vector<1x1x128x101xf32> to vector<128x101xf32>
    %swap3A_3040 = vector.shape_cast %select_n3A_3033 : vector<128x101xf32> to vector<1x1x128x101xf32>
    tpu.vector_store %arg7[%swap3A_3034, %swap3A_3035, %swap3A_3036, %swap3A_3037], %swap3A_3040 {strides = array<i32>} : memref<1x32x128x101xf32, #tpu.memory_space<vmem>>, vector<1x1x128x101xf32>,
    %eq3A_3041 = arith.constant 21 : i32
    %eq3A_3042 = vector.broadcast %eq3A_3041 : i32 to vector<128x32xi32>
    %eq3A_3043 = arith.cmpi eq, %iota3A, %eq3A_3042 : vector<128x32xi32>
    %broadcast_in_dim3A_3044 = vector.shape_cast %broadcast_in_dim3A_2915 : vector<128x1xf32> to vector<128x1xf32>
    %broadcast_in_dim3A_3045 = vector.broadcast %broadcast_in_dim3A_3044 : vector<128x1xf32> to vector<128x32xf32>
    %select_n3A_3046 = arith.select %eq3A_3043, %broadcast_in_dim3A_3045, %select_n3A_2909 : vector<128x32xi1>, vector<128x32xf32>
    %broadcast_in_dim3A_3047 = vector.shape_cast %broadcast_in_dim3A_2923 : vector<128x1xi32> to vector<128x1xi32>
    %broadcast_in_dim3A_3048 = vector.broadcast %broadcast_in_dim3A_3047 : vector<128x1xi32> to vector<128x32xi32>
    %select_n3A_3049 = arith.select %eq3A_3043, %broadcast_in_dim3A_3048, %select_n3A_2912 : vector<128x32xi1>, vector<128x32xi32>
    %reduce_min3A_3050 = arith.constant dense<0x7F800000> : vector<128xf32>
    %reduce_min3A_3051 = vector.multi_reduction <minimumf>, %select_n3A_2928, %reduce_min3A_3050 [1] : vector<128x4096xf32> to vector<128xf32>
    %broadcast_in_dim3A_3052 = vector.shape_cast %reduce_min3A_3051 : vector<128xf32> to vector<128x1xf32>
    %eq3A_3053 = vector.broadcast %broadcast_in_dim3A_3052 : vector<128x1xf32> to vector<128x4096xf32>
    %eq3A_3054 = arith.cmpf oeq, %select_n3A_2928, %eq3A_3053 : vector<128x4096xf32>
    %jit3A_3055 = arith.constant 4096 : i32
    %broadcast_in_dim3A_3056 = vector.broadcast %jit3A_3055 : i32 to vector<128x4096xi32>
    %select_n3A_3057 = arith.select %eq3A_3054, %iota3A_49, %broadcast_in_dim3A_3056 : vector<128x4096xi1>, vector<128x4096xi32>
    %reduce_min3A_3058 = arith.constant dense<2147483647> : vector<128xi32>
    %reduce_min3A_3059 = vector.multi_reduction <minsi>, %select_n3A_3057, %reduce_min3A_3058 [1] : vector<128x4096xi32> to vector<128xi32>
    %broadcast_in_dim3A_3060 = vector.shape_cast %reduce_min3A_3059 : vector<128xi32> to vector<128x1xi32>
    %eq3A_3061 = vector.broadcast %broadcast_in_dim3A_3060 : vector<128x1xi32> to vector<128x4096xi32>
    %eq3A_3062 = arith.cmpi eq, %iota3A_49, %eq3A_3061 : vector<128x4096xi32>
    %jit3A_3063 = arith.constant 0x7F800000 : f32
    %broadcast_in_dim3A_3064 = vector.broadcast %jit3A_3063 : f32 to vector<128x4096xf32>
    %select_n3A_3065 = arith.select %eq3A_3062, %broadcast_in_dim3A_3064, %select_n3A_2928 : vector<128x4096xi1>, vector<128x4096xf32>
    %jit3A_3066 = arith.constant 32 : i32
    %div3A_3067 = vector.broadcast %jit3A_3066 : i32 to vector<128x1xi32>
    %div3A_3068 = arith.divsi %broadcast_in_dim3A_3060, %div3A_3067 : vector<128x1xi32>
    %sign3A_3069 = arith.constant 0 : i32
    %sign3A_3070 = vector.broadcast %sign3A_3069 : i32 to vector<128x1xi32>
    %sign3A_3071 = arith.cmpi sgt, %broadcast_in_dim3A_3060, %sign3A_3070 : vector<128x1xi32>
    %sign3A_3072 = arith.extui %sign3A_3071 : vector<128x1xi1> to vector<128x1xi32>
    %sign3A_3073 = arith.constant 0 : i32
    %sign3A_3074 = vector.broadcast %sign3A_3073 : i32 to vector<128x1xi32>
    %sign3A_3075 = arith.cmpi slt, %broadcast_in_dim3A_3060, %sign3A_3074 : vector<128x1xi32>
    %sign3A_3076 = arith.extui %sign3A_3075 : vector<128x1xi1> to vector<128x1xi32>
    %sign3A_3077 = arith.subi %sign3A_3072, %sign3A_3076 : vector<128x1xi32>
    %sign3A_3078 = arith.constant 0 : i32
    %sign3A_3079 = arith.cmpi sgt, %jit3A_3066, %sign3A_3078 : i32
    %sign3A_3080 = arith.extui %sign3A_3079 : i1 to i32
    %sign3A_3081 = arith.constant 0 : i32
    %sign3A_3082 = arith.cmpi slt, %jit3A_3066, %sign3A_3081 : i32
    %sign3A_3083 = arith.extui %sign3A_3082 : i1 to i32
    %sign3A_3084 = arith.subi %sign3A_3080, %sign3A_3083 : i32
    %ne3A_3085 = vector.broadcast %sign3A_3084 : i32 to vector<128x1xi32>
    %ne3A_3086 = arith.cmpi ne, %sign3A_3077, %ne3A_3085 : vector<128x1xi32>
    %rem3A_3087 = vector.broadcast %jit3A_3066 : i32 to vector<128x1xi32>
    %rem3A_3088 = arith.remsi %broadcast_in_dim3A_3060, %rem3A_3087 : vector<128x1xi32>
    %ne3A_3089 = arith.constant 0 : i32
    %ne3A_3090 = vector.broadcast %ne3A_3089 : i32 to vector<128x1xi32>
    %ne3A_3091 = arith.cmpi ne, %rem3A_3088, %ne3A_3090 : vector<128x1xi32>
    %and3A_3092 = arith.andi %ne3A_3086, %ne3A_3091 : vector<128x1xi1>
    %sub3A_3093 = arith.constant 1 : i32
    %sub3A_3094 = vector.broadcast %sub3A_3093 : i32 to vector<128x1xi32>
    %sub3A_3095 = arith.subi %div3A_3068, %sub3A_3094 : vector<128x1xi32>
    %select_n3A_3096 = arith.select %and3A_3092, %sub3A_3095, %div3A_3068 : vector<128x1xi1>, vector<128x1xi32>
    %mul3A_3097 = arith.constant 32 : i32
    %mul3A_3098 = vector.broadcast %mul3A_3097 : i32 to vector<128x1xi32>
    %mul3A_3099 = arith.muli %select_n3A_3096, %mul3A_3098 : vector<128x1xi32>
    %sub3A_3100 = arith.subi %broadcast_in_dim3A_3060, %mul3A_3099 : vector<128x1xi32>
    %eq3A_3101 = vector.broadcast %select_n3A_3096 : vector<128x1xi32> to vector<128x128xi32>
    %eq3A_3102 = arith.cmpi eq, %eq3A_3101, %iota3A_35 : vector<128x128xi32>
    %convert_element_type3A_3103 = arith.extui %eq3A_3102 : vector<128x128xi1> to vector<128x128xi32>
    %convert_element_type3A_3104 = arith.sitofp %convert_element_type3A_3103 : vector<128x128xi32> to vector<128x128xf32>
    %dot_general3A_3105 = arith.constant dense<0.000000e+00> : vector<128x160xf32>
    %dot_general3A_3106 = tpu.matmul %convert_element_type3A_3104, %get3A_42, %dot_general3A_3105 {dimension_numbers = #tpu.dot_dimension_numbers<[1], [0], [0], [1], [0, 0, 1, 1], [], []>, transpose_lhs_hint = false} : vector<128x128xf32>, vector<128x160xf32>, vector<128x160xf32> -> vector<128x160xf32>
    %eq3A_3107 = vector.broadcast %sub3A_3100 : vector<128x1xi32> to vector<128x32xi32>
    %eq3A_3108 = arith.cmpi eq, %eq3A_3107, %iota3A_36 : vector<128x32xi32>
    %slice3A_3109 = vector.extract_strided_slice %dot_general3A_3106 {offsets = [0, 0], sizes = [128, 32], strides = [1, 1]} : vector<128x160xf32> to vector<128x32xf32>
    %jit3A_3110 = arith.constant 0.000000e+00 : f32
    %broadcast_in_dim3A_3111 = vector.broadcast %jit3A_3110 : f32 to vector<128x32xf32>
    %select_n3A_3112 = arith.select %eq3A_3108, %slice3A_3109, %broadcast_in_dim3A_3111 : vector<128x32xi1>, vector<128x32xf32>
    %reduce_sum3A_3113 = arith.constant dense<0.000000e+00> : vector<128xf32>
    %reduce_sum3A_3114 = vector.multi_reduction <add>, %select_n3A_3112, %reduce_sum3A_3113 [1] : vector<128x32xf32> to vector<128xf32>
    %broadcast_in_dim3A_3115 = vector.shape_cast %reduce_sum3A_3114 : vector<128xf32> to vector<128x1xf32>
    %slice3A_3116 = vector.extract_strided_slice %dot_general3A_3106 {offsets = [0, 32], sizes = [128, 32], strides = [1, 1]} : vector<128x160xf32> to vector<128x32xf32>
    %jit3A_3117 = arith.constant 0.000000e+00 : f32
    %broadcast_in_dim3A_3118 = vector.broadcast %jit3A_3117 : f32 to vector<128x32xf32>
    %select_n3A_3119 = arith.select %eq3A_3108, %slice3A_3116, %broadcast_in_dim3A_3118 : vector<128x32xi1>, vector<128x32xf32>
    %reduce_sum3A_3120 = arith.constant dense<0.000000e+00> : vector<128xf32>
    %reduce_sum3A_3121 = vector.multi_reduction <add>, %select_n3A_3119, %reduce_sum3A_3120 [1] : vector<128x32xf32> to vector<128xf32>
    %broadcast_in_dim3A_3122 = vector.shape_cast %reduce_sum3A_3121 : vector<128xf32> to vector<128x1xf32>
    %slice3A_3123 = vector.extract_strided_slice %dot_general3A_3106 {offsets = [0, 64], sizes = [128, 32], strides = [1, 1]} : vector<128x160xf32> to vector<128x32xf32>
    %jit3A_3124 = arith.constant 0.000000e+00 : f32
    %broadcast_in_dim3A_3125 = vector.broadcast %jit3A_3124 : f32 to vector<128x32xf32>
    %select_n3A_3126 = arith.select %eq3A_3108, %slice3A_3123, %broadcast_in_dim3A_3125 : vector<128x32xi1>, vector<128x32xf32>
    %reduce_sum3A_3127 = arith.constant dense<0.000000e+00> : vector<128xf32>
    %reduce_sum3A_3128 = vector.multi_reduction <add>, %select_n3A_3126, %reduce_sum3A_3127 [1] : vector<128x32xf32> to vector<128xf32>
    %broadcast_in_dim3A_3129 = vector.shape_cast %reduce_sum3A_3128 : vector<128xf32> to vector<128x1xf32>
    %slice3A_3130 = vector.extract_strided_slice %dot_general3A_3106 {offsets = [0, 96], sizes = [128, 32], strides = [1, 1]} : vector<128x160xf32> to vector<128x32xf32>
    %jit3A_3131 = arith.constant 0.000000e+00 : f32
    %broadcast_in_dim3A_3132 = vector.broadcast %jit3A_3131 : f32 to vector<128x32xf32>
    %select_n3A_3133 = arith.select %eq3A_3108, %slice3A_3130, %broadcast_in_dim3A_3132 : vector<128x32xi1>, vector<128x32xf32>
    %reduce_sum3A_3134 = arith.constant dense<0.000000e+00> : vector<128xf32>
    %reduce_sum3A_3135 = vector.multi_reduction <add>, %select_n3A_3133, %reduce_sum3A_3134 [1] : vector<128x32xf32> to vector<128xf32>
    %broadcast_in_dim3A_3136 = vector.shape_cast %reduce_sum3A_3135 : vector<128xf32> to vector<128x1xf32>
    %slice3A_3137 = vector.extract_strided_slice %dot_general3A_3106 {offsets = [0, 128], sizes = [128, 32], strides = [1, 1]} : vector<128x160xf32> to vector<128x32xf32>
    %jit3A_3138 = arith.constant 0.000000e+00 : f32
    %broadcast_in_dim3A_3139 = vector.broadcast %jit3A_3138 : f32 to vector<128x32xf32>
    %select_n3A_3140 = arith.select %eq3A_3108, %slice3A_3137, %broadcast_in_dim3A_3139 : vector<128x32xi1>, vector<128x32xf32>
    %reduce_sum3A_3141 = arith.constant dense<0.000000e+00> : vector<128xf32>
    %reduce_sum3A_3142 = vector.multi_reduction <add>, %select_n3A_3140, %reduce_sum3A_3141 [1] : vector<128x32xf32> to vector<128xf32>
    %broadcast_in_dim3A_3143 = vector.shape_cast %reduce_sum3A_3142 : vector<128xf32> to vector<128x1xf32>
    %convert_element_type3A_3144 = arith.fptosi %broadcast_in_dim3A_3143 : vector<128x1xf32> to vector<128x1xi32>
    %eq3A_3145 = vector.broadcast %convert_element_type3A_3144 : vector<128x1xi32> to vector<128x128xi32>
    %eq3A_3146 = arith.cmpi eq, %eq3A_3145, %iota3A_37 : vector<128x128xi32>
    %convert_element_type3A_3147 = arith.extui %eq3A_3146 : vector<128x128xi1> to vector<128x128xi32>
    %convert_element_type3A_3148 = arith.sitofp %convert_element_type3A_3147 : vector<128x128xi32> to vector<128x128xf32>
    %dot_general3A_3149 = arith.constant dense<0.000000e+00> : vector<128x64xf32>
    %dot_general3A_3150 = tpu.matmul %convert_element_type3A_3148, %get3A_45, %dot_general3A_3149 {dimension_numbers = #tpu.dot_dimension_numbers<[1], [0], [0], [1], [0, 0, 1, 1], [], []>, transpose_lhs_hint = false} : vector<128x128xf32>, vector<128x64xf32>, vector<128x64xf32> -> vector<128x64xf32>
    %sub3A_3151 = vector.broadcast %broadcast_in_dim3A_3052 : vector<128x1xf32> to vector<128x32xf32>
    %sub3A_3152 = vector.broadcast %get3A_48 : vector<1x32xf32> to vector<128x32xf32>
    %sub3A_3153 = arith.subf %sub3A_3151, %sub3A_3152 : vector<128x32xf32>
    %integer_pow3A_3154 = arith.mulf %sub3A_3153, %sub3A_3153 : vector<128x32xf32>
    %mul3A_3155 = arith.constant -28.4444447 : f32
    %mul3A_3156 = vector.broadcast %mul3A_3155 : f32 to vector<128x32xf32>
    %mul3A_3157 = arith.mulf %mul3A_3156, %integer_pow3A_3154 : vector<128x32xf32>
    %exp3A_3158 = math.exp %mul3A_3157 : vector<128x32xf32>
    %sub3A_3159 = arith.subf %slice3A, %broadcast_in_dim3A_3115 : vector<128x1xf32>
    %sub3A_3160 = arith.subf %slice3A_4, %broadcast_in_dim3A_3122 : vector<128x1xf32>
    %sub3A_3161 = arith.subf %slice3A_5, %broadcast_in_dim3A_3129 : vector<128x1xf32>
    %concatenate3A_3162 = tpu.concatenate %sub3A_3159, %sub3A_3160, %sub3A_3161, %broadcast_in_dim3A_3136, %dot_general3A_3150, %exp3A_3158, %broadcast_in_dim3A_3052 in 1 : vector<128x1xf32>, vector<128x1xf32>, vector<128x1xf32>, vector<128x1xf32>, vector<128x64xf32>, vector<128x32xf32>, vector<128x1xf32> -> vector<128x101xf32>
    %le3A_3163 = arith.constant 6.000000e+00 : f32
    %le3A_3164 = vector.broadcast %le3A_3163 : f32 to vector<128x1xf32>
    %le3A_3165 = arith.cmpf ole, %broadcast_in_dim3A_3052, %le3A_3164 : vector<128x1xf32>
    %jit3A_3166 = arith.constant 0.000000e+00 : f32
    %broadcast_in_dim3A_3167 = vector.shape_cast %le3A_3165 : vector<128x1xi1> to vector<128x1xi1>
    %broadcast_in_dim3A_3168 = vector.broadcast %broadcast_in_dim3A_3167 : vector<128x1xi1> to vector<128x101xi1>
    %broadcast_in_dim3A_3169 = vector.broadcast %jit3A_3166 : f32 to vector<128x101xf32>
    %select_n3A_3170 = arith.select %broadcast_in_dim3A_3168, %concatenate3A_3162, %broadcast_in_dim3A_3169 : vector<128x101xi1>, vector<128x101xf32>
    %swap3A_3171 = arith.constant 0 : index
    %swap3A_3172 = arith.constant 22 : index
    %swap3A_3173 = arith.constant 0 : index
    %swap3A_3174 = arith.constant 0 : index
    %swap3A_3175 = vector.load %arg7[%swap3A_3171, %swap3A_3172, %swap3A_3173, %swap3A_3174] : memref<1x32x128x101xf32, #tpu.memory_space<vmem>>, vector<1x1x128x101xf32>
    %swap3A_3176 = vector.shape_cast %swap3A_3175 : vector<1x1x128x101xf32> to vector<128x101xf32>
    %swap3A_3177 = vector.shape_cast %select_n3A_3170 : vector<128x101xf32> to vector<1x1x128x101xf32>
    tpu.vector_store %arg7[%swap3A_3171, %swap3A_3172, %swap3A_3173, %swap3A_3174], %swap3A_3177 {strides = array<i32>} : memref<1x32x128x101xf32, #tpu.memory_space<vmem>>, vector<1x1x128x101xf32>,
    %eq3A_3178 = arith.constant 22 : i32
    %eq3A_3179 = vector.broadcast %eq3A_3178 : i32 to vector<128x32xi32>
    %eq3A_3180 = arith.cmpi eq, %iota3A, %eq3A_3179 : vector<128x32xi32>
    %broadcast_in_dim3A_3181 = vector.shape_cast %broadcast_in_dim3A_3052 : vector<128x1xf32> to vector<128x1xf32>
    %broadcast_in_dim3A_3182 = vector.broadcast %broadcast_in_dim3A_3181 : vector<128x1xf32> to vector<128x32xf32>
    %select_n3A_3183 = arith.select %eq3A_3180, %broadcast_in_dim3A_3182, %select_n3A_3046 : vector<128x32xi1>, vector<128x32xf32>
    %broadcast_in_dim3A_3184 = vector.shape_cast %broadcast_in_dim3A_3060 : vector<128x1xi32> to vector<128x1xi32>
    %broadcast_in_dim3A_3185 = vector.broadcast %broadcast_in_dim3A_3184 : vector<128x1xi32> to vector<128x32xi32>
    %select_n3A_3186 = arith.select %eq3A_3180, %broadcast_in_dim3A_3185, %select_n3A_3049 : vector<128x32xi1>, vector<128x32xi32>
    %reduce_min3A_3187 = arith.constant dense<0x7F800000> : vector<128xf32>
    %reduce_min3A_3188 = vector.multi_reduction <minimumf>, %select_n3A_3065, %reduce_min3A_3187 [1] : vector<128x4096xf32> to vector<128xf32>
    %broadcast_in_dim3A_3189 = vector.shape_cast %reduce_min3A_3188 : vector<128xf32> to vector<128x1xf32>
    %eq3A_3190 = vector.broadcast %broadcast_in_dim3A_3189 : vector<128x1xf32> to vector<128x4096xf32>
    %eq3A_3191 = arith.cmpf oeq, %select_n3A_3065, %eq3A_3190 : vector<128x4096xf32>
    %jit3A_3192 = arith.constant 4096 : i32
    %broadcast_in_dim3A_3193 = vector.broadcast %jit3A_3192 : i32 to vector<128x4096xi32>
    %select_n3A_3194 = arith.select %eq3A_3191, %iota3A_49, %broadcast_in_dim3A_3193 : vector<128x4096xi1>, vector<128x4096xi32>
    %reduce_min3A_3195 = arith.constant dense<2147483647> : vector<128xi32>
    %reduce_min3A_3196 = vector.multi_reduction <minsi>, %select_n3A_3194, %reduce_min3A_3195 [1] : vector<128x4096xi32> to vector<128xi32>
    %broadcast_in_dim3A_3197 = vector.shape_cast %reduce_min3A_3196 : vector<128xi32> to vector<128x1xi32>
    %eq3A_3198 = vector.broadcast %broadcast_in_dim3A_3197 : vector<128x1xi32> to vector<128x4096xi32>
    %eq3A_3199 = arith.cmpi eq, %iota3A_49, %eq3A_3198 : vector<128x4096xi32>
    %jit3A_3200 = arith.constant 0x7F800000 : f32
    %broadcast_in_dim3A_3201 = vector.broadcast %jit3A_3200 : f32 to vector<128x4096xf32>
    %select_n3A_3202 = arith.select %eq3A_3199, %broadcast_in_dim3A_3201, %select_n3A_3065 : vector<128x4096xi1>, vector<128x4096xf32>
    %jit3A_3203 = arith.constant 32 : i32
    %div3A_3204 = vector.broadcast %jit3A_3203 : i32 to vector<128x1xi32>
    %div3A_3205 = arith.divsi %broadcast_in_dim3A_3197, %div3A_3204 : vector<128x1xi32>
    %sign3A_3206 = arith.constant 0 : i32
    %sign3A_3207 = vector.broadcast %sign3A_3206 : i32 to vector<128x1xi32>
    %sign3A_3208 = arith.cmpi sgt, %broadcast_in_dim3A_3197, %sign3A_3207 : vector<128x1xi32>
    %sign3A_3209 = arith.extui %sign3A_3208 : vector<128x1xi1> to vector<128x1xi32>
    %sign3A_3210 = arith.constant 0 : i32
    %sign3A_3211 = vector.broadcast %sign3A_3210 : i32 to vector<128x1xi32>
    %sign3A_3212 = arith.cmpi slt, %broadcast_in_dim3A_3197, %sign3A_3211 : vector<128x1xi32>
    %sign3A_3213 = arith.extui %sign3A_3212 : vector<128x1xi1> to vector<128x1xi32>
    %sign3A_3214 = arith.subi %sign3A_3209, %sign3A_3213 : vector<128x1xi32>
    %sign3A_3215 = arith.constant 0 : i32
    %sign3A_3216 = arith.cmpi sgt, %jit3A_3203, %sign3A_3215 : i32
    %sign3A_3217 = arith.extui %sign3A_3216 : i1 to i32
    %sign3A_3218 = arith.constant 0 : i32
    %sign3A_3219 = arith.cmpi slt, %jit3A_3203, %sign3A_3218 : i32
    %sign3A_3220 = arith.extui %sign3A_3219 : i1 to i32
    %sign3A_3221 = arith.subi %sign3A_3217, %sign3A_3220 : i32
    %ne3A_3222 = vector.broadcast %sign3A_3221 : i32 to vector<128x1xi32>
    %ne3A_3223 = arith.cmpi ne, %sign3A_3214, %ne3A_3222 : vector<128x1xi32>
    %rem3A_3224 = vector.broadcast %jit3A_3203 : i32 to vector<128x1xi32>
    %rem3A_3225 = arith.remsi %broadcast_in_dim3A_3197, %rem3A_3224 : vector<128x1xi32>
    %ne3A_3226 = arith.constant 0 : i32
    %ne3A_3227 = vector.broadcast %ne3A_3226 : i32 to vector<128x1xi32>
    %ne3A_3228 = arith.cmpi ne, %rem3A_3225, %ne3A_3227 : vector<128x1xi32>
    %and3A_3229 = arith.andi %ne3A_3223, %ne3A_3228 : vector<128x1xi1>
    %sub3A_3230 = arith.constant 1 : i32
    %sub3A_3231 = vector.broadcast %sub3A_3230 : i32 to vector<128x1xi32>
    %sub3A_3232 = arith.subi %div3A_3205, %sub3A_3231 : vector<128x1xi32>
    %select_n3A_3233 = arith.select %and3A_3229, %sub3A_3232, %div3A_3205 : vector<128x1xi1>, vector<128x1xi32>
    %mul3A_3234 = arith.constant 32 : i32
    %mul3A_3235 = vector.broadcast %mul3A_3234 : i32 to vector<128x1xi32>
    %mul3A_3236 = arith.muli %select_n3A_3233, %mul3A_3235 : vector<128x1xi32>
    %sub3A_3237 = arith.subi %broadcast_in_dim3A_3197, %mul3A_3236 : vector<128x1xi32>
    %eq3A_3238 = vector.broadcast %select_n3A_3233 : vector<128x1xi32> to vector<128x128xi32>
    %eq3A_3239 = arith.cmpi eq, %eq3A_3238, %iota3A_35 : vector<128x128xi32>
    %convert_element_type3A_3240 = arith.extui %eq3A_3239 : vector<128x128xi1> to vector<128x128xi32>
    %convert_element_type3A_3241 = arith.sitofp %convert_element_type3A_3240 : vector<128x128xi32> to vector<128x128xf32>
    %dot_general3A_3242 = arith.constant dense<0.000000e+00> : vector<128x160xf32>
    %dot_general3A_3243 = tpu.matmul %convert_element_type3A_3241, %get3A_42, %dot_general3A_3242 {dimension_numbers = #tpu.dot_dimension_numbers<[1], [0], [0], [1], [0, 0, 1, 1], [], []>, transpose_lhs_hint = false} : vector<128x128xf32>, vector<128x160xf32>, vector<128x160xf32> -> vector<128x160xf32>
    %eq3A_3244 = vector.broadcast %sub3A_3237 : vector<128x1xi32> to vector<128x32xi32>
    %eq3A_3245 = arith.cmpi eq, %eq3A_3244, %iota3A_36 : vector<128x32xi32>
    %slice3A_3246 = vector.extract_strided_slice %dot_general3A_3243 {offsets = [0, 0], sizes = [128, 32], strides = [1, 1]} : vector<128x160xf32> to vector<128x32xf32>
    %jit3A_3247 = arith.constant 0.000000e+00 : f32
    %broadcast_in_dim3A_3248 = vector.broadcast %jit3A_3247 : f32 to vector<128x32xf32>
    %select_n3A_3249 = arith.select %eq3A_3245, %slice3A_3246, %broadcast_in_dim3A_3248 : vector<128x32xi1>, vector<128x32xf32>
    %reduce_sum3A_3250 = arith.constant dense<0.000000e+00> : vector<128xf32>
    %reduce_sum3A_3251 = vector.multi_reduction <add>, %select_n3A_3249, %reduce_sum3A_3250 [1] : vector<128x32xf32> to vector<128xf32>
    %broadcast_in_dim3A_3252 = vector.shape_cast %reduce_sum3A_3251 : vector<128xf32> to vector<128x1xf32>
    %slice3A_3253 = vector.extract_strided_slice %dot_general3A_3243 {offsets = [0, 32], sizes = [128, 32], strides = [1, 1]} : vector<128x160xf32> to vector<128x32xf32>
    %jit3A_3254 = arith.constant 0.000000e+00 : f32
    %broadcast_in_dim3A_3255 = vector.broadcast %jit3A_3254 : f32 to vector<128x32xf32>
    %select_n3A_3256 = arith.select %eq3A_3245, %slice3A_3253, %broadcast_in_dim3A_3255 : vector<128x32xi1>, vector<128x32xf32>
    %reduce_sum3A_3257 = arith.constant dense<0.000000e+00> : vector<128xf32>
    %reduce_sum3A_3258 = vector.multi_reduction <add>, %select_n3A_3256, %reduce_sum3A_3257 [1] : vector<128x32xf32> to vector<128xf32>
    %broadcast_in_dim3A_3259 = vector.shape_cast %reduce_sum3A_3258 : vector<128xf32> to vector<128x1xf32>
    %slice3A_3260 = vector.extract_strided_slice %dot_general3A_3243 {offsets = [0, 64], sizes = [128, 32], strides = [1, 1]} : vector<128x160xf32> to vector<128x32xf32>
    %jit3A_3261 = arith.constant 0.000000e+00 : f32
    %broadcast_in_dim3A_3262 = vector.broadcast %jit3A_3261 : f32 to vector<128x32xf32>
    %select_n3A_3263 = arith.select %eq3A_3245, %slice3A_3260, %broadcast_in_dim3A_3262 : vector<128x32xi1>, vector<128x32xf32>
    %reduce_sum3A_3264 = arith.constant dense<0.000000e+00> : vector<128xf32>
    %reduce_sum3A_3265 = vector.multi_reduction <add>, %select_n3A_3263, %reduce_sum3A_3264 [1] : vector<128x32xf32> to vector<128xf32>
    %broadcast_in_dim3A_3266 = vector.shape_cast %reduce_sum3A_3265 : vector<128xf32> to vector<128x1xf32>
    %slice3A_3267 = vector.extract_strided_slice %dot_general3A_3243 {offsets = [0, 96], sizes = [128, 32], strides = [1, 1]} : vector<128x160xf32> to vector<128x32xf32>
    %jit3A_3268 = arith.constant 0.000000e+00 : f32
    %broadcast_in_dim3A_3269 = vector.broadcast %jit3A_3268 : f32 to vector<128x32xf32>
    %select_n3A_3270 = arith.select %eq3A_3245, %slice3A_3267, %broadcast_in_dim3A_3269 : vector<128x32xi1>, vector<128x32xf32>
    %reduce_sum3A_3271 = arith.constant dense<0.000000e+00> : vector<128xf32>
    %reduce_sum3A_3272 = vector.multi_reduction <add>, %select_n3A_3270, %reduce_sum3A_3271 [1] : vector<128x32xf32> to vector<128xf32>
    %broadcast_in_dim3A_3273 = vector.shape_cast %reduce_sum3A_3272 : vector<128xf32> to vector<128x1xf32>
    %slice3A_3274 = vector.extract_strided_slice %dot_general3A_3243 {offsets = [0, 128], sizes = [128, 32], strides = [1, 1]} : vector<128x160xf32> to vector<128x32xf32>
    %jit3A_3275 = arith.constant 0.000000e+00 : f32
    %broadcast_in_dim3A_3276 = vector.broadcast %jit3A_3275 : f32 to vector<128x32xf32>
    %select_n3A_3277 = arith.select %eq3A_3245, %slice3A_3274, %broadcast_in_dim3A_3276 : vector<128x32xi1>, vector<128x32xf32>
    %reduce_sum3A_3278 = arith.constant dense<0.000000e+00> : vector<128xf32>
    %reduce_sum3A_3279 = vector.multi_reduction <add>, %select_n3A_3277, %reduce_sum3A_3278 [1] : vector<128x32xf32> to vector<128xf32>
    %broadcast_in_dim3A_3280 = vector.shape_cast %reduce_sum3A_3279 : vector<128xf32> to vector<128x1xf32>
    %convert_element_type3A_3281 = arith.fptosi %broadcast_in_dim3A_3280 : vector<128x1xf32> to vector<128x1xi32>
    %eq3A_3282 = vector.broadcast %convert_element_type3A_3281 : vector<128x1xi32> to vector<128x128xi32>
    %eq3A_3283 = arith.cmpi eq, %eq3A_3282, %iota3A_37 : vector<128x128xi32>
    %convert_element_type3A_3284 = arith.extui %eq3A_3283 : vector<128x128xi1> to vector<128x128xi32>
    %convert_element_type3A_3285 = arith.sitofp %convert_element_type3A_3284 : vector<128x128xi32> to vector<128x128xf32>
    %dot_general3A_3286 = arith.constant dense<0.000000e+00> : vector<128x64xf32>
    %dot_general3A_3287 = tpu.matmul %convert_element_type3A_3285, %get3A_45, %dot_general3A_3286 {dimension_numbers = #tpu.dot_dimension_numbers<[1], [0], [0], [1], [0, 0, 1, 1], [], []>, transpose_lhs_hint = false} : vector<128x128xf32>, vector<128x64xf32>, vector<128x64xf32> -> vector<128x64xf32>
    %sub3A_3288 = vector.broadcast %broadcast_in_dim3A_3189 : vector<128x1xf32> to vector<128x32xf32>
    %sub3A_3289 = vector.broadcast %get3A_48 : vector<1x32xf32> to vector<128x32xf32>
    %sub3A_3290 = arith.subf %sub3A_3288, %sub3A_3289 : vector<128x32xf32>
    %integer_pow3A_3291 = arith.mulf %sub3A_3290, %sub3A_3290 : vector<128x32xf32>
    %mul3A_3292 = arith.constant -28.4444447 : f32
    %mul3A_3293 = vector.broadcast %mul3A_3292 : f32 to vector<128x32xf32>
    %mul3A_3294 = arith.mulf %mul3A_3293, %integer_pow3A_3291 : vector<128x32xf32>
    %exp3A_3295 = math.exp %mul3A_3294 : vector<128x32xf32>
    %sub3A_3296 = arith.subf %slice3A, %broadcast_in_dim3A_3252 : vector<128x1xf32>
    %sub3A_3297 = arith.subf %slice3A_4, %broadcast_in_dim3A_3259 : vector<128x1xf32>
    %sub3A_3298 = arith.subf %slice3A_5, %broadcast_in_dim3A_3266 : vector<128x1xf32>
    %concatenate3A_3299 = tpu.concatenate %sub3A_3296, %sub3A_3297, %sub3A_3298, %broadcast_in_dim3A_3273, %dot_general3A_3287, %exp3A_3295, %broadcast_in_dim3A_3189 in 1 : vector<128x1xf32>, vector<128x1xf32>, vector<128x1xf32>, vector<128x1xf32>, vector<128x64xf32>, vector<128x32xf32>, vector<128x1xf32> -> vector<128x101xf32>
    %le3A_3300 = arith.constant 6.000000e+00 : f32
    %le3A_3301 = vector.broadcast %le3A_3300 : f32 to vector<128x1xf32>
    %le3A_3302 = arith.cmpf ole, %broadcast_in_dim3A_3189, %le3A_3301 : vector<128x1xf32>
    %jit3A_3303 = arith.constant 0.000000e+00 : f32
    %broadcast_in_dim3A_3304 = vector.shape_cast %le3A_3302 : vector<128x1xi1> to vector<128x1xi1>
    %broadcast_in_dim3A_3305 = vector.broadcast %broadcast_in_dim3A_3304 : vector<128x1xi1> to vector<128x101xi1>
    %broadcast_in_dim3A_3306 = vector.broadcast %jit3A_3303 : f32 to vector<128x101xf32>
    %select_n3A_3307 = arith.select %broadcast_in_dim3A_3305, %concatenate3A_3299, %broadcast_in_dim3A_3306 : vector<128x101xi1>, vector<128x101xf32>
    %swap3A_3308 = arith.constant 0 : index
    %swap3A_3309 = arith.constant 23 : index
    %swap3A_3310 = arith.constant 0 : index
    %swap3A_3311 = arith.constant 0 : index
    %swap3A_3312 = vector.load %arg7[%swap3A_3308, %swap3A_3309, %swap3A_3310, %swap3A_3311] : memref<1x32x128x101xf32, #tpu.memory_space<vmem>>, vector<1x1x128x101xf32>
    %swap3A_3313 = vector.shape_cast %swap3A_3312 : vector<1x1x128x101xf32> to vector<128x101xf32>
    %swap3A_3314 = vector.shape_cast %select_n3A_3307 : vector<128x101xf32> to vector<1x1x128x101xf32>
    tpu.vector_store %arg7[%swap3A_3308, %swap3A_3309, %swap3A_3310, %swap3A_3311], %swap3A_3314 {strides = array<i32>} : memref<1x32x128x101xf32, #tpu.memory_space<vmem>>, vector<1x1x128x101xf32>,
    %eq3A_3315 = arith.constant 23 : i32
    %eq3A_3316 = vector.broadcast %eq3A_3315 : i32 to vector<128x32xi32>
    %eq3A_3317 = arith.cmpi eq, %iota3A, %eq3A_3316 : vector<128x32xi32>
    %broadcast_in_dim3A_3318 = vector.shape_cast %broadcast_in_dim3A_3189 : vector<128x1xf32> to vector<128x1xf32>
    %broadcast_in_dim3A_3319 = vector.broadcast %broadcast_in_dim3A_3318 : vector<128x1xf32> to vector<128x32xf32>
    %select_n3A_3320 = arith.select %eq3A_3317, %broadcast_in_dim3A_3319, %select_n3A_3183 : vector<128x32xi1>, vector<128x32xf32>
    %broadcast_in_dim3A_3321 = vector.shape_cast %broadcast_in_dim3A_3197 : vector<128x1xi32> to vector<128x1xi32>
    %broadcast_in_dim3A_3322 = vector.broadcast %broadcast_in_dim3A_3321 : vector<128x1xi32> to vector<128x32xi32>
    %select_n3A_3323 = arith.select %eq3A_3317, %broadcast_in_dim3A_3322, %select_n3A_3186 : vector<128x32xi1>, vector<128x32xi32>
    %reduce_min3A_3324 = arith.constant dense<0x7F800000> : vector<128xf32>
    %reduce_min3A_3325 = vector.multi_reduction <minimumf>, %select_n3A_3202, %reduce_min3A_3324 [1] : vector<128x4096xf32> to vector<128xf32>
    %broadcast_in_dim3A_3326 = vector.shape_cast %reduce_min3A_3325 : vector<128xf32> to vector<128x1xf32>
    %eq3A_3327 = vector.broadcast %broadcast_in_dim3A_3326 : vector<128x1xf32> to vector<128x4096xf32>
    %eq3A_3328 = arith.cmpf oeq, %select_n3A_3202, %eq3A_3327 : vector<128x4096xf32>
    %jit3A_3329 = arith.constant 4096 : i32
    %broadcast_in_dim3A_3330 = vector.broadcast %jit3A_3329 : i32 to vector<128x4096xi32>
    %select_n3A_3331 = arith.select %eq3A_3328, %iota3A_49, %broadcast_in_dim3A_3330 : vector<128x4096xi1>, vector<128x4096xi32>
    %reduce_min3A_3332 = arith.constant dense<2147483647> : vector<128xi32>
    %reduce_min3A_3333 = vector.multi_reduction <minsi>, %select_n3A_3331, %reduce_min3A_3332 [1] : vector<128x4096xi32> to vector<128xi32>
    %broadcast_in_dim3A_3334 = vector.shape_cast %reduce_min3A_3333 : vector<128xi32> to vector<128x1xi32>
    %eq3A_3335 = vector.broadcast %broadcast_in_dim3A_3334 : vector<128x1xi32> to vector<128x4096xi32>
    %eq3A_3336 = arith.cmpi eq, %iota3A_49, %eq3A_3335 : vector<128x4096xi32>
    %jit3A_3337 = arith.constant 0x7F800000 : f32
    %broadcast_in_dim3A_3338 = vector.broadcast %jit3A_3337 : f32 to vector<128x4096xf32>
    %select_n3A_3339 = arith.select %eq3A_3336, %broadcast_in_dim3A_3338, %select_n3A_3202 : vector<128x4096xi1>, vector<128x4096xf32>
    %jit3A_3340 = arith.constant 32 : i32
    %div3A_3341 = vector.broadcast %jit3A_3340 : i32 to vector<128x1xi32>
    %div3A_3342 = arith.divsi %broadcast_in_dim3A_3334, %div3A_3341 : vector<128x1xi32>
    %sign3A_3343 = arith.constant 0 : i32
    %sign3A_3344 = vector.broadcast %sign3A_3343 : i32 to vector<128x1xi32>
    %sign3A_3345 = arith.cmpi sgt, %broadcast_in_dim3A_3334, %sign3A_3344 : vector<128x1xi32>
    %sign3A_3346 = arith.extui %sign3A_3345 : vector<128x1xi1> to vector<128x1xi32>
    %sign3A_3347 = arith.constant 0 : i32
    %sign3A_3348 = vector.broadcast %sign3A_3347 : i32 to vector<128x1xi32>
    %sign3A_3349 = arith.cmpi slt, %broadcast_in_dim3A_3334, %sign3A_3348 : vector<128x1xi32>
    %sign3A_3350 = arith.extui %sign3A_3349 : vector<128x1xi1> to vector<128x1xi32>
    %sign3A_3351 = arith.subi %sign3A_3346, %sign3A_3350 : vector<128x1xi32>
    %sign3A_3352 = arith.constant 0 : i32
    %sign3A_3353 = arith.cmpi sgt, %jit3A_3340, %sign3A_3352 : i32
    %sign3A_3354 = arith.extui %sign3A_3353 : i1 to i32
    %sign3A_3355 = arith.constant 0 : i32
    %sign3A_3356 = arith.cmpi slt, %jit3A_3340, %sign3A_3355 : i32
    %sign3A_3357 = arith.extui %sign3A_3356 : i1 to i32
    %sign3A_3358 = arith.subi %sign3A_3354, %sign3A_3357 : i32
    %ne3A_3359 = vector.broadcast %sign3A_3358 : i32 to vector<128x1xi32>
    %ne3A_3360 = arith.cmpi ne, %sign3A_3351, %ne3A_3359 : vector<128x1xi32>
    %rem3A_3361 = vector.broadcast %jit3A_3340 : i32 to vector<128x1xi32>
    %rem3A_3362 = arith.remsi %broadcast_in_dim3A_3334, %rem3A_3361 : vector<128x1xi32>
    %ne3A_3363 = arith.constant 0 : i32
    %ne3A_3364 = vector.broadcast %ne3A_3363 : i32 to vector<128x1xi32>
    %ne3A_3365 = arith.cmpi ne, %rem3A_3362, %ne3A_3364 : vector<128x1xi32>
    %and3A_3366 = arith.andi %ne3A_3360, %ne3A_3365 : vector<128x1xi1>
    %sub3A_3367 = arith.constant 1 : i32
    %sub3A_3368 = vector.broadcast %sub3A_3367 : i32 to vector<128x1xi32>
    %sub3A_3369 = arith.subi %div3A_3342, %sub3A_3368 : vector<128x1xi32>
    %select_n3A_3370 = arith.select %and3A_3366, %sub3A_3369, %div3A_3342 : vector<128x1xi1>, vector<128x1xi32>
    %mul3A_3371 = arith.constant 32 : i32
    %mul3A_3372 = vector.broadcast %mul3A_3371 : i32 to vector<128x1xi32>
    %mul3A_3373 = arith.muli %select_n3A_3370, %mul3A_3372 : vector<128x1xi32>
    %sub3A_3374 = arith.subi %broadcast_in_dim3A_3334, %mul3A_3373 : vector<128x1xi32>
    %eq3A_3375 = vector.broadcast %select_n3A_3370 : vector<128x1xi32> to vector<128x128xi32>
    %eq3A_3376 = arith.cmpi eq, %eq3A_3375, %iota3A_35 : vector<128x128xi32>
    %convert_element_type3A_3377 = arith.extui %eq3A_3376 : vector<128x128xi1> to vector<128x128xi32>
    %convert_element_type3A_3378 = arith.sitofp %convert_element_type3A_3377 : vector<128x128xi32> to vector<128x128xf32>
    %dot_general3A_3379 = arith.constant dense<0.000000e+00> : vector<128x160xf32>
    %dot_general3A_3380 = tpu.matmul %convert_element_type3A_3378, %get3A_42, %dot_general3A_3379 {dimension_numbers = #tpu.dot_dimension_numbers<[1], [0], [0], [1], [0, 0, 1, 1], [], []>, transpose_lhs_hint = false} : vector<128x128xf32>, vector<128x160xf32>, vector<128x160xf32> -> vector<128x160xf32>
    %eq3A_3381 = vector.broadcast %sub3A_3374 : vector<128x1xi32> to vector<128x32xi32>
    %eq3A_3382 = arith.cmpi eq, %eq3A_3381, %iota3A_36 : vector<128x32xi32>
    %slice3A_3383 = vector.extract_strided_slice %dot_general3A_3380 {offsets = [0, 0], sizes = [128, 32], strides = [1, 1]} : vector<128x160xf32> to vector<128x32xf32>
    %jit3A_3384 = arith.constant 0.000000e+00 : f32
    %broadcast_in_dim3A_3385 = vector.broadcast %jit3A_3384 : f32 to vector<128x32xf32>
    %select_n3A_3386 = arith.select %eq3A_3382, %slice3A_3383, %broadcast_in_dim3A_3385 : vector<128x32xi1>, vector<128x32xf32>
    %reduce_sum3A_3387 = arith.constant dense<0.000000e+00> : vector<128xf32>
    %reduce_sum3A_3388 = vector.multi_reduction <add>, %select_n3A_3386, %reduce_sum3A_3387 [1] : vector<128x32xf32> to vector<128xf32>
    %broadcast_in_dim3A_3389 = vector.shape_cast %reduce_sum3A_3388 : vector<128xf32> to vector<128x1xf32>
    %slice3A_3390 = vector.extract_strided_slice %dot_general3A_3380 {offsets = [0, 32], sizes = [128, 32], strides = [1, 1]} : vector<128x160xf32> to vector<128x32xf32>
    %jit3A_3391 = arith.constant 0.000000e+00 : f32
    %broadcast_in_dim3A_3392 = vector.broadcast %jit3A_3391 : f32 to vector<128x32xf32>
    %select_n3A_3393 = arith.select %eq3A_3382, %slice3A_3390, %broadcast_in_dim3A_3392 : vector<128x32xi1>, vector<128x32xf32>
    %reduce_sum3A_3394 = arith.constant dense<0.000000e+00> : vector<128xf32>
    %reduce_sum3A_3395 = vector.multi_reduction <add>, %select_n3A_3393, %reduce_sum3A_3394 [1] : vector<128x32xf32> to vector<128xf32>
    %broadcast_in_dim3A_3396 = vector.shape_cast %reduce_sum3A_3395 : vector<128xf32> to vector<128x1xf32>
    %slice3A_3397 = vector.extract_strided_slice %dot_general3A_3380 {offsets = [0, 64], sizes = [128, 32], strides = [1, 1]} : vector<128x160xf32> to vector<128x32xf32>
    %jit3A_3398 = arith.constant 0.000000e+00 : f32
    %broadcast_in_dim3A_3399 = vector.broadcast %jit3A_3398 : f32 to vector<128x32xf32>
    %select_n3A_3400 = arith.select %eq3A_3382, %slice3A_3397, %broadcast_in_dim3A_3399 : vector<128x32xi1>, vector<128x32xf32>
    %reduce_sum3A_3401 = arith.constant dense<0.000000e+00> : vector<128xf32>
    %reduce_sum3A_3402 = vector.multi_reduction <add>, %select_n3A_3400, %reduce_sum3A_3401 [1] : vector<128x32xf32> to vector<128xf32>
    %broadcast_in_dim3A_3403 = vector.shape_cast %reduce_sum3A_3402 : vector<128xf32> to vector<128x1xf32>
    %slice3A_3404 = vector.extract_strided_slice %dot_general3A_3380 {offsets = [0, 96], sizes = [128, 32], strides = [1, 1]} : vector<128x160xf32> to vector<128x32xf32>
    %jit3A_3405 = arith.constant 0.000000e+00 : f32
    %broadcast_in_dim3A_3406 = vector.broadcast %jit3A_3405 : f32 to vector<128x32xf32>
    %select_n3A_3407 = arith.select %eq3A_3382, %slice3A_3404, %broadcast_in_dim3A_3406 : vector<128x32xi1>, vector<128x32xf32>
    %reduce_sum3A_3408 = arith.constant dense<0.000000e+00> : vector<128xf32>
    %reduce_sum3A_3409 = vector.multi_reduction <add>, %select_n3A_3407, %reduce_sum3A_3408 [1] : vector<128x32xf32> to vector<128xf32>
    %broadcast_in_dim3A_3410 = vector.shape_cast %reduce_sum3A_3409 : vector<128xf32> to vector<128x1xf32>
    %slice3A_3411 = vector.extract_strided_slice %dot_general3A_3380 {offsets = [0, 128], sizes = [128, 32], strides = [1, 1]} : vector<128x160xf32> to vector<128x32xf32>
    %jit3A_3412 = arith.constant 0.000000e+00 : f32
    %broadcast_in_dim3A_3413 = vector.broadcast %jit3A_3412 : f32 to vector<128x32xf32>
    %select_n3A_3414 = arith.select %eq3A_3382, %slice3A_3411, %broadcast_in_dim3A_3413 : vector<128x32xi1>, vector<128x32xf32>
    %reduce_sum3A_3415 = arith.constant dense<0.000000e+00> : vector<128xf32>
    %reduce_sum3A_3416 = vector.multi_reduction <add>, %select_n3A_3414, %reduce_sum3A_3415 [1] : vector<128x32xf32> to vector<128xf32>
    %broadcast_in_dim3A_3417 = vector.shape_cast %reduce_sum3A_3416 : vector<128xf32> to vector<128x1xf32>
    %convert_element_type3A_3418 = arith.fptosi %broadcast_in_dim3A_3417 : vector<128x1xf32> to vector<128x1xi32>
    %eq3A_3419 = vector.broadcast %convert_element_type3A_3418 : vector<128x1xi32> to vector<128x128xi32>
    %eq3A_3420 = arith.cmpi eq, %eq3A_3419, %iota3A_37 : vector<128x128xi32>
    %convert_element_type3A_3421 = arith.extui %eq3A_3420 : vector<128x128xi1> to vector<128x128xi32>
    %convert_element_type3A_3422 = arith.sitofp %convert_element_type3A_3421 : vector<128x128xi32> to vector<128x128xf32>
    %dot_general3A_3423 = arith.constant dense<0.000000e+00> : vector<128x64xf32>
    %dot_general3A_3424 = tpu.matmul %convert_element_type3A_3422, %get3A_45, %dot_general3A_3423 {dimension_numbers = #tpu.dot_dimension_numbers<[1], [0], [0], [1], [0, 0, 1, 1], [], []>, transpose_lhs_hint = false} : vector<128x128xf32>, vector<128x64xf32>, vector<128x64xf32> -> vector<128x64xf32>
    %sub3A_3425 = vector.broadcast %broadcast_in_dim3A_3326 : vector<128x1xf32> to vector<128x32xf32>
    %sub3A_3426 = vector.broadcast %get3A_48 : vector<1x32xf32> to vector<128x32xf32>
    %sub3A_3427 = arith.subf %sub3A_3425, %sub3A_3426 : vector<128x32xf32>
    %integer_pow3A_3428 = arith.mulf %sub3A_3427, %sub3A_3427 : vector<128x32xf32>
    %mul3A_3429 = arith.constant -28.4444447 : f32
    %mul3A_3430 = vector.broadcast %mul3A_3429 : f32 to vector<128x32xf32>
    %mul3A_3431 = arith.mulf %mul3A_3430, %integer_pow3A_3428 : vector<128x32xf32>
    %exp3A_3432 = math.exp %mul3A_3431 : vector<128x32xf32>
    %sub3A_3433 = arith.subf %slice3A, %broadcast_in_dim3A_3389 : vector<128x1xf32>
    %sub3A_3434 = arith.subf %slice3A_4, %broadcast_in_dim3A_3396 : vector<128x1xf32>
    %sub3A_3435 = arith.subf %slice3A_5, %broadcast_in_dim3A_3403 : vector<128x1xf32>
    %concatenate3A_3436 = tpu.concatenate %sub3A_3433, %sub3A_3434, %sub3A_3435, %broadcast_in_dim3A_3410, %dot_general3A_3424, %exp3A_3432, %broadcast_in_dim3A_3326 in 1 : vector<128x1xf32>, vector<128x1xf32>, vector<128x1xf32>, vector<128x1xf32>, vector<128x64xf32>, vector<128x32xf32>, vector<128x1xf32> -> vector<128x101xf32>
    %le3A_3437 = arith.constant 6.000000e+00 : f32
    %le3A_3438 = vector.broadcast %le3A_3437 : f32 to vector<128x1xf32>
    %le3A_3439 = arith.cmpf ole, %broadcast_in_dim3A_3326, %le3A_3438 : vector<128x1xf32>
    %jit3A_3440 = arith.constant 0.000000e+00 : f32
    %broadcast_in_dim3A_3441 = vector.shape_cast %le3A_3439 : vector<128x1xi1> to vector<128x1xi1>
    %broadcast_in_dim3A_3442 = vector.broadcast %broadcast_in_dim3A_3441 : vector<128x1xi1> to vector<128x101xi1>
    %broadcast_in_dim3A_3443 = vector.broadcast %jit3A_3440 : f32 to vector<128x101xf32>
    %select_n3A_3444 = arith.select %broadcast_in_dim3A_3442, %concatenate3A_3436, %broadcast_in_dim3A_3443 : vector<128x101xi1>, vector<128x101xf32>
    %swap3A_3445 = arith.constant 0 : index
    %swap3A_3446 = arith.constant 24 : index
    %swap3A_3447 = arith.constant 0 : index
    %swap3A_3448 = arith.constant 0 : index
    %swap3A_3449 = vector.load %arg7[%swap3A_3445, %swap3A_3446, %swap3A_3447, %swap3A_3448] : memref<1x32x128x101xf32, #tpu.memory_space<vmem>>, vector<1x1x128x101xf32>
    %swap3A_3450 = vector.shape_cast %swap3A_3449 : vector<1x1x128x101xf32> to vector<128x101xf32>
    %swap3A_3451 = vector.shape_cast %select_n3A_3444 : vector<128x101xf32> to vector<1x1x128x101xf32>
    tpu.vector_store %arg7[%swap3A_3445, %swap3A_3446, %swap3A_3447, %swap3A_3448], %swap3A_3451 {strides = array<i32>} : memref<1x32x128x101xf32, #tpu.memory_space<vmem>>, vector<1x1x128x101xf32>,
    %eq3A_3452 = arith.constant 24 : i32
    %eq3A_3453 = vector.broadcast %eq3A_3452 : i32 to vector<128x32xi32>
    %eq3A_3454 = arith.cmpi eq, %iota3A, %eq3A_3453 : vector<128x32xi32>
    %broadcast_in_dim3A_3455 = vector.shape_cast %broadcast_in_dim3A_3326 : vector<128x1xf32> to vector<128x1xf32>
    %broadcast_in_dim3A_3456 = vector.broadcast %broadcast_in_dim3A_3455 : vector<128x1xf32> to vector<128x32xf32>
    %select_n3A_3457 = arith.select %eq3A_3454, %broadcast_in_dim3A_3456, %select_n3A_3320 : vector<128x32xi1>, vector<128x32xf32>
    %broadcast_in_dim3A_3458 = vector.shape_cast %broadcast_in_dim3A_3334 : vector<128x1xi32> to vector<128x1xi32>
    %broadcast_in_dim3A_3459 = vector.broadcast %broadcast_in_dim3A_3458 : vector<128x1xi32> to vector<128x32xi32>
    %select_n3A_3460 = arith.select %eq3A_3454, %broadcast_in_dim3A_3459, %select_n3A_3323 : vector<128x32xi1>, vector<128x32xi32>
    %reduce_min3A_3461 = arith.constant dense<0x7F800000> : vector<128xf32>
    %reduce_min3A_3462 = vector.multi_reduction <minimumf>, %select_n3A_3339, %reduce_min3A_3461 [1] : vector<128x4096xf32> to vector<128xf32>
    %broadcast_in_dim3A_3463 = vector.shape_cast %reduce_min3A_3462 : vector<128xf32> to vector<128x1xf32>
    %eq3A_3464 = vector.broadcast %broadcast_in_dim3A_3463 : vector<128x1xf32> to vector<128x4096xf32>
    %eq3A_3465 = arith.cmpf oeq, %select_n3A_3339, %eq3A_3464 : vector<128x4096xf32>
    %jit3A_3466 = arith.constant 4096 : i32
    %broadcast_in_dim3A_3467 = vector.broadcast %jit3A_3466 : i32 to vector<128x4096xi32>
    %select_n3A_3468 = arith.select %eq3A_3465, %iota3A_49, %broadcast_in_dim3A_3467 : vector<128x4096xi1>, vector<128x4096xi32>
    %reduce_min3A_3469 = arith.constant dense<2147483647> : vector<128xi32>
    %reduce_min3A_3470 = vector.multi_reduction <minsi>, %select_n3A_3468, %reduce_min3A_3469 [1] : vector<128x4096xi32> to vector<128xi32>
    %broadcast_in_dim3A_3471 = vector.shape_cast %reduce_min3A_3470 : vector<128xi32> to vector<128x1xi32>
    %eq3A_3472 = vector.broadcast %broadcast_in_dim3A_3471 : vector<128x1xi32> to vector<128x4096xi32>
    %eq3A_3473 = arith.cmpi eq, %iota3A_49, %eq3A_3472 : vector<128x4096xi32>
    %jit3A_3474 = arith.constant 0x7F800000 : f32
    %broadcast_in_dim3A_3475 = vector.broadcast %jit3A_3474 : f32 to vector<128x4096xf32>
    %select_n3A_3476 = arith.select %eq3A_3473, %broadcast_in_dim3A_3475, %select_n3A_3339 : vector<128x4096xi1>, vector<128x4096xf32>
    %jit3A_3477 = arith.constant 32 : i32
    %div3A_3478 = vector.broadcast %jit3A_3477 : i32 to vector<128x1xi32>
    %div3A_3479 = arith.divsi %broadcast_in_dim3A_3471, %div3A_3478 : vector<128x1xi32>
    %sign3A_3480 = arith.constant 0 : i32
    %sign3A_3481 = vector.broadcast %sign3A_3480 : i32 to vector<128x1xi32>
    %sign3A_3482 = arith.cmpi sgt, %broadcast_in_dim3A_3471, %sign3A_3481 : vector<128x1xi32>
    %sign3A_3483 = arith.extui %sign3A_3482 : vector<128x1xi1> to vector<128x1xi32>
    %sign3A_3484 = arith.constant 0 : i32
    %sign3A_3485 = vector.broadcast %sign3A_3484 : i32 to vector<128x1xi32>
    %sign3A_3486 = arith.cmpi slt, %broadcast_in_dim3A_3471, %sign3A_3485 : vector<128x1xi32>
    %sign3A_3487 = arith.extui %sign3A_3486 : vector<128x1xi1> to vector<128x1xi32>
    %sign3A_3488 = arith.subi %sign3A_3483, %sign3A_3487 : vector<128x1xi32>
    %sign3A_3489 = arith.constant 0 : i32
    %sign3A_3490 = arith.cmpi sgt, %jit3A_3477, %sign3A_3489 : i32
    %sign3A_3491 = arith.extui %sign3A_3490 : i1 to i32
    %sign3A_3492 = arith.constant 0 : i32
    %sign3A_3493 = arith.cmpi slt, %jit3A_3477, %sign3A_3492 : i32
    %sign3A_3494 = arith.extui %sign3A_3493 : i1 to i32
    %sign3A_3495 = arith.subi %sign3A_3491, %sign3A_3494 : i32
    %ne3A_3496 = vector.broadcast %sign3A_3495 : i32 to vector<128x1xi32>
    %ne3A_3497 = arith.cmpi ne, %sign3A_3488, %ne3A_3496 : vector<128x1xi32>
    %rem3A_3498 = vector.broadcast %jit3A_3477 : i32 to vector<128x1xi32>
    %rem3A_3499 = arith.remsi %broadcast_in_dim3A_3471, %rem3A_3498 : vector<128x1xi32>
    %ne3A_3500 = arith.constant 0 : i32
    %ne3A_3501 = vector.broadcast %ne3A_3500 : i32 to vector<128x1xi32>
    %ne3A_3502 = arith.cmpi ne, %rem3A_3499, %ne3A_3501 : vector<128x1xi32>
    %and3A_3503 = arith.andi %ne3A_3497, %ne3A_3502 : vector<128x1xi1>
    %sub3A_3504 = arith.constant 1 : i32
    %sub3A_3505 = vector.broadcast %sub3A_3504 : i32 to vector<128x1xi32>
    %sub3A_3506 = arith.subi %div3A_3479, %sub3A_3505 : vector<128x1xi32>
    %select_n3A_3507 = arith.select %and3A_3503, %sub3A_3506, %div3A_3479 : vector<128x1xi1>, vector<128x1xi32>
    %mul3A_3508 = arith.constant 32 : i32
    %mul3A_3509 = vector.broadcast %mul3A_3508 : i32 to vector<128x1xi32>
    %mul3A_3510 = arith.muli %select_n3A_3507, %mul3A_3509 : vector<128x1xi32>
    %sub3A_3511 = arith.subi %broadcast_in_dim3A_3471, %mul3A_3510 : vector<128x1xi32>
    %eq3A_3512 = vector.broadcast %select_n3A_3507 : vector<128x1xi32> to vector<128x128xi32>
    %eq3A_3513 = arith.cmpi eq, %eq3A_3512, %iota3A_35 : vector<128x128xi32>
    %convert_element_type3A_3514 = arith.extui %eq3A_3513 : vector<128x128xi1> to vector<128x128xi32>
    %convert_element_type3A_3515 = arith.sitofp %convert_element_type3A_3514 : vector<128x128xi32> to vector<128x128xf32>
    %dot_general3A_3516 = arith.constant dense<0.000000e+00> : vector<128x160xf32>
    %dot_general3A_3517 = tpu.matmul %convert_element_type3A_3515, %get3A_42, %dot_general3A_3516 {dimension_numbers = #tpu.dot_dimension_numbers<[1], [0], [0], [1], [0, 0, 1, 1], [], []>, transpose_lhs_hint = false} : vector<128x128xf32>, vector<128x160xf32>, vector<128x160xf32> -> vector<128x160xf32>
    %eq3A_3518 = vector.broadcast %sub3A_3511 : vector<128x1xi32> to vector<128x32xi32>
    %eq3A_3519 = arith.cmpi eq, %eq3A_3518, %iota3A_36 : vector<128x32xi32>
    %slice3A_3520 = vector.extract_strided_slice %dot_general3A_3517 {offsets = [0, 0], sizes = [128, 32], strides = [1, 1]} : vector<128x160xf32> to vector<128x32xf32>
    %jit3A_3521 = arith.constant 0.000000e+00 : f32
    %broadcast_in_dim3A_3522 = vector.broadcast %jit3A_3521 : f32 to vector<128x32xf32>
    %select_n3A_3523 = arith.select %eq3A_3519, %slice3A_3520, %broadcast_in_dim3A_3522 : vector<128x32xi1>, vector<128x32xf32>
    %reduce_sum3A_3524 = arith.constant dense<0.000000e+00> : vector<128xf32>
    %reduce_sum3A_3525 = vector.multi_reduction <add>, %select_n3A_3523, %reduce_sum3A_3524 [1] : vector<128x32xf32> to vector<128xf32>
    %broadcast_in_dim3A_3526 = vector.shape_cast %reduce_sum3A_3525 : vector<128xf32> to vector<128x1xf32>
    %slice3A_3527 = vector.extract_strided_slice %dot_general3A_3517 {offsets = [0, 32], sizes = [128, 32], strides = [1, 1]} : vector<128x160xf32> to vector<128x32xf32>
    %jit3A_3528 = arith.constant 0.000000e+00 : f32
    %broadcast_in_dim3A_3529 = vector.broadcast %jit3A_3528 : f32 to vector<128x32xf32>
    %select_n3A_3530 = arith.select %eq3A_3519, %slice3A_3527, %broadcast_in_dim3A_3529 : vector<128x32xi1>, vector<128x32xf32>
    %reduce_sum3A_3531 = arith.constant dense<0.000000e+00> : vector<128xf32>
    %reduce_sum3A_3532 = vector.multi_reduction <add>, %select_n3A_3530, %reduce_sum3A_3531 [1] : vector<128x32xf32> to vector<128xf32>
    %broadcast_in_dim3A_3533 = vector.shape_cast %reduce_sum3A_3532 : vector<128xf32> to vector<128x1xf32>
    %slice3A_3534 = vector.extract_strided_slice %dot_general3A_3517 {offsets = [0, 64], sizes = [128, 32], strides = [1, 1]} : vector<128x160xf32> to vector<128x32xf32>
    %jit3A_3535 = arith.constant 0.000000e+00 : f32
    %broadcast_in_dim3A_3536 = vector.broadcast %jit3A_3535 : f32 to vector<128x32xf32>
    %select_n3A_3537 = arith.select %eq3A_3519, %slice3A_3534, %broadcast_in_dim3A_3536 : vector<128x32xi1>, vector<128x32xf32>
    %reduce_sum3A_3538 = arith.constant dense<0.000000e+00> : vector<128xf32>
    %reduce_sum3A_3539 = vector.multi_reduction <add>, %select_n3A_3537, %reduce_sum3A_3538 [1] : vector<128x32xf32> to vector<128xf32>
    %broadcast_in_dim3A_3540 = vector.shape_cast %reduce_sum3A_3539 : vector<128xf32> to vector<128x1xf32>
    %slice3A_3541 = vector.extract_strided_slice %dot_general3A_3517 {offsets = [0, 96], sizes = [128, 32], strides = [1, 1]} : vector<128x160xf32> to vector<128x32xf32>
    %jit3A_3542 = arith.constant 0.000000e+00 : f32
    %broadcast_in_dim3A_3543 = vector.broadcast %jit3A_3542 : f32 to vector<128x32xf32>
    %select_n3A_3544 = arith.select %eq3A_3519, %slice3A_3541, %broadcast_in_dim3A_3543 : vector<128x32xi1>, vector<128x32xf32>
    %reduce_sum3A_3545 = arith.constant dense<0.000000e+00> : vector<128xf32>
    %reduce_sum3A_3546 = vector.multi_reduction <add>, %select_n3A_3544, %reduce_sum3A_3545 [1] : vector<128x32xf32> to vector<128xf32>
    %broadcast_in_dim3A_3547 = vector.shape_cast %reduce_sum3A_3546 : vector<128xf32> to vector<128x1xf32>
    %slice3A_3548 = vector.extract_strided_slice %dot_general3A_3517 {offsets = [0, 128], sizes = [128, 32], strides = [1, 1]} : vector<128x160xf32> to vector<128x32xf32>
    %jit3A_3549 = arith.constant 0.000000e+00 : f32
    %broadcast_in_dim3A_3550 = vector.broadcast %jit3A_3549 : f32 to vector<128x32xf32>
    %select_n3A_3551 = arith.select %eq3A_3519, %slice3A_3548, %broadcast_in_dim3A_3550 : vector<128x32xi1>, vector<128x32xf32>
    %reduce_sum3A_3552 = arith.constant dense<0.000000e+00> : vector<128xf32>
    %reduce_sum3A_3553 = vector.multi_reduction <add>, %select_n3A_3551, %reduce_sum3A_3552 [1] : vector<128x32xf32> to vector<128xf32>
    %broadcast_in_dim3A_3554 = vector.shape_cast %reduce_sum3A_3553 : vector<128xf32> to vector<128x1xf32>
    %convert_element_type3A_3555 = arith.fptosi %broadcast_in_dim3A_3554 : vector<128x1xf32> to vector<128x1xi32>
    %eq3A_3556 = vector.broadcast %convert_element_type3A_3555 : vector<128x1xi32> to vector<128x128xi32>
    %eq3A_3557 = arith.cmpi eq, %eq3A_3556, %iota3A_37 : vector<128x128xi32>
    %convert_element_type3A_3558 = arith.extui %eq3A_3557 : vector<128x128xi1> to vector<128x128xi32>
    %convert_element_type3A_3559 = arith.sitofp %convert_element_type3A_3558 : vector<128x128xi32> to vector<128x128xf32>
    %dot_general3A_3560 = arith.constant dense<0.000000e+00> : vector<128x64xf32>
    %dot_general3A_3561 = tpu.matmul %convert_element_type3A_3559, %get3A_45, %dot_general3A_3560 {dimension_numbers = #tpu.dot_dimension_numbers<[1], [0], [0], [1], [0, 0, 1, 1], [], []>, transpose_lhs_hint = false} : vector<128x128xf32>, vector<128x64xf32>, vector<128x64xf32> -> vector<128x64xf32>
    %sub3A_3562 = vector.broadcast %broadcast_in_dim3A_3463 : vector<128x1xf32> to vector<128x32xf32>
    %sub3A_3563 = vector.broadcast %get3A_48 : vector<1x32xf32> to vector<128x32xf32>
    %sub3A_3564 = arith.subf %sub3A_3562, %sub3A_3563 : vector<128x32xf32>
    %integer_pow3A_3565 = arith.mulf %sub3A_3564, %sub3A_3564 : vector<128x32xf32>
    %mul3A_3566 = arith.constant -28.4444447 : f32
    %mul3A_3567 = vector.broadcast %mul3A_3566 : f32 to vector<128x32xf32>
    %mul3A_3568 = arith.mulf %mul3A_3567, %integer_pow3A_3565 : vector<128x32xf32>
    %exp3A_3569 = math.exp %mul3A_3568 : vector<128x32xf32>
    %sub3A_3570 = arith.subf %slice3A, %broadcast_in_dim3A_3526 : vector<128x1xf32>
    %sub3A_3571 = arith.subf %slice3A_4, %broadcast_in_dim3A_3533 : vector<128x1xf32>
    %sub3A_3572 = arith.subf %slice3A_5, %broadcast_in_dim3A_3540 : vector<128x1xf32>
    %concatenate3A_3573 = tpu.concatenate %sub3A_3570, %sub3A_3571, %sub3A_3572, %broadcast_in_dim3A_3547, %dot_general3A_3561, %exp3A_3569, %broadcast_in_dim3A_3463 in 1 : vector<128x1xf32>, vector<128x1xf32>, vector<128x1xf32>, vector<128x1xf32>, vector<128x64xf32>, vector<128x32xf32>, vector<128x1xf32> -> vector<128x101xf32>
    %le3A_3574 = arith.constant 6.000000e+00 : f32
    %le3A_3575 = vector.broadcast %le3A_3574 : f32 to vector<128x1xf32>
    %le3A_3576 = arith.cmpf ole, %broadcast_in_dim3A_3463, %le3A_3575 : vector<128x1xf32>
    %jit3A_3577 = arith.constant 0.000000e+00 : f32
    %broadcast_in_dim3A_3578 = vector.shape_cast %le3A_3576 : vector<128x1xi1> to vector<128x1xi1>
    %broadcast_in_dim3A_3579 = vector.broadcast %broadcast_in_dim3A_3578 : vector<128x1xi1> to vector<128x101xi1>
    %broadcast_in_dim3A_3580 = vector.broadcast %jit3A_3577 : f32 to vector<128x101xf32>
    %select_n3A_3581 = arith.select %broadcast_in_dim3A_3579, %concatenate3A_3573, %broadcast_in_dim3A_3580 : vector<128x101xi1>, vector<128x101xf32>
    %swap3A_3582 = arith.constant 0 : index
    %swap3A_3583 = arith.constant 25 : index
    %swap3A_3584 = arith.constant 0 : index
    %swap3A_3585 = arith.constant 0 : index
    %swap3A_3586 = vector.load %arg7[%swap3A_3582, %swap3A_3583, %swap3A_3584, %swap3A_3585] : memref<1x32x128x101xf32, #tpu.memory_space<vmem>>, vector<1x1x128x101xf32>
    %swap3A_3587 = vector.shape_cast %swap3A_3586 : vector<1x1x128x101xf32> to vector<128x101xf32>
    %swap3A_3588 = vector.shape_cast %select_n3A_3581 : vector<128x101xf32> to vector<1x1x128x101xf32>
    tpu.vector_store %arg7[%swap3A_3582, %swap3A_3583, %swap3A_3584, %swap3A_3585], %swap3A_3588 {strides = array<i32>} : memref<1x32x128x101xf32, #tpu.memory_space<vmem>>, vector<1x1x128x101xf32>,
    %eq3A_3589 = arith.constant 25 : i32
    %eq3A_3590 = vector.broadcast %eq3A_3589 : i32 to vector<128x32xi32>
    %eq3A_3591 = arith.cmpi eq, %iota3A, %eq3A_3590 : vector<128x32xi32>
    %broadcast_in_dim3A_3592 = vector.shape_cast %broadcast_in_dim3A_3463 : vector<128x1xf32> to vector<128x1xf32>
    %broadcast_in_dim3A_3593 = vector.broadcast %broadcast_in_dim3A_3592 : vector<128x1xf32> to vector<128x32xf32>
    %select_n3A_3594 = arith.select %eq3A_3591, %broadcast_in_dim3A_3593, %select_n3A_3457 : vector<128x32xi1>, vector<128x32xf32>
    %broadcast_in_dim3A_3595 = vector.shape_cast %broadcast_in_dim3A_3471 : vector<128x1xi32> to vector<128x1xi32>
    %broadcast_in_dim3A_3596 = vector.broadcast %broadcast_in_dim3A_3595 : vector<128x1xi32> to vector<128x32xi32>
    %select_n3A_3597 = arith.select %eq3A_3591, %broadcast_in_dim3A_3596, %select_n3A_3460 : vector<128x32xi1>, vector<128x32xi32>
    %reduce_min3A_3598 = arith.constant dense<0x7F800000> : vector<128xf32>
    %reduce_min3A_3599 = vector.multi_reduction <minimumf>, %select_n3A_3476, %reduce_min3A_3598 [1] : vector<128x4096xf32> to vector<128xf32>
    %broadcast_in_dim3A_3600 = vector.shape_cast %reduce_min3A_3599 : vector<128xf32> to vector<128x1xf32>
    %eq3A_3601 = vector.broadcast %broadcast_in_dim3A_3600 : vector<128x1xf32> to vector<128x4096xf32>
    %eq3A_3602 = arith.cmpf oeq, %select_n3A_3476, %eq3A_3601 : vector<128x4096xf32>
    %jit3A_3603 = arith.constant 4096 : i32
    %broadcast_in_dim3A_3604 = vector.broadcast %jit3A_3603 : i32 to vector<128x4096xi32>
    %select_n3A_3605 = arith.select %eq3A_3602, %iota3A_49, %broadcast_in_dim3A_3604 : vector<128x4096xi1>, vector<128x4096xi32>
    %reduce_min3A_3606 = arith.constant dense<2147483647> : vector<128xi32>
    %reduce_min3A_3607 = vector.multi_reduction <minsi>, %select_n3A_3605, %reduce_min3A_3606 [1] : vector<128x4096xi32> to vector<128xi32>
    %broadcast_in_dim3A_3608 = vector.shape_cast %reduce_min3A_3607 : vector<128xi32> to vector<128x1xi32>
    %eq3A_3609 = vector.broadcast %broadcast_in_dim3A_3608 : vector<128x1xi32> to vector<128x4096xi32>
    %eq3A_3610 = arith.cmpi eq, %iota3A_49, %eq3A_3609 : vector<128x4096xi32>
    %jit3A_3611 = arith.constant 0x7F800000 : f32
    %broadcast_in_dim3A_3612 = vector.broadcast %jit3A_3611 : f32 to vector<128x4096xf32>
    %select_n3A_3613 = arith.select %eq3A_3610, %broadcast_in_dim3A_3612, %select_n3A_3476 : vector<128x4096xi1>, vector<128x4096xf32>
    %jit3A_3614 = arith.constant 32 : i32
    %div3A_3615 = vector.broadcast %jit3A_3614 : i32 to vector<128x1xi32>
    %div3A_3616 = arith.divsi %broadcast_in_dim3A_3608, %div3A_3615 : vector<128x1xi32>
    %sign3A_3617 = arith.constant 0 : i32
    %sign3A_3618 = vector.broadcast %sign3A_3617 : i32 to vector<128x1xi32>
    %sign3A_3619 = arith.cmpi sgt, %broadcast_in_dim3A_3608, %sign3A_3618 : vector<128x1xi32>
    %sign3A_3620 = arith.extui %sign3A_3619 : vector<128x1xi1> to vector<128x1xi32>
    %sign3A_3621 = arith.constant 0 : i32
    %sign3A_3622 = vector.broadcast %sign3A_3621 : i32 to vector<128x1xi32>
    %sign3A_3623 = arith.cmpi slt, %broadcast_in_dim3A_3608, %sign3A_3622 : vector<128x1xi32>
    %sign3A_3624 = arith.extui %sign3A_3623 : vector<128x1xi1> to vector<128x1xi32>
    %sign3A_3625 = arith.subi %sign3A_3620, %sign3A_3624 : vector<128x1xi32>
    %sign3A_3626 = arith.constant 0 : i32
    %sign3A_3627 = arith.cmpi sgt, %jit3A_3614, %sign3A_3626 : i32
    %sign3A_3628 = arith.extui %sign3A_3627 : i1 to i32
    %sign3A_3629 = arith.constant 0 : i32
    %sign3A_3630 = arith.cmpi slt, %jit3A_3614, %sign3A_3629 : i32
    %sign3A_3631 = arith.extui %sign3A_3630 : i1 to i32
    %sign3A_3632 = arith.subi %sign3A_3628, %sign3A_3631 : i32
    %ne3A_3633 = vector.broadcast %sign3A_3632 : i32 to vector<128x1xi32>
    %ne3A_3634 = arith.cmpi ne, %sign3A_3625, %ne3A_3633 : vector<128x1xi32>
    %rem3A_3635 = vector.broadcast %jit3A_3614 : i32 to vector<128x1xi32>
    %rem3A_3636 = arith.remsi %broadcast_in_dim3A_3608, %rem3A_3635 : vector<128x1xi32>
    %ne3A_3637 = arith.constant 0 : i32
    %ne3A_3638 = vector.broadcast %ne3A_3637 : i32 to vector<128x1xi32>
    %ne3A_3639 = arith.cmpi ne, %rem3A_3636, %ne3A_3638 : vector<128x1xi32>
    %and3A_3640 = arith.andi %ne3A_3634, %ne3A_3639 : vector<128x1xi1>
    %sub3A_3641 = arith.constant 1 : i32
    %sub3A_3642 = vector.broadcast %sub3A_3641 : i32 to vector<128x1xi32>
    %sub3A_3643 = arith.subi %div3A_3616, %sub3A_3642 : vector<128x1xi32>
    %select_n3A_3644 = arith.select %and3A_3640, %sub3A_3643, %div3A_3616 : vector<128x1xi1>, vector<128x1xi32>
    %mul3A_3645 = arith.constant 32 : i32
    %mul3A_3646 = vector.broadcast %mul3A_3645 : i32 to vector<128x1xi32>
    %mul3A_3647 = arith.muli %select_n3A_3644, %mul3A_3646 : vector<128x1xi32>
    %sub3A_3648 = arith.subi %broadcast_in_dim3A_3608, %mul3A_3647 : vector<128x1xi32>
    %eq3A_3649 = vector.broadcast %select_n3A_3644 : vector<128x1xi32> to vector<128x128xi32>
    %eq3A_3650 = arith.cmpi eq, %eq3A_3649, %iota3A_35 : vector<128x128xi32>
    %convert_element_type3A_3651 = arith.extui %eq3A_3650 : vector<128x128xi1> to vector<128x128xi32>
    %convert_element_type3A_3652 = arith.sitofp %convert_element_type3A_3651 : vector<128x128xi32> to vector<128x128xf32>
    %dot_general3A_3653 = arith.constant dense<0.000000e+00> : vector<128x160xf32>
    %dot_general3A_3654 = tpu.matmul %convert_element_type3A_3652, %get3A_42, %dot_general3A_3653 {dimension_numbers = #tpu.dot_dimension_numbers<[1], [0], [0], [1], [0, 0, 1, 1], [], []>, transpose_lhs_hint = false} : vector<128x128xf32>, vector<128x160xf32>, vector<128x160xf32> -> vector<128x160xf32>
    %eq3A_3655 = vector.broadcast %sub3A_3648 : vector<128x1xi32> to vector<128x32xi32>
    %eq3A_3656 = arith.cmpi eq, %eq3A_3655, %iota3A_36 : vector<128x32xi32>
    %slice3A_3657 = vector.extract_strided_slice %dot_general3A_3654 {offsets = [0, 0], sizes = [128, 32], strides = [1, 1]} : vector<128x160xf32> to vector<128x32xf32>
    %jit3A_3658 = arith.constant 0.000000e+00 : f32
    %broadcast_in_dim3A_3659 = vector.broadcast %jit3A_3658 : f32 to vector<128x32xf32>
    %select_n3A_3660 = arith.select %eq3A_3656, %slice3A_3657, %broadcast_in_dim3A_3659 : vector<128x32xi1>, vector<128x32xf32>
    %reduce_sum3A_3661 = arith.constant dense<0.000000e+00> : vector<128xf32>
    %reduce_sum3A_3662 = vector.multi_reduction <add>, %select_n3A_3660, %reduce_sum3A_3661 [1] : vector<128x32xf32> to vector<128xf32>
    %broadcast_in_dim3A_3663 = vector.shape_cast %reduce_sum3A_3662 : vector<128xf32> to vector<128x1xf32>
    %slice3A_3664 = vector.extract_strided_slice %dot_general3A_3654 {offsets = [0, 32], sizes = [128, 32], strides = [1, 1]} : vector<128x160xf32> to vector<128x32xf32>
    %jit3A_3665 = arith.constant 0.000000e+00 : f32
    %broadcast_in_dim3A_3666 = vector.broadcast %jit3A_3665 : f32 to vector<128x32xf32>
    %select_n3A_3667 = arith.select %eq3A_3656, %slice3A_3664, %broadcast_in_dim3A_3666 : vector<128x32xi1>, vector<128x32xf32>
    %reduce_sum3A_3668 = arith.constant dense<0.000000e+00> : vector<128xf32>
    %reduce_sum3A_3669 = vector.multi_reduction <add>, %select_n3A_3667, %reduce_sum3A_3668 [1] : vector<128x32xf32> to vector<128xf32>
    %broadcast_in_dim3A_3670 = vector.shape_cast %reduce_sum3A_3669 : vector<128xf32> to vector<128x1xf32>
    %slice3A_3671 = vector.extract_strided_slice %dot_general3A_3654 {offsets = [0, 64], sizes = [128, 32], strides = [1, 1]} : vector<128x160xf32> to vector<128x32xf32>
    %jit3A_3672 = arith.constant 0.000000e+00 : f32
    %broadcast_in_dim3A_3673 = vector.broadcast %jit3A_3672 : f32 to vector<128x32xf32>
    %select_n3A_3674 = arith.select %eq3A_3656, %slice3A_3671, %broadcast_in_dim3A_3673 : vector<128x32xi1>, vector<128x32xf32>
    %reduce_sum3A_3675 = arith.constant dense<0.000000e+00> : vector<128xf32>
    %reduce_sum3A_3676 = vector.multi_reduction <add>, %select_n3A_3674, %reduce_sum3A_3675 [1] : vector<128x32xf32> to vector<128xf32>
    %broadcast_in_dim3A_3677 = vector.shape_cast %reduce_sum3A_3676 : vector<128xf32> to vector<128x1xf32>
    %slice3A_3678 = vector.extract_strided_slice %dot_general3A_3654 {offsets = [0, 96], sizes = [128, 32], strides = [1, 1]} : vector<128x160xf32> to vector<128x32xf32>
    %jit3A_3679 = arith.constant 0.000000e+00 : f32
    %broadcast_in_dim3A_3680 = vector.broadcast %jit3A_3679 : f32 to vector<128x32xf32>
    %select_n3A_3681 = arith.select %eq3A_3656, %slice3A_3678, %broadcast_in_dim3A_3680 : vector<128x32xi1>, vector<128x32xf32>
    %reduce_sum3A_3682 = arith.constant dense<0.000000e+00> : vector<128xf32>
    %reduce_sum3A_3683 = vector.multi_reduction <add>, %select_n3A_3681, %reduce_sum3A_3682 [1] : vector<128x32xf32> to vector<128xf32>
    %broadcast_in_dim3A_3684 = vector.shape_cast %reduce_sum3A_3683 : vector<128xf32> to vector<128x1xf32>
    %slice3A_3685 = vector.extract_strided_slice %dot_general3A_3654 {offsets = [0, 128], sizes = [128, 32], strides = [1, 1]} : vector<128x160xf32> to vector<128x32xf32>
    %jit3A_3686 = arith.constant 0.000000e+00 : f32
    %broadcast_in_dim3A_3687 = vector.broadcast %jit3A_3686 : f32 to vector<128x32xf32>
    %select_n3A_3688 = arith.select %eq3A_3656, %slice3A_3685, %broadcast_in_dim3A_3687 : vector<128x32xi1>, vector<128x32xf32>
    %reduce_sum3A_3689 = arith.constant dense<0.000000e+00> : vector<128xf32>
    %reduce_sum3A_3690 = vector.multi_reduction <add>, %select_n3A_3688, %reduce_sum3A_3689 [1] : vector<128x32xf32> to vector<128xf32>
    %broadcast_in_dim3A_3691 = vector.shape_cast %reduce_sum3A_3690 : vector<128xf32> to vector<128x1xf32>
    %convert_element_type3A_3692 = arith.fptosi %broadcast_in_dim3A_3691 : vector<128x1xf32> to vector<128x1xi32>
    %eq3A_3693 = vector.broadcast %convert_element_type3A_3692 : vector<128x1xi32> to vector<128x128xi32>
    %eq3A_3694 = arith.cmpi eq, %eq3A_3693, %iota3A_37 : vector<128x128xi32>
    %convert_element_type3A_3695 = arith.extui %eq3A_3694 : vector<128x128xi1> to vector<128x128xi32>
    %convert_element_type3A_3696 = arith.sitofp %convert_element_type3A_3695 : vector<128x128xi32> to vector<128x128xf32>
    %dot_general3A_3697 = arith.constant dense<0.000000e+00> : vector<128x64xf32>
    %dot_general3A_3698 = tpu.matmul %convert_element_type3A_3696, %get3A_45, %dot_general3A_3697 {dimension_numbers = #tpu.dot_dimension_numbers<[1], [0], [0], [1], [0, 0, 1, 1], [], []>, transpose_lhs_hint = false} : vector<128x128xf32>, vector<128x64xf32>, vector<128x64xf32> -> vector<128x64xf32>
    %sub3A_3699 = vector.broadcast %broadcast_in_dim3A_3600 : vector<128x1xf32> to vector<128x32xf32>
    %sub3A_3700 = vector.broadcast %get3A_48 : vector<1x32xf32> to vector<128x32xf32>
    %sub3A_3701 = arith.subf %sub3A_3699, %sub3A_3700 : vector<128x32xf32>
    %integer_pow3A_3702 = arith.mulf %sub3A_3701, %sub3A_3701 : vector<128x32xf32>
    %mul3A_3703 = arith.constant -28.4444447 : f32
    %mul3A_3704 = vector.broadcast %mul3A_3703 : f32 to vector<128x32xf32>
    %mul3A_3705 = arith.mulf %mul3A_3704, %integer_pow3A_3702 : vector<128x32xf32>
    %exp3A_3706 = math.exp %mul3A_3705 : vector<128x32xf32>
    %sub3A_3707 = arith.subf %slice3A, %broadcast_in_dim3A_3663 : vector<128x1xf32>
    %sub3A_3708 = arith.subf %slice3A_4, %broadcast_in_dim3A_3670 : vector<128x1xf32>
    %sub3A_3709 = arith.subf %slice3A_5, %broadcast_in_dim3A_3677 : vector<128x1xf32>
    %concatenate3A_3710 = tpu.concatenate %sub3A_3707, %sub3A_3708, %sub3A_3709, %broadcast_in_dim3A_3684, %dot_general3A_3698, %exp3A_3706, %broadcast_in_dim3A_3600 in 1 : vector<128x1xf32>, vector<128x1xf32>, vector<128x1xf32>, vector<128x1xf32>, vector<128x64xf32>, vector<128x32xf32>, vector<128x1xf32> -> vector<128x101xf32>
    %le3A_3711 = arith.constant 6.000000e+00 : f32
    %le3A_3712 = vector.broadcast %le3A_3711 : f32 to vector<128x1xf32>
    %le3A_3713 = arith.cmpf ole, %broadcast_in_dim3A_3600, %le3A_3712 : vector<128x1xf32>
    %jit3A_3714 = arith.constant 0.000000e+00 : f32
    %broadcast_in_dim3A_3715 = vector.shape_cast %le3A_3713 : vector<128x1xi1> to vector<128x1xi1>
    %broadcast_in_dim3A_3716 = vector.broadcast %broadcast_in_dim3A_3715 : vector<128x1xi1> to vector<128x101xi1>
    %broadcast_in_dim3A_3717 = vector.broadcast %jit3A_3714 : f32 to vector<128x101xf32>
    %select_n3A_3718 = arith.select %broadcast_in_dim3A_3716, %concatenate3A_3710, %broadcast_in_dim3A_3717 : vector<128x101xi1>, vector<128x101xf32>
    %swap3A_3719 = arith.constant 0 : index
    %swap3A_3720 = arith.constant 26 : index
    %swap3A_3721 = arith.constant 0 : index
    %swap3A_3722 = arith.constant 0 : index
    %swap3A_3723 = vector.load %arg7[%swap3A_3719, %swap3A_3720, %swap3A_3721, %swap3A_3722] : memref<1x32x128x101xf32, #tpu.memory_space<vmem>>, vector<1x1x128x101xf32>
    %swap3A_3724 = vector.shape_cast %swap3A_3723 : vector<1x1x128x101xf32> to vector<128x101xf32>
    %swap3A_3725 = vector.shape_cast %select_n3A_3718 : vector<128x101xf32> to vector<1x1x128x101xf32>
    tpu.vector_store %arg7[%swap3A_3719, %swap3A_3720, %swap3A_3721, %swap3A_3722], %swap3A_3725 {strides = array<i32>} : memref<1x32x128x101xf32, #tpu.memory_space<vmem>>, vector<1x1x128x101xf32>,
    %eq3A_3726 = arith.constant 26 : i32
    %eq3A_3727 = vector.broadcast %eq3A_3726 : i32 to vector<128x32xi32>
    %eq3A_3728 = arith.cmpi eq, %iota3A, %eq3A_3727 : vector<128x32xi32>
    %broadcast_in_dim3A_3729 = vector.shape_cast %broadcast_in_dim3A_3600 : vector<128x1xf32> to vector<128x1xf32>
    %broadcast_in_dim3A_3730 = vector.broadcast %broadcast_in_dim3A_3729 : vector<128x1xf32> to vector<128x32xf32>
    %select_n3A_3731 = arith.select %eq3A_3728, %broadcast_in_dim3A_3730, %select_n3A_3594 : vector<128x32xi1>, vector<128x32xf32>
    %broadcast_in_dim3A_3732 = vector.shape_cast %broadcast_in_dim3A_3608 : vector<128x1xi32> to vector<128x1xi32>
    %broadcast_in_dim3A_3733 = vector.broadcast %broadcast_in_dim3A_3732 : vector<128x1xi32> to vector<128x32xi32>
    %select_n3A_3734 = arith.select %eq3A_3728, %broadcast_in_dim3A_3733, %select_n3A_3597 : vector<128x32xi1>, vector<128x32xi32>
    %reduce_min3A_3735 = arith.constant dense<0x7F800000> : vector<128xf32>
    %reduce_min3A_3736 = vector.multi_reduction <minimumf>, %select_n3A_3613, %reduce_min3A_3735 [1] : vector<128x4096xf32> to vector<128xf32>
    %broadcast_in_dim3A_3737 = vector.shape_cast %reduce_min3A_3736 : vector<128xf32> to vector<128x1xf32>
    %eq3A_3738 = vector.broadcast %broadcast_in_dim3A_3737 : vector<128x1xf32> to vector<128x4096xf32>
    %eq3A_3739 = arith.cmpf oeq, %select_n3A_3613, %eq3A_3738 : vector<128x4096xf32>
    %jit3A_3740 = arith.constant 4096 : i32
    %broadcast_in_dim3A_3741 = vector.broadcast %jit3A_3740 : i32 to vector<128x4096xi32>
    %select_n3A_3742 = arith.select %eq3A_3739, %iota3A_49, %broadcast_in_dim3A_3741 : vector<128x4096xi1>, vector<128x4096xi32>
    %reduce_min3A_3743 = arith.constant dense<2147483647> : vector<128xi32>
    %reduce_min3A_3744 = vector.multi_reduction <minsi>, %select_n3A_3742, %reduce_min3A_3743 [1] : vector<128x4096xi32> to vector<128xi32>
    %broadcast_in_dim3A_3745 = vector.shape_cast %reduce_min3A_3744 : vector<128xi32> to vector<128x1xi32>
    %eq3A_3746 = vector.broadcast %broadcast_in_dim3A_3745 : vector<128x1xi32> to vector<128x4096xi32>
    %eq3A_3747 = arith.cmpi eq, %iota3A_49, %eq3A_3746 : vector<128x4096xi32>
    %jit3A_3748 = arith.constant 0x7F800000 : f32
    %broadcast_in_dim3A_3749 = vector.broadcast %jit3A_3748 : f32 to vector<128x4096xf32>
    %select_n3A_3750 = arith.select %eq3A_3747, %broadcast_in_dim3A_3749, %select_n3A_3613 : vector<128x4096xi1>, vector<128x4096xf32>
    %jit3A_3751 = arith.constant 32 : i32
    %div3A_3752 = vector.broadcast %jit3A_3751 : i32 to vector<128x1xi32>
    %div3A_3753 = arith.divsi %broadcast_in_dim3A_3745, %div3A_3752 : vector<128x1xi32>
    %sign3A_3754 = arith.constant 0 : i32
    %sign3A_3755 = vector.broadcast %sign3A_3754 : i32 to vector<128x1xi32>
    %sign3A_3756 = arith.cmpi sgt, %broadcast_in_dim3A_3745, %sign3A_3755 : vector<128x1xi32>
    %sign3A_3757 = arith.extui %sign3A_3756 : vector<128x1xi1> to vector<128x1xi32>
    %sign3A_3758 = arith.constant 0 : i32
    %sign3A_3759 = vector.broadcast %sign3A_3758 : i32 to vector<128x1xi32>
    %sign3A_3760 = arith.cmpi slt, %broadcast_in_dim3A_3745, %sign3A_3759 : vector<128x1xi32>
    %sign3A_3761 = arith.extui %sign3A_3760 : vector<128x1xi1> to vector<128x1xi32>
    %sign3A_3762 = arith.subi %sign3A_3757, %sign3A_3761 : vector<128x1xi32>
    %sign3A_3763 = arith.constant 0 : i32
    %sign3A_3764 = arith.cmpi sgt, %jit3A_3751, %sign3A_3763 : i32
    %sign3A_3765 = arith.extui %sign3A_3764 : i1 to i32
    %sign3A_3766 = arith.constant 0 : i32
    %sign3A_3767 = arith.cmpi slt, %jit3A_3751, %sign3A_3766 : i32
    %sign3A_3768 = arith.extui %sign3A_3767 : i1 to i32
    %sign3A_3769 = arith.subi %sign3A_3765, %sign3A_3768 : i32
    %ne3A_3770 = vector.broadcast %sign3A_3769 : i32 to vector<128x1xi32>
    %ne3A_3771 = arith.cmpi ne, %sign3A_3762, %ne3A_3770 : vector<128x1xi32>
    %rem3A_3772 = vector.broadcast %jit3A_3751 : i32 to vector<128x1xi32>
    %rem3A_3773 = arith.remsi %broadcast_in_dim3A_3745, %rem3A_3772 : vector<128x1xi32>
    %ne3A_3774 = arith.constant 0 : i32
    %ne3A_3775 = vector.broadcast %ne3A_3774 : i32 to vector<128x1xi32>
    %ne3A_3776 = arith.cmpi ne, %rem3A_3773, %ne3A_3775 : vector<128x1xi32>
    %and3A_3777 = arith.andi %ne3A_3771, %ne3A_3776 : vector<128x1xi1>
    %sub3A_3778 = arith.constant 1 : i32
    %sub3A_3779 = vector.broadcast %sub3A_3778 : i32 to vector<128x1xi32>
    %sub3A_3780 = arith.subi %div3A_3753, %sub3A_3779 : vector<128x1xi32>
    %select_n3A_3781 = arith.select %and3A_3777, %sub3A_3780, %div3A_3753 : vector<128x1xi1>, vector<128x1xi32>
    %mul3A_3782 = arith.constant 32 : i32
    %mul3A_3783 = vector.broadcast %mul3A_3782 : i32 to vector<128x1xi32>
    %mul3A_3784 = arith.muli %select_n3A_3781, %mul3A_3783 : vector<128x1xi32>
    %sub3A_3785 = arith.subi %broadcast_in_dim3A_3745, %mul3A_3784 : vector<128x1xi32>
    %eq3A_3786 = vector.broadcast %select_n3A_3781 : vector<128x1xi32> to vector<128x128xi32>
    %eq3A_3787 = arith.cmpi eq, %eq3A_3786, %iota3A_35 : vector<128x128xi32>
    %convert_element_type3A_3788 = arith.extui %eq3A_3787 : vector<128x128xi1> to vector<128x128xi32>
    %convert_element_type3A_3789 = arith.sitofp %convert_element_type3A_3788 : vector<128x128xi32> to vector<128x128xf32>
    %dot_general3A_3790 = arith.constant dense<0.000000e+00> : vector<128x160xf32>
    %dot_general3A_3791 = tpu.matmul %convert_element_type3A_3789, %get3A_42, %dot_general3A_3790 {dimension_numbers = #tpu.dot_dimension_numbers<[1], [0], [0], [1], [0, 0, 1, 1], [], []>, transpose_lhs_hint = false} : vector<128x128xf32>, vector<128x160xf32>, vector<128x160xf32> -> vector<128x160xf32>
    %eq3A_3792 = vector.broadcast %sub3A_3785 : vector<128x1xi32> to vector<128x32xi32>
    %eq3A_3793 = arith.cmpi eq, %eq3A_3792, %iota3A_36 : vector<128x32xi32>
    %slice3A_3794 = vector.extract_strided_slice %dot_general3A_3791 {offsets = [0, 0], sizes = [128, 32], strides = [1, 1]} : vector<128x160xf32> to vector<128x32xf32>
    %jit3A_3795 = arith.constant 0.000000e+00 : f32
    %broadcast_in_dim3A_3796 = vector.broadcast %jit3A_3795 : f32 to vector<128x32xf32>
    %select_n3A_3797 = arith.select %eq3A_3793, %slice3A_3794, %broadcast_in_dim3A_3796 : vector<128x32xi1>, vector<128x32xf32>
    %reduce_sum3A_3798 = arith.constant dense<0.000000e+00> : vector<128xf32>
    %reduce_sum3A_3799 = vector.multi_reduction <add>, %select_n3A_3797, %reduce_sum3A_3798 [1] : vector<128x32xf32> to vector<128xf32>
    %broadcast_in_dim3A_3800 = vector.shape_cast %reduce_sum3A_3799 : vector<128xf32> to vector<128x1xf32>
    %slice3A_3801 = vector.extract_strided_slice %dot_general3A_3791 {offsets = [0, 32], sizes = [128, 32], strides = [1, 1]} : vector<128x160xf32> to vector<128x32xf32>
    %jit3A_3802 = arith.constant 0.000000e+00 : f32
    %broadcast_in_dim3A_3803 = vector.broadcast %jit3A_3802 : f32 to vector<128x32xf32>
    %select_n3A_3804 = arith.select %eq3A_3793, %slice3A_3801, %broadcast_in_dim3A_3803 : vector<128x32xi1>, vector<128x32xf32>
    %reduce_sum3A_3805 = arith.constant dense<0.000000e+00> : vector<128xf32>
    %reduce_sum3A_3806 = vector.multi_reduction <add>, %select_n3A_3804, %reduce_sum3A_3805 [1] : vector<128x32xf32> to vector<128xf32>
    %broadcast_in_dim3A_3807 = vector.shape_cast %reduce_sum3A_3806 : vector<128xf32> to vector<128x1xf32>
    %slice3A_3808 = vector.extract_strided_slice %dot_general3A_3791 {offsets = [0, 64], sizes = [128, 32], strides = [1, 1]} : vector<128x160xf32> to vector<128x32xf32>
    %jit3A_3809 = arith.constant 0.000000e+00 : f32
    %broadcast_in_dim3A_3810 = vector.broadcast %jit3A_3809 : f32 to vector<128x32xf32>
    %select_n3A_3811 = arith.select %eq3A_3793, %slice3A_3808, %broadcast_in_dim3A_3810 : vector<128x32xi1>, vector<128x32xf32>
    %reduce_sum3A_3812 = arith.constant dense<0.000000e+00> : vector<128xf32>
    %reduce_sum3A_3813 = vector.multi_reduction <add>, %select_n3A_3811, %reduce_sum3A_3812 [1] : vector<128x32xf32> to vector<128xf32>
    %broadcast_in_dim3A_3814 = vector.shape_cast %reduce_sum3A_3813 : vector<128xf32> to vector<128x1xf32>
    %slice3A_3815 = vector.extract_strided_slice %dot_general3A_3791 {offsets = [0, 96], sizes = [128, 32], strides = [1, 1]} : vector<128x160xf32> to vector<128x32xf32>
    %jit3A_3816 = arith.constant 0.000000e+00 : f32
    %broadcast_in_dim3A_3817 = vector.broadcast %jit3A_3816 : f32 to vector<128x32xf32>
    %select_n3A_3818 = arith.select %eq3A_3793, %slice3A_3815, %broadcast_in_dim3A_3817 : vector<128x32xi1>, vector<128x32xf32>
    %reduce_sum3A_3819 = arith.constant dense<0.000000e+00> : vector<128xf32>
    %reduce_sum3A_3820 = vector.multi_reduction <add>, %select_n3A_3818, %reduce_sum3A_3819 [1] : vector<128x32xf32> to vector<128xf32>
    %broadcast_in_dim3A_3821 = vector.shape_cast %reduce_sum3A_3820 : vector<128xf32> to vector<128x1xf32>
    %slice3A_3822 = vector.extract_strided_slice %dot_general3A_3791 {offsets = [0, 128], sizes = [128, 32], strides = [1, 1]} : vector<128x160xf32> to vector<128x32xf32>
    %jit3A_3823 = arith.constant 0.000000e+00 : f32
    %broadcast_in_dim3A_3824 = vector.broadcast %jit3A_3823 : f32 to vector<128x32xf32>
    %select_n3A_3825 = arith.select %eq3A_3793, %slice3A_3822, %broadcast_in_dim3A_3824 : vector<128x32xi1>, vector<128x32xf32>
    %reduce_sum3A_3826 = arith.constant dense<0.000000e+00> : vector<128xf32>
    %reduce_sum3A_3827 = vector.multi_reduction <add>, %select_n3A_3825, %reduce_sum3A_3826 [1] : vector<128x32xf32> to vector<128xf32>
    %broadcast_in_dim3A_3828 = vector.shape_cast %reduce_sum3A_3827 : vector<128xf32> to vector<128x1xf32>
    %convert_element_type3A_3829 = arith.fptosi %broadcast_in_dim3A_3828 : vector<128x1xf32> to vector<128x1xi32>
    %eq3A_3830 = vector.broadcast %convert_element_type3A_3829 : vector<128x1xi32> to vector<128x128xi32>
    %eq3A_3831 = arith.cmpi eq, %eq3A_3830, %iota3A_37 : vector<128x128xi32>
    %convert_element_type3A_3832 = arith.extui %eq3A_3831 : vector<128x128xi1> to vector<128x128xi32>
    %convert_element_type3A_3833 = arith.sitofp %convert_element_type3A_3832 : vector<128x128xi32> to vector<128x128xf32>
    %dot_general3A_3834 = arith.constant dense<0.000000e+00> : vector<128x64xf32>
    %dot_general3A_3835 = tpu.matmul %convert_element_type3A_3833, %get3A_45, %dot_general3A_3834 {dimension_numbers = #tpu.dot_dimension_numbers<[1], [0], [0], [1], [0, 0, 1, 1], [], []>, transpose_lhs_hint = false} : vector<128x128xf32>, vector<128x64xf32>, vector<128x64xf32> -> vector<128x64xf32>
    %sub3A_3836 = vector.broadcast %broadcast_in_dim3A_3737 : vector<128x1xf32> to vector<128x32xf32>
    %sub3A_3837 = vector.broadcast %get3A_48 : vector<1x32xf32> to vector<128x32xf32>
    %sub3A_3838 = arith.subf %sub3A_3836, %sub3A_3837 : vector<128x32xf32>
    %integer_pow3A_3839 = arith.mulf %sub3A_3838, %sub3A_3838 : vector<128x32xf32>
    %mul3A_3840 = arith.constant -28.4444447 : f32
    %mul3A_3841 = vector.broadcast %mul3A_3840 : f32 to vector<128x32xf32>
    %mul3A_3842 = arith.mulf %mul3A_3841, %integer_pow3A_3839 : vector<128x32xf32>
    %exp3A_3843 = math.exp %mul3A_3842 : vector<128x32xf32>
    %sub3A_3844 = arith.subf %slice3A, %broadcast_in_dim3A_3800 : vector<128x1xf32>
    %sub3A_3845 = arith.subf %slice3A_4, %broadcast_in_dim3A_3807 : vector<128x1xf32>
    %sub3A_3846 = arith.subf %slice3A_5, %broadcast_in_dim3A_3814 : vector<128x1xf32>
    %concatenate3A_3847 = tpu.concatenate %sub3A_3844, %sub3A_3845, %sub3A_3846, %broadcast_in_dim3A_3821, %dot_general3A_3835, %exp3A_3843, %broadcast_in_dim3A_3737 in 1 : vector<128x1xf32>, vector<128x1xf32>, vector<128x1xf32>, vector<128x1xf32>, vector<128x64xf32>, vector<128x32xf32>, vector<128x1xf32> -> vector<128x101xf32>
    %le3A_3848 = arith.constant 6.000000e+00 : f32
    %le3A_3849 = vector.broadcast %le3A_3848 : f32 to vector<128x1xf32>
    %le3A_3850 = arith.cmpf ole, %broadcast_in_dim3A_3737, %le3A_3849 : vector<128x1xf32>
    %jit3A_3851 = arith.constant 0.000000e+00 : f32
    %broadcast_in_dim3A_3852 = vector.shape_cast %le3A_3850 : vector<128x1xi1> to vector<128x1xi1>
    %broadcast_in_dim3A_3853 = vector.broadcast %broadcast_in_dim3A_3852 : vector<128x1xi1> to vector<128x101xi1>
    %broadcast_in_dim3A_3854 = vector.broadcast %jit3A_3851 : f32 to vector<128x101xf32>
    %select_n3A_3855 = arith.select %broadcast_in_dim3A_3853, %concatenate3A_3847, %broadcast_in_dim3A_3854 : vector<128x101xi1>, vector<128x101xf32>
    %swap3A_3856 = arith.constant 0 : index
    %swap3A_3857 = arith.constant 27 : index
    %swap3A_3858 = arith.constant 0 : index
    %swap3A_3859 = arith.constant 0 : index
    %swap3A_3860 = vector.load %arg7[%swap3A_3856, %swap3A_3857, %swap3A_3858, %swap3A_3859] : memref<1x32x128x101xf32, #tpu.memory_space<vmem>>, vector<1x1x128x101xf32>
    %swap3A_3861 = vector.shape_cast %swap3A_3860 : vector<1x1x128x101xf32> to vector<128x101xf32>
    %swap3A_3862 = vector.shape_cast %select_n3A_3855 : vector<128x101xf32> to vector<1x1x128x101xf32>
    tpu.vector_store %arg7[%swap3A_3856, %swap3A_3857, %swap3A_3858, %swap3A_3859], %swap3A_3862 {strides = array<i32>} : memref<1x32x128x101xf32, #tpu.memory_space<vmem>>, vector<1x1x128x101xf32>,
    %eq3A_3863 = arith.constant 27 : i32
    %eq3A_3864 = vector.broadcast %eq3A_3863 : i32 to vector<128x32xi32>
    %eq3A_3865 = arith.cmpi eq, %iota3A, %eq3A_3864 : vector<128x32xi32>
    %broadcast_in_dim3A_3866 = vector.shape_cast %broadcast_in_dim3A_3737 : vector<128x1xf32> to vector<128x1xf32>
    %broadcast_in_dim3A_3867 = vector.broadcast %broadcast_in_dim3A_3866 : vector<128x1xf32> to vector<128x32xf32>
    %select_n3A_3868 = arith.select %eq3A_3865, %broadcast_in_dim3A_3867, %select_n3A_3731 : vector<128x32xi1>, vector<128x32xf32>
    %broadcast_in_dim3A_3869 = vector.shape_cast %broadcast_in_dim3A_3745 : vector<128x1xi32> to vector<128x1xi32>
    %broadcast_in_dim3A_3870 = vector.broadcast %broadcast_in_dim3A_3869 : vector<128x1xi32> to vector<128x32xi32>
    %select_n3A_3871 = arith.select %eq3A_3865, %broadcast_in_dim3A_3870, %select_n3A_3734 : vector<128x32xi1>, vector<128x32xi32>
    %reduce_min3A_3872 = arith.constant dense<0x7F800000> : vector<128xf32>
    %reduce_min3A_3873 = vector.multi_reduction <minimumf>, %select_n3A_3750, %reduce_min3A_3872 [1] : vector<128x4096xf32> to vector<128xf32>
    %broadcast_in_dim3A_3874 = vector.shape_cast %reduce_min3A_3873 : vector<128xf32> to vector<128x1xf32>
    %eq3A_3875 = vector.broadcast %broadcast_in_dim3A_3874 : vector<128x1xf32> to vector<128x4096xf32>
    %eq3A_3876 = arith.cmpf oeq, %select_n3A_3750, %eq3A_3875 : vector<128x4096xf32>
    %jit3A_3877 = arith.constant 4096 : i32
    %broadcast_in_dim3A_3878 = vector.broadcast %jit3A_3877 : i32 to vector<128x4096xi32>
    %select_n3A_3879 = arith.select %eq3A_3876, %iota3A_49, %broadcast_in_dim3A_3878 : vector<128x4096xi1>, vector<128x4096xi32>
    %reduce_min3A_3880 = arith.constant dense<2147483647> : vector<128xi32>
    %reduce_min3A_3881 = vector.multi_reduction <minsi>, %select_n3A_3879, %reduce_min3A_3880 [1] : vector<128x4096xi32> to vector<128xi32>
    %broadcast_in_dim3A_3882 = vector.shape_cast %reduce_min3A_3881 : vector<128xi32> to vector<128x1xi32>
    %eq3A_3883 = vector.broadcast %broadcast_in_dim3A_3882 : vector<128x1xi32> to vector<128x4096xi32>
    %eq3A_3884 = arith.cmpi eq, %iota3A_49, %eq3A_3883 : vector<128x4096xi32>
    %jit3A_3885 = arith.constant 0x7F800000 : f32
    %broadcast_in_dim3A_3886 = vector.broadcast %jit3A_3885 : f32 to vector<128x4096xf32>
    %select_n3A_3887 = arith.select %eq3A_3884, %broadcast_in_dim3A_3886, %select_n3A_3750 : vector<128x4096xi1>, vector<128x4096xf32>
    %jit3A_3888 = arith.constant 32 : i32
    %div3A_3889 = vector.broadcast %jit3A_3888 : i32 to vector<128x1xi32>
    %div3A_3890 = arith.divsi %broadcast_in_dim3A_3882, %div3A_3889 : vector<128x1xi32>
    %sign3A_3891 = arith.constant 0 : i32
    %sign3A_3892 = vector.broadcast %sign3A_3891 : i32 to vector<128x1xi32>
    %sign3A_3893 = arith.cmpi sgt, %broadcast_in_dim3A_3882, %sign3A_3892 : vector<128x1xi32>
    %sign3A_3894 = arith.extui %sign3A_3893 : vector<128x1xi1> to vector<128x1xi32>
    %sign3A_3895 = arith.constant 0 : i32
    %sign3A_3896 = vector.broadcast %sign3A_3895 : i32 to vector<128x1xi32>
    %sign3A_3897 = arith.cmpi slt, %broadcast_in_dim3A_3882, %sign3A_3896 : vector<128x1xi32>
    %sign3A_3898 = arith.extui %sign3A_3897 : vector<128x1xi1> to vector<128x1xi32>
    %sign3A_3899 = arith.subi %sign3A_3894, %sign3A_3898 : vector<128x1xi32>
    %sign3A_3900 = arith.constant 0 : i32
    %sign3A_3901 = arith.cmpi sgt, %jit3A_3888, %sign3A_3900 : i32
    %sign3A_3902 = arith.extui %sign3A_3901 : i1 to i32
    %sign3A_3903 = arith.constant 0 : i32
    %sign3A_3904 = arith.cmpi slt, %jit3A_3888, %sign3A_3903 : i32
    %sign3A_3905 = arith.extui %sign3A_3904 : i1 to i32
    %sign3A_3906 = arith.subi %sign3A_3902, %sign3A_3905 : i32
    %ne3A_3907 = vector.broadcast %sign3A_3906 : i32 to vector<128x1xi32>
    %ne3A_3908 = arith.cmpi ne, %sign3A_3899, %ne3A_3907 : vector<128x1xi32>
    %rem3A_3909 = vector.broadcast %jit3A_3888 : i32 to vector<128x1xi32>
    %rem3A_3910 = arith.remsi %broadcast_in_dim3A_3882, %rem3A_3909 : vector<128x1xi32>
    %ne3A_3911 = arith.constant 0 : i32
    %ne3A_3912 = vector.broadcast %ne3A_3911 : i32 to vector<128x1xi32>
    %ne3A_3913 = arith.cmpi ne, %rem3A_3910, %ne3A_3912 : vector<128x1xi32>
    %and3A_3914 = arith.andi %ne3A_3908, %ne3A_3913 : vector<128x1xi1>
    %sub3A_3915 = arith.constant 1 : i32
    %sub3A_3916 = vector.broadcast %sub3A_3915 : i32 to vector<128x1xi32>
    %sub3A_3917 = arith.subi %div3A_3890, %sub3A_3916 : vector<128x1xi32>
    %select_n3A_3918 = arith.select %and3A_3914, %sub3A_3917, %div3A_3890 : vector<128x1xi1>, vector<128x1xi32>
    %mul3A_3919 = arith.constant 32 : i32
    %mul3A_3920 = vector.broadcast %mul3A_3919 : i32 to vector<128x1xi32>
    %mul3A_3921 = arith.muli %select_n3A_3918, %mul3A_3920 : vector<128x1xi32>
    %sub3A_3922 = arith.subi %broadcast_in_dim3A_3882, %mul3A_3921 : vector<128x1xi32>
    %eq3A_3923 = vector.broadcast %select_n3A_3918 : vector<128x1xi32> to vector<128x128xi32>
    %eq3A_3924 = arith.cmpi eq, %eq3A_3923, %iota3A_35 : vector<128x128xi32>
    %convert_element_type3A_3925 = arith.extui %eq3A_3924 : vector<128x128xi1> to vector<128x128xi32>
    %convert_element_type3A_3926 = arith.sitofp %convert_element_type3A_3925 : vector<128x128xi32> to vector<128x128xf32>
    %dot_general3A_3927 = arith.constant dense<0.000000e+00> : vector<128x160xf32>
    %dot_general3A_3928 = tpu.matmul %convert_element_type3A_3926, %get3A_42, %dot_general3A_3927 {dimension_numbers = #tpu.dot_dimension_numbers<[1], [0], [0], [1], [0, 0, 1, 1], [], []>, transpose_lhs_hint = false} : vector<128x128xf32>, vector<128x160xf32>, vector<128x160xf32> -> vector<128x160xf32>
    %eq3A_3929 = vector.broadcast %sub3A_3922 : vector<128x1xi32> to vector<128x32xi32>
    %eq3A_3930 = arith.cmpi eq, %eq3A_3929, %iota3A_36 : vector<128x32xi32>
    %slice3A_3931 = vector.extract_strided_slice %dot_general3A_3928 {offsets = [0, 0], sizes = [128, 32], strides = [1, 1]} : vector<128x160xf32> to vector<128x32xf32>
    %jit3A_3932 = arith.constant 0.000000e+00 : f32
    %broadcast_in_dim3A_3933 = vector.broadcast %jit3A_3932 : f32 to vector<128x32xf32>
    %select_n3A_3934 = arith.select %eq3A_3930, %slice3A_3931, %broadcast_in_dim3A_3933 : vector<128x32xi1>, vector<128x32xf32>
    %reduce_sum3A_3935 = arith.constant dense<0.000000e+00> : vector<128xf32>
    %reduce_sum3A_3936 = vector.multi_reduction <add>, %select_n3A_3934, %reduce_sum3A_3935 [1] : vector<128x32xf32> to vector<128xf32>
    %broadcast_in_dim3A_3937 = vector.shape_cast %reduce_sum3A_3936 : vector<128xf32> to vector<128x1xf32>
    %slice3A_3938 = vector.extract_strided_slice %dot_general3A_3928 {offsets = [0, 32], sizes = [128, 32], strides = [1, 1]} : vector<128x160xf32> to vector<128x32xf32>
    %jit3A_3939 = arith.constant 0.000000e+00 : f32
    %broadcast_in_dim3A_3940 = vector.broadcast %jit3A_3939 : f32 to vector<128x32xf32>
    %select_n3A_3941 = arith.select %eq3A_3930, %slice3A_3938, %broadcast_in_dim3A_3940 : vector<128x32xi1>, vector<128x32xf32>
    %reduce_sum3A_3942 = arith.constant dense<0.000000e+00> : vector<128xf32>
    %reduce_sum3A_3943 = vector.multi_reduction <add>, %select_n3A_3941, %reduce_sum3A_3942 [1] : vector<128x32xf32> to vector<128xf32>
    %broadcast_in_dim3A_3944 = vector.shape_cast %reduce_sum3A_3943 : vector<128xf32> to vector<128x1xf32>
    %slice3A_3945 = vector.extract_strided_slice %dot_general3A_3928 {offsets = [0, 64], sizes = [128, 32], strides = [1, 1]} : vector<128x160xf32> to vector<128x32xf32>
    %jit3A_3946 = arith.constant 0.000000e+00 : f32
    %broadcast_in_dim3A_3947 = vector.broadcast %jit3A_3946 : f32 to vector<128x32xf32>
    %select_n3A_3948 = arith.select %eq3A_3930, %slice3A_3945, %broadcast_in_dim3A_3947 : vector<128x32xi1>, vector<128x32xf32>
    %reduce_sum3A_3949 = arith.constant dense<0.000000e+00> : vector<128xf32>
    %reduce_sum3A_3950 = vector.multi_reduction <add>, %select_n3A_3948, %reduce_sum3A_3949 [1] : vector<128x32xf32> to vector<128xf32>
    %broadcast_in_dim3A_3951 = vector.shape_cast %reduce_sum3A_3950 : vector<128xf32> to vector<128x1xf32>
    %slice3A_3952 = vector.extract_strided_slice %dot_general3A_3928 {offsets = [0, 96], sizes = [128, 32], strides = [1, 1]} : vector<128x160xf32> to vector<128x32xf32>
    %jit3A_3953 = arith.constant 0.000000e+00 : f32
    %broadcast_in_dim3A_3954 = vector.broadcast %jit3A_3953 : f32 to vector<128x32xf32>
    %select_n3A_3955 = arith.select %eq3A_3930, %slice3A_3952, %broadcast_in_dim3A_3954 : vector<128x32xi1>, vector<128x32xf32>
    %reduce_sum3A_3956 = arith.constant dense<0.000000e+00> : vector<128xf32>
    %reduce_sum3A_3957 = vector.multi_reduction <add>, %select_n3A_3955, %reduce_sum3A_3956 [1] : vector<128x32xf32> to vector<128xf32>
    %broadcast_in_dim3A_3958 = vector.shape_cast %reduce_sum3A_3957 : vector<128xf32> to vector<128x1xf32>
    %slice3A_3959 = vector.extract_strided_slice %dot_general3A_3928 {offsets = [0, 128], sizes = [128, 32], strides = [1, 1]} : vector<128x160xf32> to vector<128x32xf32>
    %jit3A_3960 = arith.constant 0.000000e+00 : f32
    %broadcast_in_dim3A_3961 = vector.broadcast %jit3A_3960 : f32 to vector<128x32xf32>
    %select_n3A_3962 = arith.select %eq3A_3930, %slice3A_3959, %broadcast_in_dim3A_3961 : vector<128x32xi1>, vector<128x32xf32>
    %reduce_sum3A_3963 = arith.constant dense<0.000000e+00> : vector<128xf32>
    %reduce_sum3A_3964 = vector.multi_reduction <add>, %select_n3A_3962, %reduce_sum3A_3963 [1] : vector<128x32xf32> to vector<128xf32>
    %broadcast_in_dim3A_3965 = vector.shape_cast %reduce_sum3A_3964 : vector<128xf32> to vector<128x1xf32>
    %convert_element_type3A_3966 = arith.fptosi %broadcast_in_dim3A_3965 : vector<128x1xf32> to vector<128x1xi32>
    %eq3A_3967 = vector.broadcast %convert_element_type3A_3966 : vector<128x1xi32> to vector<128x128xi32>
    %eq3A_3968 = arith.cmpi eq, %eq3A_3967, %iota3A_37 : vector<128x128xi32>
    %convert_element_type3A_3969 = arith.extui %eq3A_3968 : vector<128x128xi1> to vector<128x128xi32>
    %convert_element_type3A_3970 = arith.sitofp %convert_element_type3A_3969 : vector<128x128xi32> to vector<128x128xf32>
    %dot_general3A_3971 = arith.constant dense<0.000000e+00> : vector<128x64xf32>
    %dot_general3A_3972 = tpu.matmul %convert_element_type3A_3970, %get3A_45, %dot_general3A_3971 {dimension_numbers = #tpu.dot_dimension_numbers<[1], [0], [0], [1], [0, 0, 1, 1], [], []>, transpose_lhs_hint = false} : vector<128x128xf32>, vector<128x64xf32>, vector<128x64xf32> -> vector<128x64xf32>
    %sub3A_3973 = vector.broadcast %broadcast_in_dim3A_3874 : vector<128x1xf32> to vector<128x32xf32>
    %sub3A_3974 = vector.broadcast %get3A_48 : vector<1x32xf32> to vector<128x32xf32>
    %sub3A_3975 = arith.subf %sub3A_3973, %sub3A_3974 : vector<128x32xf32>
    %integer_pow3A_3976 = arith.mulf %sub3A_3975, %sub3A_3975 : vector<128x32xf32>
    %mul3A_3977 = arith.constant -28.4444447 : f32
    %mul3A_3978 = vector.broadcast %mul3A_3977 : f32 to vector<128x32xf32>
    %mul3A_3979 = arith.mulf %mul3A_3978, %integer_pow3A_3976 : vector<128x32xf32>
    %exp3A_3980 = math.exp %mul3A_3979 : vector<128x32xf32>
    %sub3A_3981 = arith.subf %slice3A, %broadcast_in_dim3A_3937 : vector<128x1xf32>
    %sub3A_3982 = arith.subf %slice3A_4, %broadcast_in_dim3A_3944 : vector<128x1xf32>
    %sub3A_3983 = arith.subf %slice3A_5, %broadcast_in_dim3A_3951 : vector<128x1xf32>
    %concatenate3A_3984 = tpu.concatenate %sub3A_3981, %sub3A_3982, %sub3A_3983, %broadcast_in_dim3A_3958, %dot_general3A_3972, %exp3A_3980, %broadcast_in_dim3A_3874 in 1 : vector<128x1xf32>, vector<128x1xf32>, vector<128x1xf32>, vector<128x1xf32>, vector<128x64xf32>, vector<128x32xf32>, vector<128x1xf32> -> vector<128x101xf32>
    %le3A_3985 = arith.constant 6.000000e+00 : f32
    %le3A_3986 = vector.broadcast %le3A_3985 : f32 to vector<128x1xf32>
    %le3A_3987 = arith.cmpf ole, %broadcast_in_dim3A_3874, %le3A_3986 : vector<128x1xf32>
    %jit3A_3988 = arith.constant 0.000000e+00 : f32
    %broadcast_in_dim3A_3989 = vector.shape_cast %le3A_3987 : vector<128x1xi1> to vector<128x1xi1>
    %broadcast_in_dim3A_3990 = vector.broadcast %broadcast_in_dim3A_3989 : vector<128x1xi1> to vector<128x101xi1>
    %broadcast_in_dim3A_3991 = vector.broadcast %jit3A_3988 : f32 to vector<128x101xf32>
    %select_n3A_3992 = arith.select %broadcast_in_dim3A_3990, %concatenate3A_3984, %broadcast_in_dim3A_3991 : vector<128x101xi1>, vector<128x101xf32>
    %swap3A_3993 = arith.constant 0 : index
    %swap3A_3994 = arith.constant 28 : index
    %swap3A_3995 = arith.constant 0 : index
    %swap3A_3996 = arith.constant 0 : index
    %swap3A_3997 = vector.load %arg7[%swap3A_3993, %swap3A_3994, %swap3A_3995, %swap3A_3996] : memref<1x32x128x101xf32, #tpu.memory_space<vmem>>, vector<1x1x128x101xf32>
    %swap3A_3998 = vector.shape_cast %swap3A_3997 : vector<1x1x128x101xf32> to vector<128x101xf32>
    %swap3A_3999 = vector.shape_cast %select_n3A_3992 : vector<128x101xf32> to vector<1x1x128x101xf32>
    tpu.vector_store %arg7[%swap3A_3993, %swap3A_3994, %swap3A_3995, %swap3A_3996], %swap3A_3999 {strides = array<i32>} : memref<1x32x128x101xf32, #tpu.memory_space<vmem>>, vector<1x1x128x101xf32>,
    %eq3A_4000 = arith.constant 28 : i32
    %eq3A_4001 = vector.broadcast %eq3A_4000 : i32 to vector<128x32xi32>
    %eq3A_4002 = arith.cmpi eq, %iota3A, %eq3A_4001 : vector<128x32xi32>
    %broadcast_in_dim3A_4003 = vector.shape_cast %broadcast_in_dim3A_3874 : vector<128x1xf32> to vector<128x1xf32>
    %broadcast_in_dim3A_4004 = vector.broadcast %broadcast_in_dim3A_4003 : vector<128x1xf32> to vector<128x32xf32>
    %select_n3A_4005 = arith.select %eq3A_4002, %broadcast_in_dim3A_4004, %select_n3A_3868 : vector<128x32xi1>, vector<128x32xf32>
    %broadcast_in_dim3A_4006 = vector.shape_cast %broadcast_in_dim3A_3882 : vector<128x1xi32> to vector<128x1xi32>
    %broadcast_in_dim3A_4007 = vector.broadcast %broadcast_in_dim3A_4006 : vector<128x1xi32> to vector<128x32xi32>
    %select_n3A_4008 = arith.select %eq3A_4002, %broadcast_in_dim3A_4007, %select_n3A_3871 : vector<128x32xi1>, vector<128x32xi32>
    %reduce_min3A_4009 = arith.constant dense<0x7F800000> : vector<128xf32>
    %reduce_min3A_4010 = vector.multi_reduction <minimumf>, %select_n3A_3887, %reduce_min3A_4009 [1] : vector<128x4096xf32> to vector<128xf32>
    %broadcast_in_dim3A_4011 = vector.shape_cast %reduce_min3A_4010 : vector<128xf32> to vector<128x1xf32>
    %eq3A_4012 = vector.broadcast %broadcast_in_dim3A_4011 : vector<128x1xf32> to vector<128x4096xf32>
    %eq3A_4013 = arith.cmpf oeq, %select_n3A_3887, %eq3A_4012 : vector<128x4096xf32>
    %jit3A_4014 = arith.constant 4096 : i32
    %broadcast_in_dim3A_4015 = vector.broadcast %jit3A_4014 : i32 to vector<128x4096xi32>
    %select_n3A_4016 = arith.select %eq3A_4013, %iota3A_49, %broadcast_in_dim3A_4015 : vector<128x4096xi1>, vector<128x4096xi32>
    %reduce_min3A_4017 = arith.constant dense<2147483647> : vector<128xi32>
    %reduce_min3A_4018 = vector.multi_reduction <minsi>, %select_n3A_4016, %reduce_min3A_4017 [1] : vector<128x4096xi32> to vector<128xi32>
    %broadcast_in_dim3A_4019 = vector.shape_cast %reduce_min3A_4018 : vector<128xi32> to vector<128x1xi32>
    %eq3A_4020 = vector.broadcast %broadcast_in_dim3A_4019 : vector<128x1xi32> to vector<128x4096xi32>
    %eq3A_4021 = arith.cmpi eq, %iota3A_49, %eq3A_4020 : vector<128x4096xi32>
    %jit3A_4022 = arith.constant 0x7F800000 : f32
    %broadcast_in_dim3A_4023 = vector.broadcast %jit3A_4022 : f32 to vector<128x4096xf32>
    %select_n3A_4024 = arith.select %eq3A_4021, %broadcast_in_dim3A_4023, %select_n3A_3887 : vector<128x4096xi1>, vector<128x4096xf32>
    %jit3A_4025 = arith.constant 32 : i32
    %div3A_4026 = vector.broadcast %jit3A_4025 : i32 to vector<128x1xi32>
    %div3A_4027 = arith.divsi %broadcast_in_dim3A_4019, %div3A_4026 : vector<128x1xi32>
    %sign3A_4028 = arith.constant 0 : i32
    %sign3A_4029 = vector.broadcast %sign3A_4028 : i32 to vector<128x1xi32>
    %sign3A_4030 = arith.cmpi sgt, %broadcast_in_dim3A_4019, %sign3A_4029 : vector<128x1xi32>
    %sign3A_4031 = arith.extui %sign3A_4030 : vector<128x1xi1> to vector<128x1xi32>
    %sign3A_4032 = arith.constant 0 : i32
    %sign3A_4033 = vector.broadcast %sign3A_4032 : i32 to vector<128x1xi32>
    %sign3A_4034 = arith.cmpi slt, %broadcast_in_dim3A_4019, %sign3A_4033 : vector<128x1xi32>
    %sign3A_4035 = arith.extui %sign3A_4034 : vector<128x1xi1> to vector<128x1xi32>
    %sign3A_4036 = arith.subi %sign3A_4031, %sign3A_4035 : vector<128x1xi32>
    %sign3A_4037 = arith.constant 0 : i32
    %sign3A_4038 = arith.cmpi sgt, %jit3A_4025, %sign3A_4037 : i32
    %sign3A_4039 = arith.extui %sign3A_4038 : i1 to i32
    %sign3A_4040 = arith.constant 0 : i32
    %sign3A_4041 = arith.cmpi slt, %jit3A_4025, %sign3A_4040 : i32
    %sign3A_4042 = arith.extui %sign3A_4041 : i1 to i32
    %sign3A_4043 = arith.subi %sign3A_4039, %sign3A_4042 : i32
    %ne3A_4044 = vector.broadcast %sign3A_4043 : i32 to vector<128x1xi32>
    %ne3A_4045 = arith.cmpi ne, %sign3A_4036, %ne3A_4044 : vector<128x1xi32>
    %rem3A_4046 = vector.broadcast %jit3A_4025 : i32 to vector<128x1xi32>
    %rem3A_4047 = arith.remsi %broadcast_in_dim3A_4019, %rem3A_4046 : vector<128x1xi32>
    %ne3A_4048 = arith.constant 0 : i32
    %ne3A_4049 = vector.broadcast %ne3A_4048 : i32 to vector<128x1xi32>
    %ne3A_4050 = arith.cmpi ne, %rem3A_4047, %ne3A_4049 : vector<128x1xi32>
    %and3A_4051 = arith.andi %ne3A_4045, %ne3A_4050 : vector<128x1xi1>
    %sub3A_4052 = arith.constant 1 : i32
    %sub3A_4053 = vector.broadcast %sub3A_4052 : i32 to vector<128x1xi32>
    %sub3A_4054 = arith.subi %div3A_4027, %sub3A_4053 : vector<128x1xi32>
    %select_n3A_4055 = arith.select %and3A_4051, %sub3A_4054, %div3A_4027 : vector<128x1xi1>, vector<128x1xi32>
    %mul3A_4056 = arith.constant 32 : i32
    %mul3A_4057 = vector.broadcast %mul3A_4056 : i32 to vector<128x1xi32>
    %mul3A_4058 = arith.muli %select_n3A_4055, %mul3A_4057 : vector<128x1xi32>
    %sub3A_4059 = arith.subi %broadcast_in_dim3A_4019, %mul3A_4058 : vector<128x1xi32>
    %eq3A_4060 = vector.broadcast %select_n3A_4055 : vector<128x1xi32> to vector<128x128xi32>
    %eq3A_4061 = arith.cmpi eq, %eq3A_4060, %iota3A_35 : vector<128x128xi32>
    %convert_element_type3A_4062 = arith.extui %eq3A_4061 : vector<128x128xi1> to vector<128x128xi32>
    %convert_element_type3A_4063 = arith.sitofp %convert_element_type3A_4062 : vector<128x128xi32> to vector<128x128xf32>
    %dot_general3A_4064 = arith.constant dense<0.000000e+00> : vector<128x160xf32>
    %dot_general3A_4065 = tpu.matmul %convert_element_type3A_4063, %get3A_42, %dot_general3A_4064 {dimension_numbers = #tpu.dot_dimension_numbers<[1], [0], [0], [1], [0, 0, 1, 1], [], []>, transpose_lhs_hint = false} : vector<128x128xf32>, vector<128x160xf32>, vector<128x160xf32> -> vector<128x160xf32>
    %eq3A_4066 = vector.broadcast %sub3A_4059 : vector<128x1xi32> to vector<128x32xi32>
    %eq3A_4067 = arith.cmpi eq, %eq3A_4066, %iota3A_36 : vector<128x32xi32>
    %slice3A_4068 = vector.extract_strided_slice %dot_general3A_4065 {offsets = [0, 0], sizes = [128, 32], strides = [1, 1]} : vector<128x160xf32> to vector<128x32xf32>
    %jit3A_4069 = arith.constant 0.000000e+00 : f32
    %broadcast_in_dim3A_4070 = vector.broadcast %jit3A_4069 : f32 to vector<128x32xf32>
    %select_n3A_4071 = arith.select %eq3A_4067, %slice3A_4068, %broadcast_in_dim3A_4070 : vector<128x32xi1>, vector<128x32xf32>
    %reduce_sum3A_4072 = arith.constant dense<0.000000e+00> : vector<128xf32>
    %reduce_sum3A_4073 = vector.multi_reduction <add>, %select_n3A_4071, %reduce_sum3A_4072 [1] : vector<128x32xf32> to vector<128xf32>
    %broadcast_in_dim3A_4074 = vector.shape_cast %reduce_sum3A_4073 : vector<128xf32> to vector<128x1xf32>
    %slice3A_4075 = vector.extract_strided_slice %dot_general3A_4065 {offsets = [0, 32], sizes = [128, 32], strides = [1, 1]} : vector<128x160xf32> to vector<128x32xf32>
    %jit3A_4076 = arith.constant 0.000000e+00 : f32
    %broadcast_in_dim3A_4077 = vector.broadcast %jit3A_4076 : f32 to vector<128x32xf32>
    %select_n3A_4078 = arith.select %eq3A_4067, %slice3A_4075, %broadcast_in_dim3A_4077 : vector<128x32xi1>, vector<128x32xf32>
    %reduce_sum3A_4079 = arith.constant dense<0.000000e+00> : vector<128xf32>
    %reduce_sum3A_4080 = vector.multi_reduction <add>, %select_n3A_4078, %reduce_sum3A_4079 [1] : vector<128x32xf32> to vector<128xf32>
    %broadcast_in_dim3A_4081 = vector.shape_cast %reduce_sum3A_4080 : vector<128xf32> to vector<128x1xf32>
    %slice3A_4082 = vector.extract_strided_slice %dot_general3A_4065 {offsets = [0, 64], sizes = [128, 32], strides = [1, 1]} : vector<128x160xf32> to vector<128x32xf32>
    %jit3A_4083 = arith.constant 0.000000e+00 : f32
    %broadcast_in_dim3A_4084 = vector.broadcast %jit3A_4083 : f32 to vector<128x32xf32>
    %select_n3A_4085 = arith.select %eq3A_4067, %slice3A_4082, %broadcast_in_dim3A_4084 : vector<128x32xi1>, vector<128x32xf32>
    %reduce_sum3A_4086 = arith.constant dense<0.000000e+00> : vector<128xf32>
    %reduce_sum3A_4087 = vector.multi_reduction <add>, %select_n3A_4085, %reduce_sum3A_4086 [1] : vector<128x32xf32> to vector<128xf32>
    %broadcast_in_dim3A_4088 = vector.shape_cast %reduce_sum3A_4087 : vector<128xf32> to vector<128x1xf32>
    %slice3A_4089 = vector.extract_strided_slice %dot_general3A_4065 {offsets = [0, 96], sizes = [128, 32], strides = [1, 1]} : vector<128x160xf32> to vector<128x32xf32>
    %jit3A_4090 = arith.constant 0.000000e+00 : f32
    %broadcast_in_dim3A_4091 = vector.broadcast %jit3A_4090 : f32 to vector<128x32xf32>
    %select_n3A_4092 = arith.select %eq3A_4067, %slice3A_4089, %broadcast_in_dim3A_4091 : vector<128x32xi1>, vector<128x32xf32>
    %reduce_sum3A_4093 = arith.constant dense<0.000000e+00> : vector<128xf32>
    %reduce_sum3A_4094 = vector.multi_reduction <add>, %select_n3A_4092, %reduce_sum3A_4093 [1] : vector<128x32xf32> to vector<128xf32>
    %broadcast_in_dim3A_4095 = vector.shape_cast %reduce_sum3A_4094 : vector<128xf32> to vector<128x1xf32>
    %slice3A_4096 = vector.extract_strided_slice %dot_general3A_4065 {offsets = [0, 128], sizes = [128, 32], strides = [1, 1]} : vector<128x160xf32> to vector<128x32xf32>
    %jit3A_4097 = arith.constant 0.000000e+00 : f32
    %broadcast_in_dim3A_4098 = vector.broadcast %jit3A_4097 : f32 to vector<128x32xf32>
    %select_n3A_4099 = arith.select %eq3A_4067, %slice3A_4096, %broadcast_in_dim3A_4098 : vector<128x32xi1>, vector<128x32xf32>
    %reduce_sum3A_4100 = arith.constant dense<0.000000e+00> : vector<128xf32>
    %reduce_sum3A_4101 = vector.multi_reduction <add>, %select_n3A_4099, %reduce_sum3A_4100 [1] : vector<128x32xf32> to vector<128xf32>
    %broadcast_in_dim3A_4102 = vector.shape_cast %reduce_sum3A_4101 : vector<128xf32> to vector<128x1xf32>
    %convert_element_type3A_4103 = arith.fptosi %broadcast_in_dim3A_4102 : vector<128x1xf32> to vector<128x1xi32>
    %eq3A_4104 = vector.broadcast %convert_element_type3A_4103 : vector<128x1xi32> to vector<128x128xi32>
    %eq3A_4105 = arith.cmpi eq, %eq3A_4104, %iota3A_37 : vector<128x128xi32>
    %convert_element_type3A_4106 = arith.extui %eq3A_4105 : vector<128x128xi1> to vector<128x128xi32>
    %convert_element_type3A_4107 = arith.sitofp %convert_element_type3A_4106 : vector<128x128xi32> to vector<128x128xf32>
    %dot_general3A_4108 = arith.constant dense<0.000000e+00> : vector<128x64xf32>
    %dot_general3A_4109 = tpu.matmul %convert_element_type3A_4107, %get3A_45, %dot_general3A_4108 {dimension_numbers = #tpu.dot_dimension_numbers<[1], [0], [0], [1], [0, 0, 1, 1], [], []>, transpose_lhs_hint = false} : vector<128x128xf32>, vector<128x64xf32>, vector<128x64xf32> -> vector<128x64xf32>
    %sub3A_4110 = vector.broadcast %broadcast_in_dim3A_4011 : vector<128x1xf32> to vector<128x32xf32>
    %sub3A_4111 = vector.broadcast %get3A_48 : vector<1x32xf32> to vector<128x32xf32>
    %sub3A_4112 = arith.subf %sub3A_4110, %sub3A_4111 : vector<128x32xf32>
    %integer_pow3A_4113 = arith.mulf %sub3A_4112, %sub3A_4112 : vector<128x32xf32>
    %mul3A_4114 = arith.constant -28.4444447 : f32
    %mul3A_4115 = vector.broadcast %mul3A_4114 : f32 to vector<128x32xf32>
    %mul3A_4116 = arith.mulf %mul3A_4115, %integer_pow3A_4113 : vector<128x32xf32>
    %exp3A_4117 = math.exp %mul3A_4116 : vector<128x32xf32>
    %sub3A_4118 = arith.subf %slice3A, %broadcast_in_dim3A_4074 : vector<128x1xf32>
    %sub3A_4119 = arith.subf %slice3A_4, %broadcast_in_dim3A_4081 : vector<128x1xf32>
    %sub3A_4120 = arith.subf %slice3A_5, %broadcast_in_dim3A_4088 : vector<128x1xf32>
    %concatenate3A_4121 = tpu.concatenate %sub3A_4118, %sub3A_4119, %sub3A_4120, %broadcast_in_dim3A_4095, %dot_general3A_4109, %exp3A_4117, %broadcast_in_dim3A_4011 in 1 : vector<128x1xf32>, vector<128x1xf32>, vector<128x1xf32>, vector<128x1xf32>, vector<128x64xf32>, vector<128x32xf32>, vector<128x1xf32> -> vector<128x101xf32>
    %le3A_4122 = arith.constant 6.000000e+00 : f32
    %le3A_4123 = vector.broadcast %le3A_4122 : f32 to vector<128x1xf32>
    %le3A_4124 = arith.cmpf ole, %broadcast_in_dim3A_4011, %le3A_4123 : vector<128x1xf32>
    %jit3A_4125 = arith.constant 0.000000e+00 : f32
    %broadcast_in_dim3A_4126 = vector.shape_cast %le3A_4124 : vector<128x1xi1> to vector<128x1xi1>
    %broadcast_in_dim3A_4127 = vector.broadcast %broadcast_in_dim3A_4126 : vector<128x1xi1> to vector<128x101xi1>
    %broadcast_in_dim3A_4128 = vector.broadcast %jit3A_4125 : f32 to vector<128x101xf32>
    %select_n3A_4129 = arith.select %broadcast_in_dim3A_4127, %concatenate3A_4121, %broadcast_in_dim3A_4128 : vector<128x101xi1>, vector<128x101xf32>
    %swap3A_4130 = arith.constant 0 : index
    %swap3A_4131 = arith.constant 29 : index
    %swap3A_4132 = arith.constant 0 : index
    %swap3A_4133 = arith.constant 0 : index
    %swap3A_4134 = vector.load %arg7[%swap3A_4130, %swap3A_4131, %swap3A_4132, %swap3A_4133] : memref<1x32x128x101xf32, #tpu.memory_space<vmem>>, vector<1x1x128x101xf32>
    %swap3A_4135 = vector.shape_cast %swap3A_4134 : vector<1x1x128x101xf32> to vector<128x101xf32>
    %swap3A_4136 = vector.shape_cast %select_n3A_4129 : vector<128x101xf32> to vector<1x1x128x101xf32>
    tpu.vector_store %arg7[%swap3A_4130, %swap3A_4131, %swap3A_4132, %swap3A_4133], %swap3A_4136 {strides = array<i32>} : memref<1x32x128x101xf32, #tpu.memory_space<vmem>>, vector<1x1x128x101xf32>,
    %eq3A_4137 = arith.constant 29 : i32
    %eq3A_4138 = vector.broadcast %eq3A_4137 : i32 to vector<128x32xi32>
    %eq3A_4139 = arith.cmpi eq, %iota3A, %eq3A_4138 : vector<128x32xi32>
    %broadcast_in_dim3A_4140 = vector.shape_cast %broadcast_in_dim3A_4011 : vector<128x1xf32> to vector<128x1xf32>
    %broadcast_in_dim3A_4141 = vector.broadcast %broadcast_in_dim3A_4140 : vector<128x1xf32> to vector<128x32xf32>
    %select_n3A_4142 = arith.select %eq3A_4139, %broadcast_in_dim3A_4141, %select_n3A_4005 : vector<128x32xi1>, vector<128x32xf32>
    %broadcast_in_dim3A_4143 = vector.shape_cast %broadcast_in_dim3A_4019 : vector<128x1xi32> to vector<128x1xi32>
    %broadcast_in_dim3A_4144 = vector.broadcast %broadcast_in_dim3A_4143 : vector<128x1xi32> to vector<128x32xi32>
    %select_n3A_4145 = arith.select %eq3A_4139, %broadcast_in_dim3A_4144, %select_n3A_4008 : vector<128x32xi1>, vector<128x32xi32>
    %reduce_min3A_4146 = arith.constant dense<0x7F800000> : vector<128xf32>
    %reduce_min3A_4147 = vector.multi_reduction <minimumf>, %select_n3A_4024, %reduce_min3A_4146 [1] : vector<128x4096xf32> to vector<128xf32>
    %broadcast_in_dim3A_4148 = vector.shape_cast %reduce_min3A_4147 : vector<128xf32> to vector<128x1xf32>
    %eq3A_4149 = vector.broadcast %broadcast_in_dim3A_4148 : vector<128x1xf32> to vector<128x4096xf32>
    %eq3A_4150 = arith.cmpf oeq, %select_n3A_4024, %eq3A_4149 : vector<128x4096xf32>
    %jit3A_4151 = arith.constant 4096 : i32
    %broadcast_in_dim3A_4152 = vector.broadcast %jit3A_4151 : i32 to vector<128x4096xi32>
    %select_n3A_4153 = arith.select %eq3A_4150, %iota3A_49, %broadcast_in_dim3A_4152 : vector<128x4096xi1>, vector<128x4096xi32>
    %reduce_min3A_4154 = arith.constant dense<2147483647> : vector<128xi32>
    %reduce_min3A_4155 = vector.multi_reduction <minsi>, %select_n3A_4153, %reduce_min3A_4154 [1] : vector<128x4096xi32> to vector<128xi32>
    %broadcast_in_dim3A_4156 = vector.shape_cast %reduce_min3A_4155 : vector<128xi32> to vector<128x1xi32>
    %eq3A_4157 = vector.broadcast %broadcast_in_dim3A_4156 : vector<128x1xi32> to vector<128x4096xi32>
    %eq3A_4158 = arith.cmpi eq, %iota3A_49, %eq3A_4157 : vector<128x4096xi32>
    %jit3A_4159 = arith.constant 0x7F800000 : f32
    %broadcast_in_dim3A_4160 = vector.broadcast %jit3A_4159 : f32 to vector<128x4096xf32>
    %select_n3A_4161 = arith.select %eq3A_4158, %broadcast_in_dim3A_4160, %select_n3A_4024 : vector<128x4096xi1>, vector<128x4096xf32>
    %jit3A_4162 = arith.constant 32 : i32
    %div3A_4163 = vector.broadcast %jit3A_4162 : i32 to vector<128x1xi32>
    %div3A_4164 = arith.divsi %broadcast_in_dim3A_4156, %div3A_4163 : vector<128x1xi32>
    %sign3A_4165 = arith.constant 0 : i32
    %sign3A_4166 = vector.broadcast %sign3A_4165 : i32 to vector<128x1xi32>
    %sign3A_4167 = arith.cmpi sgt, %broadcast_in_dim3A_4156, %sign3A_4166 : vector<128x1xi32>
    %sign3A_4168 = arith.extui %sign3A_4167 : vector<128x1xi1> to vector<128x1xi32>
    %sign3A_4169 = arith.constant 0 : i32
    %sign3A_4170 = vector.broadcast %sign3A_4169 : i32 to vector<128x1xi32>
    %sign3A_4171 = arith.cmpi slt, %broadcast_in_dim3A_4156, %sign3A_4170 : vector<128x1xi32>
    %sign3A_4172 = arith.extui %sign3A_4171 : vector<128x1xi1> to vector<128x1xi32>
    %sign3A_4173 = arith.subi %sign3A_4168, %sign3A_4172 : vector<128x1xi32>
    %sign3A_4174 = arith.constant 0 : i32
    %sign3A_4175 = arith.cmpi sgt, %jit3A_4162, %sign3A_4174 : i32
    %sign3A_4176 = arith.extui %sign3A_4175 : i1 to i32
    %sign3A_4177 = arith.constant 0 : i32
    %sign3A_4178 = arith.cmpi slt, %jit3A_4162, %sign3A_4177 : i32
    %sign3A_4179 = arith.extui %sign3A_4178 : i1 to i32
    %sign3A_4180 = arith.subi %sign3A_4176, %sign3A_4179 : i32
    %ne3A_4181 = vector.broadcast %sign3A_4180 : i32 to vector<128x1xi32>
    %ne3A_4182 = arith.cmpi ne, %sign3A_4173, %ne3A_4181 : vector<128x1xi32>
    %rem3A_4183 = vector.broadcast %jit3A_4162 : i32 to vector<128x1xi32>
    %rem3A_4184 = arith.remsi %broadcast_in_dim3A_4156, %rem3A_4183 : vector<128x1xi32>
    %ne3A_4185 = arith.constant 0 : i32
    %ne3A_4186 = vector.broadcast %ne3A_4185 : i32 to vector<128x1xi32>
    %ne3A_4187 = arith.cmpi ne, %rem3A_4184, %ne3A_4186 : vector<128x1xi32>
    %and3A_4188 = arith.andi %ne3A_4182, %ne3A_4187 : vector<128x1xi1>
    %sub3A_4189 = arith.constant 1 : i32
    %sub3A_4190 = vector.broadcast %sub3A_4189 : i32 to vector<128x1xi32>
    %sub3A_4191 = arith.subi %div3A_4164, %sub3A_4190 : vector<128x1xi32>
    %select_n3A_4192 = arith.select %and3A_4188, %sub3A_4191, %div3A_4164 : vector<128x1xi1>, vector<128x1xi32>
    %mul3A_4193 = arith.constant 32 : i32
    %mul3A_4194 = vector.broadcast %mul3A_4193 : i32 to vector<128x1xi32>
    %mul3A_4195 = arith.muli %select_n3A_4192, %mul3A_4194 : vector<128x1xi32>
    %sub3A_4196 = arith.subi %broadcast_in_dim3A_4156, %mul3A_4195 : vector<128x1xi32>
    %eq3A_4197 = vector.broadcast %select_n3A_4192 : vector<128x1xi32> to vector<128x128xi32>
    %eq3A_4198 = arith.cmpi eq, %eq3A_4197, %iota3A_35 : vector<128x128xi32>
    %convert_element_type3A_4199 = arith.extui %eq3A_4198 : vector<128x128xi1> to vector<128x128xi32>
    %convert_element_type3A_4200 = arith.sitofp %convert_element_type3A_4199 : vector<128x128xi32> to vector<128x128xf32>
    %dot_general3A_4201 = arith.constant dense<0.000000e+00> : vector<128x160xf32>
    %dot_general3A_4202 = tpu.matmul %convert_element_type3A_4200, %get3A_42, %dot_general3A_4201 {dimension_numbers = #tpu.dot_dimension_numbers<[1], [0], [0], [1], [0, 0, 1, 1], [], []>, transpose_lhs_hint = false} : vector<128x128xf32>, vector<128x160xf32>, vector<128x160xf32> -> vector<128x160xf32>
    %eq3A_4203 = vector.broadcast %sub3A_4196 : vector<128x1xi32> to vector<128x32xi32>
    %eq3A_4204 = arith.cmpi eq, %eq3A_4203, %iota3A_36 : vector<128x32xi32>
    %slice3A_4205 = vector.extract_strided_slice %dot_general3A_4202 {offsets = [0, 0], sizes = [128, 32], strides = [1, 1]} : vector<128x160xf32> to vector<128x32xf32>
    %jit3A_4206 = arith.constant 0.000000e+00 : f32
    %broadcast_in_dim3A_4207 = vector.broadcast %jit3A_4206 : f32 to vector<128x32xf32>
    %select_n3A_4208 = arith.select %eq3A_4204, %slice3A_4205, %broadcast_in_dim3A_4207 : vector<128x32xi1>, vector<128x32xf32>
    %reduce_sum3A_4209 = arith.constant dense<0.000000e+00> : vector<128xf32>
    %reduce_sum3A_4210 = vector.multi_reduction <add>, %select_n3A_4208, %reduce_sum3A_4209 [1] : vector<128x32xf32> to vector<128xf32>
    %broadcast_in_dim3A_4211 = vector.shape_cast %reduce_sum3A_4210 : vector<128xf32> to vector<128x1xf32>
    %slice3A_4212 = vector.extract_strided_slice %dot_general3A_4202 {offsets = [0, 32], sizes = [128, 32], strides = [1, 1]} : vector<128x160xf32> to vector<128x32xf32>
    %jit3A_4213 = arith.constant 0.000000e+00 : f32
    %broadcast_in_dim3A_4214 = vector.broadcast %jit3A_4213 : f32 to vector<128x32xf32>
    %select_n3A_4215 = arith.select %eq3A_4204, %slice3A_4212, %broadcast_in_dim3A_4214 : vector<128x32xi1>, vector<128x32xf32>
    %reduce_sum3A_4216 = arith.constant dense<0.000000e+00> : vector<128xf32>
    %reduce_sum3A_4217 = vector.multi_reduction <add>, %select_n3A_4215, %reduce_sum3A_4216 [1] : vector<128x32xf32> to vector<128xf32>
    %broadcast_in_dim3A_4218 = vector.shape_cast %reduce_sum3A_4217 : vector<128xf32> to vector<128x1xf32>
    %slice3A_4219 = vector.extract_strided_slice %dot_general3A_4202 {offsets = [0, 64], sizes = [128, 32], strides = [1, 1]} : vector<128x160xf32> to vector<128x32xf32>
    %jit3A_4220 = arith.constant 0.000000e+00 : f32
    %broadcast_in_dim3A_4221 = vector.broadcast %jit3A_4220 : f32 to vector<128x32xf32>
    %select_n3A_4222 = arith.select %eq3A_4204, %slice3A_4219, %broadcast_in_dim3A_4221 : vector<128x32xi1>, vector<128x32xf32>
    %reduce_sum3A_4223 = arith.constant dense<0.000000e+00> : vector<128xf32>
    %reduce_sum3A_4224 = vector.multi_reduction <add>, %select_n3A_4222, %reduce_sum3A_4223 [1] : vector<128x32xf32> to vector<128xf32>
    %broadcast_in_dim3A_4225 = vector.shape_cast %reduce_sum3A_4224 : vector<128xf32> to vector<128x1xf32>
    %slice3A_4226 = vector.extract_strided_slice %dot_general3A_4202 {offsets = [0, 96], sizes = [128, 32], strides = [1, 1]} : vector<128x160xf32> to vector<128x32xf32>
    %jit3A_4227 = arith.constant 0.000000e+00 : f32
    %broadcast_in_dim3A_4228 = vector.broadcast %jit3A_4227 : f32 to vector<128x32xf32>
    %select_n3A_4229 = arith.select %eq3A_4204, %slice3A_4226, %broadcast_in_dim3A_4228 : vector<128x32xi1>, vector<128x32xf32>
    %reduce_sum3A_4230 = arith.constant dense<0.000000e+00> : vector<128xf32>
    %reduce_sum3A_4231 = vector.multi_reduction <add>, %select_n3A_4229, %reduce_sum3A_4230 [1] : vector<128x32xf32> to vector<128xf32>
    %broadcast_in_dim3A_4232 = vector.shape_cast %reduce_sum3A_4231 : vector<128xf32> to vector<128x1xf32>
    %slice3A_4233 = vector.extract_strided_slice %dot_general3A_4202 {offsets = [0, 128], sizes = [128, 32], strides = [1, 1]} : vector<128x160xf32> to vector<128x32xf32>
    %jit3A_4234 = arith.constant 0.000000e+00 : f32
    %broadcast_in_dim3A_4235 = vector.broadcast %jit3A_4234 : f32 to vector<128x32xf32>
    %select_n3A_4236 = arith.select %eq3A_4204, %slice3A_4233, %broadcast_in_dim3A_4235 : vector<128x32xi1>, vector<128x32xf32>
    %reduce_sum3A_4237 = arith.constant dense<0.000000e+00> : vector<128xf32>
    %reduce_sum3A_4238 = vector.multi_reduction <add>, %select_n3A_4236, %reduce_sum3A_4237 [1] : vector<128x32xf32> to vector<128xf32>
    %broadcast_in_dim3A_4239 = vector.shape_cast %reduce_sum3A_4238 : vector<128xf32> to vector<128x1xf32>
    %convert_element_type3A_4240 = arith.fptosi %broadcast_in_dim3A_4239 : vector<128x1xf32> to vector<128x1xi32>
    %eq3A_4241 = vector.broadcast %convert_element_type3A_4240 : vector<128x1xi32> to vector<128x128xi32>
    %eq3A_4242 = arith.cmpi eq, %eq3A_4241, %iota3A_37 : vector<128x128xi32>
    %convert_element_type3A_4243 = arith.extui %eq3A_4242 : vector<128x128xi1> to vector<128x128xi32>
    %convert_element_type3A_4244 = arith.sitofp %convert_element_type3A_4243 : vector<128x128xi32> to vector<128x128xf32>
    %dot_general3A_4245 = arith.constant dense<0.000000e+00> : vector<128x64xf32>
    %dot_general3A_4246 = tpu.matmul %convert_element_type3A_4244, %get3A_45, %dot_general3A_4245 {dimension_numbers = #tpu.dot_dimension_numbers<[1], [0], [0], [1], [0, 0, 1, 1], [], []>, transpose_lhs_hint = false} : vector<128x128xf32>, vector<128x64xf32>, vector<128x64xf32> -> vector<128x64xf32>
    %sub3A_4247 = vector.broadcast %broadcast_in_dim3A_4148 : vector<128x1xf32> to vector<128x32xf32>
    %sub3A_4248 = vector.broadcast %get3A_48 : vector<1x32xf32> to vector<128x32xf32>
    %sub3A_4249 = arith.subf %sub3A_4247, %sub3A_4248 : vector<128x32xf32>
    %integer_pow3A_4250 = arith.mulf %sub3A_4249, %sub3A_4249 : vector<128x32xf32>
    %mul3A_4251 = arith.constant -28.4444447 : f32
    %mul3A_4252 = vector.broadcast %mul3A_4251 : f32 to vector<128x32xf32>
    %mul3A_4253 = arith.mulf %mul3A_4252, %integer_pow3A_4250 : vector<128x32xf32>
    %exp3A_4254 = math.exp %mul3A_4253 : vector<128x32xf32>
    %sub3A_4255 = arith.subf %slice3A, %broadcast_in_dim3A_4211 : vector<128x1xf32>
    %sub3A_4256 = arith.subf %slice3A_4, %broadcast_in_dim3A_4218 : vector<128x1xf32>
    %sub3A_4257 = arith.subf %slice3A_5, %broadcast_in_dim3A_4225 : vector<128x1xf32>
    %concatenate3A_4258 = tpu.concatenate %sub3A_4255, %sub3A_4256, %sub3A_4257, %broadcast_in_dim3A_4232, %dot_general3A_4246, %exp3A_4254, %broadcast_in_dim3A_4148 in 1 : vector<128x1xf32>, vector<128x1xf32>, vector<128x1xf32>, vector<128x1xf32>, vector<128x64xf32>, vector<128x32xf32>, vector<128x1xf32> -> vector<128x101xf32>
    %le3A_4259 = arith.constant 6.000000e+00 : f32
    %le3A_4260 = vector.broadcast %le3A_4259 : f32 to vector<128x1xf32>
    %le3A_4261 = arith.cmpf ole, %broadcast_in_dim3A_4148, %le3A_4260 : vector<128x1xf32>
    %jit3A_4262 = arith.constant 0.000000e+00 : f32
    %broadcast_in_dim3A_4263 = vector.shape_cast %le3A_4261 : vector<128x1xi1> to vector<128x1xi1>
    %broadcast_in_dim3A_4264 = vector.broadcast %broadcast_in_dim3A_4263 : vector<128x1xi1> to vector<128x101xi1>
    %broadcast_in_dim3A_4265 = vector.broadcast %jit3A_4262 : f32 to vector<128x101xf32>
    %select_n3A_4266 = arith.select %broadcast_in_dim3A_4264, %concatenate3A_4258, %broadcast_in_dim3A_4265 : vector<128x101xi1>, vector<128x101xf32>
    %swap3A_4267 = arith.constant 0 : index
    %swap3A_4268 = arith.constant 30 : index
    %swap3A_4269 = arith.constant 0 : index
    %swap3A_4270 = arith.constant 0 : index
    %swap3A_4271 = vector.load %arg7[%swap3A_4267, %swap3A_4268, %swap3A_4269, %swap3A_4270] : memref<1x32x128x101xf32, #tpu.memory_space<vmem>>, vector<1x1x128x101xf32>
    %swap3A_4272 = vector.shape_cast %swap3A_4271 : vector<1x1x128x101xf32> to vector<128x101xf32>
    %swap3A_4273 = vector.shape_cast %select_n3A_4266 : vector<128x101xf32> to vector<1x1x128x101xf32>
    tpu.vector_store %arg7[%swap3A_4267, %swap3A_4268, %swap3A_4269, %swap3A_4270], %swap3A_4273 {strides = array<i32>} : memref<1x32x128x101xf32, #tpu.memory_space<vmem>>, vector<1x1x128x101xf32>,
    %eq3A_4274 = arith.constant 30 : i32
    %eq3A_4275 = vector.broadcast %eq3A_4274 : i32 to vector<128x32xi32>
    %eq3A_4276 = arith.cmpi eq, %iota3A, %eq3A_4275 : vector<128x32xi32>
    %broadcast_in_dim3A_4277 = vector.shape_cast %broadcast_in_dim3A_4148 : vector<128x1xf32> to vector<128x1xf32>
    %broadcast_in_dim3A_4278 = vector.broadcast %broadcast_in_dim3A_4277 : vector<128x1xf32> to vector<128x32xf32>
    %select_n3A_4279 = arith.select %eq3A_4276, %broadcast_in_dim3A_4278, %select_n3A_4142 : vector<128x32xi1>, vector<128x32xf32>
    %broadcast_in_dim3A_4280 = vector.shape_cast %broadcast_in_dim3A_4156 : vector<128x1xi32> to vector<128x1xi32>
    %broadcast_in_dim3A_4281 = vector.broadcast %broadcast_in_dim3A_4280 : vector<128x1xi32> to vector<128x32xi32>
    %select_n3A_4282 = arith.select %eq3A_4276, %broadcast_in_dim3A_4281, %select_n3A_4145 : vector<128x32xi1>, vector<128x32xi32>
    %reduce_min3A_4283 = arith.constant dense<0x7F800000> : vector<128xf32>
    %reduce_min3A_4284 = vector.multi_reduction <minimumf>, %select_n3A_4161, %reduce_min3A_4283 [1] : vector<128x4096xf32> to vector<128xf32>
    %broadcast_in_dim3A_4285 = vector.shape_cast %reduce_min3A_4284 : vector<128xf32> to vector<128x1xf32>
    %eq3A_4286 = vector.broadcast %broadcast_in_dim3A_4285 : vector<128x1xf32> to vector<128x4096xf32>
    %eq3A_4287 = arith.cmpf oeq, %select_n3A_4161, %eq3A_4286 : vector<128x4096xf32>
    %jit3A_4288 = arith.constant 4096 : i32
    %broadcast_in_dim3A_4289 = vector.broadcast %jit3A_4288 : i32 to vector<128x4096xi32>
    %select_n3A_4290 = arith.select %eq3A_4287, %iota3A_49, %broadcast_in_dim3A_4289 : vector<128x4096xi1>, vector<128x4096xi32>
    %reduce_min3A_4291 = arith.constant dense<2147483647> : vector<128xi32>
    %reduce_min3A_4292 = vector.multi_reduction <minsi>, %select_n3A_4290, %reduce_min3A_4291 [1] : vector<128x4096xi32> to vector<128xi32>
    %broadcast_in_dim3A_4293 = vector.shape_cast %reduce_min3A_4292 : vector<128xi32> to vector<128x1xi32>
    %jit3A_4294 = arith.constant 32 : i32
    %div3A_4295 = vector.broadcast %jit3A_4294 : i32 to vector<128x1xi32>
    %div3A_4296 = arith.divsi %broadcast_in_dim3A_4293, %div3A_4295 : vector<128x1xi32>
    %sign3A_4297 = arith.constant 0 : i32
    %sign3A_4298 = vector.broadcast %sign3A_4297 : i32 to vector<128x1xi32>
    %sign3A_4299 = arith.cmpi sgt, %broadcast_in_dim3A_4293, %sign3A_4298 : vector<128x1xi32>
    %sign3A_4300 = arith.extui %sign3A_4299 : vector<128x1xi1> to vector<128x1xi32>
    %sign3A_4301 = arith.constant 0 : i32
    %sign3A_4302 = vector.broadcast %sign3A_4301 : i32 to vector<128x1xi32>
    %sign3A_4303 = arith.cmpi slt, %broadcast_in_dim3A_4293, %sign3A_4302 : vector<128x1xi32>
    %sign3A_4304 = arith.extui %sign3A_4303 : vector<128x1xi1> to vector<128x1xi32>
    %sign3A_4305 = arith.subi %sign3A_4300, %sign3A_4304 : vector<128x1xi32>
    %sign3A_4306 = arith.constant 0 : i32
    %sign3A_4307 = arith.cmpi sgt, %jit3A_4294, %sign3A_4306 : i32
    %sign3A_4308 = arith.extui %sign3A_4307 : i1 to i32
    %sign3A_4309 = arith.constant 0 : i32
    %sign3A_4310 = arith.cmpi slt, %jit3A_4294, %sign3A_4309 : i32
    %sign3A_4311 = arith.extui %sign3A_4310 : i1 to i32
    %sign3A_4312 = arith.subi %sign3A_4308, %sign3A_4311 : i32
    %ne3A_4313 = vector.broadcast %sign3A_4312 : i32 to vector<128x1xi32>
    %ne3A_4314 = arith.cmpi ne, %sign3A_4305, %ne3A_4313 : vector<128x1xi32>
    %rem3A_4315 = vector.broadcast %jit3A_4294 : i32 to vector<128x1xi32>
    %rem3A_4316 = arith.remsi %broadcast_in_dim3A_4293, %rem3A_4315 : vector<128x1xi32>
    %ne3A_4317 = arith.constant 0 : i32
    %ne3A_4318 = vector.broadcast %ne3A_4317 : i32 to vector<128x1xi32>
    %ne3A_4319 = arith.cmpi ne, %rem3A_4316, %ne3A_4318 : vector<128x1xi32>
    %and3A_4320 = arith.andi %ne3A_4314, %ne3A_4319 : vector<128x1xi1>
    %sub3A_4321 = arith.constant 1 : i32
    %sub3A_4322 = vector.broadcast %sub3A_4321 : i32 to vector<128x1xi32>
    %sub3A_4323 = arith.subi %div3A_4296, %sub3A_4322 : vector<128x1xi32>
    %select_n3A_4324 = arith.select %and3A_4320, %sub3A_4323, %div3A_4296 : vector<128x1xi1>, vector<128x1xi32>
    %mul3A_4325 = arith.constant 32 : i32
    %mul3A_4326 = vector.broadcast %mul3A_4325 : i32 to vector<128x1xi32>
    %mul3A_4327 = arith.muli %select_n3A_4324, %mul3A_4326 : vector<128x1xi32>
    %sub3A_4328 = arith.subi %broadcast_in_dim3A_4293, %mul3A_4327 : vector<128x1xi32>
    %eq3A_4329 = vector.broadcast %select_n3A_4324 : vector<128x1xi32> to vector<128x128xi32>
    %eq3A_4330 = arith.cmpi eq, %eq3A_4329, %iota3A_35 : vector<128x128xi32>
    %convert_element_type3A_4331 = arith.extui %eq3A_4330 : vector<128x128xi1> to vector<128x128xi32>
    %convert_element_type3A_4332 = arith.sitofp %convert_element_type3A_4331 : vector<128x128xi32> to vector<128x128xf32>
    %dot_general3A_4333 = arith.constant dense<0.000000e+00> : vector<128x160xf32>
    %dot_general3A_4334 = tpu.matmul %convert_element_type3A_4332, %get3A_42, %dot_general3A_4333 {dimension_numbers = #tpu.dot_dimension_numbers<[1], [0], [0], [1], [0, 0, 1, 1], [], []>, transpose_lhs_hint = false} : vector<128x128xf32>, vector<128x160xf32>, vector<128x160xf32> -> vector<128x160xf32>
    %eq3A_4335 = vector.broadcast %sub3A_4328 : vector<128x1xi32> to vector<128x32xi32>
    %eq3A_4336 = arith.cmpi eq, %eq3A_4335, %iota3A_36 : vector<128x32xi32>
    %slice3A_4337 = vector.extract_strided_slice %dot_general3A_4334 {offsets = [0, 0], sizes = [128, 32], strides = [1, 1]} : vector<128x160xf32> to vector<128x32xf32>
    %jit3A_4338 = arith.constant 0.000000e+00 : f32
    %broadcast_in_dim3A_4339 = vector.broadcast %jit3A_4338 : f32 to vector<128x32xf32>
    %select_n3A_4340 = arith.select %eq3A_4336, %slice3A_4337, %broadcast_in_dim3A_4339 : vector<128x32xi1>, vector<128x32xf32>
    %reduce_sum3A_4341 = arith.constant dense<0.000000e+00> : vector<128xf32>
    %reduce_sum3A_4342 = vector.multi_reduction <add>, %select_n3A_4340, %reduce_sum3A_4341 [1] : vector<128x32xf32> to vector<128xf32>
    %broadcast_in_dim3A_4343 = vector.shape_cast %reduce_sum3A_4342 : vector<128xf32> to vector<128x1xf32>
    %slice3A_4344 = vector.extract_strided_slice %dot_general3A_4334 {offsets = [0, 32], sizes = [128, 32], strides = [1, 1]} : vector<128x160xf32> to vector<128x32xf32>
    %jit3A_4345 = arith.constant 0.000000e+00 : f32
    %broadcast_in_dim3A_4346 = vector.broadcast %jit3A_4345 : f32 to vector<128x32xf32>
    %select_n3A_4347 = arith.select %eq3A_4336, %slice3A_4344, %broadcast_in_dim3A_4346 : vector<128x32xi1>, vector<128x32xf32>
    %reduce_sum3A_4348 = arith.constant dense<0.000000e+00> : vector<128xf32>
    %reduce_sum3A_4349 = vector.multi_reduction <add>, %select_n3A_4347, %reduce_sum3A_4348 [1] : vector<128x32xf32> to vector<128xf32>
    %broadcast_in_dim3A_4350 = vector.shape_cast %reduce_sum3A_4349 : vector<128xf32> to vector<128x1xf32>
    %slice3A_4351 = vector.extract_strided_slice %dot_general3A_4334 {offsets = [0, 64], sizes = [128, 32], strides = [1, 1]} : vector<128x160xf32> to vector<128x32xf32>
    %jit3A_4352 = arith.constant 0.000000e+00 : f32
    %broadcast_in_dim3A_4353 = vector.broadcast %jit3A_4352 : f32 to vector<128x32xf32>
    %select_n3A_4354 = arith.select %eq3A_4336, %slice3A_4351, %broadcast_in_dim3A_4353 : vector<128x32xi1>, vector<128x32xf32>
    %reduce_sum3A_4355 = arith.constant dense<0.000000e+00> : vector<128xf32>
    %reduce_sum3A_4356 = vector.multi_reduction <add>, %select_n3A_4354, %reduce_sum3A_4355 [1] : vector<128x32xf32> to vector<128xf32>
    %broadcast_in_dim3A_4357 = vector.shape_cast %reduce_sum3A_4356 : vector<128xf32> to vector<128x1xf32>
    %slice3A_4358 = vector.extract_strided_slice %dot_general3A_4334 {offsets = [0, 96], sizes = [128, 32], strides = [1, 1]} : vector<128x160xf32> to vector<128x32xf32>
    %jit3A_4359 = arith.constant 0.000000e+00 : f32
    %broadcast_in_dim3A_4360 = vector.broadcast %jit3A_4359 : f32 to vector<128x32xf32>
    %select_n3A_4361 = arith.select %eq3A_4336, %slice3A_4358, %broadcast_in_dim3A_4360 : vector<128x32xi1>, vector<128x32xf32>
    %reduce_sum3A_4362 = arith.constant dense<0.000000e+00> : vector<128xf32>
    %reduce_sum3A_4363 = vector.multi_reduction <add>, %select_n3A_4361, %reduce_sum3A_4362 [1] : vector<128x32xf32> to vector<128xf32>
    %broadcast_in_dim3A_4364 = vector.shape_cast %reduce_sum3A_4363 : vector<128xf32> to vector<128x1xf32>
    %slice3A_4365 = vector.extract_strided_slice %dot_general3A_4334 {offsets = [0, 128], sizes = [128, 32], strides = [1, 1]} : vector<128x160xf32> to vector<128x32xf32>
    %jit3A_4366 = arith.constant 0.000000e+00 : f32
    %broadcast_in_dim3A_4367 = vector.broadcast %jit3A_4366 : f32 to vector<128x32xf32>
    %select_n3A_4368 = arith.select %eq3A_4336, %slice3A_4365, %broadcast_in_dim3A_4367 : vector<128x32xi1>, vector<128x32xf32>
    %reduce_sum3A_4369 = arith.constant dense<0.000000e+00> : vector<128xf32>
    %reduce_sum3A_4370 = vector.multi_reduction <add>, %select_n3A_4368, %reduce_sum3A_4369 [1] : vector<128x32xf32> to vector<128xf32>
    %broadcast_in_dim3A_4371 = vector.shape_cast %reduce_sum3A_4370 : vector<128xf32> to vector<128x1xf32>
    %convert_element_type3A_4372 = arith.fptosi %broadcast_in_dim3A_4371 : vector<128x1xf32> to vector<128x1xi32>
    %eq3A_4373 = vector.broadcast %convert_element_type3A_4372 : vector<128x1xi32> to vector<128x128xi32>
    %eq3A_4374 = arith.cmpi eq, %eq3A_4373, %iota3A_37 : vector<128x128xi32>
    %convert_element_type3A_4375 = arith.extui %eq3A_4374 : vector<128x128xi1> to vector<128x128xi32>
    %convert_element_type3A_4376 = arith.sitofp %convert_element_type3A_4375 : vector<128x128xi32> to vector<128x128xf32>
    %dot_general3A_4377 = arith.constant dense<0.000000e+00> : vector<128x64xf32>
    %dot_general3A_4378 = tpu.matmul %convert_element_type3A_4376, %get3A_45, %dot_general3A_4377 {dimension_numbers = #tpu.dot_dimension_numbers<[1], [0], [0], [1], [0, 0, 1, 1], [], []>, transpose_lhs_hint = false} : vector<128x128xf32>, vector<128x64xf32>, vector<128x64xf32> -> vector<128x64xf32>
    %sub3A_4379 = vector.broadcast %broadcast_in_dim3A_4285 : vector<128x1xf32> to vector<128x32xf32>
    %sub3A_4380 = vector.broadcast %get3A_48 : vector<1x32xf32> to vector<128x32xf32>
    %sub3A_4381 = arith.subf %sub3A_4379, %sub3A_4380 : vector<128x32xf32>
    %integer_pow3A_4382 = arith.mulf %sub3A_4381, %sub3A_4381 : vector<128x32xf32>
    %mul3A_4383 = arith.constant -28.4444447 : f32
    %mul3A_4384 = vector.broadcast %mul3A_4383 : f32 to vector<128x32xf32>
    %mul3A_4385 = arith.mulf %mul3A_4384, %integer_pow3A_4382 : vector<128x32xf32>
    %exp3A_4386 = math.exp %mul3A_4385 : vector<128x32xf32>
    %sub3A_4387 = arith.subf %slice3A, %broadcast_in_dim3A_4343 : vector<128x1xf32>
    %sub3A_4388 = arith.subf %slice3A_4, %broadcast_in_dim3A_4350 : vector<128x1xf32>
    %sub3A_4389 = arith.subf %slice3A_5, %broadcast_in_dim3A_4357 : vector<128x1xf32>
    %concatenate3A_4390 = tpu.concatenate %sub3A_4387, %sub3A_4388, %sub3A_4389, %broadcast_in_dim3A_4364, %dot_general3A_4378, %exp3A_4386, %broadcast_in_dim3A_4285 in 1 : vector<128x1xf32>, vector<128x1xf32>, vector<128x1xf32>, vector<128x1xf32>, vector<128x64xf32>, vector<128x32xf32>, vector<128x1xf32> -> vector<128x101xf32>
    %le3A_4391 = arith.constant 6.000000e+00 : f32
    %le3A_4392 = vector.broadcast %le3A_4391 : f32 to vector<128x1xf32>
    %le3A_4393 = arith.cmpf ole, %broadcast_in_dim3A_4285, %le3A_4392 : vector<128x1xf32>
    %jit3A_4394 = arith.constant 0.000000e+00 : f32
    %broadcast_in_dim3A_4395 = vector.shape_cast %le3A_4393 : vector<128x1xi1> to vector<128x1xi1>
    %broadcast_in_dim3A_4396 = vector.broadcast %broadcast_in_dim3A_4395 : vector<128x1xi1> to vector<128x101xi1>
    %broadcast_in_dim3A_4397 = vector.broadcast %jit3A_4394 : f32 to vector<128x101xf32>
    %select_n3A_4398 = arith.select %broadcast_in_dim3A_4396, %concatenate3A_4390, %broadcast_in_dim3A_4397 : vector<128x101xi1>, vector<128x101xf32>
    %swap3A_4399 = arith.constant 0 : index
    %swap3A_4400 = arith.constant 31 : index
    %swap3A_4401 = arith.constant 0 : index
    %swap3A_4402 = arith.constant 0 : index
    %swap3A_4403 = vector.load %arg7[%swap3A_4399, %swap3A_4400, %swap3A_4401, %swap3A_4402] : memref<1x32x128x101xf32, #tpu.memory_space<vmem>>, vector<1x1x128x101xf32>
    %swap3A_4404 = vector.shape_cast %swap3A_4403 : vector<1x1x128x101xf32> to vector<128x101xf32>
    %swap3A_4405 = vector.shape_cast %select_n3A_4398 : vector<128x101xf32> to vector<1x1x128x101xf32>
    tpu.vector_store %arg7[%swap3A_4399, %swap3A_4400, %swap3A_4401, %swap3A_4402], %swap3A_4405 {strides = array<i32>} : memref<1x32x128x101xf32, #tpu.memory_space<vmem>>, vector<1x1x128x101xf32>,
    %eq3A_4406 = arith.constant 31 : i32
    %eq3A_4407 = vector.broadcast %eq3A_4406 : i32 to vector<128x32xi32>
    %eq3A_4408 = arith.cmpi eq, %iota3A, %eq3A_4407 : vector<128x32xi32>
    %broadcast_in_dim3A_4409 = vector.shape_cast %broadcast_in_dim3A_4285 : vector<128x1xf32> to vector<128x1xf32>
    %broadcast_in_dim3A_4410 = vector.broadcast %broadcast_in_dim3A_4409 : vector<128x1xf32> to vector<128x32xf32>
    %select_n3A_4411 = arith.select %eq3A_4408, %broadcast_in_dim3A_4410, %select_n3A_4279 : vector<128x32xi1>, vector<128x32xf32>
    %broadcast_in_dim3A_4412 = vector.shape_cast %broadcast_in_dim3A_4293 : vector<128x1xi32> to vector<128x1xi32>
    %broadcast_in_dim3A_4413 = vector.broadcast %broadcast_in_dim3A_4412 : vector<128x1xi32> to vector<128x32xi32>
    %select_n3A_4414 = arith.select %eq3A_4408, %broadcast_in_dim3A_4413, %select_n3A_4282 : vector<128x32xi1>, vector<128x32xi32>
    %le3A_4415 = arith.constant 6.000000e+00 : f32
    %le3A_4416 = vector.broadcast %le3A_4415 : f32 to vector<128x32xf32>
    %le3A_4417 = arith.cmpf ole, %select_n3A_4411, %le3A_4416 : vector<128x32xf32>
    %convert_element_type3A_4418 = arith.extui %le3A_4417 : vector<128x32xi1> to vector<128x32xi32>
    %swap3A_4419 = arith.constant 0 : index
    %swap3A_4420 = arith.constant 0 : index
    %swap3A_4421 = arith.constant 0 : index
    %swap3A_4422 = vector.load %arg8[%swap3A_4419, %swap3A_4420, %swap3A_4421] : memref<1x128x32xi32, #tpu.memory_space<vmem>>, vector<1x128x32xi32>
    %swap3A_4423 = vector.shape_cast %swap3A_4422 : vector<1x128x32xi32> to vector<128x32xi32>
    %swap3A_4424 = vector.shape_cast %convert_element_type3A_4418 : vector<128x32xi32> to vector<1x128x32xi32>
    tpu.vector_store %arg8[%swap3A_4419, %swap3A_4420, %swap3A_4421], %swap3A_4424 {strides = array<i32>} : memref<1x128x32xi32, #tpu.memory_space<vmem>>, vector<1x128x32xi32>,
    %swap3A_4425 = arith.constant 0 : index
    %swap3A_4426 = arith.constant 0 : index
    %swap3A_4427 = arith.constant 0 : index
    %swap3A_4428 = vector.load %arg9[%swap3A_4425, %swap3A_4426, %swap3A_4427] : memref<1x128x32xi32, #tpu.memory_space<vmem>>, vector<1x128x32xi32>
    %swap3A_4429 = vector.shape_cast %swap3A_4428 : vector<1x128x32xi32> to vector<128x32xi32>
    %swap3A_4430 = vector.shape_cast %select_n3A_4414 : vector<128x32xi32> to vector<1x128x32xi32>
    tpu.vector_store %arg9[%swap3A_4425, %swap3A_4426, %swap3A_4427], %swap3A_4430 {strides = array<i32>} : memref<1x128x32xi32, #tpu.memory_space<vmem>>, vector<1x128x32xi32>,
    %jit3A_4431 = arith.constant 0.000000e+00 : f32
    %broadcast_in_dim3A_4432 = vector.broadcast %jit3A_4431 : f32 to vector<128x32xf32>
    %select_n3A_4433 = arith.select %le3A_4417, %select_n3A_4411, %broadcast_in_dim3A_4432 : vector<128x32xi1>, vector<128x32xf32>
    %swap3A_4434 = arith.constant 0 : index
    %swap3A_4435 = arith.constant 0 : index
    %swap3A_4436 = arith.constant 0 : index
    %swap3A_4437 = vector.load %arg10[%swap3A_4434, %swap3A_4435, %swap3A_4436] : memref<1x128x32xf32, #tpu.memory_space<vmem>>, vector<1x128x32xf32>
    %swap3A_4438 = vector.shape_cast %swap3A_4437 : vector<1x128x32xf32> to vector<128x32xf32>
    %swap3A_4439 = vector.shape_cast %select_n3A_4433 : vector<128x32xf32> to vector<1x128x32xf32>
    tpu.vector_store %arg10[%swap3A_4434, %swap3A_4435, %swap3A_4436], %swap3A_4439 {strides = array<i32>} : memref<1x128x32xf32, #tpu.memory_space<vmem>>, vector<1x128x32xf32>,
    return
  }
  func.func @transform_0(%arg0: i32, %arg1: i32) -> (i32, i32, i32) {
    %c0_i32 = arith.constant 0 : i32
    %c0_i32_0 = arith.constant 0 : i32
    return %arg0, %arg1, %c0_i32 : i32, i32, i32
  }
  func.func @transform_1(%arg0: i32, %arg1: i32) -> (i32, i32, i32) {
    %c0_i32 = arith.constant 0 : i32
    %c0_i32_0 = arith.constant 0 : i32
    %c0_i32_1 = arith.constant 0 : i32
    return %arg0, %c0_i32, %c0_i32_0 : i32, i32, i32
  }
  func.func @transform_2(%arg0: i32, %arg1: i32) -> (i32, i32, i32) {
    %c0_i32 = arith.constant 0 : i32
    %c0_i32_0 = arith.constant 0 : i32
    %c0_i32_1 = arith.constant 0 : i32
    return %arg0, %c0_i32, %c0_i32_0 : i32, i32, i32
  }
  func.func @transform_3(%arg0: i32, %arg1: i32) -> (i32, i32) {
    %c0_i32 = arith.constant 0 : i32
    %c0_i32_0 = arith.constant 0 : i32
    %c0_i32_1 = arith.constant 0 : i32
    return %c0_i32, %c0_i32_0 : i32, i32
  }
  func.func @transform_4(%arg0: i32, %arg1: i32) -> (i32, i32) {
    %c0_i32 = arith.constant 0 : i32
    %c0_i32_0 = arith.constant 0 : i32
    %c0_i32_1 = arith.constant 0 : i32
    return %c0_i32, %c0_i32_0 : i32, i32
  }
  func.func @transform_5(%arg0: i32, %arg1: i32) -> (i32, i32, i32, i32) {
    %c0_i32 = arith.constant 0 : i32
    %c0_i32_0 = arith.constant 0 : i32
    %c0_i32_1 = arith.constant 0 : i32
    return %arg0, %c0_i32, %arg1, %c0_i32_0 : i32, i32, i32, i32
  }
  func.func @transform_6(%arg0: i32, %arg1: i32) -> (i32, i32, i32) {
    %c0_i32 = arith.constant 0 : i32
    %c0_i32_0 = arith.constant 0 : i32
    return %arg0, %arg1, %c0_i32 : i32, i32, i32
  }
  func.func @transform_7(%arg0: i32, %arg1: i32) -> (i32, i32, i32) {
    %c0_i32 = arith.constant 0 : i32
    %c0_i32_0 = arith.constant 0 : i32
    return %arg0, %arg1, %c0_i32 : i32, i32, i32
  }
  func.func @transform_8(%arg0: i32, %arg1: i32) -> (i32, i32, i32) {
    %c0_i32 = arith.constant 0 : i32
    %c0_i32_0 = arith.constant 0 : i32
    return %arg0, %arg1, %c0_i32 : i32, i32, i32
  }
}

</mosaic_0001>

<sc_bundles>
// kernel: sparse-core-data-format-call.cloned.1.call-start
scs
called_computation_lowered:
.L_overlay_start_0:
0x0: {  	s2 =	sld [smem:$0x3FD9]  }
0x1: {  	s3 =	sld [smem:$0x3FFE];
	_ =	sdelay $0x1  }
0x2: {  	s1 =	srdreg.scid  }
0x3: {  	s0 =	sand.u32 $0x1, s1  }
0x4: {  	s15 =	sshll.u32 s0, $0xA;
	s2 =	sadd.s32 s3, s2  }
0x5: {  	s2 =	sadd.s32 s2, s15  }
0x6: {  	[smem:$0x3FC3] =	sst s2  }
0x7: {  	_ = 	snop  }
0x8: {  	s2 =	sld [smem:$0x3FD0];
	_ =	sdelay $0x2  }
0x9: {  	s16 =	simm.s32 $0xA;
	s4 =	simm.s32 $0x10  }
0xa: {  	[smem:s4], [sflag:s16] =	dma.local [hbm:s2], $0x1  }
0xb: {  	_ =	swait.eq [sflag:s16], $0x1  }
0xc: {  	[sflag:s16] =	ssyncset.done $0x0  }
0xd: {  	[sflag:s16] =	ssyncadd.s32 $0xFFFFFFFF  }
0xe: {  	s17 =	sld [smem:$0x10];
	(tm) =	ssettm $0x1  }
0xf: {  	s18 =	sld [smem:$0x3FFB];
	_ =	sdelay $0x3  }
0x10: {  	_ =	strace s18  }
0x11: {  	s3 =	sld [smem:$0x3FFC];
	_ =	sdelay $0x3  }
0x12: {  	_ =	strace s3  }
0x13: {  	s3 =	sld [smem:$0x3FFD];
	_ =	sdelay $0x3  }
0x14: {  	_ =	strace s3  }
0x15: {  	_ =	strace $0x8FFFFFFF  }
0x16: {  	s19 =	sld [smem:$0x3FDB];
	_ =	sdelay $0x1  }
0x17: {  	s20 =	simm.s32 $_scs_section_size  }
0x18: {  	s5 =	simm.s32 $_size__tile_overlayer_lowered;
	s6 =	simm.s32 $_tile_overlayer_lowered  }
0x19: {  	s23 =	simm.s32 $0x1BFF;
	s22 =	sshll.u32 s6, $0x1;
	s3 =	sadd.s32 s20, s19  }
0x1a: {  	s7 =	simm.s32 $0x0;
	s21 =	sshll.u32 s5, $0x1;
	s5 =	sadd.s32 s22, s3  }
0x1b: {  	[timem:s7], [sflag:s23] =	dma.local [hbm:s5], s21  }
0x1c: {  	_ =	swait.ge [sflag:s23], s21  }
0x1d: {  	s4 =	ssub.s32 $0x0, s21;
	[sflag:s23] =	ssyncset.done $0x0  }
0x1e: {  	[sflag:s23] =	ssyncadd.s32 s4;
	_ =	sdelay $0x1  }
0x1f: {  	s24 =	simm.s32 $0x1B8B  }
0x20: {  	_ =	swait.ge [sflag:s24], $0x1  }
0x21: {  	[sflag:s24] =	ssyncset.done $0x0  }
0x22: {  	s26 =	simm.s32 $0x1B8E;
	s25 =	sld [smem:$0x3FFE];
	[sflag:s24] =	ssyncadd.s32 $0xFFFFFFFF  }
0x23: {  	s27 =	simm.s32 $execute0_lowered;
	[smem:$0x3FD2] =	sst s26  }
0x24: {  	s5 =	sshll.u32 s27, $0x1;
	_ =	strace $0x80000046;
	[dreg:$0x1] =	wrdreg $0xFFFFFFFF  }
0x25: {  	s28 =	simm.s32 $_size_execute0_lowered;
	s3 =	sadd.s32 s3, s5;
	[dreg:$0x0] =	wrdreg $0x0  }
0x26: {  	s5 =	sshll.u32 s28, $0x1;
	[dreg:$0x2] =	wrdreg s3  }
0x27: {  	[dreg:$0x3] =	wrdreg s5  }
0x28: {  	[dreg:$0x4] =	wrdreg $0xC0  }
0x29: {  	_ =	task [dreg:s7], $0x5FFFF  }
0x2a: {  	[dreg:$0x1] =	wrdreg $0xFFFFFFFF  }
0x2b: {  	[dreg:$0x0] =	wrdreg $0x60  }
0x2c: {  	[dreg:$0x2] =	wrdreg s25  }
0x2d: {  	[dreg:$0x3] =	wrdreg s17  }
0x2e: {  	[dreg:$0x4] =	wrdreg $0x9  }
0x2f: {  	_ =	task.clear_ibuf [dreg:s7], $0x5FFFF;
	_ =	strace $0x90000046  }
0x30: {  	s29 =	simm.s32 $0x9;
	_ =	strace $0x80000048  }
0x31: {  	_ =	swait.ge [sflag:s29], $0x1  }
0x32: {  	[sflag:s29] =	ssyncadd.s32 $0xFFFFFFFF  }
0x33: {  	_ =	strace $0x90000048  }
0x34: {  	_ =	sfence  }
0x35: {  	s30 =	sld [smem:$0x0];
	_ =	sdelay $0x2  }
0x36: {  	s31 =	sshll.u32 s1, $0xD;
	s1 =	sshrl.u32 s1, $0x2  }
0x37: {  	s3 =	sand.u32 $0x4000, s31;
	s1 =	sadd.s32 s1, s30  }
0x38: {  	s0 =	sor.u32 s3, s0;
	s1 =	sshll.u32 s1, $0x11  }
0x39: {  	s0 =	sor.u32 s1, s0  }
0x3a: {  	s0 =	sadd.s32 $0x8F2B, s0  }
0x3b: {  	[sflag:s0] =	ssyncadd.remote.s32 $0x1  }
0x3c: {  	_ =	sfence.sel $0xFFFF  }
0x3d: {  	[dreg:$0x0] =	wrdreg $0xFFFFFFFF;
	(pc) =	sbr.abs _section_cstart, $3  }
0x3e: {  	[dreg:$0x1] =	wrdreg $0xFFFFFFFF  }
0x3f: {  	_ =	task.clear_ibuf [dreg:s7], $0x2FFFF;
	_ =	strace $0x9FFFFFFF  }
0x40: {  	(tm) =	ssettm $0x7FFFFFFF  }
0x41: {  	_ =	shalt  }
tec
execute0_lowered:
.L_overlay_start_1:
0x0: {  	(tag) =	ssettag $0x1  }
0x1: {  	s3 =	rddreg [dreg:$0x0]  }
0x2: {  	s2 =	rddreg [dreg:$0x1]  }
0x3: {  	s1 =	srdreg.scid;
	s0 =	rddreg [dreg:$0x2];
	_ =	strace $0x80000047  }
0x4: {  	s7 =	simm.s32 $0x2;
	s15 =	simm.s32 $0x0;
	p0 =	por $0x0, $0x0  }
0x5: {  	s16 =	simm.s32 $0x0;
	s17 =	simm.s32 $0x0;
	s8 =	simm.s32 $0x0  }
0x6: {  	s10 =	simm.s32 $0x0;
	s11 =	simm.s32 $0x0;
	s12 =	simm.s32 $0x0  }
.Ltmp0:
0x7: {  	s9 =	simm.s32 $0x0;
	s4 =	sshll.u32 s1, $0x4;
	(pc) =	sbr.rel .LBB1_1-.Ltmp0, $4  }
0x8: {  	s1 =	stileid.u32;
	s3 =	sadd.s32 $0xC00, s3;
	s4 =	sand.u32 $0x10, s4  }
0x9: {  	s5 =	sand.u32 $0x3, s1;
	s6 =	sor.u32 s1, s4;
	s4 =	simm.s32 $0x1  }
0xa: {  	s14 =	smov.u32 s5;
	[sflag:s4] =	ssyncpa.u1 $0x0;
	s6 =	sshrl.u32 s6, $0x2  }
0xb: {  	[sflag:s7] =	ssyncpa.u1 $0x0;
	s7 =	simm.s32 $0x8000;
	s13 =	smov.u32 s6  }
.LBB1_5:
0xc: {  	p1 =	slt.u32 s9, $0x2  }
0xd: {  	s18 =	smov.u32 s17;
	p2 =	sgt.s32 @!p1 s17, $0x3;
	s19 =	sshra.s32 @!p1 s17, $0x1F  }
0xe: {  	p3 =	sgt.s32 @!p1 s15, $0x380;
	p2 =	por !p2, p1;
	s17 =	sand.u32 @!p1 s19, s17  }
0xf: {  	s19 =	sshra.s32 @!p1 s16, $0x1F;
	s18 =	simm.s32 @p2 $0x3;
	p2 =	sgt.s32 @!p1 s16, $0x1F  }
0x10: {  	s17 =	ssub.s32 @!p1 s18, s17;
	p2 =	por !p2, p1;
	s18 =	smov.u32 s16  }
0x11: {  	p3 =	por !p3, p1;
	s16 =	sand.u32 @!p1 s19, s16;
	s18 =	simm.s32 @p2 $0x1F  }
0x12: {  	s19 =	sadd.s32 @!p1 $0xFFFFFFFD, s17;
	s17 =	ssub.s32 @!p1 $0x4, s17;
	s16 =	ssub.s32 @!p1 s18, s16  }
0x13: {  	p2 =	sgt.s32 @!p1 s19, $0x0;
	s19 =	smov.u32 s15;
	s18 =	sadd.s32 @!p1 $0xFFFFFFE1, s16  }
0x14: {  	s19 =	simm.s32 @p3 $0x380;
	p3 =	sgt.s32 @!p1 s18, $0x0;
	s18 =	sshra.s32 @!p1 s15, $0x1F  }
0x15: {  	s17 =	smul.u32 @!p1 $0x65, s17;
	p2 =	por !p2, p1;
	s15 =	sand.u32 @!p1 s18, s15  }
0x16: {  	s16 =	ssub.s32 @!p1 $0x20, s16;
	p3 =	por !p3, p1;
	s15 =	ssub.s32 @!p1 s19, s15  }
0x17: {  	s17 =	simm.s32 @!p2 $0x0;
	s16 =	simm.s32 @!p3 $0x0;
	s18 =	sadd.s32 @!p1 $0xFFFFFC80, s15  }
0x18: {  	s19 =	smov.u32 s13;
	s16 =	smul.u32 @!p1 s16, s17;
	p2 =	sgt.s32 @!p1 s18, $0x7F  }
0x19: {  	s15 =	ssub.s32 @!p1 $0x400, s15;
	s18 =	sadd.s32 $0x80, s12;
	p2 =	por !p2, p1  }
0x1a: {  	s17 =	sadd.s32 $0x8, s13;
	s15 =	simm.s32 @!p2 $0x0;
	p2 =	sgt.s32 s18, $0x3FF  }
0x1b: {  	s20 =	smov.u32 s14;
	s19 =	smov.u32 @p2 s17  }
0x1c: {  	s15 =	smul.u32 @!p1 s15, s16;
	s16 =	sadd.s32 $0x4, s14;
	p3 =	sgt.s32 s19, $0x1F  }
0x1d: {  	s9 =	sadd.s32 $0x1, s9;
	p0 =	por !p0, !p0;
	s20 =	smov.u32 @p3 s16  }
0x1e: {  	s21 =	simm.s32 @!p1 $0x2;
	s18 =	simm.s32 @p2 $0x0;
	p2 =	sgt.s32 s20, $0x3  }
0x1f: {  	s17 =	smov.u32 s11;
	s20 =	smov.u32 @p2 s5;
	p2 =	sne.s32 s9, $0x22  }
.Ltmp1:
0x20: {  	s11 =	smov.u32 s14;
	s15 =	sand.u32 @!p1 $0x3FFFFFFF, s15;
	(pc) =	sbr.rel @!p2 .LBB1_6-.Ltmp1, $4  }
0x21: {  	s19 =	smov.u32 @p3 s6;
	s16 =	smov.u32 s10;
	s10 =	smov.u32 s13  }
0x22: {  	_ =	swait.ge @!p1 [sflag:s21], s15;
	s22 =	ssub.s32 @!p1 $0x0, s15;
	s15 =	smov.u32 s8  }
0x23: {  	s8 =	smov.u32 s12;
	s12 =	smov.u32 s18;
	[sflag:s21] =	ssyncset.done @!p1 $0x0  }
0x24: {  	s13 =	smov.u32 s19;
	[sflag:s21] =	ssyncadd.s32 @!p1 s22;
	s14 =	smov.u32 s20  }
.LBB1_1:
0x25: {  	p1 =	sgt.u32 s9, $0x1F  }
0x26: {  	s18 =	sxor.u32 @!p1 $0xFFFFFFFF, s9;
	s19 =	sshll.u32 @!p1 s14, $0x13  }
0x27: {  	s20 =	sshll.u32 @!p1 s13, $0xE;
	s21 =	sshll.u32 @!p1 s12, $0x4;
	s19 =	sadd.s32 @!p1 s3, s19  }
0x28: {  	s18 =	sshll.u32 @!p1 s18, $0xE;
	s21 =	sand.u32 @!p1 $0x3FF0, s21;
	s19 =	sadd.s32 @!p1 s20, s19  }
0x29: {  	s18 =	sand.u32 @!p1 $0x4000, s18;
	s20 =	simm.s32 @!p1 $0x0;
	s19 =	sadd.s32 @!p1 s21, s19  }
0x2a: {  	[tilespmem:s18], [sflag:$0x1] =	stream.linear.gather @!p1 [hbm4b:s19+s20], $0x4000, $0x38;
	[tilespmem:$0x10100] =	vst v63  }
0x2b: {  	p1 =	seq.s32 s9, $0x0  }
0x2c: {  	p2 =	seq.s32 @!p1 s9, $0x21  }
0x2d: {  	p1 =	por p1, p2  }
.Ltmp2:
0x2e: {  	_ = 	snop;
	(pc) =	sbr.rel @p1 .LBB1_5-.Ltmp2, $1  }
0x2f: {  	_ =	sdelay $0x3  }
0x30: {  	s18 =	simm.s32 $0x1  }
0x31: {  	_ =	swait.ge [sflag:s4], $0x4000;
	s18 =	simm.s32 @!p0 $0x0  }
0x32: {  	[sflag:s4] =	ssyncset.done $0x0;
	s19 =	sshll.u32 s18, $0xE  }
0x33: {  	[sflag:s4] =	ssyncadd.s32 $0xFFFFC000;
	s19 =	sor.u32 $0x40, s19  }
0x34: {  	s18 =	smul.u32 $0x10200, s18;
	v0 =	vld [tilespmem:s19+$0x30]  }
0x35: {  	v1 =	vld [tilespmem:s19+$0xFFFFFFD0]  }
0x36: {  	s18 =	sshrl.u32 s18, $0x2;
	v5 =	vld [tilespmem:s19+$0xFFFFFFE0]  }
0x37: {  	v6 =	vld [tilespmem:s19+$0xFFFFFFF0];
	s21 =	sor.u32 $0x8000, s18  }
0x38: {  	s31 =	sand.u32 $0x1, s9;
	v4 =	vld [tilespmem:s19+$0x0];
	s20 =	sadd.s32 $0x0, s21  }
0x39: {  	v3 =	vld [tilespmem:s19+$0x10];
	s18 =	smul.u32 $0x10200, s31;
	[tilespmem:s20+$0x3870 ss:$0x81] =	vst.msk $0xffff, v0  }
0x3a: {  	v2 =	vld [tilespmem:s19+$0x20];
	[tilespmem:s20+$0x810 ss:$0x81] =	vst.msk $0xffff, v1  }
0x3b: {  	s18 =	sshrl.u32 s18, $0x2;
	v1 =	vld [tilespmem:s19+$0xFFFFFFC0];
	[tilespmem:s20+$0x1020 ss:$0x81] =	vst.msk $0xffff, v5;
	s19 =	sadd.s32 $0x80, s19  }
0x3c: {  	s22 =	simm.s32 $0x4;
	s23 =	simm.s32 $0x8;
	s18 =	sor.u32 $0x8000, s18;
	[tilespmem:s20+$0x1830 ss:$0x81] =	vst.msk $0xffff, v6;
	v0 =	vld [tilespmem:s19+$0x30]  }
.LBB1_3:
0x3d: {  	p1 =	sne.s32 s23, $0x1FC;
	v5 =	vld [tilespmem:s19+$0xFFFFFFD0];
	[tilespmem:s20+$0x2040 ss:$0x81] =	vst.msk $0xffff, v4  }
0x3e: {  	v6 =	vld [tilespmem:s19+$0xFFFFFFE0];
	[tilespmem:s20+$0x2850 ss:$0x81] =	vst.msk $0xffff, v3  }
0x3f: {  	s24 =	sshra.s32 s22, $0x2;
	s22 =	smov.u32 s23;
	v7 =	vld [tilespmem:s19+$0xFFFFFFF0];
	[tilespmem:s20+$0x3060 ss:$0x81] =	vst.msk $0xffff, v2  }
.Ltmp3:
0x40: {  	v4 =	vld [tilespmem:s19+$0x0];
	[tilespmem:s20+$0x0 ss:$0x81] =	vst.msk $0xffff, v1;
	s20 =	sadd.s32 s24, s21;
	(pc) =	sbr.rel @p1 .LBB1_3-.Ltmp3, $4  }
0x41: {  	v3 =	vld [tilespmem:s19+$0x10];
	[tilespmem:s20+$0x3870 ss:$0x81] =	vst.msk $0xffff, v0  }
0x42: {  	[tilespmem:s20+$0x810 ss:$0x81] =	vst.msk $0xffff, v5;
	v2 =	vld [tilespmem:s19+$0x20]  }
0x43: {  	v1 =	vld [tilespmem:s19+$0xFFFFFFC0];
	[tilespmem:s20+$0x1020 ss:$0x81] =	vst.msk $0xffff, v6;
	s19 =	sadd.s32 $0x80, s19  }
0x44: {  	s23 =	sadd.s32 $0x4, s23;
	v0 =	vld [tilespmem:s19+$0x30];
	[tilespmem:s20+$0x1830 ss:$0x81] =	vst.msk $0xffff, v7  }
0x45: {  	p1 =	sgt.s32 s11, $0x3  }
0x46: {  	s23 =	smov.u32 s11;
	s24 =	sshra.s32 s11, $0x1F;
	s22 =	sshra.s32 s22, $0x2  }
0x47: {  	s25 =	sshra.s32 s10, $0x1F;
	s26 =	sshra.s32 s8, $0x1F;
	s28 =	sand.u32 $0x78, s8  }
0x48: {  	s23 =	simm.s32 @!p1 $0x3;
	s24 =	sand.u32 s24, s11;
	s21 =	sadd.s32 s22, s21  }
0x49: {  	p1 =	sgt.s32 s10, $0x1F;
	s30 =	sand.u32 s25, s10;
	s27 =	sand.u32 s26, s8  }
0x4a: {  	s26 =	smul.u32 $0x65000, s11;
	s23 =	ssub.s32 s23, s24;
	s24 =	smov.u32 s10  }
0x4b: {  	v5 =	vld [tilespmem:s19+$0xFFFFFFD0];
	[tilespmem:s20+$0x2040 ss:$0x81] =	vst.msk $0xffff, v4;
	s29 =	sadd.s32 $0xFFFFFFFD, s23;
	s23 =	ssub.s32 $0x4, s23;
	s24 =	simm.s32 @!p1 $0x1F  }
0x4c: {  	v58 =	vld [tilespmem:s19+$0xFFFFFFE0];
	[tilespmem:s20+$0x2850 ss:$0x81] =	vst.msk $0xffff, v3;
	s23 =	smul.u32 $0x65, s23;
	p1 =	sgt.s32 s29, $0x0;
	s22 =	ssub.s32 s24, s30  }
0x4d: {  	v59 =	vld [tilespmem:s19+$0xFFFFFFF0];
	[tilespmem:s20+$0x3060 ss:$0x81] =	vst.msk $0xffff, v2;
	s24 =	smov.u32 s8;
	s29 =	sshll.u32 s10, $0x7;
	s31 =	sadd.s32 $0xFFFFFFE1, s22  }
0x4e: {  	v60 =	vld [tilespmem:s19+$0x0];
	[tilespmem:s20+$0x0 ss:$0x81] =	vst.msk $0xffff, v1;
	s20 =	ssub.s32 $0x20, s22;
	s23 =	simm.s32 @p1 $0x0;
	p1 =	sgt.s32 s8, $0x380  }
0x4f: {  	v61 =	vld [tilespmem:s19+$0x10];
	[tilespmem:s21+$0x3870 ss:$0x81] =	vst.msk $0xffff, v0;
	s24 =	simm.s32 @!p1 $0x380;
	p1 =	sgt.s32 s31, $0x0;
	s31 =	sand.u32 $0x380, s29  }
0x50: {  	v62 =	vld [tilespmem:s19+$0x20];
	[tilespmem:s21+$0x810 ss:$0x81] =	vst.msk $0xffff, v5;
	s20 =	simm.s32 @p1 $0x0;
	s22 =	ssub.s32 s24, s27;
	s24 =	sand.u32 $0xC00, s29  }
0x51: {  	v63 =	vld [tilespmem:s19+$0xFFFFFFC0];
	[tilespmem:s21+$0x1020 ss:$0x81] =	vst.msk $0xffff, v58;
	s19 =	sor.u32 s28, s31;
	s27 =	sadd.s32 s2, s26;
	s30 =	sadd.s32 $0xFFFFFC80, s22  }
0x52: {  	[tilespmem:s21+$0x1830 ss:$0x81] =	vst.msk $0xffff, v59;
	s20 =	smul.u32 s20, s23;
	s22 =	ssub.s32 $0x400, s22;
	p1 =	sgt.s32 s30, $0x7F  }
.Ltmp4:
0x53: {  	[tilespmem:s21+$0x2040 ss:$0x81] =	vst.msk $0xffff, v60;
	s28 =	sand.u32 $0x7, s8;
	s22 =	simm.s32 @p1 $0x0;
	(pc) =	sbr.rel .LBB1_5-.Ltmp4, $4  }
0x54: {  	[tilespmem:s21+$0x2850 ss:$0x81] =	vst.msk $0xffff, v61;
	s23 =	sadd.s32 s8, s24;
	s19 =	sshrl.u32 s19, $0x3;
	s20 =	smul.u32 s22, s20  }
0x55: {  	[tilespmem:s21+$0x3060 ss:$0x81] =	vst.msk $0xffff, v62;
	s19 =	sadd.s32 s19, s27;
	s29 =	sand.u32 $0xF80, s23;
	s30 =	sshll.u32 s28, $0x12  }
0x56: {  	[tilespmem:s21+$0x0 ss:$0x81] =	vst.msk $0xffff, v63;
	s19 =	sadd.s32 s29, s19;
	s31 =	sor.u32 $0x80, s30;
	s20 =	sand.u32 $0x3FFFFFFF, s20  }
0x57: {  	[hbm4b:s19+s31] =	stream.strided.scatter [tilespmem:s18], [sflag:$0x2], s20, s7, s31, $0x20;
	[tilespmem:$0x10100] =	vst v63  }
.LBB1_6:
0x58: {  	_ =	sfence.sel $0x180000  }
0x59: {  	s2 =	simm.s32 $0x1;
	[bflag:$0x0] =	sbarrier.arrive $0xFFFF  }
0x5a: {  	s31 =	simm.s32 $0x2;
	[sflag:s2] =	ssyncpa.u1 $0x1  }
0x5b: {  	[sflag:s31] =	ssyncpa.u1 $0x1  }
0x5c: {  	p0 =	sne.s32 s1, $0x0;
	_ =	strace $0x90000047  }
0x5d: {  	s0 =	sadd.s32 @!p0 $0x100000, s0;
	[bflag:$0x2] =	sbarrier.arrive $0xFFFF  }
0x5e: {  	[sflag:s0] =	ssyncadd.tile.s32 @!p0 $0x1;
	_ =	shalt  }
.Lfunc_end1:
_tile_overlayer_lowered:
.L_overlay_start_2:
0x5f: {  	(tag) =	ssettag $0x2  }
0x60: {  	s0 =	rddreg [dreg:$0x0];
	s2 =	stileid.u32  }
0x61: {  	s1 =	rddreg [dreg:$0x1];
	p0 =	sne.s32 s2, $0x0  }
0x62: {  	s3 =	rddreg [dreg:$0x2];
	[bflag:$0x3] =	sbarrier.arrive $0xFFFF;
	s2 =	simm.s32 @!p0 $0x1C01  }
0x63: {  	[timem:s3], [sflag:s2] =	dma.local @!p0 [hbm:s0], s1  }
0x64: {  	s0 =	simm.s32 @!p0 $0x1  }
0x65: {  	_ =	swait.ge @!p0 [sflag:s0], s1  }
0x66: {  	s1 =	ssub.s32 @!p0 $0x0, s1;
	[sflag:s0] =	ssyncset.done @!p0 $0x0  }
0x67: {  	[sflag:s0] =	ssyncadd.s32 @!p0 s1  }
0x68: {  	[bflag:$0x3] =	sbarrier.arrive $0xFFFF  }
0x69: {  	_ =	shalt  }

</sc_bundles>
